<compile_context>
chip_gen: v7x
topology: tpu7x:2x2x1
jax: 0.10.2.dev20260603
libtpu: 0.0.44.dev20260713+nightly
codegen_flags: <defaults>
</compile_context>

<pallas_src>
import functools

import jax
import jax.numpy as jnp
from jax import lax
from jax.experimental import pallas as pl
from jax.experimental.pallas import tpu as pltpu
from jax.experimental.pallas import tpu_sc as plsc

_NW = 32
_CH = 32
_IW = 128
_L = 16


def kernel(numerical, categorical, tables):
    B, ND = numerical.shape
    F, V, D = tables.shape
    OUT_D = ND + F * D
    bpw = B // _NW
    nch = bpw // _CH
    niw = bpw // _IW

    cat_w = categorical.T.reshape(F, _NW, niw, _IW)
    tab_g = tables.reshape(F, V // 8, 8, D)
    dummy = jnp.zeros((_CH * 8, D), jnp.float32)

    mesh = plsc.VectorSubcoreMesh(core_axis_name="c", subcore_axis_name="s")

    @functools.partial(
        pl.kernel,
        out_type=jax.ShapeDtypeStruct((B, OUT_D), jnp.float32),
        mesh=mesh,
        compiler_params=pltpu.CompilerParams(needs_layout_passes=False),
        scratch_types=[
            pltpu.VMEM((F, niw, _IW), jnp.int32),
            pltpu.VMEM((_CH * 8, D), jnp.float32),
            pltpu.VMEM((_CH * 8, D), jnp.float32),
            pltpu.VMEM((_CH, ND), jnp.float32),
            pltpu.VMEM((_CH, OUT_D), jnp.float32),
            pltpu.SemaphoreType.DMA,
            pltpu.SemaphoreType.DMA,
            pltpu.SemaphoreType.DMA,
        ],
    )
    def enc(num_hbm, cat_hbm, tab_hbm, dum_hbm, out_hbm, idx_v, grp_a,
            grp_b, num_v, big_v, sem_a, sem_b, sem_w):
        wid = lax.axis_index("s") * 2 + lax.axis_index("c")
        base = wid * bpw
        lane = lax.iota(jnp.int32, _L)

        pltpu.sync_copy(cat_hbm.at[:, wid], idx_v)

        def fire(j, f, grp, sem):
            for g in range(_CH // _L):
                i0 = j * _CH + g * _L
                idx16 = idx_v[f, i0 // _IW, pl.ds(i0 % _IW, _L)]
                gid16 = lax.shift_right_logical(idx16, 3)
                for k in range(_L):
                    pltpu.async_copy(
                        tab_hbm.at[f, gid16[k]],
                        grp.at[pl.ds((g * _L + k) * 8, 8)], sem)

        def drain_extract(j, f, grp, sem):
            fcol = jnp.full((_L,), ND + f * D, jnp.int32)
            for g in range(_CH // _L):
                pltpu.make_async_copy(
                    dum_hbm.at[pl.ds(0, _L * 8), :],
                    grp.at[pl.ds(g * _L * 8, _L * 8)], sem).wait()
                i0 = j * _CH + g * _L
                idx16 = idx_v[f, i0 // _IW, pl.ds(i0 % _IW, _L)]
                rv = lax.bitwise_and(idx16, jnp.full((_L,), 7, jnp.int32))
                jv = g * _L + lane
                rowb = jv * 8 + rv
                for c in range(D):
                    cv = jnp.full((_L,), c, jnp.int32)
                    vals = plsc.load_gather(grp, [rowb, cv])
                    plsc.store_scatter(big_v, [jv, fcol + cv], vals)

        def chunk_body(j, carry):
            b0 = pl.multiple_of(base + j * _CH, _CH)
            fire(j, 0, grp_a, sem_a)
            pltpu.sync_copy(num_hbm.at[pl.ds(b0, _CH), :], num_v)

            @pl.when(j > 0)
            def _():
                pltpu.make_async_copy(
                    big_v, out_hbm.at[pl.ds(0, _CH), :], sem_w).wait()

            for g in range(_CH // _L):
                jv = g * _L + lane
                for c in range(ND):
                    cv = jnp.full((_L,), c, jnp.int32)
                    vals = plsc.load_gather(num_v, [jv, cv])
                    plsc.store_scatter(big_v, [jv, cv], vals)

            def pair_body(t, carry2):
                f0 = t * 2
                fire(j, f0 + 1, grp_b, sem_b)
                drain_extract(j, f0, grp_a, sem_a)

                @pl.when(f0 + 2 < F)
                def _():
                    fire(j, f0 + 2, grp_a, sem_a)

                drain_extract(j, f0 + 1, grp_b, sem_b)
                return carry2

            lax.fori_loop(0, F // 2, pair_body, 0)
            pltpu.async_copy(big_v, out_hbm.at[pl.ds(b0, _CH), :], sem_w)
            return carry

        lax.fori_loop(0, nch, chunk_body, 0)
        pltpu.make_async_copy(
            big_v, out_hbm.at[pl.ds(0, _CH), :], sem_w).wait()

    return enc(numerical, cat_w, tab_g, dummy)

# --- scband reference (transcript-rebuilt; emitter-appended) ---
"""Pipeline reference for scband-features-encoder-66941360275738 (READ-ONLY COPY).

The authoritative reference and input builder live on the scoring server;
editing this copy changes nothing except your own understanding.
"""

import jax, jax.numpy as jnp
import numpy as np

N_FIELDS = 26
CARD = 100000
EMB_DIM = 36  # 2 * ceil(100000 ** 0.25)
BATCH = 16384
NUM_DIM = 13


def setup_inputs(seed: int = 0) -> dict:
    key = jax.random.key(seed)
    k1, k2, k3 = jax.random.split(key, 3)
    numerical = jax.random.normal(k1, (BATCH, NUM_DIM), dtype=jnp.float32)
    categorical = jax.random.randint(k2, (BATCH, N_FIELDS), 0, CARD).astype(jnp.int32)
    # One embedding table per categorical field (all same cardinality -> same derived dim),
    # stacked into a single [F, CARD, EMB_DIM] parameter tensor.
    tables = jax.random.normal(k3, (N_FIELDS, CARD, EMB_DIM), dtype=jnp.float32) * 0.02
    return {"numerical": numerical, "categorical": categorical, "tables": tables}


def reference(numerical, categorical, tables):
    # Per-field embedding lookup: tables[i][categorical[:, i]] -> [F, B, D]
    gathered = jax.vmap(lambda t, idx: jnp.take(t, idx, axis=0), in_axes=(0, 1))(tables, categorical)
    # Concatenate per-field embeddings along feature dim: [B, F*D]
    cat_emb = jnp.transpose(gathered, (1, 0, 2)).reshape(numerical.shape[0], N_FIELDS * EMB_DIM)
    # FeaturesEncoder.forward: concat(numerical, categorical embeddings)
    return jnp.concatenate([numerical, cat_emb], axis=-1)

if __name__ == "__main__":
    import jax
    _d = setup_inputs()
    print(jax.jit(kernel)(*tuple(_d.values())))

</pallas_src>

<mosaic_0001>
#map = affine_map<(d0, d1) -> (0, 0)>
#map1 = affine_map<(d0, d1) -> (0, 0, 0, 0)>
module attributes {stable_mosaic.version = 14 : i64} {
  func.func @enc(%arg0: i32, %arg1: i32, %arg2: memref<16384x13xf32, #tpu.memory_space<hbm>>, %arg3: memref<26x32x4x128xi32, #tpu.memory_space<hbm>>, %arg4: memref<26x12500x8x36xf32, #tpu.memory_space<hbm>>, %arg5: memref<256x36xf32, #tpu.memory_space<hbm>>, %arg6: memref<16384x949xf32, #tpu.memory_space<hbm>>, %arg7: memref<26x4x128xi32, #tpu.memory_space<vmem>>, %arg8: memref<256x36xf32, #tpu.memory_space<vmem>>, %arg9: memref<256x36xf32, #tpu.memory_space<vmem>>, %arg10: memref<32x13xf32, #tpu.memory_space<vmem>>, %arg11: memref<32x949xf32, #tpu.memory_space<vmem>>, %arg12: memref<!tpu.dma_semaphore, #tpu.memory_space<semaphore_mem>>, %arg13: memref<!tpu.dma_semaphore, #tpu.memory_space<semaphore_mem>>, %arg14: memref<!tpu.dma_semaphore, #tpu.memory_space<semaphore_mem>>) attributes {dimension_semantics = [#tpu.dimension_semantics<core_parallel>, #tpu.dimension_semantics<subcore_parallel>], iteration_bounds = array<i64: 2, 16>, scalar_prefetch = 0 : i64, scratch_operands = 8 : i64, tpu.core_type = #tpu.core_type<sc_vector_subcore>, window_params = [{transform_indices = #map}, {transform_indices = #map1}, {transform_indices = #map1}, {transform_indices = #map}, {transform_indices = #map}]} {
    %mul3A = arith.constant 2 : i32
    %mul3A_0 = arith.muli %arg1, %mul3A : i32
    %add3A = arith.addi %mul3A_0, %arg0 : i32
    %mul3A_1 = arith.constant 512 : i32
    %mul3A_2 = arith.muli %add3A, %mul3A_1 : i32
    %iota3A = tpu.iota {dimensions = array<i32: 0>} : vector<16xi32>
    "tpu.region"() ({
      %run_scoped3A = tpu.sem_alloc : memref<!tpu.dma_semaphore, #tpu.memory_space<semaphore_mem>>
      %dma_start3A = arith.constant 0 : i32
      %dma_start3A_13 = arith.constant 0 : i32
      %dma_start3A_14 = arith.constant 0 : i32
      %dma_start3A_15 = tpu.memref_slice %arg3[%dma_start3A, %add3A, %dma_start3A_13, %dma_start3A_14] : memref<26x32x4x128xi32, #tpu.memory_space<hbm>> -> memref<26x1x4x128xi32, #tpu.memory_space<hbm>>
      %dma_start3A_16 = tpu.memref_squeeze %dma_start3A_15 : memref<26x1x4x128xi32, #tpu.memory_space<hbm>> -> memref<26x4x128xi32, #tpu.memory_space<hbm>>
      %dma_start3A_17 = arith.constant 0 : i32
      %dma_start3A_18 = arith.constant 0 : i32
      %dma_start3A_19 = arith.constant 0 : i32
      %dma_start3A_20 = tpu.memref_slice %arg3[%dma_start3A_17, %add3A, %dma_start3A_18, %dma_start3A_19] : memref<26x32x4x128xi32, #tpu.memory_space<hbm>> -> memref<26x1x4x128xi32, #tpu.memory_space<hbm>>
      %dma_start3A_21 = tpu.memref_squeeze %dma_start3A_20 : memref<26x1x4x128xi32, #tpu.memory_space<hbm>> -> memref<26x4x128xi32, #tpu.memory_space<hbm>>
      tpu.enqueue_dma source(%dma_start3A_21 : memref<26x4x128xi32, #tpu.memory_space<hbm>>) target(%arg7 : memref<26x4x128xi32, #tpu.memory_space<vmem>>) target_semaphore(%run_scoped3A : memref<!tpu.dma_semaphore, #tpu.memory_space<semaphore_mem>>)
      %dma_wait3A_22 = arith.constant 0 : i32
      %dma_wait3A_23 = arith.constant 0 : i32
      %dma_wait3A_24 = arith.constant 0 : i32
      %dma_wait3A_25 = tpu.memref_slice %arg3[%dma_wait3A_22, %add3A, %dma_wait3A_23, %dma_wait3A_24] : memref<26x32x4x128xi32, #tpu.memory_space<hbm>> -> memref<26x1x4x128xi32, #tpu.memory_space<hbm>>
      %dma_wait3A_26 = tpu.memref_squeeze %dma_wait3A_25 : memref<26x1x4x128xi32, #tpu.memory_space<hbm>> -> memref<26x4x128xi32, #tpu.memory_space<hbm>>
      %dma_wait3A_27 = arith.constant 0 : i32
      %dma_wait3A_28 = arith.constant 0 : i32
      %dma_wait3A_29 = arith.constant 0 : i32
      %dma_wait3A_30 = tpu.memref_slice %arg3[%dma_wait3A_27, %add3A, %dma_wait3A_28, %dma_wait3A_29] : memref<26x32x4x128xi32, #tpu.memory_space<hbm>> -> memref<26x1x4x128xi32, #tpu.memory_space<hbm>>
      %dma_wait3A_31 = tpu.memref_squeeze %dma_wait3A_30 : memref<26x1x4x128xi32, #tpu.memory_space<hbm>> -> memref<26x4x128xi32, #tpu.memory_space<hbm>>
      tpu.wait_dma2 semaphore(%run_scoped3A : memref<!tpu.dma_semaphore, #tpu.memory_space<semaphore_mem>>) src(%dma_wait3A_31 : memref<26x4x128xi32, #tpu.memory_space<hbm>>) dst(%arg7 : memref<26x4x128xi32, #tpu.memory_space<vmem>>)
      tpu.yield
    }) : () -> ()
    %scan3A = arith.constant 0 : i32
    %scan3A_3 = arith.constant 0 : i32
    %scan3A_4 = arith.constant 16 : i32
    %scan3A_5 = arith.addi %scan3A_3, %scan3A_4 : i32
    %scan3A_6 = arith.constant 1 : i32
    scf.for %scan3A_13 = %scan3A_3 to %scan3A_5 step %scan3A_6  : i32 {
      %mul3A_14 = arith.constant 32 : i32
      %mul3A_15 = arith.muli %scan3A_13, %mul3A_14 : i32
      %add3A_16 = arith.addi %mul3A_2, %mul3A_15 : i32
      %multiple_of3A = tpu.assume_multiple %add3A_16, 32 : i32
      %mul3A_17 = arith.constant 32 : i32
      %mul3A_18 = arith.muli %scan3A_13, %mul3A_17 : i32
      %add3A_19 = arith.constant 0 : i32
      %add3A_20 = arith.addi %mul3A_18, %add3A_19 : i32
      %jit3A = arith.constant 128 : i32
      %div3A = arith.divsi %add3A_20, %jit3A : i32
      %sign3A = arith.constant 0 : i32
      %sign3A_21 = arith.cmpi sgt, %add3A_20, %sign3A : i32
      %sign3A_22 = arith.extui %sign3A_21 : i1 to i32
      %sign3A_23 = arith.constant 0 : i32
      %sign3A_24 = arith.cmpi slt, %add3A_20, %sign3A_23 : i32
      %sign3A_25 = arith.extui %sign3A_24 : i1 to i32
      %sign3A_26 = arith.subi %sign3A_22, %sign3A_25 : i32
      %sign3A_27 = arith.constant 0 : i32
      %sign3A_28 = arith.cmpi sgt, %jit3A, %sign3A_27 : i32
      %sign3A_29 = arith.extui %sign3A_28 : i1 to i32
      %sign3A_30 = arith.constant 0 : i32
      %sign3A_31 = arith.cmpi slt, %jit3A, %sign3A_30 : i32
      %sign3A_32 = arith.extui %sign3A_31 : i1 to i32
      %sign3A_33 = arith.subi %sign3A_29, %sign3A_32 : i32
      %ne3A = arith.cmpi ne, %sign3A_26, %sign3A_33 : i32
      %rem3A = arith.remsi %add3A_20, %jit3A : i32
      %ne3A_34 = arith.constant 0 : i32
      %ne3A_35 = arith.cmpi ne, %rem3A, %ne3A_34 : i32
      %and3A = arith.andi %ne3A, %ne3A_35 : i1
      %sub3A = arith.constant 1 : i32
      %sub3A_36 = arith.subi %div3A, %sub3A : i32
      %select_n3A = arith.select %and3A, %sub3A_36, %div3A : i32
      %jit3A_37 = arith.constant 128 : i32
      %eq3A = arith.constant 0 : i32
      %eq3A_38 = arith.cmpi eq, %jit3A_37, %eq3A : i32
      %jit3A_39 = arith.constant 1 : i32
      %select_n3A_40 = arith.select %eq3A_38, %jit3A_39, %jit3A_37 : i32
      %rem3A_41 = arith.remsi %add3A_20, %select_n3A_40 : i32
      %ne3A_42 = arith.constant 0 : i32
      %ne3A_43 = arith.cmpi ne, %rem3A_41, %ne3A_42 : i32
      %lt3A = arith.constant 0 : i32
      %lt3A_44 = arith.cmpi slt, %rem3A_41, %lt3A : i32
      %lt3A_45 = arith.constant 0 : i32
      %lt3A_46 = arith.cmpi slt, %select_n3A_40, %lt3A_45 : i32
      %ne3A_47 = arith.xori %lt3A_44, %lt3A_46 : i1
      %and3A_48 = arith.andi %ne3A_47, %ne3A_43 : i1
      %add3A_49 = arith.addi %rem3A_41, %select_n3A_40 : i32
      %select_n3A_50 = arith.select %and3A_48, %add3A_49, %rem3A_41 : i32
      %get3A = arith.constant 0 : i32
      %get3A_51 = arith.index_cast %get3A : i32 to index
      %get3A_52 = arith.index_cast %select_n3A : i32 to index
      %get3A_53 = arith.index_cast %select_n3A_50 : i32 to index
      %get3A_54 = tpu.vector_load %arg7[%get3A_51, %get3A_52, %get3A_53] {strides = array<i32>} : memref<26x4x128xi32, #tpu.memory_space<vmem>>, vector<16xi32>,
      %shift_right_logical3A = arith.constant 3 : i32
      %shift_right_logical3A_55 = vector.broadcast %shift_right_logical3A : i32 to vector<16xi32>
      %shift_right_logical3A_56 = arith.shrui %get3A_54, %shift_right_logical3A_55 : vector<16xi32>
      %slice3A = vector.extract_strided_slice %shift_right_logical3A_56 {offsets = [0], sizes = [1], strides = [1]} : vector<16xi32> to vector<1xi32>
      %squeeze3A = vector.extract %slice3A[0] : i32 from vector<1xi32>
      %dma_start3A = arith.constant 0 : i32
      %dma_start3A_57 = arith.constant 0 : i32
      %dma_start3A_58 = arith.constant 0 : i32
      %dma_start3A_59 = tpu.memref_slice %arg8[%dma_start3A_57, %dma_start3A_58] : memref<256x36xf32, #tpu.memory_space<vmem>> -> memref<8x36xf32, #tpu.memory_space<vmem>>
      %dma_start3A_60 = arith.constant 0 : i32
      %dma_start3A_61 = arith.constant 0 : i32
      %dma_start3A_62 = tpu.memref_slice %arg4[%dma_start3A, %squeeze3A, %dma_start3A_60, %dma_start3A_61] : memref<26x12500x8x36xf32, #tpu.memory_space<hbm>> -> memref<1x1x8x36xf32, #tpu.memory_space<hbm>>
      %dma_start3A_63 = tpu.memref_squeeze %dma_start3A_62 : memref<1x1x8x36xf32, #tpu.memory_space<hbm>> -> memref<8x36xf32, #tpu.memory_space<hbm>>
      %dma_start3A_64 = arith.constant 0 : i32
      %dma_start3A_65 = arith.constant 0 : i32
      %dma_start3A_66 = tpu.memref_slice %arg8[%dma_start3A_64, %dma_start3A_65] : memref<256x36xf32, #tpu.memory_space<vmem>> -> memref<8x36xf32, #tpu.memory_space<vmem>>
      %dma_start3A_67 = arith.constant 0 : i32
      %dma_start3A_68 = arith.constant 0 : i32
      %dma_start3A_69 = tpu.memref_slice %arg4[%dma_start3A, %squeeze3A, %dma_start3A_67, %dma_start3A_68] : memref<26x12500x8x36xf32, #tpu.memory_space<hbm>> -> memref<1x1x8x36xf32, #tpu.memory_space<hbm>>
      %dma_start3A_70 = tpu.memref_squeeze %dma_start3A_69 : memref<1x1x8x36xf32, #tpu.memory_space<hbm>> -> memref<8x36xf32, #tpu.memory_space<hbm>>
      tpu.enqueue_dma source(%dma_start3A_70 : memref<8x36xf32, #tpu.memory_space<hbm>>) target(%dma_start3A_66 : memref<8x36xf32, #tpu.memory_space<vmem>>) target_semaphore(%arg12 : memref<!tpu.dma_semaphore, #tpu.memory_space<semaphore_mem>>)
      %slice3A_71 = vector.extract_strided_slice %shift_right_logical3A_56 {offsets = [1], sizes = [1], strides = [1]} : vector<16xi32> to vector<1xi32>
      %squeeze3A_72 = vector.extract %slice3A_71[0] : i32 from vector<1xi32>
      %dma_start3A_73 = arith.constant 0 : i32
      %dma_start3A_74 = arith.constant 8 : i32
      %dma_start3A_75 = arith.constant 0 : i32
      %dma_start3A_76 = tpu.memref_slice %arg8[%dma_start3A_74, %dma_start3A_75] : memref<256x36xf32, #tpu.memory_space<vmem>> -> memref<8x36xf32, #tpu.memory_space<vmem>>
      %dma_start3A_77 = arith.constant 0 : i32
      %dma_start3A_78 = arith.constant 0 : i32
      %dma_start3A_79 = tpu.memref_slice %arg4[%dma_start3A_73, %squeeze3A_72, %dma_start3A_77, %dma_start3A_78] : memref<26x12500x8x36xf32, #tpu.memory_space<hbm>> -> memref<1x1x8x36xf32, #tpu.memory_space<hbm>>
      %dma_start3A_80 = tpu.memref_squeeze %dma_start3A_79 : memref<1x1x8x36xf32, #tpu.memory_space<hbm>> -> memref<8x36xf32, #tpu.memory_space<hbm>>
      %dma_start3A_81 = arith.constant 8 : i32
      %dma_start3A_82 = arith.constant 0 : i32
      %dma_start3A_83 = tpu.memref_slice %arg8[%dma_start3A_81, %dma_start3A_82] : memref<256x36xf32, #tpu.memory_space<vmem>> -> memref<8x36xf32, #tpu.memory_space<vmem>>
      %dma_start3A_84 = arith.constant 0 : i32
      %dma_start3A_85 = arith.constant 0 : i32
      %dma_start3A_86 = tpu.memref_slice %arg4[%dma_start3A_73, %squeeze3A_72, %dma_start3A_84, %dma_start3A_85] : memref<26x12500x8x36xf32, #tpu.memory_space<hbm>> -> memref<1x1x8x36xf32, #tpu.memory_space<hbm>>
      %dma_start3A_87 = tpu.memref_squeeze %dma_start3A_86 : memref<1x1x8x36xf32, #tpu.memory_space<hbm>> -> memref<8x36xf32, #tpu.memory_space<hbm>>
      tpu.enqueue_dma source(%dma_start3A_87 : memref<8x36xf32, #tpu.memory_space<hbm>>) target(%dma_start3A_83 : memref<8x36xf32, #tpu.memory_space<vmem>>) target_semaphore(%arg12 : memref<!tpu.dma_semaphore, #tpu.memory_space<semaphore_mem>>)
      %slice3A_88 = vector.extract_strided_slice %shift_right_logical3A_56 {offsets = [2], sizes = [1], strides = [1]} : vector<16xi32> to vector<1xi32>
      %squeeze3A_89 = vector.extract %slice3A_88[0] : i32 from vector<1xi32>
      %dma_start3A_90 = arith.constant 0 : i32
      %dma_start3A_91 = arith.constant 16 : i32
      %dma_start3A_92 = arith.constant 0 : i32
      %dma_start3A_93 = tpu.memref_slice %arg8[%dma_start3A_91, %dma_start3A_92] : memref<256x36xf32, #tpu.memory_space<vmem>> -> memref<8x36xf32, #tpu.memory_space<vmem>>
      %dma_start3A_94 = arith.constant 0 : i32
      %dma_start3A_95 = arith.constant 0 : i32
      %dma_start3A_96 = tpu.memref_slice %arg4[%dma_start3A_90, %squeeze3A_89, %dma_start3A_94, %dma_start3A_95] : memref<26x12500x8x36xf32, #tpu.memory_space<hbm>> -> memref<1x1x8x36xf32, #tpu.memory_space<hbm>>
      %dma_start3A_97 = tpu.memref_squeeze %dma_start3A_96 : memref<1x1x8x36xf32, #tpu.memory_space<hbm>> -> memref<8x36xf32, #tpu.memory_space<hbm>>
      %dma_start3A_98 = arith.constant 16 : i32
      %dma_start3A_99 = arith.constant 0 : i32
      %dma_start3A_100 = tpu.memref_slice %arg8[%dma_start3A_98, %dma_start3A_99] : memref<256x36xf32, #tpu.memory_space<vmem>> -> memref<8x36xf32, #tpu.memory_space<vmem>>
      %dma_start3A_101 = arith.constant 0 : i32
      %dma_start3A_102 = arith.constant 0 : i32
      %dma_start3A_103 = tpu.memref_slice %arg4[%dma_start3A_90, %squeeze3A_89, %dma_start3A_101, %dma_start3A_102] : memref<26x12500x8x36xf32, #tpu.memory_space<hbm>> -> memref<1x1x8x36xf32, #tpu.memory_space<hbm>>
      %dma_start3A_104 = tpu.memref_squeeze %dma_start3A_103 : memref<1x1x8x36xf32, #tpu.memory_space<hbm>> -> memref<8x36xf32, #tpu.memory_space<hbm>>
      tpu.enqueue_dma source(%dma_start3A_104 : memref<8x36xf32, #tpu.memory_space<hbm>>) target(%dma_start3A_100 : memref<8x36xf32, #tpu.memory_space<vmem>>) target_semaphore(%arg12 : memref<!tpu.dma_semaphore, #tpu.memory_space<semaphore_mem>>)
      %slice3A_105 = vector.extract_strided_slice %shift_right_logical3A_56 {offsets = [3], sizes = [1], strides = [1]} : vector<16xi32> to vector<1xi32>
      %squeeze3A_106 = vector.extract %slice3A_105[0] : i32 from vector<1xi32>
      %dma_start3A_107 = arith.constant 0 : i32
      %dma_start3A_108 = arith.constant 24 : i32
      %dma_start3A_109 = arith.constant 0 : i32
      %dma_start3A_110 = tpu.memref_slice %arg8[%dma_start3A_108, %dma_start3A_109] : memref<256x36xf32, #tpu.memory_space<vmem>> -> memref<8x36xf32, #tpu.memory_space<vmem>>
      %dma_start3A_111 = arith.constant 0 : i32
      %dma_start3A_112 = arith.constant 0 : i32
      %dma_start3A_113 = tpu.memref_slice %arg4[%dma_start3A_107, %squeeze3A_106, %dma_start3A_111, %dma_start3A_112] : memref<26x12500x8x36xf32, #tpu.memory_space<hbm>> -> memref<1x1x8x36xf32, #tpu.memory_space<hbm>>
      %dma_start3A_114 = tpu.memref_squeeze %dma_start3A_113 : memref<1x1x8x36xf32, #tpu.memory_space<hbm>> -> memref<8x36xf32, #tpu.memory_space<hbm>>
      %dma_start3A_115 = arith.constant 24 : i32
      %dma_start3A_116 = arith.constant 0 : i32
      %dma_start3A_117 = tpu.memref_slice %arg8[%dma_start3A_115, %dma_start3A_116] : memref<256x36xf32, #tpu.memory_space<vmem>> -> memref<8x36xf32, #tpu.memory_space<vmem>>
      %dma_start3A_118 = arith.constant 0 : i32
      %dma_start3A_119 = arith.constant 0 : i32
      %dma_start3A_120 = tpu.memref_slice %arg4[%dma_start3A_107, %squeeze3A_106, %dma_start3A_118, %dma_start3A_119] : memref<26x12500x8x36xf32, #tpu.memory_space<hbm>> -> memref<1x1x8x36xf32, #tpu.memory_space<hbm>>
      %dma_start3A_121 = tpu.memref_squeeze %dma_start3A_120 : memref<1x1x8x36xf32, #tpu.memory_space<hbm>> -> memref<8x36xf32, #tpu.memory_space<hbm>>
      tpu.enqueue_dma source(%dma_start3A_121 : memref<8x36xf32, #tpu.memory_space<hbm>>) target(%dma_start3A_117 : memref<8x36xf32, #tpu.memory_space<vmem>>) target_semaphore(%arg12 : memref<!tpu.dma_semaphore, #tpu.memory_space<semaphore_mem>>)
      %slice3A_122 = vector.extract_strided_slice %shift_right_logical3A_56 {offsets = [4], sizes = [1], strides = [1]} : vector<16xi32> to vector<1xi32>
      %squeeze3A_123 = vector.extract %slice3A_122[0] : i32 from vector<1xi32>
      %dma_start3A_124 = arith.constant 0 : i32
      %dma_start3A_125 = arith.constant 32 : i32
      %dma_start3A_126 = arith.constant 0 : i32
      %dma_start3A_127 = tpu.memref_slice %arg8[%dma_start3A_125, %dma_start3A_126] : memref<256x36xf32, #tpu.memory_space<vmem>> -> memref<8x36xf32, #tpu.memory_space<vmem>>
      %dma_start3A_128 = arith.constant 0 : i32
      %dma_start3A_129 = arith.constant 0 : i32
      %dma_start3A_130 = tpu.memref_slice %arg4[%dma_start3A_124, %squeeze3A_123, %dma_start3A_128, %dma_start3A_129] : memref<26x12500x8x36xf32, #tpu.memory_space<hbm>> -> memref<1x1x8x36xf32, #tpu.memory_space<hbm>>
      %dma_start3A_131 = tpu.memref_squeeze %dma_start3A_130 : memref<1x1x8x36xf32, #tpu.memory_space<hbm>> -> memref<8x36xf32, #tpu.memory_space<hbm>>
      %dma_start3A_132 = arith.constant 32 : i32
      %dma_start3A_133 = arith.constant 0 : i32
      %dma_start3A_134 = tpu.memref_slice %arg8[%dma_start3A_132, %dma_start3A_133] : memref<256x36xf32, #tpu.memory_space<vmem>> -> memref<8x36xf32, #tpu.memory_space<vmem>>
      %dma_start3A_135 = arith.constant 0 : i32
      %dma_start3A_136 = arith.constant 0 : i32
      %dma_start3A_137 = tpu.memref_slice %arg4[%dma_start3A_124, %squeeze3A_123, %dma_start3A_135, %dma_start3A_136] : memref<26x12500x8x36xf32, #tpu.memory_space<hbm>> -> memref<1x1x8x36xf32, #tpu.memory_space<hbm>>
      %dma_start3A_138 = tpu.memref_squeeze %dma_start3A_137 : memref<1x1x8x36xf32, #tpu.memory_space<hbm>> -> memref<8x36xf32, #tpu.memory_space<hbm>>
      tpu.enqueue_dma source(%dma_start3A_138 : memref<8x36xf32, #tpu.memory_space<hbm>>) target(%dma_start3A_134 : memref<8x36xf32, #tpu.memory_space<vmem>>) target_semaphore(%arg12 : memref<!tpu.dma_semaphore, #tpu.memory_space<semaphore_mem>>)
      %slice3A_139 = vector.extract_strided_slice %shift_right_logical3A_56 {offsets = [5], sizes = [1], strides = [1]} : vector<16xi32> to vector<1xi32>
      %squeeze3A_140 = vector.extract %slice3A_139[0] : i32 from vector<1xi32>
      %dma_start3A_141 = arith.constant 0 : i32
      %dma_start3A_142 = arith.constant 40 : i32
      %dma_start3A_143 = arith.constant 0 : i32
      %dma_start3A_144 = tpu.memref_slice %arg8[%dma_start3A_142, %dma_start3A_143] : memref<256x36xf32, #tpu.memory_space<vmem>> -> memref<8x36xf32, #tpu.memory_space<vmem>>
      %dma_start3A_145 = arith.constant 0 : i32
      %dma_start3A_146 = arith.constant 0 : i32
      %dma_start3A_147 = tpu.memref_slice %arg4[%dma_start3A_141, %squeeze3A_140, %dma_start3A_145, %dma_start3A_146] : memref<26x12500x8x36xf32, #tpu.memory_space<hbm>> -> memref<1x1x8x36xf32, #tpu.memory_space<hbm>>
      %dma_start3A_148 = tpu.memref_squeeze %dma_start3A_147 : memref<1x1x8x36xf32, #tpu.memory_space<hbm>> -> memref<8x36xf32, #tpu.memory_space<hbm>>
      %dma_start3A_149 = arith.constant 40 : i32
      %dma_start3A_150 = arith.constant 0 : i32
      %dma_start3A_151 = tpu.memref_slice %arg8[%dma_start3A_149, %dma_start3A_150] : memref<256x36xf32, #tpu.memory_space<vmem>> -> memref<8x36xf32, #tpu.memory_space<vmem>>
      %dma_start3A_152 = arith.constant 0 : i32
      %dma_start3A_153 = arith.constant 0 : i32
      %dma_start3A_154 = tpu.memref_slice %arg4[%dma_start3A_141, %squeeze3A_140, %dma_start3A_152, %dma_start3A_153] : memref<26x12500x8x36xf32, #tpu.memory_space<hbm>> -> memref<1x1x8x36xf32, #tpu.memory_space<hbm>>
      %dma_start3A_155 = tpu.memref_squeeze %dma_start3A_154 : memref<1x1x8x36xf32, #tpu.memory_space<hbm>> -> memref<8x36xf32, #tpu.memory_space<hbm>>
      tpu.enqueue_dma source(%dma_start3A_155 : memref<8x36xf32, #tpu.memory_space<hbm>>) target(%dma_start3A_151 : memref<8x36xf32, #tpu.memory_space<vmem>>) target_semaphore(%arg12 : memref<!tpu.dma_semaphore, #tpu.memory_space<semaphore_mem>>)
      %slice3A_156 = vector.extract_strided_slice %shift_right_logical3A_56 {offsets = [6], sizes = [1], strides = [1]} : vector<16xi32> to vector<1xi32>
      %squeeze3A_157 = vector.extract %slice3A_156[0] : i32 from vector<1xi32>
      %dma_start3A_158 = arith.constant 0 : i32
      %dma_start3A_159 = arith.constant 48 : i32
      %dma_start3A_160 = arith.constant 0 : i32
      %dma_start3A_161 = tpu.memref_slice %arg8[%dma_start3A_159, %dma_start3A_160] : memref<256x36xf32, #tpu.memory_space<vmem>> -> memref<8x36xf32, #tpu.memory_space<vmem>>
      %dma_start3A_162 = arith.constant 0 : i32
      %dma_start3A_163 = arith.constant 0 : i32
      %dma_start3A_164 = tpu.memref_slice %arg4[%dma_start3A_158, %squeeze3A_157, %dma_start3A_162, %dma_start3A_163] : memref<26x12500x8x36xf32, #tpu.memory_space<hbm>> -> memref<1x1x8x36xf32, #tpu.memory_space<hbm>>
      %dma_start3A_165 = tpu.memref_squeeze %dma_start3A_164 : memref<1x1x8x36xf32, #tpu.memory_space<hbm>> -> memref<8x36xf32, #tpu.memory_space<hbm>>
      %dma_start3A_166 = arith.constant 48 : i32
      %dma_start3A_167 = arith.constant 0 : i32
      %dma_start3A_168 = tpu.memref_slice %arg8[%dma_start3A_166, %dma_start3A_167] : memref<256x36xf32, #tpu.memory_space<vmem>> -> memref<8x36xf32, #tpu.memory_space<vmem>>
      %dma_start3A_169 = arith.constant 0 : i32
      %dma_start3A_170 = arith.constant 0 : i32
      %dma_start3A_171 = tpu.memref_slice %arg4[%dma_start3A_158, %squeeze3A_157, %dma_start3A_169, %dma_start3A_170] : memref<26x12500x8x36xf32, #tpu.memory_space<hbm>> -> memref<1x1x8x36xf32, #tpu.memory_space<hbm>>
      %dma_start3A_172 = tpu.memref_squeeze %dma_start3A_171 : memref<1x1x8x36xf32, #tpu.memory_space<hbm>> -> memref<8x36xf32, #tpu.memory_space<hbm>>
      tpu.enqueue_dma source(%dma_start3A_172 : memref<8x36xf32, #tpu.memory_space<hbm>>) target(%dma_start3A_168 : memref<8x36xf32, #tpu.memory_space<vmem>>) target_semaphore(%arg12 : memref<!tpu.dma_semaphore, #tpu.memory_space<semaphore_mem>>)
      %slice3A_173 = vector.extract_strided_slice %shift_right_logical3A_56 {offsets = [7], sizes = [1], strides = [1]} : vector<16xi32> to vector<1xi32>
      %squeeze3A_174 = vector.extract %slice3A_173[0] : i32 from vector<1xi32>
      %dma_start3A_175 = arith.constant 0 : i32
      %dma_start3A_176 = arith.constant 56 : i32
      %dma_start3A_177 = arith.constant 0 : i32
      %dma_start3A_178 = tpu.memref_slice %arg8[%dma_start3A_176, %dma_start3A_177] : memref<256x36xf32, #tpu.memory_space<vmem>> -> memref<8x36xf32, #tpu.memory_space<vmem>>
      %dma_start3A_179 = arith.constant 0 : i32
      %dma_start3A_180 = arith.constant 0 : i32
      %dma_start3A_181 = tpu.memref_slice %arg4[%dma_start3A_175, %squeeze3A_174, %dma_start3A_179, %dma_start3A_180] : memref<26x12500x8x36xf32, #tpu.memory_space<hbm>> -> memref<1x1x8x36xf32, #tpu.memory_space<hbm>>
      %dma_start3A_182 = tpu.memref_squeeze %dma_start3A_181 : memref<1x1x8x36xf32, #tpu.memory_space<hbm>> -> memref<8x36xf32, #tpu.memory_space<hbm>>
      %dma_start3A_183 = arith.constant 56 : i32
      %dma_start3A_184 = arith.constant 0 : i32
      %dma_start3A_185 = tpu.memref_slice %arg8[%dma_start3A_183, %dma_start3A_184] : memref<256x36xf32, #tpu.memory_space<vmem>> -> memref<8x36xf32, #tpu.memory_space<vmem>>
      %dma_start3A_186 = arith.constant 0 : i32
      %dma_start3A_187 = arith.constant 0 : i32
      %dma_start3A_188 = tpu.memref_slice %arg4[%dma_start3A_175, %squeeze3A_174, %dma_start3A_186, %dma_start3A_187] : memref<26x12500x8x36xf32, #tpu.memory_space<hbm>> -> memref<1x1x8x36xf32, #tpu.memory_space<hbm>>
      %dma_start3A_189 = tpu.memref_squeeze %dma_start3A_188 : memref<1x1x8x36xf32, #tpu.memory_space<hbm>> -> memref<8x36xf32, #tpu.memory_space<hbm>>
      tpu.enqueue_dma source(%dma_start3A_189 : memref<8x36xf32, #tpu.memory_space<hbm>>) target(%dma_start3A_185 : memref<8x36xf32, #tpu.memory_space<vmem>>) target_semaphore(%arg12 : memref<!tpu.dma_semaphore, #tpu.memory_space<semaphore_mem>>)
      %slice3A_190 = vector.extract_strided_slice %shift_right_logical3A_56 {offsets = [8], sizes = [1], strides = [1]} : vector<16xi32> to vector<1xi32>
      %squeeze3A_191 = vector.extract %slice3A_190[0] : i32 from vector<1xi32>
      %dma_start3A_192 = arith.constant 0 : i32
      %dma_start3A_193 = arith.constant 64 : i32
      %dma_start3A_194 = arith.constant 0 : i32
      %dma_start3A_195 = tpu.memref_slice %arg8[%dma_start3A_193, %dma_start3A_194] : memref<256x36xf32, #tpu.memory_space<vmem>> -> memref<8x36xf32, #tpu.memory_space<vmem>>
      %dma_start3A_196 = arith.constant 0 : i32
      %dma_start3A_197 = arith.constant 0 : i32
      %dma_start3A_198 = tpu.memref_slice %arg4[%dma_start3A_192, %squeeze3A_191, %dma_start3A_196, %dma_start3A_197] : memref<26x12500x8x36xf32, #tpu.memory_space<hbm>> -> memref<1x1x8x36xf32, #tpu.memory_space<hbm>>
      %dma_start3A_199 = tpu.memref_squeeze %dma_start3A_198 : memref<1x1x8x36xf32, #tpu.memory_space<hbm>> -> memref<8x36xf32, #tpu.memory_space<hbm>>
      %dma_start3A_200 = arith.constant 64 : i32
      %dma_start3A_201 = arith.constant 0 : i32
      %dma_start3A_202 = tpu.memref_slice %arg8[%dma_start3A_200, %dma_start3A_201] : memref<256x36xf32, #tpu.memory_space<vmem>> -> memref<8x36xf32, #tpu.memory_space<vmem>>
      %dma_start3A_203 = arith.constant 0 : i32
      %dma_start3A_204 = arith.constant 0 : i32
      %dma_start3A_205 = tpu.memref_slice %arg4[%dma_start3A_192, %squeeze3A_191, %dma_start3A_203, %dma_start3A_204] : memref<26x12500x8x36xf32, #tpu.memory_space<hbm>> -> memref<1x1x8x36xf32, #tpu.memory_space<hbm>>
      %dma_start3A_206 = tpu.memref_squeeze %dma_start3A_205 : memref<1x1x8x36xf32, #tpu.memory_space<hbm>> -> memref<8x36xf32, #tpu.memory_space<hbm>>
      tpu.enqueue_dma source(%dma_start3A_206 : memref<8x36xf32, #tpu.memory_space<hbm>>) target(%dma_start3A_202 : memref<8x36xf32, #tpu.memory_space<vmem>>) target_semaphore(%arg12 : memref<!tpu.dma_semaphore, #tpu.memory_space<semaphore_mem>>)
      %slice3A_207 = vector.extract_strided_slice %shift_right_logical3A_56 {offsets = [9], sizes = [1], strides = [1]} : vector<16xi32> to vector<1xi32>
      %squeeze3A_208 = vector.extract %slice3A_207[0] : i32 from vector<1xi32>
      %dma_start3A_209 = arith.constant 0 : i32
      %dma_start3A_210 = arith.constant 72 : i32
      %dma_start3A_211 = arith.constant 0 : i32
      %dma_start3A_212 = tpu.memref_slice %arg8[%dma_start3A_210, %dma_start3A_211] : memref<256x36xf32, #tpu.memory_space<vmem>> -> memref<8x36xf32, #tpu.memory_space<vmem>>
      %dma_start3A_213 = arith.constant 0 : i32
      %dma_start3A_214 = arith.constant 0 : i32
      %dma_start3A_215 = tpu.memref_slice %arg4[%dma_start3A_209, %squeeze3A_208, %dma_start3A_213, %dma_start3A_214] : memref<26x12500x8x36xf32, #tpu.memory_space<hbm>> -> memref<1x1x8x36xf32, #tpu.memory_space<hbm>>
      %dma_start3A_216 = tpu.memref_squeeze %dma_start3A_215 : memref<1x1x8x36xf32, #tpu.memory_space<hbm>> -> memref<8x36xf32, #tpu.memory_space<hbm>>
      %dma_start3A_217 = arith.constant 72 : i32
      %dma_start3A_218 = arith.constant 0 : i32
      %dma_start3A_219 = tpu.memref_slice %arg8[%dma_start3A_217, %dma_start3A_218] : memref<256x36xf32, #tpu.memory_space<vmem>> -> memref<8x36xf32, #tpu.memory_space<vmem>>
      %dma_start3A_220 = arith.constant 0 : i32
      %dma_start3A_221 = arith.constant 0 : i32
      %dma_start3A_222 = tpu.memref_slice %arg4[%dma_start3A_209, %squeeze3A_208, %dma_start3A_220, %dma_start3A_221] : memref<26x12500x8x36xf32, #tpu.memory_space<hbm>> -> memref<1x1x8x36xf32, #tpu.memory_space<hbm>>
      %dma_start3A_223 = tpu.memref_squeeze %dma_start3A_222 : memref<1x1x8x36xf32, #tpu.memory_space<hbm>> -> memref<8x36xf32, #tpu.memory_space<hbm>>
      tpu.enqueue_dma source(%dma_start3A_223 : memref<8x36xf32, #tpu.memory_space<hbm>>) target(%dma_start3A_219 : memref<8x36xf32, #tpu.memory_space<vmem>>) target_semaphore(%arg12 : memref<!tpu.dma_semaphore, #tpu.memory_space<semaphore_mem>>)
      %slice3A_224 = vector.extract_strided_slice %shift_right_logical3A_56 {offsets = [10], sizes = [1], strides = [1]} : vector<16xi32> to vector<1xi32>
      %squeeze3A_225 = vector.extract %slice3A_224[0] : i32 from vector<1xi32>
      %dma_start3A_226 = arith.constant 0 : i32
      %dma_start3A_227 = arith.constant 80 : i32
      %dma_start3A_228 = arith.constant 0 : i32
      %dma_start3A_229 = tpu.memref_slice %arg8[%dma_start3A_227, %dma_start3A_228] : memref<256x36xf32, #tpu.memory_space<vmem>> -> memref<8x36xf32, #tpu.memory_space<vmem>>
      %dma_start3A_230 = arith.constant 0 : i32
      %dma_start3A_231 = arith.constant 0 : i32
      %dma_start3A_232 = tpu.memref_slice %arg4[%dma_start3A_226, %squeeze3A_225, %dma_start3A_230, %dma_start3A_231] : memref<26x12500x8x36xf32, #tpu.memory_space<hbm>> -> memref<1x1x8x36xf32, #tpu.memory_space<hbm>>
      %dma_start3A_233 = tpu.memref_squeeze %dma_start3A_232 : memref<1x1x8x36xf32, #tpu.memory_space<hbm>> -> memref<8x36xf32, #tpu.memory_space<hbm>>
      %dma_start3A_234 = arith.constant 80 : i32
      %dma_start3A_235 = arith.constant 0 : i32
      %dma_start3A_236 = tpu.memref_slice %arg8[%dma_start3A_234, %dma_start3A_235] : memref<256x36xf32, #tpu.memory_space<vmem>> -> memref<8x36xf32, #tpu.memory_space<vmem>>
      %dma_start3A_237 = arith.constant 0 : i32
      %dma_start3A_238 = arith.constant 0 : i32
      %dma_start3A_239 = tpu.memref_slice %arg4[%dma_start3A_226, %squeeze3A_225, %dma_start3A_237, %dma_start3A_238] : memref<26x12500x8x36xf32, #tpu.memory_space<hbm>> -> memref<1x1x8x36xf32, #tpu.memory_space<hbm>>
      %dma_start3A_240 = tpu.memref_squeeze %dma_start3A_239 : memref<1x1x8x36xf32, #tpu.memory_space<hbm>> -> memref<8x36xf32, #tpu.memory_space<hbm>>
      tpu.enqueue_dma source(%dma_start3A_240 : memref<8x36xf32, #tpu.memory_space<hbm>>) target(%dma_start3A_236 : memref<8x36xf32, #tpu.memory_space<vmem>>) target_semaphore(%arg12 : memref<!tpu.dma_semaphore, #tpu.memory_space<semaphore_mem>>)
      %slice3A_241 = vector.extract_strided_slice %shift_right_logical3A_56 {offsets = [11], sizes = [1], strides = [1]} : vector<16xi32> to vector<1xi32>
      %squeeze3A_242 = vector.extract %slice3A_241[0] : i32 from vector<1xi32>
      %dma_start3A_243 = arith.constant 0 : i32
      %dma_start3A_244 = arith.constant 88 : i32
      %dma_start3A_245 = arith.constant 0 : i32
      %dma_start3A_246 = tpu.memref_slice %arg8[%dma_start3A_244, %dma_start3A_245] : memref<256x36xf32, #tpu.memory_space<vmem>> -> memref<8x36xf32, #tpu.memory_space<vmem>>
      %dma_start3A_247 = arith.constant 0 : i32
      %dma_start3A_248 = arith.constant 0 : i32
      %dma_start3A_249 = tpu.memref_slice %arg4[%dma_start3A_243, %squeeze3A_242, %dma_start3A_247, %dma_start3A_248] : memref<26x12500x8x36xf32, #tpu.memory_space<hbm>> -> memref<1x1x8x36xf32, #tpu.memory_space<hbm>>
      %dma_start3A_250 = tpu.memref_squeeze %dma_start3A_249 : memref<1x1x8x36xf32, #tpu.memory_space<hbm>> -> memref<8x36xf32, #tpu.memory_space<hbm>>
      %dma_start3A_251 = arith.constant 88 : i32
      %dma_start3A_252 = arith.constant 0 : i32
      %dma_start3A_253 = tpu.memref_slice %arg8[%dma_start3A_251, %dma_start3A_252] : memref<256x36xf32, #tpu.memory_space<vmem>> -> memref<8x36xf32, #tpu.memory_space<vmem>>
      %dma_start3A_254 = arith.constant 0 : i32
      %dma_start3A_255 = arith.constant 0 : i32
      %dma_start3A_256 = tpu.memref_slice %arg4[%dma_start3A_243, %squeeze3A_242, %dma_start3A_254, %dma_start3A_255] : memref<26x12500x8x36xf32, #tpu.memory_space<hbm>> -> memref<1x1x8x36xf32, #tpu.memory_space<hbm>>
      %dma_start3A_257 = tpu.memref_squeeze %dma_start3A_256 : memref<1x1x8x36xf32, #tpu.memory_space<hbm>> -> memref<8x36xf32, #tpu.memory_space<hbm>>
      tpu.enqueue_dma source(%dma_start3A_257 : memref<8x36xf32, #tpu.memory_space<hbm>>) target(%dma_start3A_253 : memref<8x36xf32, #tpu.memory_space<vmem>>) target_semaphore(%arg12 : memref<!tpu.dma_semaphore, #tpu.memory_space<semaphore_mem>>)
      %slice3A_258 = vector.extract_strided_slice %shift_right_logical3A_56 {offsets = [12], sizes = [1], strides = [1]} : vector<16xi32> to vector<1xi32>
      %squeeze3A_259 = vector.extract %slice3A_258[0] : i32 from vector<1xi32>
      %dma_start3A_260 = arith.constant 0 : i32
      %dma_start3A_261 = arith.constant 96 : i32
      %dma_start3A_262 = arith.constant 0 : i32
      %dma_start3A_263 = tpu.memref_slice %arg8[%dma_start3A_261, %dma_start3A_262] : memref<256x36xf32, #tpu.memory_space<vmem>> -> memref<8x36xf32, #tpu.memory_space<vmem>>
      %dma_start3A_264 = arith.constant 0 : i32
      %dma_start3A_265 = arith.constant 0 : i32
      %dma_start3A_266 = tpu.memref_slice %arg4[%dma_start3A_260, %squeeze3A_259, %dma_start3A_264, %dma_start3A_265] : memref<26x12500x8x36xf32, #tpu.memory_space<hbm>> -> memref<1x1x8x36xf32, #tpu.memory_space<hbm>>
      %dma_start3A_267 = tpu.memref_squeeze %dma_start3A_266 : memref<1x1x8x36xf32, #tpu.memory_space<hbm>> -> memref<8x36xf32, #tpu.memory_space<hbm>>
      %dma_start3A_268 = arith.constant 96 : i32
      %dma_start3A_269 = arith.constant 0 : i32
      %dma_start3A_270 = tpu.memref_slice %arg8[%dma_start3A_268, %dma_start3A_269] : memref<256x36xf32, #tpu.memory_space<vmem>> -> memref<8x36xf32, #tpu.memory_space<vmem>>
      %dma_start3A_271 = arith.constant 0 : i32
      %dma_start3A_272 = arith.constant 0 : i32
      %dma_start3A_273 = tpu.memref_slice %arg4[%dma_start3A_260, %squeeze3A_259, %dma_start3A_271, %dma_start3A_272] : memref<26x12500x8x36xf32, #tpu.memory_space<hbm>> -> memref<1x1x8x36xf32, #tpu.memory_space<hbm>>
      %dma_start3A_274 = tpu.memref_squeeze %dma_start3A_273 : memref<1x1x8x36xf32, #tpu.memory_space<hbm>> -> memref<8x36xf32, #tpu.memory_space<hbm>>
      tpu.enqueue_dma source(%dma_start3A_274 : memref<8x36xf32, #tpu.memory_space<hbm>>) target(%dma_start3A_270 : memref<8x36xf32, #tpu.memory_space<vmem>>) target_semaphore(%arg12 : memref<!tpu.dma_semaphore, #tpu.memory_space<semaphore_mem>>)
      %slice3A_275 = vector.extract_strided_slice %shift_right_logical3A_56 {offsets = [13], sizes = [1], strides = [1]} : vector<16xi32> to vector<1xi32>
      %squeeze3A_276 = vector.extract %slice3A_275[0] : i32 from vector<1xi32>
      %dma_start3A_277 = arith.constant 0 : i32
      %dma_start3A_278 = arith.constant 104 : i32
      %dma_start3A_279 = arith.constant 0 : i32
      %dma_start3A_280 = tpu.memref_slice %arg8[%dma_start3A_278, %dma_start3A_279] : memref<256x36xf32, #tpu.memory_space<vmem>> -> memref<8x36xf32, #tpu.memory_space<vmem>>
      %dma_start3A_281 = arith.constant 0 : i32
      %dma_start3A_282 = arith.constant 0 : i32
      %dma_start3A_283 = tpu.memref_slice %arg4[%dma_start3A_277, %squeeze3A_276, %dma_start3A_281, %dma_start3A_282] : memref<26x12500x8x36xf32, #tpu.memory_space<hbm>> -> memref<1x1x8x36xf32, #tpu.memory_space<hbm>>
      %dma_start3A_284 = tpu.memref_squeeze %dma_start3A_283 : memref<1x1x8x36xf32, #tpu.memory_space<hbm>> -> memref<8x36xf32, #tpu.memory_space<hbm>>
      %dma_start3A_285 = arith.constant 104 : i32
      %dma_start3A_286 = arith.constant 0 : i32
      %dma_start3A_287 = tpu.memref_slice %arg8[%dma_start3A_285, %dma_start3A_286] : memref<256x36xf32, #tpu.memory_space<vmem>> -> memref<8x36xf32, #tpu.memory_space<vmem>>
      %dma_start3A_288 = arith.constant 0 : i32
      %dma_start3A_289 = arith.constant 0 : i32
      %dma_start3A_290 = tpu.memref_slice %arg4[%dma_start3A_277, %squeeze3A_276, %dma_start3A_288, %dma_start3A_289] : memref<26x12500x8x36xf32, #tpu.memory_space<hbm>> -> memref<1x1x8x36xf32, #tpu.memory_space<hbm>>
      %dma_start3A_291 = tpu.memref_squeeze %dma_start3A_290 : memref<1x1x8x36xf32, #tpu.memory_space<hbm>> -> memref<8x36xf32, #tpu.memory_space<hbm>>
      tpu.enqueue_dma source(%dma_start3A_291 : memref<8x36xf32, #tpu.memory_space<hbm>>) target(%dma_start3A_287 : memref<8x36xf32, #tpu.memory_space<vmem>>) target_semaphore(%arg12 : memref<!tpu.dma_semaphore, #tpu.memory_space<semaphore_mem>>)
      %slice3A_292 = vector.extract_strided_slice %shift_right_logical3A_56 {offsets = [14], sizes = [1], strides = [1]} : vector<16xi32> to vector<1xi32>
      %squeeze3A_293 = vector.extract %slice3A_292[0] : i32 from vector<1xi32>
      %dma_start3A_294 = arith.constant 0 : i32
      %dma_start3A_295 = arith.constant 112 : i32
      %dma_start3A_296 = arith.constant 0 : i32
      %dma_start3A_297 = tpu.memref_slice %arg8[%dma_start3A_295, %dma_start3A_296] : memref<256x36xf32, #tpu.memory_space<vmem>> -> memref<8x36xf32, #tpu.memory_space<vmem>>
      %dma_start3A_298 = arith.constant 0 : i32
      %dma_start3A_299 = arith.constant 0 : i32
      %dma_start3A_300 = tpu.memref_slice %arg4[%dma_start3A_294, %squeeze3A_293, %dma_start3A_298, %dma_start3A_299] : memref<26x12500x8x36xf32, #tpu.memory_space<hbm>> -> memref<1x1x8x36xf32, #tpu.memory_space<hbm>>
      %dma_start3A_301 = tpu.memref_squeeze %dma_start3A_300 : memref<1x1x8x36xf32, #tpu.memory_space<hbm>> -> memref<8x36xf32, #tpu.memory_space<hbm>>
      %dma_start3A_302 = arith.constant 112 : i32
      %dma_start3A_303 = arith.constant 0 : i32
      %dma_start3A_304 = tpu.memref_slice %arg8[%dma_start3A_302, %dma_start3A_303] : memref<256x36xf32, #tpu.memory_space<vmem>> -> memref<8x36xf32, #tpu.memory_space<vmem>>
      %dma_start3A_305 = arith.constant 0 : i32
      %dma_start3A_306 = arith.constant 0 : i32
      %dma_start3A_307 = tpu.memref_slice %arg4[%dma_start3A_294, %squeeze3A_293, %dma_start3A_305, %dma_start3A_306] : memref<26x12500x8x36xf32, #tpu.memory_space<hbm>> -> memref<1x1x8x36xf32, #tpu.memory_space<hbm>>
      %dma_start3A_308 = tpu.memref_squeeze %dma_start3A_307 : memref<1x1x8x36xf32, #tpu.memory_space<hbm>> -> memref<8x36xf32, #tpu.memory_space<hbm>>
      tpu.enqueue_dma source(%dma_start3A_308 : memref<8x36xf32, #tpu.memory_space<hbm>>) target(%dma_start3A_304 : memref<8x36xf32, #tpu.memory_space<vmem>>) target_semaphore(%arg12 : memref<!tpu.dma_semaphore, #tpu.memory_space<semaphore_mem>>)
      %slice3A_309 = vector.extract_strided_slice %shift_right_logical3A_56 {offsets = [15], sizes = [1], strides = [1]} : vector<16xi32> to vector<1xi32>
      %squeeze3A_310 = vector.extract %slice3A_309[0] : i32 from vector<1xi32>
      %dma_start3A_311 = arith.constant 0 : i32
      %dma_start3A_312 = arith.constant 120 : i32
      %dma_start3A_313 = arith.constant 0 : i32
      %dma_start3A_314 = tpu.memref_slice %arg8[%dma_start3A_312, %dma_start3A_313] : memref<256x36xf32, #tpu.memory_space<vmem>> -> memref<8x36xf32, #tpu.memory_space<vmem>>
      %dma_start3A_315 = arith.constant 0 : i32
      %dma_start3A_316 = arith.constant 0 : i32
      %dma_start3A_317 = tpu.memref_slice %arg4[%dma_start3A_311, %squeeze3A_310, %dma_start3A_315, %dma_start3A_316] : memref<26x12500x8x36xf32, #tpu.memory_space<hbm>> -> memref<1x1x8x36xf32, #tpu.memory_space<hbm>>
      %dma_start3A_318 = tpu.memref_squeeze %dma_start3A_317 : memref<1x1x8x36xf32, #tpu.memory_space<hbm>> -> memref<8x36xf32, #tpu.memory_space<hbm>>
      %dma_start3A_319 = arith.constant 120 : i32
      %dma_start3A_320 = arith.constant 0 : i32
      %dma_start3A_321 = tpu.memref_slice %arg8[%dma_start3A_319, %dma_start3A_320] : memref<256x36xf32, #tpu.memory_space<vmem>> -> memref<8x36xf32, #tpu.memory_space<vmem>>
      %dma_start3A_322 = arith.constant 0 : i32
      %dma_start3A_323 = arith.constant 0 : i32
      %dma_start3A_324 = tpu.memref_slice %arg4[%dma_start3A_311, %squeeze3A_310, %dma_start3A_322, %dma_start3A_323] : memref<26x12500x8x36xf32, #tpu.memory_space<hbm>> -> memref<1x1x8x36xf32, #tpu.memory_space<hbm>>
      %dma_start3A_325 = tpu.memref_squeeze %dma_start3A_324 : memref<1x1x8x36xf32, #tpu.memory_space<hbm>> -> memref<8x36xf32, #tpu.memory_space<hbm>>
      tpu.enqueue_dma source(%dma_start3A_325 : memref<8x36xf32, #tpu.memory_space<hbm>>) target(%dma_start3A_321 : memref<8x36xf32, #tpu.memory_space<vmem>>) target_semaphore(%arg12 : memref<!tpu.dma_semaphore, #tpu.memory_space<semaphore_mem>>)
      %mul3A_326 = arith.constant 32 : i32
      %mul3A_327 = arith.muli %scan3A_13, %mul3A_326 : i32
      %add3A_328 = arith.constant 16 : i32
      %add3A_329 = arith.addi %mul3A_327, %add3A_328 : i32
      %jit3A_330 = arith.constant 128 : i32
      %div3A_331 = arith.divsi %add3A_329, %jit3A_330 : i32
      %sign3A_332 = arith.constant 0 : i32
      %sign3A_333 = arith.cmpi sgt, %add3A_329, %sign3A_332 : i32
      %sign3A_334 = arith.extui %sign3A_333 : i1 to i32
      %sign3A_335 = arith.constant 0 : i32
      %sign3A_336 = arith.cmpi slt, %add3A_329, %sign3A_335 : i32
      %sign3A_337 = arith.extui %sign3A_336 : i1 to i32
      %sign3A_338 = arith.subi %sign3A_334, %sign3A_337 : i32
      %sign3A_339 = arith.constant 0 : i32
      %sign3A_340 = arith.cmpi sgt, %jit3A_330, %sign3A_339 : i32
      %sign3A_341 = arith.extui %sign3A_340 : i1 to i32
      %sign3A_342 = arith.constant 0 : i32
      %sign3A_343 = arith.cmpi slt, %jit3A_330, %sign3A_342 : i32
      %sign3A_344 = arith.extui %sign3A_343 : i1 to i32
      %sign3A_345 = arith.subi %sign3A_341, %sign3A_344 : i32
      %ne3A_346 = arith.cmpi ne, %sign3A_338, %sign3A_345 : i32
      %rem3A_347 = arith.remsi %add3A_329, %jit3A_330 : i32
      %ne3A_348 = arith.constant 0 : i32
      %ne3A_349 = arith.cmpi ne, %rem3A_347, %ne3A_348 : i32
      %and3A_350 = arith.andi %ne3A_346, %ne3A_349 : i1
      %sub3A_351 = arith.constant 1 : i32
      %sub3A_352 = arith.subi %div3A_331, %sub3A_351 : i32
      %select_n3A_353 = arith.select %and3A_350, %sub3A_352, %div3A_331 : i32
      %jit3A_354 = arith.constant 128 : i32
      %eq3A_355 = arith.constant 0 : i32
      %eq3A_356 = arith.cmpi eq, %jit3A_354, %eq3A_355 : i32
      %jit3A_357 = arith.constant 1 : i32
      %select_n3A_358 = arith.select %eq3A_356, %jit3A_357, %jit3A_354 : i32
      %rem3A_359 = arith.remsi %add3A_329, %select_n3A_358 : i32
      %ne3A_360 = arith.constant 0 : i32
      %ne3A_361 = arith.cmpi ne, %rem3A_359, %ne3A_360 : i32
      %lt3A_362 = arith.constant 0 : i32
      %lt3A_363 = arith.cmpi slt, %rem3A_359, %lt3A_362 : i32
      %lt3A_364 = arith.constant 0 : i32
      %lt3A_365 = arith.cmpi slt, %select_n3A_358, %lt3A_364 : i32
      %ne3A_366 = arith.xori %lt3A_363, %lt3A_365 : i1
      %and3A_367 = arith.andi %ne3A_366, %ne3A_361 : i1
      %add3A_368 = arith.addi %rem3A_359, %select_n3A_358 : i32
      %select_n3A_369 = arith.select %and3A_367, %add3A_368, %rem3A_359 : i32
      %get3A_370 = arith.constant 0 : i32
      %get3A_371 = arith.index_cast %get3A_370 : i32 to index
      %get3A_372 = arith.index_cast %select_n3A_353 : i32 to index
      %get3A_373 = arith.index_cast %select_n3A_369 : i32 to index
      %get3A_374 = tpu.vector_load %arg7[%get3A_371, %get3A_372, %get3A_373] {strides = array<i32>} : memref<26x4x128xi32, #tpu.memory_space<vmem>>, vector<16xi32>,
      %shift_right_logical3A_375 = arith.constant 3 : i32
      %shift_right_logical3A_376 = vector.broadcast %shift_right_logical3A_375 : i32 to vector<16xi32>
      %shift_right_logical3A_377 = arith.shrui %get3A_374, %shift_right_logical3A_376 : vector<16xi32>
      %slice3A_378 = vector.extract_strided_slice %shift_right_logical3A_377 {offsets = [0], sizes = [1], strides = [1]} : vector<16xi32> to vector<1xi32>
      %squeeze3A_379 = vector.extract %slice3A_378[0] : i32 from vector<1xi32>
      %dma_start3A_380 = arith.constant 0 : i32
      %dma_start3A_381 = arith.constant 128 : i32
      %dma_start3A_382 = arith.constant 0 : i32
      %dma_start3A_383 = tpu.memref_slice %arg8[%dma_start3A_381, %dma_start3A_382] : memref<256x36xf32, #tpu.memory_space<vmem>> -> memref<8x36xf32, #tpu.memory_space<vmem>>
      %dma_start3A_384 = arith.constant 0 : i32
      %dma_start3A_385 = arith.constant 0 : i32
      %dma_start3A_386 = tpu.memref_slice %arg4[%dma_start3A_380, %squeeze3A_379, %dma_start3A_384, %dma_start3A_385] : memref<26x12500x8x36xf32, #tpu.memory_space<hbm>> -> memref<1x1x8x36xf32, #tpu.memory_space<hbm>>
      %dma_start3A_387 = tpu.memref_squeeze %dma_start3A_386 : memref<1x1x8x36xf32, #tpu.memory_space<hbm>> -> memref<8x36xf32, #tpu.memory_space<hbm>>
      %dma_start3A_388 = arith.constant 128 : i32
      %dma_start3A_389 = arith.constant 0 : i32
      %dma_start3A_390 = tpu.memref_slice %arg8[%dma_start3A_388, %dma_start3A_389] : memref<256x36xf32, #tpu.memory_space<vmem>> -> memref<8x36xf32, #tpu.memory_space<vmem>>
      %dma_start3A_391 = arith.constant 0 : i32
      %dma_start3A_392 = arith.constant 0 : i32
      %dma_start3A_393 = tpu.memref_slice %arg4[%dma_start3A_380, %squeeze3A_379, %dma_start3A_391, %dma_start3A_392] : memref<26x12500x8x36xf32, #tpu.memory_space<hbm>> -> memref<1x1x8x36xf32, #tpu.memory_space<hbm>>
      %dma_start3A_394 = tpu.memref_squeeze %dma_start3A_393 : memref<1x1x8x36xf32, #tpu.memory_space<hbm>> -> memref<8x36xf32, #tpu.memory_space<hbm>>
      tpu.enqueue_dma source(%dma_start3A_394 : memref<8x36xf32, #tpu.memory_space<hbm>>) target(%dma_start3A_390 : memref<8x36xf32, #tpu.memory_space<vmem>>) target_semaphore(%arg12 : memref<!tpu.dma_semaphore, #tpu.memory_space<semaphore_mem>>)
      %slice3A_395 = vector.extract_strided_slice %shift_right_logical3A_377 {offsets = [1], sizes = [1], strides = [1]} : vector<16xi32> to vector<1xi32>
      %squeeze3A_396 = vector.extract %slice3A_395[0] : i32 from vector<1xi32>
      %dma_start3A_397 = arith.constant 0 : i32
      %dma_start3A_398 = arith.constant 136 : i32
      %dma_start3A_399 = arith.constant 0 : i32
      %dma_start3A_400 = tpu.memref_slice %arg8[%dma_start3A_398, %dma_start3A_399] : memref<256x36xf32, #tpu.memory_space<vmem>> -> memref<8x36xf32, #tpu.memory_space<vmem>>
      %dma_start3A_401 = arith.constant 0 : i32
      %dma_start3A_402 = arith.constant 0 : i32
      %dma_start3A_403 = tpu.memref_slice %arg4[%dma_start3A_397, %squeeze3A_396, %dma_start3A_401, %dma_start3A_402] : memref<26x12500x8x36xf32, #tpu.memory_space<hbm>> -> memref<1x1x8x36xf32, #tpu.memory_space<hbm>>
      %dma_start3A_404 = tpu.memref_squeeze %dma_start3A_403 : memref<1x1x8x36xf32, #tpu.memory_space<hbm>> -> memref<8x36xf32, #tpu.memory_space<hbm>>
      %dma_start3A_405 = arith.constant 136 : i32
      %dma_start3A_406 = arith.constant 0 : i32
      %dma_start3A_407 = tpu.memref_slice %arg8[%dma_start3A_405, %dma_start3A_406] : memref<256x36xf32, #tpu.memory_space<vmem>> -> memref<8x36xf32, #tpu.memory_space<vmem>>
      %dma_start3A_408 = arith.constant 0 : i32
      %dma_start3A_409 = arith.constant 0 : i32
      %dma_start3A_410 = tpu.memref_slice %arg4[%dma_start3A_397, %squeeze3A_396, %dma_start3A_408, %dma_start3A_409] : memref<26x12500x8x36xf32, #tpu.memory_space<hbm>> -> memref<1x1x8x36xf32, #tpu.memory_space<hbm>>
      %dma_start3A_411 = tpu.memref_squeeze %dma_start3A_410 : memref<1x1x8x36xf32, #tpu.memory_space<hbm>> -> memref<8x36xf32, #tpu.memory_space<hbm>>
      tpu.enqueue_dma source(%dma_start3A_411 : memref<8x36xf32, #tpu.memory_space<hbm>>) target(%dma_start3A_407 : memref<8x36xf32, #tpu.memory_space<vmem>>) target_semaphore(%arg12 : memref<!tpu.dma_semaphore, #tpu.memory_space<semaphore_mem>>)
      %slice3A_412 = vector.extract_strided_slice %shift_right_logical3A_377 {offsets = [2], sizes = [1], strides = [1]} : vector<16xi32> to vector<1xi32>
      %squeeze3A_413 = vector.extract %slice3A_412[0] : i32 from vector<1xi32>
      %dma_start3A_414 = arith.constant 0 : i32
      %dma_start3A_415 = arith.constant 144 : i32
      %dma_start3A_416 = arith.constant 0 : i32
      %dma_start3A_417 = tpu.memref_slice %arg8[%dma_start3A_415, %dma_start3A_416] : memref<256x36xf32, #tpu.memory_space<vmem>> -> memref<8x36xf32, #tpu.memory_space<vmem>>
      %dma_start3A_418 = arith.constant 0 : i32
      %dma_start3A_419 = arith.constant 0 : i32
      %dma_start3A_420 = tpu.memref_slice %arg4[%dma_start3A_414, %squeeze3A_413, %dma_start3A_418, %dma_start3A_419] : memref<26x12500x8x36xf32, #tpu.memory_space<hbm>> -> memref<1x1x8x36xf32, #tpu.memory_space<hbm>>
      %dma_start3A_421 = tpu.memref_squeeze %dma_start3A_420 : memref<1x1x8x36xf32, #tpu.memory_space<hbm>> -> memref<8x36xf32, #tpu.memory_space<hbm>>
      %dma_start3A_422 = arith.constant 144 : i32
      %dma_start3A_423 = arith.constant 0 : i32
      %dma_start3A_424 = tpu.memref_slice %arg8[%dma_start3A_422, %dma_start3A_423] : memref<256x36xf32, #tpu.memory_space<vmem>> -> memref<8x36xf32, #tpu.memory_space<vmem>>
      %dma_start3A_425 = arith.constant 0 : i32
      %dma_start3A_426 = arith.constant 0 : i32
      %dma_start3A_427 = tpu.memref_slice %arg4[%dma_start3A_414, %squeeze3A_413, %dma_start3A_425, %dma_start3A_426] : memref<26x12500x8x36xf32, #tpu.memory_space<hbm>> -> memref<1x1x8x36xf32, #tpu.memory_space<hbm>>
      %dma_start3A_428 = tpu.memref_squeeze %dma_start3A_427 : memref<1x1x8x36xf32, #tpu.memory_space<hbm>> -> memref<8x36xf32, #tpu.memory_space<hbm>>
      tpu.enqueue_dma source(%dma_start3A_428 : memref<8x36xf32, #tpu.memory_space<hbm>>) target(%dma_start3A_424 : memref<8x36xf32, #tpu.memory_space<vmem>>) target_semaphore(%arg12 : memref<!tpu.dma_semaphore, #tpu.memory_space<semaphore_mem>>)
      %slice3A_429 = vector.extract_strided_slice %shift_right_logical3A_377 {offsets = [3], sizes = [1], strides = [1]} : vector<16xi32> to vector<1xi32>
      %squeeze3A_430 = vector.extract %slice3A_429[0] : i32 from vector<1xi32>
      %dma_start3A_431 = arith.constant 0 : i32
      %dma_start3A_432 = arith.constant 152 : i32
      %dma_start3A_433 = arith.constant 0 : i32
      %dma_start3A_434 = tpu.memref_slice %arg8[%dma_start3A_432, %dma_start3A_433] : memref<256x36xf32, #tpu.memory_space<vmem>> -> memref<8x36xf32, #tpu.memory_space<vmem>>
      %dma_start3A_435 = arith.constant 0 : i32
      %dma_start3A_436 = arith.constant 0 : i32
      %dma_start3A_437 = tpu.memref_slice %arg4[%dma_start3A_431, %squeeze3A_430, %dma_start3A_435, %dma_start3A_436] : memref<26x12500x8x36xf32, #tpu.memory_space<hbm>> -> memref<1x1x8x36xf32, #tpu.memory_space<hbm>>
      %dma_start3A_438 = tpu.memref_squeeze %dma_start3A_437 : memref<1x1x8x36xf32, #tpu.memory_space<hbm>> -> memref<8x36xf32, #tpu.memory_space<hbm>>
      %dma_start3A_439 = arith.constant 152 : i32
      %dma_start3A_440 = arith.constant 0 : i32
      %dma_start3A_441 = tpu.memref_slice %arg8[%dma_start3A_439, %dma_start3A_440] : memref<256x36xf32, #tpu.memory_space<vmem>> -> memref<8x36xf32, #tpu.memory_space<vmem>>
      %dma_start3A_442 = arith.constant 0 : i32
      %dma_start3A_443 = arith.constant 0 : i32
      %dma_start3A_444 = tpu.memref_slice %arg4[%dma_start3A_431, %squeeze3A_430, %dma_start3A_442, %dma_start3A_443] : memref<26x12500x8x36xf32, #tpu.memory_space<hbm>> -> memref<1x1x8x36xf32, #tpu.memory_space<hbm>>
      %dma_start3A_445 = tpu.memref_squeeze %dma_start3A_444 : memref<1x1x8x36xf32, #tpu.memory_space<hbm>> -> memref<8x36xf32, #tpu.memory_space<hbm>>
      tpu.enqueue_dma source(%dma_start3A_445 : memref<8x36xf32, #tpu.memory_space<hbm>>) target(%dma_start3A_441 : memref<8x36xf32, #tpu.memory_space<vmem>>) target_semaphore(%arg12 : memref<!tpu.dma_semaphore, #tpu.memory_space<semaphore_mem>>)
      %slice3A_446 = vector.extract_strided_slice %shift_right_logical3A_377 {offsets = [4], sizes = [1], strides = [1]} : vector<16xi32> to vector<1xi32>
      %squeeze3A_447 = vector.extract %slice3A_446[0] : i32 from vector<1xi32>
      %dma_start3A_448 = arith.constant 0 : i32
      %dma_start3A_449 = arith.constant 160 : i32
      %dma_start3A_450 = arith.constant 0 : i32
      %dma_start3A_451 = tpu.memref_slice %arg8[%dma_start3A_449, %dma_start3A_450] : memref<256x36xf32, #tpu.memory_space<vmem>> -> memref<8x36xf32, #tpu.memory_space<vmem>>
      %dma_start3A_452 = arith.constant 0 : i32
      %dma_start3A_453 = arith.constant 0 : i32
      %dma_start3A_454 = tpu.memref_slice %arg4[%dma_start3A_448, %squeeze3A_447, %dma_start3A_452, %dma_start3A_453] : memref<26x12500x8x36xf32, #tpu.memory_space<hbm>> -> memref<1x1x8x36xf32, #tpu.memory_space<hbm>>
      %dma_start3A_455 = tpu.memref_squeeze %dma_start3A_454 : memref<1x1x8x36xf32, #tpu.memory_space<hbm>> -> memref<8x36xf32, #tpu.memory_space<hbm>>
      %dma_start3A_456 = arith.constant 160 : i32
      %dma_start3A_457 = arith.constant 0 : i32
      %dma_start3A_458 = tpu.memref_slice %arg8[%dma_start3A_456, %dma_start3A_457] : memref<256x36xf32, #tpu.memory_space<vmem>> -> memref<8x36xf32, #tpu.memory_space<vmem>>
      %dma_start3A_459 = arith.constant 0 : i32
      %dma_start3A_460 = arith.constant 0 : i32
      %dma_start3A_461 = tpu.memref_slice %arg4[%dma_start3A_448, %squeeze3A_447, %dma_start3A_459, %dma_start3A_460] : memref<26x12500x8x36xf32, #tpu.memory_space<hbm>> -> memref<1x1x8x36xf32, #tpu.memory_space<hbm>>
      %dma_start3A_462 = tpu.memref_squeeze %dma_start3A_461 : memref<1x1x8x36xf32, #tpu.memory_space<hbm>> -> memref<8x36xf32, #tpu.memory_space<hbm>>
      tpu.enqueue_dma source(%dma_start3A_462 : memref<8x36xf32, #tpu.memory_space<hbm>>) target(%dma_start3A_458 : memref<8x36xf32, #tpu.memory_space<vmem>>) target_semaphore(%arg12 : memref<!tpu.dma_semaphore, #tpu.memory_space<semaphore_mem>>)
      %slice3A_463 = vector.extract_strided_slice %shift_right_logical3A_377 {offsets = [5], sizes = [1], strides = [1]} : vector<16xi32> to vector<1xi32>
      %squeeze3A_464 = vector.extract %slice3A_463[0] : i32 from vector<1xi32>
      %dma_start3A_465 = arith.constant 0 : i32
      %dma_start3A_466 = arith.constant 168 : i32
      %dma_start3A_467 = arith.constant 0 : i32
      %dma_start3A_468 = tpu.memref_slice %arg8[%dma_start3A_466, %dma_start3A_467] : memref<256x36xf32, #tpu.memory_space<vmem>> -> memref<8x36xf32, #tpu.memory_space<vmem>>
      %dma_start3A_469 = arith.constant 0 : i32
      %dma_start3A_470 = arith.constant 0 : i32
      %dma_start3A_471 = tpu.memref_slice %arg4[%dma_start3A_465, %squeeze3A_464, %dma_start3A_469, %dma_start3A_470] : memref<26x12500x8x36xf32, #tpu.memory_space<hbm>> -> memref<1x1x8x36xf32, #tpu.memory_space<hbm>>
      %dma_start3A_472 = tpu.memref_squeeze %dma_start3A_471 : memref<1x1x8x36xf32, #tpu.memory_space<hbm>> -> memref<8x36xf32, #tpu.memory_space<hbm>>
      %dma_start3A_473 = arith.constant 168 : i32
      %dma_start3A_474 = arith.constant 0 : i32
      %dma_start3A_475 = tpu.memref_slice %arg8[%dma_start3A_473, %dma_start3A_474] : memref<256x36xf32, #tpu.memory_space<vmem>> -> memref<8x36xf32, #tpu.memory_space<vmem>>
      %dma_start3A_476 = arith.constant 0 : i32
      %dma_start3A_477 = arith.constant 0 : i32
      %dma_start3A_478 = tpu.memref_slice %arg4[%dma_start3A_465, %squeeze3A_464, %dma_start3A_476, %dma_start3A_477] : memref<26x12500x8x36xf32, #tpu.memory_space<hbm>> -> memref<1x1x8x36xf32, #tpu.memory_space<hbm>>
      %dma_start3A_479 = tpu.memref_squeeze %dma_start3A_478 : memref<1x1x8x36xf32, #tpu.memory_space<hbm>> -> memref<8x36xf32, #tpu.memory_space<hbm>>
      tpu.enqueue_dma source(%dma_start3A_479 : memref<8x36xf32, #tpu.memory_space<hbm>>) target(%dma_start3A_475 : memref<8x36xf32, #tpu.memory_space<vmem>>) target_semaphore(%arg12 : memref<!tpu.dma_semaphore, #tpu.memory_space<semaphore_mem>>)
      %slice3A_480 = vector.extract_strided_slice %shift_right_logical3A_377 {offsets = [6], sizes = [1], strides = [1]} : vector<16xi32> to vector<1xi32>
      %squeeze3A_481 = vector.extract %slice3A_480[0] : i32 from vector<1xi32>
      %dma_start3A_482 = arith.constant 0 : i32
      %dma_start3A_483 = arith.constant 176 : i32
      %dma_start3A_484 = arith.constant 0 : i32
      %dma_start3A_485 = tpu.memref_slice %arg8[%dma_start3A_483, %dma_start3A_484] : memref<256x36xf32, #tpu.memory_space<vmem>> -> memref<8x36xf32, #tpu.memory_space<vmem>>
      %dma_start3A_486 = arith.constant 0 : i32
      %dma_start3A_487 = arith.constant 0 : i32
      %dma_start3A_488 = tpu.memref_slice %arg4[%dma_start3A_482, %squeeze3A_481, %dma_start3A_486, %dma_start3A_487] : memref<26x12500x8x36xf32, #tpu.memory_space<hbm>> -> memref<1x1x8x36xf32, #tpu.memory_space<hbm>>
      %dma_start3A_489 = tpu.memref_squeeze %dma_start3A_488 : memref<1x1x8x36xf32, #tpu.memory_space<hbm>> -> memref<8x36xf32, #tpu.memory_space<hbm>>
      %dma_start3A_490 = arith.constant 176 : i32
      %dma_start3A_491 = arith.constant 0 : i32
      %dma_start3A_492 = tpu.memref_slice %arg8[%dma_start3A_490, %dma_start3A_491] : memref<256x36xf32, #tpu.memory_space<vmem>> -> memref<8x36xf32, #tpu.memory_space<vmem>>
      %dma_start3A_493 = arith.constant 0 : i32
      %dma_start3A_494 = arith.constant 0 : i32
      %dma_start3A_495 = tpu.memref_slice %arg4[%dma_start3A_482, %squeeze3A_481, %dma_start3A_493, %dma_start3A_494] : memref<26x12500x8x36xf32, #tpu.memory_space<hbm>> -> memref<1x1x8x36xf32, #tpu.memory_space<hbm>>
      %dma_start3A_496 = tpu.memref_squeeze %dma_start3A_495 : memref<1x1x8x36xf32, #tpu.memory_space<hbm>> -> memref<8x36xf32, #tpu.memory_space<hbm>>
      tpu.enqueue_dma source(%dma_start3A_496 : memref<8x36xf32, #tpu.memory_space<hbm>>) target(%dma_start3A_492 : memref<8x36xf32, #tpu.memory_space<vmem>>) target_semaphore(%arg12 : memref<!tpu.dma_semaphore, #tpu.memory_space<semaphore_mem>>)
      %slice3A_497 = vector.extract_strided_slice %shift_right_logical3A_377 {offsets = [7], sizes = [1], strides = [1]} : vector<16xi32> to vector<1xi32>
      %squeeze3A_498 = vector.extract %slice3A_497[0] : i32 from vector<1xi32>
      %dma_start3A_499 = arith.constant 0 : i32
      %dma_start3A_500 = arith.constant 184 : i32
      %dma_start3A_501 = arith.constant 0 : i32
      %dma_start3A_502 = tpu.memref_slice %arg8[%dma_start3A_500, %dma_start3A_501] : memref<256x36xf32, #tpu.memory_space<vmem>> -> memref<8x36xf32, #tpu.memory_space<vmem>>
      %dma_start3A_503 = arith.constant 0 : i32
      %dma_start3A_504 = arith.constant 0 : i32
      %dma_start3A_505 = tpu.memref_slice %arg4[%dma_start3A_499, %squeeze3A_498, %dma_start3A_503, %dma_start3A_504] : memref<26x12500x8x36xf32, #tpu.memory_space<hbm>> -> memref<1x1x8x36xf32, #tpu.memory_space<hbm>>
      %dma_start3A_506 = tpu.memref_squeeze %dma_start3A_505 : memref<1x1x8x36xf32, #tpu.memory_space<hbm>> -> memref<8x36xf32, #tpu.memory_space<hbm>>
      %dma_start3A_507 = arith.constant 184 : i32
      %dma_start3A_508 = arith.constant 0 : i32
      %dma_start3A_509 = tpu.memref_slice %arg8[%dma_start3A_507, %dma_start3A_508] : memref<256x36xf32, #tpu.memory_space<vmem>> -> memref<8x36xf32, #tpu.memory_space<vmem>>
      %dma_start3A_510 = arith.constant 0 : i32
      %dma_start3A_511 = arith.constant 0 : i32
      %dma_start3A_512 = tpu.memref_slice %arg4[%dma_start3A_499, %squeeze3A_498, %dma_start3A_510, %dma_start3A_511] : memref<26x12500x8x36xf32, #tpu.memory_space<hbm>> -> memref<1x1x8x36xf32, #tpu.memory_space<hbm>>
      %dma_start3A_513 = tpu.memref_squeeze %dma_start3A_512 : memref<1x1x8x36xf32, #tpu.memory_space<hbm>> -> memref<8x36xf32, #tpu.memory_space<hbm>>
      tpu.enqueue_dma source(%dma_start3A_513 : memref<8x36xf32, #tpu.memory_space<hbm>>) target(%dma_start3A_509 : memref<8x36xf32, #tpu.memory_space<vmem>>) target_semaphore(%arg12 : memref<!tpu.dma_semaphore, #tpu.memory_space<semaphore_mem>>)
      %slice3A_514 = vector.extract_strided_slice %shift_right_logical3A_377 {offsets = [8], sizes = [1], strides = [1]} : vector<16xi32> to vector<1xi32>
      %squeeze3A_515 = vector.extract %slice3A_514[0] : i32 from vector<1xi32>
      %dma_start3A_516 = arith.constant 0 : i32
      %dma_start3A_517 = arith.constant 192 : i32
      %dma_start3A_518 = arith.constant 0 : i32
      %dma_start3A_519 = tpu.memref_slice %arg8[%dma_start3A_517, %dma_start3A_518] : memref<256x36xf32, #tpu.memory_space<vmem>> -> memref<8x36xf32, #tpu.memory_space<vmem>>
      %dma_start3A_520 = arith.constant 0 : i32
      %dma_start3A_521 = arith.constant 0 : i32
      %dma_start3A_522 = tpu.memref_slice %arg4[%dma_start3A_516, %squeeze3A_515, %dma_start3A_520, %dma_start3A_521] : memref<26x12500x8x36xf32, #tpu.memory_space<hbm>> -> memref<1x1x8x36xf32, #tpu.memory_space<hbm>>
      %dma_start3A_523 = tpu.memref_squeeze %dma_start3A_522 : memref<1x1x8x36xf32, #tpu.memory_space<hbm>> -> memref<8x36xf32, #tpu.memory_space<hbm>>
      %dma_start3A_524 = arith.constant 192 : i32
      %dma_start3A_525 = arith.constant 0 : i32
      %dma_start3A_526 = tpu.memref_slice %arg8[%dma_start3A_524, %dma_start3A_525] : memref<256x36xf32, #tpu.memory_space<vmem>> -> memref<8x36xf32, #tpu.memory_space<vmem>>
      %dma_start3A_527 = arith.constant 0 : i32
      %dma_start3A_528 = arith.constant 0 : i32
      %dma_start3A_529 = tpu.memref_slice %arg4[%dma_start3A_516, %squeeze3A_515, %dma_start3A_527, %dma_start3A_528] : memref<26x12500x8x36xf32, #tpu.memory_space<hbm>> -> memref<1x1x8x36xf32, #tpu.memory_space<hbm>>
      %dma_start3A_530 = tpu.memref_squeeze %dma_start3A_529 : memref<1x1x8x36xf32, #tpu.memory_space<hbm>> -> memref<8x36xf32, #tpu.memory_space<hbm>>
      tpu.enqueue_dma source(%dma_start3A_530 : memref<8x36xf32, #tpu.memory_space<hbm>>) target(%dma_start3A_526 : memref<8x36xf32, #tpu.memory_space<vmem>>) target_semaphore(%arg12 : memref<!tpu.dma_semaphore, #tpu.memory_space<semaphore_mem>>)
      %slice3A_531 = vector.extract_strided_slice %shift_right_logical3A_377 {offsets = [9], sizes = [1], strides = [1]} : vector<16xi32> to vector<1xi32>
      %squeeze3A_532 = vector.extract %slice3A_531[0] : i32 from vector<1xi32>
      %dma_start3A_533 = arith.constant 0 : i32
      %dma_start3A_534 = arith.constant 200 : i32
      %dma_start3A_535 = arith.constant 0 : i32
      %dma_start3A_536 = tpu.memref_slice %arg8[%dma_start3A_534, %dma_start3A_535] : memref<256x36xf32, #tpu.memory_space<vmem>> -> memref<8x36xf32, #tpu.memory_space<vmem>>
      %dma_start3A_537 = arith.constant 0 : i32
      %dma_start3A_538 = arith.constant 0 : i32
      %dma_start3A_539 = tpu.memref_slice %arg4[%dma_start3A_533, %squeeze3A_532, %dma_start3A_537, %dma_start3A_538] : memref<26x12500x8x36xf32, #tpu.memory_space<hbm>> -> memref<1x1x8x36xf32, #tpu.memory_space<hbm>>
      %dma_start3A_540 = tpu.memref_squeeze %dma_start3A_539 : memref<1x1x8x36xf32, #tpu.memory_space<hbm>> -> memref<8x36xf32, #tpu.memory_space<hbm>>
      %dma_start3A_541 = arith.constant 200 : i32
      %dma_start3A_542 = arith.constant 0 : i32
      %dma_start3A_543 = tpu.memref_slice %arg8[%dma_start3A_541, %dma_start3A_542] : memref<256x36xf32, #tpu.memory_space<vmem>> -> memref<8x36xf32, #tpu.memory_space<vmem>>
      %dma_start3A_544 = arith.constant 0 : i32
      %dma_start3A_545 = arith.constant 0 : i32
      %dma_start3A_546 = tpu.memref_slice %arg4[%dma_start3A_533, %squeeze3A_532, %dma_start3A_544, %dma_start3A_545] : memref<26x12500x8x36xf32, #tpu.memory_space<hbm>> -> memref<1x1x8x36xf32, #tpu.memory_space<hbm>>
      %dma_start3A_547 = tpu.memref_squeeze %dma_start3A_546 : memref<1x1x8x36xf32, #tpu.memory_space<hbm>> -> memref<8x36xf32, #tpu.memory_space<hbm>>
      tpu.enqueue_dma source(%dma_start3A_547 : memref<8x36xf32, #tpu.memory_space<hbm>>) target(%dma_start3A_543 : memref<8x36xf32, #tpu.memory_space<vmem>>) target_semaphore(%arg12 : memref<!tpu.dma_semaphore, #tpu.memory_space<semaphore_mem>>)
      %slice3A_548 = vector.extract_strided_slice %shift_right_logical3A_377 {offsets = [10], sizes = [1], strides = [1]} : vector<16xi32> to vector<1xi32>
      %squeeze3A_549 = vector.extract %slice3A_548[0] : i32 from vector<1xi32>
      %dma_start3A_550 = arith.constant 0 : i32
      %dma_start3A_551 = arith.constant 208 : i32
      %dma_start3A_552 = arith.constant 0 : i32
      %dma_start3A_553 = tpu.memref_slice %arg8[%dma_start3A_551, %dma_start3A_552] : memref<256x36xf32, #tpu.memory_space<vmem>> -> memref<8x36xf32, #tpu.memory_space<vmem>>
      %dma_start3A_554 = arith.constant 0 : i32
      %dma_start3A_555 = arith.constant 0 : i32
      %dma_start3A_556 = tpu.memref_slice %arg4[%dma_start3A_550, %squeeze3A_549, %dma_start3A_554, %dma_start3A_555] : memref<26x12500x8x36xf32, #tpu.memory_space<hbm>> -> memref<1x1x8x36xf32, #tpu.memory_space<hbm>>
      %dma_start3A_557 = tpu.memref_squeeze %dma_start3A_556 : memref<1x1x8x36xf32, #tpu.memory_space<hbm>> -> memref<8x36xf32, #tpu.memory_space<hbm>>
      %dma_start3A_558 = arith.constant 208 : i32
      %dma_start3A_559 = arith.constant 0 : i32
      %dma_start3A_560 = tpu.memref_slice %arg8[%dma_start3A_558, %dma_start3A_559] : memref<256x36xf32, #tpu.memory_space<vmem>> -> memref<8x36xf32, #tpu.memory_space<vmem>>
      %dma_start3A_561 = arith.constant 0 : i32
      %dma_start3A_562 = arith.constant 0 : i32
      %dma_start3A_563 = tpu.memref_slice %arg4[%dma_start3A_550, %squeeze3A_549, %dma_start3A_561, %dma_start3A_562] : memref<26x12500x8x36xf32, #tpu.memory_space<hbm>> -> memref<1x1x8x36xf32, #tpu.memory_space<hbm>>
      %dma_start3A_564 = tpu.memref_squeeze %dma_start3A_563 : memref<1x1x8x36xf32, #tpu.memory_space<hbm>> -> memref<8x36xf32, #tpu.memory_space<hbm>>
      tpu.enqueue_dma source(%dma_start3A_564 : memref<8x36xf32, #tpu.memory_space<hbm>>) target(%dma_start3A_560 : memref<8x36xf32, #tpu.memory_space<vmem>>) target_semaphore(%arg12 : memref<!tpu.dma_semaphore, #tpu.memory_space<semaphore_mem>>)
      %slice3A_565 = vector.extract_strided_slice %shift_right_logical3A_377 {offsets = [11], sizes = [1], strides = [1]} : vector<16xi32> to vector<1xi32>
      %squeeze3A_566 = vector.extract %slice3A_565[0] : i32 from vector<1xi32>
      %dma_start3A_567 = arith.constant 0 : i32
      %dma_start3A_568 = arith.constant 216 : i32
      %dma_start3A_569 = arith.constant 0 : i32
      %dma_start3A_570 = tpu.memref_slice %arg8[%dma_start3A_568, %dma_start3A_569] : memref<256x36xf32, #tpu.memory_space<vmem>> -> memref<8x36xf32, #tpu.memory_space<vmem>>
      %dma_start3A_571 = arith.constant 0 : i32
      %dma_start3A_572 = arith.constant 0 : i32
      %dma_start3A_573 = tpu.memref_slice %arg4[%dma_start3A_567, %squeeze3A_566, %dma_start3A_571, %dma_start3A_572] : memref<26x12500x8x36xf32, #tpu.memory_space<hbm>> -> memref<1x1x8x36xf32, #tpu.memory_space<hbm>>
      %dma_start3A_574 = tpu.memref_squeeze %dma_start3A_573 : memref<1x1x8x36xf32, #tpu.memory_space<hbm>> -> memref<8x36xf32, #tpu.memory_space<hbm>>
      %dma_start3A_575 = arith.constant 216 : i32
      %dma_start3A_576 = arith.constant 0 : i32
      %dma_start3A_577 = tpu.memref_slice %arg8[%dma_start3A_575, %dma_start3A_576] : memref<256x36xf32, #tpu.memory_space<vmem>> -> memref<8x36xf32, #tpu.memory_space<vmem>>
      %dma_start3A_578 = arith.constant 0 : i32
      %dma_start3A_579 = arith.constant 0 : i32
      %dma_start3A_580 = tpu.memref_slice %arg4[%dma_start3A_567, %squeeze3A_566, %dma_start3A_578, %dma_start3A_579] : memref<26x12500x8x36xf32, #tpu.memory_space<hbm>> -> memref<1x1x8x36xf32, #tpu.memory_space<hbm>>
      %dma_start3A_581 = tpu.memref_squeeze %dma_start3A_580 : memref<1x1x8x36xf32, #tpu.memory_space<hbm>> -> memref<8x36xf32, #tpu.memory_space<hbm>>
      tpu.enqueue_dma source(%dma_start3A_581 : memref<8x36xf32, #tpu.memory_space<hbm>>) target(%dma_start3A_577 : memref<8x36xf32, #tpu.memory_space<vmem>>) target_semaphore(%arg12 : memref<!tpu.dma_semaphore, #tpu.memory_space<semaphore_mem>>)
      %slice3A_582 = vector.extract_strided_slice %shift_right_logical3A_377 {offsets = [12], sizes = [1], strides = [1]} : vector<16xi32> to vector<1xi32>
      %squeeze3A_583 = vector.extract %slice3A_582[0] : i32 from vector<1xi32>
      %dma_start3A_584 = arith.constant 0 : i32
      %dma_start3A_585 = arith.constant 224 : i32
      %dma_start3A_586 = arith.constant 0 : i32
      %dma_start3A_587 = tpu.memref_slice %arg8[%dma_start3A_585, %dma_start3A_586] : memref<256x36xf32, #tpu.memory_space<vmem>> -> memref<8x36xf32, #tpu.memory_space<vmem>>
      %dma_start3A_588 = arith.constant 0 : i32
      %dma_start3A_589 = arith.constant 0 : i32
      %dma_start3A_590 = tpu.memref_slice %arg4[%dma_start3A_584, %squeeze3A_583, %dma_start3A_588, %dma_start3A_589] : memref<26x12500x8x36xf32, #tpu.memory_space<hbm>> -> memref<1x1x8x36xf32, #tpu.memory_space<hbm>>
      %dma_start3A_591 = tpu.memref_squeeze %dma_start3A_590 : memref<1x1x8x36xf32, #tpu.memory_space<hbm>> -> memref<8x36xf32, #tpu.memory_space<hbm>>
      %dma_start3A_592 = arith.constant 224 : i32
      %dma_start3A_593 = arith.constant 0 : i32
      %dma_start3A_594 = tpu.memref_slice %arg8[%dma_start3A_592, %dma_start3A_593] : memref<256x36xf32, #tpu.memory_space<vmem>> -> memref<8x36xf32, #tpu.memory_space<vmem>>
      %dma_start3A_595 = arith.constant 0 : i32
      %dma_start3A_596 = arith.constant 0 : i32
      %dma_start3A_597 = tpu.memref_slice %arg4[%dma_start3A_584, %squeeze3A_583, %dma_start3A_595, %dma_start3A_596] : memref<26x12500x8x36xf32, #tpu.memory_space<hbm>> -> memref<1x1x8x36xf32, #tpu.memory_space<hbm>>
      %dma_start3A_598 = tpu.memref_squeeze %dma_start3A_597 : memref<1x1x8x36xf32, #tpu.memory_space<hbm>> -> memref<8x36xf32, #tpu.memory_space<hbm>>
      tpu.enqueue_dma source(%dma_start3A_598 : memref<8x36xf32, #tpu.memory_space<hbm>>) target(%dma_start3A_594 : memref<8x36xf32, #tpu.memory_space<vmem>>) target_semaphore(%arg12 : memref<!tpu.dma_semaphore, #tpu.memory_space<semaphore_mem>>)
      %slice3A_599 = vector.extract_strided_slice %shift_right_logical3A_377 {offsets = [13], sizes = [1], strides = [1]} : vector<16xi32> to vector<1xi32>
      %squeeze3A_600 = vector.extract %slice3A_599[0] : i32 from vector<1xi32>
      %dma_start3A_601 = arith.constant 0 : i32
      %dma_start3A_602 = arith.constant 232 : i32
      %dma_start3A_603 = arith.constant 0 : i32
      %dma_start3A_604 = tpu.memref_slice %arg8[%dma_start3A_602, %dma_start3A_603] : memref<256x36xf32, #tpu.memory_space<vmem>> -> memref<8x36xf32, #tpu.memory_space<vmem>>
      %dma_start3A_605 = arith.constant 0 : i32
      %dma_start3A_606 = arith.constant 0 : i32
      %dma_start3A_607 = tpu.memref_slice %arg4[%dma_start3A_601, %squeeze3A_600, %dma_start3A_605, %dma_start3A_606] : memref<26x12500x8x36xf32, #tpu.memory_space<hbm>> -> memref<1x1x8x36xf32, #tpu.memory_space<hbm>>
      %dma_start3A_608 = tpu.memref_squeeze %dma_start3A_607 : memref<1x1x8x36xf32, #tpu.memory_space<hbm>> -> memref<8x36xf32, #tpu.memory_space<hbm>>
      %dma_start3A_609 = arith.constant 232 : i32
      %dma_start3A_610 = arith.constant 0 : i32
      %dma_start3A_611 = tpu.memref_slice %arg8[%dma_start3A_609, %dma_start3A_610] : memref<256x36xf32, #tpu.memory_space<vmem>> -> memref<8x36xf32, #tpu.memory_space<vmem>>
      %dma_start3A_612 = arith.constant 0 : i32
      %dma_start3A_613 = arith.constant 0 : i32
      %dma_start3A_614 = tpu.memref_slice %arg4[%dma_start3A_601, %squeeze3A_600, %dma_start3A_612, %dma_start3A_613] : memref<26x12500x8x36xf32, #tpu.memory_space<hbm>> -> memref<1x1x8x36xf32, #tpu.memory_space<hbm>>
      %dma_start3A_615 = tpu.memref_squeeze %dma_start3A_614 : memref<1x1x8x36xf32, #tpu.memory_space<hbm>> -> memref<8x36xf32, #tpu.memory_space<hbm>>
      tpu.enqueue_dma source(%dma_start3A_615 : memref<8x36xf32, #tpu.memory_space<hbm>>) target(%dma_start3A_611 : memref<8x36xf32, #tpu.memory_space<vmem>>) target_semaphore(%arg12 : memref<!tpu.dma_semaphore, #tpu.memory_space<semaphore_mem>>)
      %slice3A_616 = vector.extract_strided_slice %shift_right_logical3A_377 {offsets = [14], sizes = [1], strides = [1]} : vector<16xi32> to vector<1xi32>
      %squeeze3A_617 = vector.extract %slice3A_616[0] : i32 from vector<1xi32>
      %dma_start3A_618 = arith.constant 0 : i32
      %dma_start3A_619 = arith.constant 240 : i32
      %dma_start3A_620 = arith.constant 0 : i32
      %dma_start3A_621 = tpu.memref_slice %arg8[%dma_start3A_619, %dma_start3A_620] : memref<256x36xf32, #tpu.memory_space<vmem>> -> memref<8x36xf32, #tpu.memory_space<vmem>>
      %dma_start3A_622 = arith.constant 0 : i32
      %dma_start3A_623 = arith.constant 0 : i32
      %dma_start3A_624 = tpu.memref_slice %arg4[%dma_start3A_618, %squeeze3A_617, %dma_start3A_622, %dma_start3A_623] : memref<26x12500x8x36xf32, #tpu.memory_space<hbm>> -> memref<1x1x8x36xf32, #tpu.memory_space<hbm>>
      %dma_start3A_625 = tpu.memref_squeeze %dma_start3A_624 : memref<1x1x8x36xf32, #tpu.memory_space<hbm>> -> memref<8x36xf32, #tpu.memory_space<hbm>>
      %dma_start3A_626 = arith.constant 240 : i32
      %dma_start3A_627 = arith.constant 0 : i32
      %dma_start3A_628 = tpu.memref_slice %arg8[%dma_start3A_626, %dma_start3A_627] : memref<256x36xf32, #tpu.memory_space<vmem>> -> memref<8x36xf32, #tpu.memory_space<vmem>>
      %dma_start3A_629 = arith.constant 0 : i32
      %dma_start3A_630 = arith.constant 0 : i32
      %dma_start3A_631 = tpu.memref_slice %arg4[%dma_start3A_618, %squeeze3A_617, %dma_start3A_629, %dma_start3A_630] : memref<26x12500x8x36xf32, #tpu.memory_space<hbm>> -> memref<1x1x8x36xf32, #tpu.memory_space<hbm>>
      %dma_start3A_632 = tpu.memref_squeeze %dma_start3A_631 : memref<1x1x8x36xf32, #tpu.memory_space<hbm>> -> memref<8x36xf32, #tpu.memory_space<hbm>>
      tpu.enqueue_dma source(%dma_start3A_632 : memref<8x36xf32, #tpu.memory_space<hbm>>) target(%dma_start3A_628 : memref<8x36xf32, #tpu.memory_space<vmem>>) target_semaphore(%arg12 : memref<!tpu.dma_semaphore, #tpu.memory_space<semaphore_mem>>)
      %slice3A_633 = vector.extract_strided_slice %shift_right_logical3A_377 {offsets = [15], sizes = [1], strides = [1]} : vector<16xi32> to vector<1xi32>
      %squeeze3A_634 = vector.extract %slice3A_633[0] : i32 from vector<1xi32>
      %dma_start3A_635 = arith.constant 0 : i32
      %dma_start3A_636 = arith.constant 248 : i32
      %dma_start3A_637 = arith.constant 0 : i32
      %dma_start3A_638 = tpu.memref_slice %arg8[%dma_start3A_636, %dma_start3A_637] : memref<256x36xf32, #tpu.memory_space<vmem>> -> memref<8x36xf32, #tpu.memory_space<vmem>>
      %dma_start3A_639 = arith.constant 0 : i32
      %dma_start3A_640 = arith.constant 0 : i32
      %dma_start3A_641 = tpu.memref_slice %arg4[%dma_start3A_635, %squeeze3A_634, %dma_start3A_639, %dma_start3A_640] : memref<26x12500x8x36xf32, #tpu.memory_space<hbm>> -> memref<1x1x8x36xf32, #tpu.memory_space<hbm>>
      %dma_start3A_642 = tpu.memref_squeeze %dma_start3A_641 : memref<1x1x8x36xf32, #tpu.memory_space<hbm>> -> memref<8x36xf32, #tpu.memory_space<hbm>>
      %dma_start3A_643 = arith.constant 248 : i32
      %dma_start3A_644 = arith.constant 0 : i32
      %dma_start3A_645 = tpu.memref_slice %arg8[%dma_start3A_643, %dma_start3A_644] : memref<256x36xf32, #tpu.memory_space<vmem>> -> memref<8x36xf32, #tpu.memory_space<vmem>>
      %dma_start3A_646 = arith.constant 0 : i32
      %dma_start3A_647 = arith.constant 0 : i32
      %dma_start3A_648 = tpu.memref_slice %arg4[%dma_start3A_635, %squeeze3A_634, %dma_start3A_646, %dma_start3A_647] : memref<26x12500x8x36xf32, #tpu.memory_space<hbm>> -> memref<1x1x8x36xf32, #tpu.memory_space<hbm>>
      %dma_start3A_649 = tpu.memref_squeeze %dma_start3A_648 : memref<1x1x8x36xf32, #tpu.memory_space<hbm>> -> memref<8x36xf32, #tpu.memory_space<hbm>>
      tpu.enqueue_dma source(%dma_start3A_649 : memref<8x36xf32, #tpu.memory_space<hbm>>) target(%dma_start3A_645 : memref<8x36xf32, #tpu.memory_space<vmem>>) target_semaphore(%arg12 : memref<!tpu.dma_semaphore, #tpu.memory_space<semaphore_mem>>)
      "tpu.region"() ({
        %run_scoped3A = tpu.sem_alloc : memref<!tpu.dma_semaphore, #tpu.memory_space<semaphore_mem>>
        %dma_start3A_744 = arith.constant 0 : i32
        %dma_start3A_745 = tpu.memref_slice %arg2[%multiple_of3A, %dma_start3A_744] : memref<16384x13xf32, #tpu.memory_space<hbm>> -> memref<32x13xf32, #tpu.memory_space<hbm>>
        %dma_start3A_746 = arith.constant 0 : i32
        %dma_start3A_747 = tpu.memref_slice %arg2[%multiple_of3A, %dma_start3A_746] : memref<16384x13xf32, #tpu.memory_space<hbm>> -> memref<32x13xf32, #tpu.memory_space<hbm>>
        tpu.enqueue_dma source(%dma_start3A_747 : memref<32x13xf32, #tpu.memory_space<hbm>>) target(%arg10 : memref<32x13xf32, #tpu.memory_space<vmem>>) target_semaphore(%run_scoped3A : memref<!tpu.dma_semaphore, #tpu.memory_space<semaphore_mem>>)
        %dma_wait3A_748 = arith.constant 0 : i32
        %dma_wait3A_749 = tpu.memref_slice %arg2[%multiple_of3A, %dma_wait3A_748] : memref<16384x13xf32, #tpu.memory_space<hbm>> -> memref<32x13xf32, #tpu.memory_space<hbm>>
        %dma_wait3A_750 = arith.constant 0 : i32
        %dma_wait3A_751 = tpu.memref_slice %arg2[%multiple_of3A, %dma_wait3A_750] : memref<16384x13xf32, #tpu.memory_space<hbm>> -> memref<32x13xf32, #tpu.memory_space<hbm>>
        tpu.wait_dma2 semaphore(%run_scoped3A : memref<!tpu.dma_semaphore, #tpu.memory_space<semaphore_mem>>) src(%dma_wait3A_751 : memref<32x13xf32, #tpu.memory_space<hbm>>) dst(%arg10 : memref<32x13xf32, #tpu.memory_space<vmem>>)
        tpu.yield
      }) : () -> ()
      %gt3A = arith.constant 0 : i32
      %gt3A_650 = arith.cmpi sgt, %scan3A_13, %gt3A : i32
      %convert_element_type3A = arith.extui %gt3A_650 : i1 to i32
      %cond3A = arith.constant 0 : i32
      %cond3A_651 = arith.cmpi ne, %convert_element_type3A, %cond3A : i32
      scf.if %cond3A_651 {
        %dma_wait3A_744 = arith.constant 0 : i32
        %dma_wait3A_745 = arith.constant 0 : i32
        %dma_wait3A_746 = tpu.memref_slice %arg6[%dma_wait3A_744, %dma_wait3A_745] : memref<16384x949xf32, #tpu.memory_space<hbm>> -> memref<32x949xf32, #tpu.memory_space<hbm>>
        %dma_wait3A_747 = arith.constant 0 : i32
        %dma_wait3A_748 = arith.constant 0 : i32
        %dma_wait3A_749 = tpu.memref_slice %arg6[%dma_wait3A_747, %dma_wait3A_748] : memref<16384x949xf32, #tpu.memory_space<hbm>> -> memref<32x949xf32, #tpu.memory_space<hbm>>
        tpu.wait_dma2 semaphore(%arg14 : memref<!tpu.dma_semaphore, #tpu.memory_space<semaphore_mem>>) src(%arg11 : memref<32x949xf32, #tpu.memory_space<vmem>>) dst(%dma_wait3A_749 : memref<32x949xf32, #tpu.memory_space<hbm>>)
      } else {
      }
      %add3A_652 = arith.constant 0 : i32
      %add3A_653 = vector.broadcast %add3A_652 : i32 to vector<16xi32>
      %add3A_654 = arith.addi %add3A_653, %iota3A : vector<16xi32>
      %broadcast_in_dim3A = arith.constant 0 : i32
      %broadcast_in_dim3A_655 = vector.broadcast %broadcast_in_dim3A : i32 to vector<16xi32>
      %gather3A = tpu.vector_load_idx %arg10[%add3A_654, %broadcast_in_dim3A_655] : memref<32x13xf32, #tpu.memory_space<vmem>>[vector<16xi32>, vector<16xi32>], vector<16xf32>,
      tpu.vector_store_idx %arg11[%add3A_654, %broadcast_in_dim3A_655], %gather3A : memref<32x949xf32, #tpu.memory_space<vmem>>[vector<16xi32>, vector<16xi32>], vector<16xf32>,
      %broadcast_in_dim3A_656 = arith.constant 1 : i32
      %broadcast_in_dim3A_657 = vector.broadcast %broadcast_in_dim3A_656 : i32 to vector<16xi32>
      %gather3A_658 = tpu.vector_load_idx %arg10[%add3A_654, %broadcast_in_dim3A_657] : memref<32x13xf32, #tpu.memory_space<vmem>>[vector<16xi32>, vector<16xi32>], vector<16xf32>,
      tpu.vector_store_idx %arg11[%add3A_654, %broadcast_in_dim3A_657], %gather3A_658 : memref<32x949xf32, #tpu.memory_space<vmem>>[vector<16xi32>, vector<16xi32>], vector<16xf32>,
      %broadcast_in_dim3A_659 = arith.constant 2 : i32
      %broadcast_in_dim3A_660 = vector.broadcast %broadcast_in_dim3A_659 : i32 to vector<16xi32>
      %gather3A_661 = tpu.vector_load_idx %arg10[%add3A_654, %broadcast_in_dim3A_660] : memref<32x13xf32, #tpu.memory_space<vmem>>[vector<16xi32>, vector<16xi32>], vector<16xf32>,
      tpu.vector_store_idx %arg11[%add3A_654, %broadcast_in_dim3A_660], %gather3A_661 : memref<32x949xf32, #tpu.memory_space<vmem>>[vector<16xi32>, vector<16xi32>], vector<16xf32>,
      %broadcast_in_dim3A_662 = arith.constant 3 : i32
      %broadcast_in_dim3A_663 = vector.broadcast %broadcast_in_dim3A_662 : i32 to vector<16xi32>
      %gather3A_664 = tpu.vector_load_idx %arg10[%add3A_654, %broadcast_in_dim3A_663] : memref<32x13xf32, #tpu.memory_space<vmem>>[vector<16xi32>, vector<16xi32>], vector<16xf32>,
      tpu.vector_store_idx %arg11[%add3A_654, %broadcast_in_dim3A_663], %gather3A_664 : memref<32x949xf32, #tpu.memory_space<vmem>>[vector<16xi32>, vector<16xi32>], vector<16xf32>,
      %broadcast_in_dim3A_665 = arith.constant 4 : i32
      %broadcast_in_dim3A_666 = vector.broadcast %broadcast_in_dim3A_665 : i32 to vector<16xi32>
      %gather3A_667 = tpu.vector_load_idx %arg10[%add3A_654, %broadcast_in_dim3A_666] : memref<32x13xf32, #tpu.memory_space<vmem>>[vector<16xi32>, vector<16xi32>], vector<16xf32>,
      tpu.vector_store_idx %arg11[%add3A_654, %broadcast_in_dim3A_666], %gather3A_667 : memref<32x949xf32, #tpu.memory_space<vmem>>[vector<16xi32>, vector<16xi32>], vector<16xf32>,
      %broadcast_in_dim3A_668 = arith.constant 5 : i32
      %broadcast_in_dim3A_669 = vector.broadcast %broadcast_in_dim3A_668 : i32 to vector<16xi32>
      %gather3A_670 = tpu.vector_load_idx %arg10[%add3A_654, %broadcast_in_dim3A_669] : memref<32x13xf32, #tpu.memory_space<vmem>>[vector<16xi32>, vector<16xi32>], vector<16xf32>,
      tpu.vector_store_idx %arg11[%add3A_654, %broadcast_in_dim3A_669], %gather3A_670 : memref<32x949xf32, #tpu.memory_space<vmem>>[vector<16xi32>, vector<16xi32>], vector<16xf32>,
      %broadcast_in_dim3A_671 = arith.constant 6 : i32
      %broadcast_in_dim3A_672 = vector.broadcast %broadcast_in_dim3A_671 : i32 to vector<16xi32>
      %gather3A_673 = tpu.vector_load_idx %arg10[%add3A_654, %broadcast_in_dim3A_672] : memref<32x13xf32, #tpu.memory_space<vmem>>[vector<16xi32>, vector<16xi32>], vector<16xf32>,
      tpu.vector_store_idx %arg11[%add3A_654, %broadcast_in_dim3A_672], %gather3A_673 : memref<32x949xf32, #tpu.memory_space<vmem>>[vector<16xi32>, vector<16xi32>], vector<16xf32>,
      %broadcast_in_dim3A_674 = arith.constant 7 : i32
      %broadcast_in_dim3A_675 = vector.broadcast %broadcast_in_dim3A_674 : i32 to vector<16xi32>
      %gather3A_676 = tpu.vector_load_idx %arg10[%add3A_654, %broadcast_in_dim3A_675] : memref<32x13xf32, #tpu.memory_space<vmem>>[vector<16xi32>, vector<16xi32>], vector<16xf32>,
      tpu.vector_store_idx %arg11[%add3A_654, %broadcast_in_dim3A_675], %gather3A_676 : memref<32x949xf32, #tpu.memory_space<vmem>>[vector<16xi32>, vector<16xi32>], vector<16xf32>,
      %broadcast_in_dim3A_677 = arith.constant 8 : i32
      %broadcast_in_dim3A_678 = vector.broadcast %broadcast_in_dim3A_677 : i32 to vector<16xi32>
      %gather3A_679 = tpu.vector_load_idx %arg10[%add3A_654, %broadcast_in_dim3A_678] : memref<32x13xf32, #tpu.memory_space<vmem>>[vector<16xi32>, vector<16xi32>], vector<16xf32>,
      tpu.vector_store_idx %arg11[%add3A_654, %broadcast_in_dim3A_678], %gather3A_679 : memref<32x949xf32, #tpu.memory_space<vmem>>[vector<16xi32>, vector<16xi32>], vector<16xf32>,
      %broadcast_in_dim3A_680 = arith.constant 9 : i32
      %broadcast_in_dim3A_681 = vector.broadcast %broadcast_in_dim3A_680 : i32 to vector<16xi32>
      %gather3A_682 = tpu.vector_load_idx %arg10[%add3A_654, %broadcast_in_dim3A_681] : memref<32x13xf32, #tpu.memory_space<vmem>>[vector<16xi32>, vector<16xi32>], vector<16xf32>,
      tpu.vector_store_idx %arg11[%add3A_654, %broadcast_in_dim3A_681], %gather3A_682 : memref<32x949xf32, #tpu.memory_space<vmem>>[vector<16xi32>, vector<16xi32>], vector<16xf32>,
      %broadcast_in_dim3A_683 = arith.constant 10 : i32
      %broadcast_in_dim3A_684 = vector.broadcast %broadcast_in_dim3A_683 : i32 to vector<16xi32>
      %gather3A_685 = tpu.vector_load_idx %arg10[%add3A_654, %broadcast_in_dim3A_684] : memref<32x13xf32, #tpu.memory_space<vmem>>[vector<16xi32>, vector<16xi32>], vector<16xf32>,
      tpu.vector_store_idx %arg11[%add3A_654, %broadcast_in_dim3A_684], %gather3A_685 : memref<32x949xf32, #tpu.memory_space<vmem>>[vector<16xi32>, vector<16xi32>], vector<16xf32>,
      %broadcast_in_dim3A_686 = arith.constant 11 : i32
      %broadcast_in_dim3A_687 = vector.broadcast %broadcast_in_dim3A_686 : i32 to vector<16xi32>
      %gather3A_688 = tpu.vector_load_idx %arg10[%add3A_654, %broadcast_in_dim3A_687] : memref<32x13xf32, #tpu.memory_space<vmem>>[vector<16xi32>, vector<16xi32>], vector<16xf32>,
      tpu.vector_store_idx %arg11[%add3A_654, %broadcast_in_dim3A_687], %gather3A_688 : memref<32x949xf32, #tpu.memory_space<vmem>>[vector<16xi32>, vector<16xi32>], vector<16xf32>,
      %broadcast_in_dim3A_689 = arith.constant 12 : i32
      %broadcast_in_dim3A_690 = vector.broadcast %broadcast_in_dim3A_689 : i32 to vector<16xi32>
      %gather3A_691 = tpu.vector_load_idx %arg10[%add3A_654, %broadcast_in_dim3A_690] : memref<32x13xf32, #tpu.memory_space<vmem>>[vector<16xi32>, vector<16xi32>], vector<16xf32>,
      tpu.vector_store_idx %arg11[%add3A_654, %broadcast_in_dim3A_690], %gather3A_691 : memref<32x949xf32, #tpu.memory_space<vmem>>[vector<16xi32>, vector<16xi32>], vector<16xf32>,
      %add3A_692 = arith.constant 16 : i32
      %add3A_693 = vector.broadcast %add3A_692 : i32 to vector<16xi32>
      %add3A_694 = arith.addi %add3A_693, %iota3A : vector<16xi32>
      %broadcast_in_dim3A_695 = arith.constant 0 : i32
      %broadcast_in_dim3A_696 = vector.broadcast %broadcast_in_dim3A_695 : i32 to vector<16xi32>
      %gather3A_697 = tpu.vector_load_idx %arg10[%add3A_694, %broadcast_in_dim3A_696] : memref<32x13xf32, #tpu.memory_space<vmem>>[vector<16xi32>, vector<16xi32>], vector<16xf32>,
      tpu.vector_store_idx %arg11[%add3A_694, %broadcast_in_dim3A_696], %gather3A_697 : memref<32x949xf32, #tpu.memory_space<vmem>>[vector<16xi32>, vector<16xi32>], vector<16xf32>,
      %broadcast_in_dim3A_698 = arith.constant 1 : i32
      %broadcast_in_dim3A_699 = vector.broadcast %broadcast_in_dim3A_698 : i32 to vector<16xi32>
      %gather3A_700 = tpu.vector_load_idx %arg10[%add3A_694, %broadcast_in_dim3A_699] : memref<32x13xf32, #tpu.memory_space<vmem>>[vector<16xi32>, vector<16xi32>], vector<16xf32>,
      tpu.vector_store_idx %arg11[%add3A_694, %broadcast_in_dim3A_699], %gather3A_700 : memref<32x949xf32, #tpu.memory_space<vmem>>[vector<16xi32>, vector<16xi32>], vector<16xf32>,
      %broadcast_in_dim3A_701 = arith.constant 2 : i32
      %broadcast_in_dim3A_702 = vector.broadcast %broadcast_in_dim3A_701 : i32 to vector<16xi32>
      %gather3A_703 = tpu.vector_load_idx %arg10[%add3A_694, %broadcast_in_dim3A_702] : memref<32x13xf32, #tpu.memory_space<vmem>>[vector<16xi32>, vector<16xi32>], vector<16xf32>,
      tpu.vector_store_idx %arg11[%add3A_694, %broadcast_in_dim3A_702], %gather3A_703 : memref<32x949xf32, #tpu.memory_space<vmem>>[vector<16xi32>, vector<16xi32>], vector<16xf32>,
      %broadcast_in_dim3A_704 = arith.constant 3 : i32
      %broadcast_in_dim3A_705 = vector.broadcast %broadcast_in_dim3A_704 : i32 to vector<16xi32>
      %gather3A_706 = tpu.vector_load_idx %arg10[%add3A_694, %broadcast_in_dim3A_705] : memref<32x13xf32, #tpu.memory_space<vmem>>[vector<16xi32>, vector<16xi32>], vector<16xf32>,
      tpu.vector_store_idx %arg11[%add3A_694, %broadcast_in_dim3A_705], %gather3A_706 : memref<32x949xf32, #tpu.memory_space<vmem>>[vector<16xi32>, vector<16xi32>], vector<16xf32>,
      %broadcast_in_dim3A_707 = arith.constant 4 : i32
      %broadcast_in_dim3A_708 = vector.broadcast %broadcast_in_dim3A_707 : i32 to vector<16xi32>
      %gather3A_709 = tpu.vector_load_idx %arg10[%add3A_694, %broadcast_in_dim3A_708] : memref<32x13xf32, #tpu.memory_space<vmem>>[vector<16xi32>, vector<16xi32>], vector<16xf32>,
      tpu.vector_store_idx %arg11[%add3A_694, %broadcast_in_dim3A_708], %gather3A_709 : memref<32x949xf32, #tpu.memory_space<vmem>>[vector<16xi32>, vector<16xi32>], vector<16xf32>,
      %broadcast_in_dim3A_710 = arith.constant 5 : i32
      %broadcast_in_dim3A_711 = vector.broadcast %broadcast_in_dim3A_710 : i32 to vector<16xi32>
      %gather3A_712 = tpu.vector_load_idx %arg10[%add3A_694, %broadcast_in_dim3A_711] : memref<32x13xf32, #tpu.memory_space<vmem>>[vector<16xi32>, vector<16xi32>], vector<16xf32>,
      tpu.vector_store_idx %arg11[%add3A_694, %broadcast_in_dim3A_711], %gather3A_712 : memref<32x949xf32, #tpu.memory_space<vmem>>[vector<16xi32>, vector<16xi32>], vector<16xf32>,
      %broadcast_in_dim3A_713 = arith.constant 6 : i32
      %broadcast_in_dim3A_714 = vector.broadcast %broadcast_in_dim3A_713 : i32 to vector<16xi32>
      %gather3A_715 = tpu.vector_load_idx %arg10[%add3A_694, %broadcast_in_dim3A_714] : memref<32x13xf32, #tpu.memory_space<vmem>>[vector<16xi32>, vector<16xi32>], vector<16xf32>,
      tpu.vector_store_idx %arg11[%add3A_694, %broadcast_in_dim3A_714], %gather3A_715 : memref<32x949xf32, #tpu.memory_space<vmem>>[vector<16xi32>, vector<16xi32>], vector<16xf32>,
      %broadcast_in_dim3A_716 = arith.constant 7 : i32
      %broadcast_in_dim3A_717 = vector.broadcast %broadcast_in_dim3A_716 : i32 to vector<16xi32>
      %gather3A_718 = tpu.vector_load_idx %arg10[%add3A_694, %broadcast_in_dim3A_717] : memref<32x13xf32, #tpu.memory_space<vmem>>[vector<16xi32>, vector<16xi32>], vector<16xf32>,
      tpu.vector_store_idx %arg11[%add3A_694, %broadcast_in_dim3A_717], %gather3A_718 : memref<32x949xf32, #tpu.memory_space<vmem>>[vector<16xi32>, vector<16xi32>], vector<16xf32>,
      %broadcast_in_dim3A_719 = arith.constant 8 : i32
      %broadcast_in_dim3A_720 = vector.broadcast %broadcast_in_dim3A_719 : i32 to vector<16xi32>
      %gather3A_721 = tpu.vector_load_idx %arg10[%add3A_694, %broadcast_in_dim3A_720] : memref<32x13xf32, #tpu.memory_space<vmem>>[vector<16xi32>, vector<16xi32>], vector<16xf32>,
      tpu.vector_store_idx %arg11[%add3A_694, %broadcast_in_dim3A_720], %gather3A_721 : memref<32x949xf32, #tpu.memory_space<vmem>>[vector<16xi32>, vector<16xi32>], vector<16xf32>,
      %broadcast_in_dim3A_722 = arith.constant 9 : i32
      %broadcast_in_dim3A_723 = vector.broadcast %broadcast_in_dim3A_722 : i32 to vector<16xi32>
      %gather3A_724 = tpu.vector_load_idx %arg10[%add3A_694, %broadcast_in_dim3A_723] : memref<32x13xf32, #tpu.memory_space<vmem>>[vector<16xi32>, vector<16xi32>], vector<16xf32>,
      tpu.vector_store_idx %arg11[%add3A_694, %broadcast_in_dim3A_723], %gather3A_724 : memref<32x949xf32, #tpu.memory_space<vmem>>[vector<16xi32>, vector<16xi32>], vector<16xf32>,
      %broadcast_in_dim3A_725 = arith.constant 10 : i32
      %broadcast_in_dim3A_726 = vector.broadcast %broadcast_in_dim3A_725 : i32 to vector<16xi32>
      %gather3A_727 = tpu.vector_load_idx %arg10[%add3A_694, %broadcast_in_dim3A_726] : memref<32x13xf32, #tpu.memory_space<vmem>>[vector<16xi32>, vector<16xi32>], vector<16xf32>,
      tpu.vector_store_idx %arg11[%add3A_694, %broadcast_in_dim3A_726], %gather3A_727 : memref<32x949xf32, #tpu.memory_space<vmem>>[vector<16xi32>, vector<16xi32>], vector<16xf32>,
      %broadcast_in_dim3A_728 = arith.constant 11 : i32
      %broadcast_in_dim3A_729 = vector.broadcast %broadcast_in_dim3A_728 : i32 to vector<16xi32>
      %gather3A_730 = tpu.vector_load_idx %arg10[%add3A_694, %broadcast_in_dim3A_729] : memref<32x13xf32, #tpu.memory_space<vmem>>[vector<16xi32>, vector<16xi32>], vector<16xf32>,
      tpu.vector_store_idx %arg11[%add3A_694, %broadcast_in_dim3A_729], %gather3A_730 : memref<32x949xf32, #tpu.memory_space<vmem>>[vector<16xi32>, vector<16xi32>], vector<16xf32>,
      %broadcast_in_dim3A_731 = arith.constant 12 : i32
      %broadcast_in_dim3A_732 = vector.broadcast %broadcast_in_dim3A_731 : i32 to vector<16xi32>
      %gather3A_733 = tpu.vector_load_idx %arg10[%add3A_694, %broadcast_in_dim3A_732] : memref<32x13xf32, #tpu.memory_space<vmem>>[vector<16xi32>, vector<16xi32>], vector<16xf32>,
      tpu.vector_store_idx %arg11[%add3A_694, %broadcast_in_dim3A_732], %gather3A_733 : memref<32x949xf32, #tpu.memory_space<vmem>>[vector<16xi32>, vector<16xi32>], vector<16xf32>,
      %scan3A_734 = arith.constant 0 : i32
      %scan3A_735 = arith.constant 0 : i32
      %scan3A_736 = arith.constant 13 : i32
      %scan3A_737 = arith.addi %scan3A_735, %scan3A_736 : i32
      %scan3A_738 = arith.constant 1 : i32
      scf.for %scan3A_744 = %scan3A_735 to %scan3A_737 step %scan3A_738  : i32 {
        %mul3A_745 = arith.constant 2 : i32
        %mul3A_746 = arith.muli %scan3A_744, %mul3A_745 : i32
        %add3A_747 = arith.constant 1 : i32
        %add3A_748 = arith.addi %mul3A_746, %add3A_747 : i32
        %mul3A_749 = arith.constant 32 : i32
        %mul3A_750 = arith.muli %scan3A_13, %mul3A_749 : i32
        %add3A_751 = arith.constant 0 : i32
        %add3A_752 = arith.addi %mul3A_750, %add3A_751 : i32
        %jit3A_753 = arith.constant 128 : i32
        %div3A_754 = arith.divsi %add3A_752, %jit3A_753 : i32
        %sign3A_755 = arith.constant 0 : i32
        %sign3A_756 = arith.cmpi sgt, %add3A_752, %sign3A_755 : i32
        %sign3A_757 = arith.extui %sign3A_756 : i1 to i32
        %sign3A_758 = arith.constant 0 : i32
        %sign3A_759 = arith.cmpi slt, %add3A_752, %sign3A_758 : i32
        %sign3A_760 = arith.extui %sign3A_759 : i1 to i32
        %sign3A_761 = arith.subi %sign3A_757, %sign3A_760 : i32
        %sign3A_762 = arith.constant 0 : i32
        %sign3A_763 = arith.cmpi sgt, %jit3A_753, %sign3A_762 : i32
        %sign3A_764 = arith.extui %sign3A_763 : i1 to i32
        %sign3A_765 = arith.constant 0 : i32
        %sign3A_766 = arith.cmpi slt, %jit3A_753, %sign3A_765 : i32
        %sign3A_767 = arith.extui %sign3A_766 : i1 to i32
        %sign3A_768 = arith.subi %sign3A_764, %sign3A_767 : i32
        %ne3A_769 = arith.cmpi ne, %sign3A_761, %sign3A_768 : i32
        %rem3A_770 = arith.remsi %add3A_752, %jit3A_753 : i32
        %ne3A_771 = arith.constant 0 : i32
        %ne3A_772 = arith.cmpi ne, %rem3A_770, %ne3A_771 : i32
        %and3A_773 = arith.andi %ne3A_769, %ne3A_772 : i1
        %sub3A_774 = arith.constant 1 : i32
        %sub3A_775 = arith.subi %div3A_754, %sub3A_774 : i32
        %select_n3A_776 = arith.select %and3A_773, %sub3A_775, %div3A_754 : i32
        %jit3A_777 = arith.constant 128 : i32
        %eq3A_778 = arith.constant 0 : i32
        %eq3A_779 = arith.cmpi eq, %jit3A_777, %eq3A_778 : i32
        %jit3A_780 = arith.constant 1 : i32
        %select_n3A_781 = arith.select %eq3A_779, %jit3A_780, %jit3A_777 : i32
        %rem3A_782 = arith.remsi %add3A_752, %select_n3A_781 : i32
        %ne3A_783 = arith.constant 0 : i32
        %ne3A_784 = arith.cmpi ne, %rem3A_782, %ne3A_783 : i32
        %lt3A_785 = arith.constant 0 : i32
        %lt3A_786 = arith.cmpi slt, %rem3A_782, %lt3A_785 : i32
        %lt3A_787 = arith.constant 0 : i32
        %lt3A_788 = arith.cmpi slt, %select_n3A_781, %lt3A_787 : i32
        %ne3A_789 = arith.xori %lt3A_786, %lt3A_788 : i1
        %and3A_790 = arith.andi %ne3A_789, %ne3A_784 : i1
        %add3A_791 = arith.addi %rem3A_782, %select_n3A_781 : i32
        %select_n3A_792 = arith.select %and3A_790, %add3A_791, %rem3A_782 : i32
        %get3A_793 = arith.index_cast %add3A_748 : i32 to index
        %get3A_794 = arith.index_cast %select_n3A_776 : i32 to index
        %get3A_795 = arith.index_cast %select_n3A_792 : i32 to index
        %get3A_796 = tpu.vector_load %arg7[%get3A_793, %get3A_794, %get3A_795] {strides = array<i32>} : memref<26x4x128xi32, #tpu.memory_space<vmem>>, vector<16xi32>,
        %shift_right_logical3A_797 = arith.constant 3 : i32
        %shift_right_logical3A_798 = vector.broadcast %shift_right_logical3A_797 : i32 to vector<16xi32>
        %shift_right_logical3A_799 = arith.shrui %get3A_796, %shift_right_logical3A_798 : vector<16xi32>
        %slice3A_800 = vector.extract_strided_slice %shift_right_logical3A_799 {offsets = [0], sizes = [1], strides = [1]} : vector<16xi32> to vector<1xi32>
        %squeeze3A_801 = vector.extract %slice3A_800[0] : i32 from vector<1xi32>
        %dma_start3A_802 = arith.constant 0 : i32
        %dma_start3A_803 = arith.constant 0 : i32
        %dma_start3A_804 = tpu.memref_slice %arg9[%dma_start3A_802, %dma_start3A_803] : memref<256x36xf32, #tpu.memory_space<vmem>> -> memref<8x36xf32, #tpu.memory_space<vmem>>
        %dma_start3A_805 = arith.constant 0 : i32
        %dma_start3A_806 = arith.constant 0 : i32
        %dma_start3A_807 = tpu.memref_slice %arg4[%add3A_748, %squeeze3A_801, %dma_start3A_805, %dma_start3A_806] : memref<26x12500x8x36xf32, #tpu.memory_space<hbm>> -> memref<1x1x8x36xf32, #tpu.memory_space<hbm>>
        %dma_start3A_808 = tpu.memref_squeeze %dma_start3A_807 : memref<1x1x8x36xf32, #tpu.memory_space<hbm>> -> memref<8x36xf32, #tpu.memory_space<hbm>>
        %dma_start3A_809 = arith.constant 0 : i32
        %dma_start3A_810 = arith.constant 0 : i32
        %dma_start3A_811 = tpu.memref_slice %arg9[%dma_start3A_809, %dma_start3A_810] : memref<256x36xf32, #tpu.memory_space<vmem>> -> memref<8x36xf32, #tpu.memory_space<vmem>>
        %dma_start3A_812 = arith.constant 0 : i32
        %dma_start3A_813 = arith.constant 0 : i32
        %dma_start3A_814 = tpu.memref_slice %arg4[%add3A_748, %squeeze3A_801, %dma_start3A_812, %dma_start3A_813] : memref<26x12500x8x36xf32, #tpu.memory_space<hbm>> -> memref<1x1x8x36xf32, #tpu.memory_space<hbm>>
        %dma_start3A_815 = tpu.memref_squeeze %dma_start3A_814 : memref<1x1x8x36xf32, #tpu.memory_space<hbm>> -> memref<8x36xf32, #tpu.memory_space<hbm>>
        tpu.enqueue_dma source(%dma_start3A_815 : memref<8x36xf32, #tpu.memory_space<hbm>>) target(%dma_start3A_811 : memref<8x36xf32, #tpu.memory_space<vmem>>) target_semaphore(%arg13 : memref<!tpu.dma_semaphore, #tpu.memory_space<semaphore_mem>>)
        %slice3A_816 = vector.extract_strided_slice %shift_right_logical3A_799 {offsets = [1], sizes = [1], strides = [1]} : vector<16xi32> to vector<1xi32>
        %squeeze3A_817 = vector.extract %slice3A_816[0] : i32 from vector<1xi32>
        %dma_start3A_818 = arith.constant 8 : i32
        %dma_start3A_819 = arith.constant 0 : i32
        %dma_start3A_820 = tpu.memref_slice %arg9[%dma_start3A_818, %dma_start3A_819] : memref<256x36xf32, #tpu.memory_space<vmem>> -> memref<8x36xf32, #tpu.memory_space<vmem>>
        %dma_start3A_821 = arith.constant 0 : i32
        %dma_start3A_822 = arith.constant 0 : i32
        %dma_start3A_823 = tpu.memref_slice %arg4[%add3A_748, %squeeze3A_817, %dma_start3A_821, %dma_start3A_822] : memref<26x12500x8x36xf32, #tpu.memory_space<hbm>> -> memref<1x1x8x36xf32, #tpu.memory_space<hbm>>
        %dma_start3A_824 = tpu.memref_squeeze %dma_start3A_823 : memref<1x1x8x36xf32, #tpu.memory_space<hbm>> -> memref<8x36xf32, #tpu.memory_space<hbm>>
        %dma_start3A_825 = arith.constant 8 : i32
        %dma_start3A_826 = arith.constant 0 : i32
        %dma_start3A_827 = tpu.memref_slice %arg9[%dma_start3A_825, %dma_start3A_826] : memref<256x36xf32, #tpu.memory_space<vmem>> -> memref<8x36xf32, #tpu.memory_space<vmem>>
        %dma_start3A_828 = arith.constant 0 : i32
        %dma_start3A_829 = arith.constant 0 : i32
        %dma_start3A_830 = tpu.memref_slice %arg4[%add3A_748, %squeeze3A_817, %dma_start3A_828, %dma_start3A_829] : memref<26x12500x8x36xf32, #tpu.memory_space<hbm>> -> memref<1x1x8x36xf32, #tpu.memory_space<hbm>>
        %dma_start3A_831 = tpu.memref_squeeze %dma_start3A_830 : memref<1x1x8x36xf32, #tpu.memory_space<hbm>> -> memref<8x36xf32, #tpu.memory_space<hbm>>
        tpu.enqueue_dma source(%dma_start3A_831 : memref<8x36xf32, #tpu.memory_space<hbm>>) target(%dma_start3A_827 : memref<8x36xf32, #tpu.memory_space<vmem>>) target_semaphore(%arg13 : memref<!tpu.dma_semaphore, #tpu.memory_space<semaphore_mem>>)
        %slice3A_832 = vector.extract_strided_slice %shift_right_logical3A_799 {offsets = [2], sizes = [1], strides = [1]} : vector<16xi32> to vector<1xi32>
        %squeeze3A_833 = vector.extract %slice3A_832[0] : i32 from vector<1xi32>
        %dma_start3A_834 = arith.constant 16 : i32
        %dma_start3A_835 = arith.constant 0 : i32
        %dma_start3A_836 = tpu.memref_slice %arg9[%dma_start3A_834, %dma_start3A_835] : memref<256x36xf32, #tpu.memory_space<vmem>> -> memref<8x36xf32, #tpu.memory_space<vmem>>
        %dma_start3A_837 = arith.constant 0 : i32
        %dma_start3A_838 = arith.constant 0 : i32
        %dma_start3A_839 = tpu.memref_slice %arg4[%add3A_748, %squeeze3A_833, %dma_start3A_837, %dma_start3A_838] : memref<26x12500x8x36xf32, #tpu.memory_space<hbm>> -> memref<1x1x8x36xf32, #tpu.memory_space<hbm>>
        %dma_start3A_840 = tpu.memref_squeeze %dma_start3A_839 : memref<1x1x8x36xf32, #tpu.memory_space<hbm>> -> memref<8x36xf32, #tpu.memory_space<hbm>>
        %dma_start3A_841 = arith.constant 16 : i32
        %dma_start3A_842 = arith.constant 0 : i32
        %dma_start3A_843 = tpu.memref_slice %arg9[%dma_start3A_841, %dma_start3A_842] : memref<256x36xf32, #tpu.memory_space<vmem>> -> memref<8x36xf32, #tpu.memory_space<vmem>>
        %dma_start3A_844 = arith.constant 0 : i32
        %dma_start3A_845 = arith.constant 0 : i32
        %dma_start3A_846 = tpu.memref_slice %arg4[%add3A_748, %squeeze3A_833, %dma_start3A_844, %dma_start3A_845] : memref<26x12500x8x36xf32, #tpu.memory_space<hbm>> -> memref<1x1x8x36xf32, #tpu.memory_space<hbm>>
        %dma_start3A_847 = tpu.memref_squeeze %dma_start3A_846 : memref<1x1x8x36xf32, #tpu.memory_space<hbm>> -> memref<8x36xf32, #tpu.memory_space<hbm>>
        tpu.enqueue_dma source(%dma_start3A_847 : memref<8x36xf32, #tpu.memory_space<hbm>>) target(%dma_start3A_843 : memref<8x36xf32, #tpu.memory_space<vmem>>) target_semaphore(%arg13 : memref<!tpu.dma_semaphore, #tpu.memory_space<semaphore_mem>>)
        %slice3A_848 = vector.extract_strided_slice %shift_right_logical3A_799 {offsets = [3], sizes = [1], strides = [1]} : vector<16xi32> to vector<1xi32>
        %squeeze3A_849 = vector.extract %slice3A_848[0] : i32 from vector<1xi32>
        %dma_start3A_850 = arith.constant 24 : i32
        %dma_start3A_851 = arith.constant 0 : i32
        %dma_start3A_852 = tpu.memref_slice %arg9[%dma_start3A_850, %dma_start3A_851] : memref<256x36xf32, #tpu.memory_space<vmem>> -> memref<8x36xf32, #tpu.memory_space<vmem>>
        %dma_start3A_853 = arith.constant 0 : i32
        %dma_start3A_854 = arith.constant 0 : i32
        %dma_start3A_855 = tpu.memref_slice %arg4[%add3A_748, %squeeze3A_849, %dma_start3A_853, %dma_start3A_854] : memref<26x12500x8x36xf32, #tpu.memory_space<hbm>> -> memref<1x1x8x36xf32, #tpu.memory_space<hbm>>
        %dma_start3A_856 = tpu.memref_squeeze %dma_start3A_855 : memref<1x1x8x36xf32, #tpu.memory_space<hbm>> -> memref<8x36xf32, #tpu.memory_space<hbm>>
        %dma_start3A_857 = arith.constant 24 : i32
        %dma_start3A_858 = arith.constant 0 : i32
        %dma_start3A_859 = tpu.memref_slice %arg9[%dma_start3A_857, %dma_start3A_858] : memref<256x36xf32, #tpu.memory_space<vmem>> -> memref<8x36xf32, #tpu.memory_space<vmem>>
        %dma_start3A_860 = arith.constant 0 : i32
        %dma_start3A_861 = arith.constant 0 : i32
        %dma_start3A_862 = tpu.memref_slice %arg4[%add3A_748, %squeeze3A_849, %dma_start3A_860, %dma_start3A_861] : memref<26x12500x8x36xf32, #tpu.memory_space<hbm>> -> memref<1x1x8x36xf32, #tpu.memory_space<hbm>>
        %dma_start3A_863 = tpu.memref_squeeze %dma_start3A_862 : memref<1x1x8x36xf32, #tpu.memory_space<hbm>> -> memref<8x36xf32, #tpu.memory_space<hbm>>
        tpu.enqueue_dma source(%dma_start3A_863 : memref<8x36xf32, #tpu.memory_space<hbm>>) target(%dma_start3A_859 : memref<8x36xf32, #tpu.memory_space<vmem>>) target_semaphore(%arg13 : memref<!tpu.dma_semaphore, #tpu.memory_space<semaphore_mem>>)
        %slice3A_864 = vector.extract_strided_slice %shift_right_logical3A_799 {offsets = [4], sizes = [1], strides = [1]} : vector<16xi32> to vector<1xi32>
        %squeeze3A_865 = vector.extract %slice3A_864[0] : i32 from vector<1xi32>
        %dma_start3A_866 = arith.constant 32 : i32
        %dma_start3A_867 = arith.constant 0 : i32
        %dma_start3A_868 = tpu.memref_slice %arg9[%dma_start3A_866, %dma_start3A_867] : memref<256x36xf32, #tpu.memory_space<vmem>> -> memref<8x36xf32, #tpu.memory_space<vmem>>
        %dma_start3A_869 = arith.constant 0 : i32
        %dma_start3A_870 = arith.constant 0 : i32
        %dma_start3A_871 = tpu.memref_slice %arg4[%add3A_748, %squeeze3A_865, %dma_start3A_869, %dma_start3A_870] : memref<26x12500x8x36xf32, #tpu.memory_space<hbm>> -> memref<1x1x8x36xf32, #tpu.memory_space<hbm>>
        %dma_start3A_872 = tpu.memref_squeeze %dma_start3A_871 : memref<1x1x8x36xf32, #tpu.memory_space<hbm>> -> memref<8x36xf32, #tpu.memory_space<hbm>>
        %dma_start3A_873 = arith.constant 32 : i32
        %dma_start3A_874 = arith.constant 0 : i32
        %dma_start3A_875 = tpu.memref_slice %arg9[%dma_start3A_873, %dma_start3A_874] : memref<256x36xf32, #tpu.memory_space<vmem>> -> memref<8x36xf32, #tpu.memory_space<vmem>>
        %dma_start3A_876 = arith.constant 0 : i32
        %dma_start3A_877 = arith.constant 0 : i32
        %dma_start3A_878 = tpu.memref_slice %arg4[%add3A_748, %squeeze3A_865, %dma_start3A_876, %dma_start3A_877] : memref<26x12500x8x36xf32, #tpu.memory_space<hbm>> -> memref<1x1x8x36xf32, #tpu.memory_space<hbm>>
        %dma_start3A_879 = tpu.memref_squeeze %dma_start3A_878 : memref<1x1x8x36xf32, #tpu.memory_space<hbm>> -> memref<8x36xf32, #tpu.memory_space<hbm>>
        tpu.enqueue_dma source(%dma_start3A_879 : memref<8x36xf32, #tpu.memory_space<hbm>>) target(%dma_start3A_875 : memref<8x36xf32, #tpu.memory_space<vmem>>) target_semaphore(%arg13 : memref<!tpu.dma_semaphore, #tpu.memory_space<semaphore_mem>>)
        %slice3A_880 = vector.extract_strided_slice %shift_right_logical3A_799 {offsets = [5], sizes = [1], strides = [1]} : vector<16xi32> to vector<1xi32>
        %squeeze3A_881 = vector.extract %slice3A_880[0] : i32 from vector<1xi32>
        %dma_start3A_882 = arith.constant 40 : i32
        %dma_start3A_883 = arith.constant 0 : i32
        %dma_start3A_884 = tpu.memref_slice %arg9[%dma_start3A_882, %dma_start3A_883] : memref<256x36xf32, #tpu.memory_space<vmem>> -> memref<8x36xf32, #tpu.memory_space<vmem>>
        %dma_start3A_885 = arith.constant 0 : i32
        %dma_start3A_886 = arith.constant 0 : i32
        %dma_start3A_887 = tpu.memref_slice %arg4[%add3A_748, %squeeze3A_881, %dma_start3A_885, %dma_start3A_886] : memref<26x12500x8x36xf32, #tpu.memory_space<hbm>> -> memref<1x1x8x36xf32, #tpu.memory_space<hbm>>
        %dma_start3A_888 = tpu.memref_squeeze %dma_start3A_887 : memref<1x1x8x36xf32, #tpu.memory_space<hbm>> -> memref<8x36xf32, #tpu.memory_space<hbm>>
        %dma_start3A_889 = arith.constant 40 : i32
        %dma_start3A_890 = arith.constant 0 : i32
        %dma_start3A_891 = tpu.memref_slice %arg9[%dma_start3A_889, %dma_start3A_890] : memref<256x36xf32, #tpu.memory_space<vmem>> -> memref<8x36xf32, #tpu.memory_space<vmem>>
        %dma_start3A_892 = arith.constant 0 : i32
        %dma_start3A_893 = arith.constant 0 : i32
        %dma_start3A_894 = tpu.memref_slice %arg4[%add3A_748, %squeeze3A_881, %dma_start3A_892, %dma_start3A_893] : memref<26x12500x8x36xf32, #tpu.memory_space<hbm>> -> memref<1x1x8x36xf32, #tpu.memory_space<hbm>>
        %dma_start3A_895 = tpu.memref_squeeze %dma_start3A_894 : memref<1x1x8x36xf32, #tpu.memory_space<hbm>> -> memref<8x36xf32, #tpu.memory_space<hbm>>
        tpu.enqueue_dma source(%dma_start3A_895 : memref<8x36xf32, #tpu.memory_space<hbm>>) target(%dma_start3A_891 : memref<8x36xf32, #tpu.memory_space<vmem>>) target_semaphore(%arg13 : memref<!tpu.dma_semaphore, #tpu.memory_space<semaphore_mem>>)
        %slice3A_896 = vector.extract_strided_slice %shift_right_logical3A_799 {offsets = [6], sizes = [1], strides = [1]} : vector<16xi32> to vector<1xi32>
        %squeeze3A_897 = vector.extract %slice3A_896[0] : i32 from vector<1xi32>
        %dma_start3A_898 = arith.constant 48 : i32
        %dma_start3A_899 = arith.constant 0 : i32
        %dma_start3A_900 = tpu.memref_slice %arg9[%dma_start3A_898, %dma_start3A_899] : memref<256x36xf32, #tpu.memory_space<vmem>> -> memref<8x36xf32, #tpu.memory_space<vmem>>
        %dma_start3A_901 = arith.constant 0 : i32
        %dma_start3A_902 = arith.constant 0 : i32
        %dma_start3A_903 = tpu.memref_slice %arg4[%add3A_748, %squeeze3A_897, %dma_start3A_901, %dma_start3A_902] : memref<26x12500x8x36xf32, #tpu.memory_space<hbm>> -> memref<1x1x8x36xf32, #tpu.memory_space<hbm>>
        %dma_start3A_904 = tpu.memref_squeeze %dma_start3A_903 : memref<1x1x8x36xf32, #tpu.memory_space<hbm>> -> memref<8x36xf32, #tpu.memory_space<hbm>>
        %dma_start3A_905 = arith.constant 48 : i32
        %dma_start3A_906 = arith.constant 0 : i32
        %dma_start3A_907 = tpu.memref_slice %arg9[%dma_start3A_905, %dma_start3A_906] : memref<256x36xf32, #tpu.memory_space<vmem>> -> memref<8x36xf32, #tpu.memory_space<vmem>>
        %dma_start3A_908 = arith.constant 0 : i32
        %dma_start3A_909 = arith.constant 0 : i32
        %dma_start3A_910 = tpu.memref_slice %arg4[%add3A_748, %squeeze3A_897, %dma_start3A_908, %dma_start3A_909] : memref<26x12500x8x36xf32, #tpu.memory_space<hbm>> -> memref<1x1x8x36xf32, #tpu.memory_space<hbm>>
        %dma_start3A_911 = tpu.memref_squeeze %dma_start3A_910 : memref<1x1x8x36xf32, #tpu.memory_space<hbm>> -> memref<8x36xf32, #tpu.memory_space<hbm>>
        tpu.enqueue_dma source(%dma_start3A_911 : memref<8x36xf32, #tpu.memory_space<hbm>>) target(%dma_start3A_907 : memref<8x36xf32, #tpu.memory_space<vmem>>) target_semaphore(%arg13 : memref<!tpu.dma_semaphore, #tpu.memory_space<semaphore_mem>>)
        %slice3A_912 = vector.extract_strided_slice %shift_right_logical3A_799 {offsets = [7], sizes = [1], strides = [1]} : vector<16xi32> to vector<1xi32>
        %squeeze3A_913 = vector.extract %slice3A_912[0] : i32 from vector<1xi32>
        %dma_start3A_914 = arith.constant 56 : i32
        %dma_start3A_915 = arith.constant 0 : i32
        %dma_start3A_916 = tpu.memref_slice %arg9[%dma_start3A_914, %dma_start3A_915] : memref<256x36xf32, #tpu.memory_space<vmem>> -> memref<8x36xf32, #tpu.memory_space<vmem>>
        %dma_start3A_917 = arith.constant 0 : i32
        %dma_start3A_918 = arith.constant 0 : i32
        %dma_start3A_919 = tpu.memref_slice %arg4[%add3A_748, %squeeze3A_913, %dma_start3A_917, %dma_start3A_918] : memref<26x12500x8x36xf32, #tpu.memory_space<hbm>> -> memref<1x1x8x36xf32, #tpu.memory_space<hbm>>
        %dma_start3A_920 = tpu.memref_squeeze %dma_start3A_919 : memref<1x1x8x36xf32, #tpu.memory_space<hbm>> -> memref<8x36xf32, #tpu.memory_space<hbm>>
        %dma_start3A_921 = arith.constant 56 : i32
        %dma_start3A_922 = arith.constant 0 : i32
        %dma_start3A_923 = tpu.memref_slice %arg9[%dma_start3A_921, %dma_start3A_922] : memref<256x36xf32, #tpu.memory_space<vmem>> -> memref<8x36xf32, #tpu.memory_space<vmem>>
        %dma_start3A_924 = arith.constant 0 : i32
        %dma_start3A_925 = arith.constant 0 : i32
        %dma_start3A_926 = tpu.memref_slice %arg4[%add3A_748, %squeeze3A_913, %dma_start3A_924, %dma_start3A_925] : memref<26x12500x8x36xf32, #tpu.memory_space<hbm>> -> memref<1x1x8x36xf32, #tpu.memory_space<hbm>>
        %dma_start3A_927 = tpu.memref_squeeze %dma_start3A_926 : memref<1x1x8x36xf32, #tpu.memory_space<hbm>> -> memref<8x36xf32, #tpu.memory_space<hbm>>
        tpu.enqueue_dma source(%dma_start3A_927 : memref<8x36xf32, #tpu.memory_space<hbm>>) target(%dma_start3A_923 : memref<8x36xf32, #tpu.memory_space<vmem>>) target_semaphore(%arg13 : memref<!tpu.dma_semaphore, #tpu.memory_space<semaphore_mem>>)
        %slice3A_928 = vector.extract_strided_slice %shift_right_logical3A_799 {offsets = [8], sizes = [1], strides = [1]} : vector<16xi32> to vector<1xi32>
        %squeeze3A_929 = vector.extract %slice3A_928[0] : i32 from vector<1xi32>
        %dma_start3A_930 = arith.constant 64 : i32
        %dma_start3A_931 = arith.constant 0 : i32
        %dma_start3A_932 = tpu.memref_slice %arg9[%dma_start3A_930, %dma_start3A_931] : memref<256x36xf32, #tpu.memory_space<vmem>> -> memref<8x36xf32, #tpu.memory_space<vmem>>
        %dma_start3A_933 = arith.constant 0 : i32
        %dma_start3A_934 = arith.constant 0 : i32
        %dma_start3A_935 = tpu.memref_slice %arg4[%add3A_748, %squeeze3A_929, %dma_start3A_933, %dma_start3A_934] : memref<26x12500x8x36xf32, #tpu.memory_space<hbm>> -> memref<1x1x8x36xf32, #tpu.memory_space<hbm>>
        %dma_start3A_936 = tpu.memref_squeeze %dma_start3A_935 : memref<1x1x8x36xf32, #tpu.memory_space<hbm>> -> memref<8x36xf32, #tpu.memory_space<hbm>>
        %dma_start3A_937 = arith.constant 64 : i32
        %dma_start3A_938 = arith.constant 0 : i32
        %dma_start3A_939 = tpu.memref_slice %arg9[%dma_start3A_937, %dma_start3A_938] : memref<256x36xf32, #tpu.memory_space<vmem>> -> memref<8x36xf32, #tpu.memory_space<vmem>>
        %dma_start3A_940 = arith.constant 0 : i32
        %dma_start3A_941 = arith.constant 0 : i32
        %dma_start3A_942 = tpu.memref_slice %arg4[%add3A_748, %squeeze3A_929, %dma_start3A_940, %dma_start3A_941] : memref<26x12500x8x36xf32, #tpu.memory_space<hbm>> -> memref<1x1x8x36xf32, #tpu.memory_space<hbm>>
        %dma_start3A_943 = tpu.memref_squeeze %dma_start3A_942 : memref<1x1x8x36xf32, #tpu.memory_space<hbm>> -> memref<8x36xf32, #tpu.memory_space<hbm>>
        tpu.enqueue_dma source(%dma_start3A_943 : memref<8x36xf32, #tpu.memory_space<hbm>>) target(%dma_start3A_939 : memref<8x36xf32, #tpu.memory_space<vmem>>) target_semaphore(%arg13 : memref<!tpu.dma_semaphore, #tpu.memory_space<semaphore_mem>>)
        %slice3A_944 = vector.extract_strided_slice %shift_right_logical3A_799 {offsets = [9], sizes = [1], strides = [1]} : vector<16xi32> to vector<1xi32>
        %squeeze3A_945 = vector.extract %slice3A_944[0] : i32 from vector<1xi32>
        %dma_start3A_946 = arith.constant 72 : i32
        %dma_start3A_947 = arith.constant 0 : i32
        %dma_start3A_948 = tpu.memref_slice %arg9[%dma_start3A_946, %dma_start3A_947] : memref<256x36xf32, #tpu.memory_space<vmem>> -> memref<8x36xf32, #tpu.memory_space<vmem>>
        %dma_start3A_949 = arith.constant 0 : i32
        %dma_start3A_950 = arith.constant 0 : i32
        %dma_start3A_951 = tpu.memref_slice %arg4[%add3A_748, %squeeze3A_945, %dma_start3A_949, %dma_start3A_950] : memref<26x12500x8x36xf32, #tpu.memory_space<hbm>> -> memref<1x1x8x36xf32, #tpu.memory_space<hbm>>
        %dma_start3A_952 = tpu.memref_squeeze %dma_start3A_951 : memref<1x1x8x36xf32, #tpu.memory_space<hbm>> -> memref<8x36xf32, #tpu.memory_space<hbm>>
        %dma_start3A_953 = arith.constant 72 : i32
        %dma_start3A_954 = arith.constant 0 : i32
        %dma_start3A_955 = tpu.memref_slice %arg9[%dma_start3A_953, %dma_start3A_954] : memref<256x36xf32, #tpu.memory_space<vmem>> -> memref<8x36xf32, #tpu.memory_space<vmem>>
        %dma_start3A_956 = arith.constant 0 : i32
        %dma_start3A_957 = arith.constant 0 : i32
        %dma_start3A_958 = tpu.memref_slice %arg4[%add3A_748, %squeeze3A_945, %dma_start3A_956, %dma_start3A_957] : memref<26x12500x8x36xf32, #tpu.memory_space<hbm>> -> memref<1x1x8x36xf32, #tpu.memory_space<hbm>>
        %dma_start3A_959 = tpu.memref_squeeze %dma_start3A_958 : memref<1x1x8x36xf32, #tpu.memory_space<hbm>> -> memref<8x36xf32, #tpu.memory_space<hbm>>
        tpu.enqueue_dma source(%dma_start3A_959 : memref<8x36xf32, #tpu.memory_space<hbm>>) target(%dma_start3A_955 : memref<8x36xf32, #tpu.memory_space<vmem>>) target_semaphore(%arg13 : memref<!tpu.dma_semaphore, #tpu.memory_space<semaphore_mem>>)
        %slice3A_960 = vector.extract_strided_slice %shift_right_logical3A_799 {offsets = [10], sizes = [1], strides = [1]} : vector<16xi32> to vector<1xi32>
        %squeeze3A_961 = vector.extract %slice3A_960[0] : i32 from vector<1xi32>
        %dma_start3A_962 = arith.constant 80 : i32
        %dma_start3A_963 = arith.constant 0 : i32
        %dma_start3A_964 = tpu.memref_slice %arg9[%dma_start3A_962, %dma_start3A_963] : memref<256x36xf32, #tpu.memory_space<vmem>> -> memref<8x36xf32, #tpu.memory_space<vmem>>
        %dma_start3A_965 = arith.constant 0 : i32
        %dma_start3A_966 = arith.constant 0 : i32
        %dma_start3A_967 = tpu.memref_slice %arg4[%add3A_748, %squeeze3A_961, %dma_start3A_965, %dma_start3A_966] : memref<26x12500x8x36xf32, #tpu.memory_space<hbm>> -> memref<1x1x8x36xf32, #tpu.memory_space<hbm>>
        %dma_start3A_968 = tpu.memref_squeeze %dma_start3A_967 : memref<1x1x8x36xf32, #tpu.memory_space<hbm>> -> memref<8x36xf32, #tpu.memory_space<hbm>>
        %dma_start3A_969 = arith.constant 80 : i32
        %dma_start3A_970 = arith.constant 0 : i32
        %dma_start3A_971 = tpu.memref_slice %arg9[%dma_start3A_969, %dma_start3A_970] : memref<256x36xf32, #tpu.memory_space<vmem>> -> memref<8x36xf32, #tpu.memory_space<vmem>>
        %dma_start3A_972 = arith.constant 0 : i32
        %dma_start3A_973 = arith.constant 0 : i32
        %dma_start3A_974 = tpu.memref_slice %arg4[%add3A_748, %squeeze3A_961, %dma_start3A_972, %dma_start3A_973] : memref<26x12500x8x36xf32, #tpu.memory_space<hbm>> -> memref<1x1x8x36xf32, #tpu.memory_space<hbm>>
        %dma_start3A_975 = tpu.memref_squeeze %dma_start3A_974 : memref<1x1x8x36xf32, #tpu.memory_space<hbm>> -> memref<8x36xf32, #tpu.memory_space<hbm>>
        tpu.enqueue_dma source(%dma_start3A_975 : memref<8x36xf32, #tpu.memory_space<hbm>>) target(%dma_start3A_971 : memref<8x36xf32, #tpu.memory_space<vmem>>) target_semaphore(%arg13 : memref<!tpu.dma_semaphore, #tpu.memory_space<semaphore_mem>>)
        %slice3A_976 = vector.extract_strided_slice %shift_right_logical3A_799 {offsets = [11], sizes = [1], strides = [1]} : vector<16xi32> to vector<1xi32>
        %squeeze3A_977 = vector.extract %slice3A_976[0] : i32 from vector<1xi32>
        %dma_start3A_978 = arith.constant 88 : i32
        %dma_start3A_979 = arith.constant 0 : i32
        %dma_start3A_980 = tpu.memref_slice %arg9[%dma_start3A_978, %dma_start3A_979] : memref<256x36xf32, #tpu.memory_space<vmem>> -> memref<8x36xf32, #tpu.memory_space<vmem>>
        %dma_start3A_981 = arith.constant 0 : i32
        %dma_start3A_982 = arith.constant 0 : i32
        %dma_start3A_983 = tpu.memref_slice %arg4[%add3A_748, %squeeze3A_977, %dma_start3A_981, %dma_start3A_982] : memref<26x12500x8x36xf32, #tpu.memory_space<hbm>> -> memref<1x1x8x36xf32, #tpu.memory_space<hbm>>
        %dma_start3A_984 = tpu.memref_squeeze %dma_start3A_983 : memref<1x1x8x36xf32, #tpu.memory_space<hbm>> -> memref<8x36xf32, #tpu.memory_space<hbm>>
        %dma_start3A_985 = arith.constant 88 : i32
        %dma_start3A_986 = arith.constant 0 : i32
        %dma_start3A_987 = tpu.memref_slice %arg9[%dma_start3A_985, %dma_start3A_986] : memref<256x36xf32, #tpu.memory_space<vmem>> -> memref<8x36xf32, #tpu.memory_space<vmem>>
        %dma_start3A_988 = arith.constant 0 : i32
        %dma_start3A_989 = arith.constant 0 : i32
        %dma_start3A_990 = tpu.memref_slice %arg4[%add3A_748, %squeeze3A_977, %dma_start3A_988, %dma_start3A_989] : memref<26x12500x8x36xf32, #tpu.memory_space<hbm>> -> memref<1x1x8x36xf32, #tpu.memory_space<hbm>>
        %dma_start3A_991 = tpu.memref_squeeze %dma_start3A_990 : memref<1x1x8x36xf32, #tpu.memory_space<hbm>> -> memref<8x36xf32, #tpu.memory_space<hbm>>
        tpu.enqueue_dma source(%dma_start3A_991 : memref<8x36xf32, #tpu.memory_space<hbm>>) target(%dma_start3A_987 : memref<8x36xf32, #tpu.memory_space<vmem>>) target_semaphore(%arg13 : memref<!tpu.dma_semaphore, #tpu.memory_space<semaphore_mem>>)
        %slice3A_992 = vector.extract_strided_slice %shift_right_logical3A_799 {offsets = [12], sizes = [1], strides = [1]} : vector<16xi32> to vector<1xi32>
        %squeeze3A_993 = vector.extract %slice3A_992[0] : i32 from vector<1xi32>
        %dma_start3A_994 = arith.constant 96 : i32
        %dma_start3A_995 = arith.constant 0 : i32
        %dma_start3A_996 = tpu.memref_slice %arg9[%dma_start3A_994, %dma_start3A_995] : memref<256x36xf32, #tpu.memory_space<vmem>> -> memref<8x36xf32, #tpu.memory_space<vmem>>
        %dma_start3A_997 = arith.constant 0 : i32
        %dma_start3A_998 = arith.constant 0 : i32
        %dma_start3A_999 = tpu.memref_slice %arg4[%add3A_748, %squeeze3A_993, %dma_start3A_997, %dma_start3A_998] : memref<26x12500x8x36xf32, #tpu.memory_space<hbm>> -> memref<1x1x8x36xf32, #tpu.memory_space<hbm>>
        %dma_start3A_1000 = tpu.memref_squeeze %dma_start3A_999 : memref<1x1x8x36xf32, #tpu.memory_space<hbm>> -> memref<8x36xf32, #tpu.memory_space<hbm>>
        %dma_start3A_1001 = arith.constant 96 : i32
        %dma_start3A_1002 = arith.constant 0 : i32
        %dma_start3A_1003 = tpu.memref_slice %arg9[%dma_start3A_1001, %dma_start3A_1002] : memref<256x36xf32, #tpu.memory_space<vmem>> -> memref<8x36xf32, #tpu.memory_space<vmem>>
        %dma_start3A_1004 = arith.constant 0 : i32
        %dma_start3A_1005 = arith.constant 0 : i32
        %dma_start3A_1006 = tpu.memref_slice %arg4[%add3A_748, %squeeze3A_993, %dma_start3A_1004, %dma_start3A_1005] : memref<26x12500x8x36xf32, #tpu.memory_space<hbm>> -> memref<1x1x8x36xf32, #tpu.memory_space<hbm>>
        %dma_start3A_1007 = tpu.memref_squeeze %dma_start3A_1006 : memref<1x1x8x36xf32, #tpu.memory_space<hbm>> -> memref<8x36xf32, #tpu.memory_space<hbm>>
        tpu.enqueue_dma source(%dma_start3A_1007 : memref<8x36xf32, #tpu.memory_space<hbm>>) target(%dma_start3A_1003 : memref<8x36xf32, #tpu.memory_space<vmem>>) target_semaphore(%arg13 : memref<!tpu.dma_semaphore, #tpu.memory_space<semaphore_mem>>)
        %slice3A_1008 = vector.extract_strided_slice %shift_right_logical3A_799 {offsets = [13], sizes = [1], strides = [1]} : vector<16xi32> to vector<1xi32>
        %squeeze3A_1009 = vector.extract %slice3A_1008[0] : i32 from vector<1xi32>
        %dma_start3A_1010 = arith.constant 104 : i32
        %dma_start3A_1011 = arith.constant 0 : i32
        %dma_start3A_1012 = tpu.memref_slice %arg9[%dma_start3A_1010, %dma_start3A_1011] : memref<256x36xf32, #tpu.memory_space<vmem>> -> memref<8x36xf32, #tpu.memory_space<vmem>>
        %dma_start3A_1013 = arith.constant 0 : i32
        %dma_start3A_1014 = arith.constant 0 : i32
        %dma_start3A_1015 = tpu.memref_slice %arg4[%add3A_748, %squeeze3A_1009, %dma_start3A_1013, %dma_start3A_1014] : memref<26x12500x8x36xf32, #tpu.memory_space<hbm>> -> memref<1x1x8x36xf32, #tpu.memory_space<hbm>>
        %dma_start3A_1016 = tpu.memref_squeeze %dma_start3A_1015 : memref<1x1x8x36xf32, #tpu.memory_space<hbm>> -> memref<8x36xf32, #tpu.memory_space<hbm>>
        %dma_start3A_1017 = arith.constant 104 : i32
        %dma_start3A_1018 = arith.constant 0 : i32
        %dma_start3A_1019 = tpu.memref_slice %arg9[%dma_start3A_1017, %dma_start3A_1018] : memref<256x36xf32, #tpu.memory_space<vmem>> -> memref<8x36xf32, #tpu.memory_space<vmem>>
        %dma_start3A_1020 = arith.constant 0 : i32
        %dma_start3A_1021 = arith.constant 0 : i32
        %dma_start3A_1022 = tpu.memref_slice %arg4[%add3A_748, %squeeze3A_1009, %dma_start3A_1020, %dma_start3A_1021] : memref<26x12500x8x36xf32, #tpu.memory_space<hbm>> -> memref<1x1x8x36xf32, #tpu.memory_space<hbm>>
        %dma_start3A_1023 = tpu.memref_squeeze %dma_start3A_1022 : memref<1x1x8x36xf32, #tpu.memory_space<hbm>> -> memref<8x36xf32, #tpu.memory_space<hbm>>
        tpu.enqueue_dma source(%dma_start3A_1023 : memref<8x36xf32, #tpu.memory_space<hbm>>) target(%dma_start3A_1019 : memref<8x36xf32, #tpu.memory_space<vmem>>) target_semaphore(%arg13 : memref<!tpu.dma_semaphore, #tpu.memory_space<semaphore_mem>>)
        %slice3A_1024 = vector.extract_strided_slice %shift_right_logical3A_799 {offsets = [14], sizes = [1], strides = [1]} : vector<16xi32> to vector<1xi32>
        %squeeze3A_1025 = vector.extract %slice3A_1024[0] : i32 from vector<1xi32>
        %dma_start3A_1026 = arith.constant 112 : i32
        %dma_start3A_1027 = arith.constant 0 : i32
        %dma_start3A_1028 = tpu.memref_slice %arg9[%dma_start3A_1026, %dma_start3A_1027] : memref<256x36xf32, #tpu.memory_space<vmem>> -> memref<8x36xf32, #tpu.memory_space<vmem>>
        %dma_start3A_1029 = arith.constant 0 : i32
        %dma_start3A_1030 = arith.constant 0 : i32
        %dma_start3A_1031 = tpu.memref_slice %arg4[%add3A_748, %squeeze3A_1025, %dma_start3A_1029, %dma_start3A_1030] : memref<26x12500x8x36xf32, #tpu.memory_space<hbm>> -> memref<1x1x8x36xf32, #tpu.memory_space<hbm>>
        %dma_start3A_1032 = tpu.memref_squeeze %dma_start3A_1031 : memref<1x1x8x36xf32, #tpu.memory_space<hbm>> -> memref<8x36xf32, #tpu.memory_space<hbm>>
        %dma_start3A_1033 = arith.constant 112 : i32
        %dma_start3A_1034 = arith.constant 0 : i32
        %dma_start3A_1035 = tpu.memref_slice %arg9[%dma_start3A_1033, %dma_start3A_1034] : memref<256x36xf32, #tpu.memory_space<vmem>> -> memref<8x36xf32, #tpu.memory_space<vmem>>
        %dma_start3A_1036 = arith.constant 0 : i32
        %dma_start3A_1037 = arith.constant 0 : i32
        %dma_start3A_1038 = tpu.memref_slice %arg4[%add3A_748, %squeeze3A_1025, %dma_start3A_1036, %dma_start3A_1037] : memref<26x12500x8x36xf32, #tpu.memory_space<hbm>> -> memref<1x1x8x36xf32, #tpu.memory_space<hbm>>
        %dma_start3A_1039 = tpu.memref_squeeze %dma_start3A_1038 : memref<1x1x8x36xf32, #tpu.memory_space<hbm>> -> memref<8x36xf32, #tpu.memory_space<hbm>>
        tpu.enqueue_dma source(%dma_start3A_1039 : memref<8x36xf32, #tpu.memory_space<hbm>>) target(%dma_start3A_1035 : memref<8x36xf32, #tpu.memory_space<vmem>>) target_semaphore(%arg13 : memref<!tpu.dma_semaphore, #tpu.memory_space<semaphore_mem>>)
        %slice3A_1040 = vector.extract_strided_slice %shift_right_logical3A_799 {offsets = [15], sizes = [1], strides = [1]} : vector<16xi32> to vector<1xi32>
        %squeeze3A_1041 = vector.extract %slice3A_1040[0] : i32 from vector<1xi32>
        %dma_start3A_1042 = arith.constant 120 : i32
        %dma_start3A_1043 = arith.constant 0 : i32
        %dma_start3A_1044 = tpu.memref_slice %arg9[%dma_start3A_1042, %dma_start3A_1043] : memref<256x36xf32, #tpu.memory_space<vmem>> -> memref<8x36xf32, #tpu.memory_space<vmem>>
        %dma_start3A_1045 = arith.constant 0 : i32
        %dma_start3A_1046 = arith.constant 0 : i32
        %dma_start3A_1047 = tpu.memref_slice %arg4[%add3A_748, %squeeze3A_1041, %dma_start3A_1045, %dma_start3A_1046] : memref<26x12500x8x36xf32, #tpu.memory_space<hbm>> -> memref<1x1x8x36xf32, #tpu.memory_space<hbm>>
        %dma_start3A_1048 = tpu.memref_squeeze %dma_start3A_1047 : memref<1x1x8x36xf32, #tpu.memory_space<hbm>> -> memref<8x36xf32, #tpu.memory_space<hbm>>
        %dma_start3A_1049 = arith.constant 120 : i32
        %dma_start3A_1050 = arith.constant 0 : i32
        %dma_start3A_1051 = tpu.memref_slice %arg9[%dma_start3A_1049, %dma_start3A_1050] : memref<256x36xf32, #tpu.memory_space<vmem>> -> memref<8x36xf32, #tpu.memory_space<vmem>>
        %dma_start3A_1052 = arith.constant 0 : i32
        %dma_start3A_1053 = arith.constant 0 : i32
        %dma_start3A_1054 = tpu.memref_slice %arg4[%add3A_748, %squeeze3A_1041, %dma_start3A_1052, %dma_start3A_1053] : memref<26x12500x8x36xf32, #tpu.memory_space<hbm>> -> memref<1x1x8x36xf32, #tpu.memory_space<hbm>>
        %dma_start3A_1055 = tpu.memref_squeeze %dma_start3A_1054 : memref<1x1x8x36xf32, #tpu.memory_space<hbm>> -> memref<8x36xf32, #tpu.memory_space<hbm>>
        tpu.enqueue_dma source(%dma_start3A_1055 : memref<8x36xf32, #tpu.memory_space<hbm>>) target(%dma_start3A_1051 : memref<8x36xf32, #tpu.memory_space<vmem>>) target_semaphore(%arg13 : memref<!tpu.dma_semaphore, #tpu.memory_space<semaphore_mem>>)
        %mul3A_1056 = arith.constant 32 : i32
        %mul3A_1057 = arith.muli %scan3A_13, %mul3A_1056 : i32
        %add3A_1058 = arith.constant 16 : i32
        %add3A_1059 = arith.addi %mul3A_1057, %add3A_1058 : i32
        %jit3A_1060 = arith.constant 128 : i32
        %div3A_1061 = arith.divsi %add3A_1059, %jit3A_1060 : i32
        %sign3A_1062 = arith.constant 0 : i32
        %sign3A_1063 = arith.cmpi sgt, %add3A_1059, %sign3A_1062 : i32
        %sign3A_1064 = arith.extui %sign3A_1063 : i1 to i32
        %sign3A_1065 = arith.constant 0 : i32
        %sign3A_1066 = arith.cmpi slt, %add3A_1059, %sign3A_1065 : i32
        %sign3A_1067 = arith.extui %sign3A_1066 : i1 to i32
        %sign3A_1068 = arith.subi %sign3A_1064, %sign3A_1067 : i32
        %sign3A_1069 = arith.constant 0 : i32
        %sign3A_1070 = arith.cmpi sgt, %jit3A_1060, %sign3A_1069 : i32
        %sign3A_1071 = arith.extui %sign3A_1070 : i1 to i32
        %sign3A_1072 = arith.constant 0 : i32
        %sign3A_1073 = arith.cmpi slt, %jit3A_1060, %sign3A_1072 : i32
        %sign3A_1074 = arith.extui %sign3A_1073 : i1 to i32
        %sign3A_1075 = arith.subi %sign3A_1071, %sign3A_1074 : i32
        %ne3A_1076 = arith.cmpi ne, %sign3A_1068, %sign3A_1075 : i32
        %rem3A_1077 = arith.remsi %add3A_1059, %jit3A_1060 : i32
        %ne3A_1078 = arith.constant 0 : i32
        %ne3A_1079 = arith.cmpi ne, %rem3A_1077, %ne3A_1078 : i32
        %and3A_1080 = arith.andi %ne3A_1076, %ne3A_1079 : i1
        %sub3A_1081 = arith.constant 1 : i32
        %sub3A_1082 = arith.subi %div3A_1061, %sub3A_1081 : i32
        %select_n3A_1083 = arith.select %and3A_1080, %sub3A_1082, %div3A_1061 : i32
        %jit3A_1084 = arith.constant 128 : i32
        %eq3A_1085 = arith.constant 0 : i32
        %eq3A_1086 = arith.cmpi eq, %jit3A_1084, %eq3A_1085 : i32
        %jit3A_1087 = arith.constant 1 : i32
        %select_n3A_1088 = arith.select %eq3A_1086, %jit3A_1087, %jit3A_1084 : i32
        %rem3A_1089 = arith.remsi %add3A_1059, %select_n3A_1088 : i32
        %ne3A_1090 = arith.constant 0 : i32
        %ne3A_1091 = arith.cmpi ne, %rem3A_1089, %ne3A_1090 : i32
        %lt3A_1092 = arith.constant 0 : i32
        %lt3A_1093 = arith.cmpi slt, %rem3A_1089, %lt3A_1092 : i32
        %lt3A_1094 = arith.constant 0 : i32
        %lt3A_1095 = arith.cmpi slt, %select_n3A_1088, %lt3A_1094 : i32
        %ne3A_1096 = arith.xori %lt3A_1093, %lt3A_1095 : i1
        %and3A_1097 = arith.andi %ne3A_1096, %ne3A_1091 : i1
        %add3A_1098 = arith.addi %rem3A_1089, %select_n3A_1088 : i32
        %select_n3A_1099 = arith.select %and3A_1097, %add3A_1098, %rem3A_1089 : i32
        %get3A_1100 = arith.index_cast %add3A_748 : i32 to index
        %get3A_1101 = arith.index_cast %select_n3A_1083 : i32 to index
        %get3A_1102 = arith.index_cast %select_n3A_1099 : i32 to index
        %get3A_1103 = tpu.vector_load %arg7[%get3A_1100, %get3A_1101, %get3A_1102] {strides = array<i32>} : memref<26x4x128xi32, #tpu.memory_space<vmem>>, vector<16xi32>,
        %shift_right_logical3A_1104 = arith.constant 3 : i32
        %shift_right_logical3A_1105 = vector.broadcast %shift_right_logical3A_1104 : i32 to vector<16xi32>
        %shift_right_logical3A_1106 = arith.shrui %get3A_1103, %shift_right_logical3A_1105 : vector<16xi32>
        %slice3A_1107 = vector.extract_strided_slice %shift_right_logical3A_1106 {offsets = [0], sizes = [1], strides = [1]} : vector<16xi32> to vector<1xi32>
        %squeeze3A_1108 = vector.extract %slice3A_1107[0] : i32 from vector<1xi32>
        %dma_start3A_1109 = arith.constant 128 : i32
        %dma_start3A_1110 = arith.constant 0 : i32
        %dma_start3A_1111 = tpu.memref_slice %arg9[%dma_start3A_1109, %dma_start3A_1110] : memref<256x36xf32, #tpu.memory_space<vmem>> -> memref<8x36xf32, #tpu.memory_space<vmem>>
        %dma_start3A_1112 = arith.constant 0 : i32
        %dma_start3A_1113 = arith.constant 0 : i32
        %dma_start3A_1114 = tpu.memref_slice %arg4[%add3A_748, %squeeze3A_1108, %dma_start3A_1112, %dma_start3A_1113] : memref<26x12500x8x36xf32, #tpu.memory_space<hbm>> -> memref<1x1x8x36xf32, #tpu.memory_space<hbm>>
        %dma_start3A_1115 = tpu.memref_squeeze %dma_start3A_1114 : memref<1x1x8x36xf32, #tpu.memory_space<hbm>> -> memref<8x36xf32, #tpu.memory_space<hbm>>
        %dma_start3A_1116 = arith.constant 128 : i32
        %dma_start3A_1117 = arith.constant 0 : i32
        %dma_start3A_1118 = tpu.memref_slice %arg9[%dma_start3A_1116, %dma_start3A_1117] : memref<256x36xf32, #tpu.memory_space<vmem>> -> memref<8x36xf32, #tpu.memory_space<vmem>>
        %dma_start3A_1119 = arith.constant 0 : i32
        %dma_start3A_1120 = arith.constant 0 : i32
        %dma_start3A_1121 = tpu.memref_slice %arg4[%add3A_748, %squeeze3A_1108, %dma_start3A_1119, %dma_start3A_1120] : memref<26x12500x8x36xf32, #tpu.memory_space<hbm>> -> memref<1x1x8x36xf32, #tpu.memory_space<hbm>>
        %dma_start3A_1122 = tpu.memref_squeeze %dma_start3A_1121 : memref<1x1x8x36xf32, #tpu.memory_space<hbm>> -> memref<8x36xf32, #tpu.memory_space<hbm>>
        tpu.enqueue_dma source(%dma_start3A_1122 : memref<8x36xf32, #tpu.memory_space<hbm>>) target(%dma_start3A_1118 : memref<8x36xf32, #tpu.memory_space<vmem>>) target_semaphore(%arg13 : memref<!tpu.dma_semaphore, #tpu.memory_space<semaphore_mem>>)
        %slice3A_1123 = vector.extract_strided_slice %shift_right_logical3A_1106 {offsets = [1], sizes = [1], strides = [1]} : vector<16xi32> to vector<1xi32>
        %squeeze3A_1124 = vector.extract %slice3A_1123[0] : i32 from vector<1xi32>
        %dma_start3A_1125 = arith.constant 136 : i32
        %dma_start3A_1126 = arith.constant 0 : i32
        %dma_start3A_1127 = tpu.memref_slice %arg9[%dma_start3A_1125, %dma_start3A_1126] : memref<256x36xf32, #tpu.memory_space<vmem>> -> memref<8x36xf32, #tpu.memory_space<vmem>>
        %dma_start3A_1128 = arith.constant 0 : i32
        %dma_start3A_1129 = arith.constant 0 : i32
        %dma_start3A_1130 = tpu.memref_slice %arg4[%add3A_748, %squeeze3A_1124, %dma_start3A_1128, %dma_start3A_1129] : memref<26x12500x8x36xf32, #tpu.memory_space<hbm>> -> memref<1x1x8x36xf32, #tpu.memory_space<hbm>>
        %dma_start3A_1131 = tpu.memref_squeeze %dma_start3A_1130 : memref<1x1x8x36xf32, #tpu.memory_space<hbm>> -> memref<8x36xf32, #tpu.memory_space<hbm>>
        %dma_start3A_1132 = arith.constant 136 : i32
        %dma_start3A_1133 = arith.constant 0 : i32
        %dma_start3A_1134 = tpu.memref_slice %arg9[%dma_start3A_1132, %dma_start3A_1133] : memref<256x36xf32, #tpu.memory_space<vmem>> -> memref<8x36xf32, #tpu.memory_space<vmem>>
        %dma_start3A_1135 = arith.constant 0 : i32
        %dma_start3A_1136 = arith.constant 0 : i32
        %dma_start3A_1137 = tpu.memref_slice %arg4[%add3A_748, %squeeze3A_1124, %dma_start3A_1135, %dma_start3A_1136] : memref<26x12500x8x36xf32, #tpu.memory_space<hbm>> -> memref<1x1x8x36xf32, #tpu.memory_space<hbm>>
        %dma_start3A_1138 = tpu.memref_squeeze %dma_start3A_1137 : memref<1x1x8x36xf32, #tpu.memory_space<hbm>> -> memref<8x36xf32, #tpu.memory_space<hbm>>
        tpu.enqueue_dma source(%dma_start3A_1138 : memref<8x36xf32, #tpu.memory_space<hbm>>) target(%dma_start3A_1134 : memref<8x36xf32, #tpu.memory_space<vmem>>) target_semaphore(%arg13 : memref<!tpu.dma_semaphore, #tpu.memory_space<semaphore_mem>>)
        %slice3A_1139 = vector.extract_strided_slice %shift_right_logical3A_1106 {offsets = [2], sizes = [1], strides = [1]} : vector<16xi32> to vector<1xi32>
        %squeeze3A_1140 = vector.extract %slice3A_1139[0] : i32 from vector<1xi32>
        %dma_start3A_1141 = arith.constant 144 : i32
        %dma_start3A_1142 = arith.constant 0 : i32
        %dma_start3A_1143 = tpu.memref_slice %arg9[%dma_start3A_1141, %dma_start3A_1142] : memref<256x36xf32, #tpu.memory_space<vmem>> -> memref<8x36xf32, #tpu.memory_space<vmem>>
        %dma_start3A_1144 = arith.constant 0 : i32
        %dma_start3A_1145 = arith.constant 0 : i32
        %dma_start3A_1146 = tpu.memref_slice %arg4[%add3A_748, %squeeze3A_1140, %dma_start3A_1144, %dma_start3A_1145] : memref<26x12500x8x36xf32, #tpu.memory_space<hbm>> -> memref<1x1x8x36xf32, #tpu.memory_space<hbm>>
        %dma_start3A_1147 = tpu.memref_squeeze %dma_start3A_1146 : memref<1x1x8x36xf32, #tpu.memory_space<hbm>> -> memref<8x36xf32, #tpu.memory_space<hbm>>
        %dma_start3A_1148 = arith.constant 144 : i32
        %dma_start3A_1149 = arith.constant 0 : i32
        %dma_start3A_1150 = tpu.memref_slice %arg9[%dma_start3A_1148, %dma_start3A_1149] : memref<256x36xf32, #tpu.memory_space<vmem>> -> memref<8x36xf32, #tpu.memory_space<vmem>>
        %dma_start3A_1151 = arith.constant 0 : i32
        %dma_start3A_1152 = arith.constant 0 : i32
        %dma_start3A_1153 = tpu.memref_slice %arg4[%add3A_748, %squeeze3A_1140, %dma_start3A_1151, %dma_start3A_1152] : memref<26x12500x8x36xf32, #tpu.memory_space<hbm>> -> memref<1x1x8x36xf32, #tpu.memory_space<hbm>>
        %dma_start3A_1154 = tpu.memref_squeeze %dma_start3A_1153 : memref<1x1x8x36xf32, #tpu.memory_space<hbm>> -> memref<8x36xf32, #tpu.memory_space<hbm>>
        tpu.enqueue_dma source(%dma_start3A_1154 : memref<8x36xf32, #tpu.memory_space<hbm>>) target(%dma_start3A_1150 : memref<8x36xf32, #tpu.memory_space<vmem>>) target_semaphore(%arg13 : memref<!tpu.dma_semaphore, #tpu.memory_space<semaphore_mem>>)
        %slice3A_1155 = vector.extract_strided_slice %shift_right_logical3A_1106 {offsets = [3], sizes = [1], strides = [1]} : vector<16xi32> to vector<1xi32>
        %squeeze3A_1156 = vector.extract %slice3A_1155[0] : i32 from vector<1xi32>
        %dma_start3A_1157 = arith.constant 152 : i32
        %dma_start3A_1158 = arith.constant 0 : i32
        %dma_start3A_1159 = tpu.memref_slice %arg9[%dma_start3A_1157, %dma_start3A_1158] : memref<256x36xf32, #tpu.memory_space<vmem>> -> memref<8x36xf32, #tpu.memory_space<vmem>>
        %dma_start3A_1160 = arith.constant 0 : i32
        %dma_start3A_1161 = arith.constant 0 : i32
        %dma_start3A_1162 = tpu.memref_slice %arg4[%add3A_748, %squeeze3A_1156, %dma_start3A_1160, %dma_start3A_1161] : memref<26x12500x8x36xf32, #tpu.memory_space<hbm>> -> memref<1x1x8x36xf32, #tpu.memory_space<hbm>>
        %dma_start3A_1163 = tpu.memref_squeeze %dma_start3A_1162 : memref<1x1x8x36xf32, #tpu.memory_space<hbm>> -> memref<8x36xf32, #tpu.memory_space<hbm>>
        %dma_start3A_1164 = arith.constant 152 : i32
        %dma_start3A_1165 = arith.constant 0 : i32
        %dma_start3A_1166 = tpu.memref_slice %arg9[%dma_start3A_1164, %dma_start3A_1165] : memref<256x36xf32, #tpu.memory_space<vmem>> -> memref<8x36xf32, #tpu.memory_space<vmem>>
        %dma_start3A_1167 = arith.constant 0 : i32
        %dma_start3A_1168 = arith.constant 0 : i32
        %dma_start3A_1169 = tpu.memref_slice %arg4[%add3A_748, %squeeze3A_1156, %dma_start3A_1167, %dma_start3A_1168] : memref<26x12500x8x36xf32, #tpu.memory_space<hbm>> -> memref<1x1x8x36xf32, #tpu.memory_space<hbm>>
        %dma_start3A_1170 = tpu.memref_squeeze %dma_start3A_1169 : memref<1x1x8x36xf32, #tpu.memory_space<hbm>> -> memref<8x36xf32, #tpu.memory_space<hbm>>
        tpu.enqueue_dma source(%dma_start3A_1170 : memref<8x36xf32, #tpu.memory_space<hbm>>) target(%dma_start3A_1166 : memref<8x36xf32, #tpu.memory_space<vmem>>) target_semaphore(%arg13 : memref<!tpu.dma_semaphore, #tpu.memory_space<semaphore_mem>>)
        %slice3A_1171 = vector.extract_strided_slice %shift_right_logical3A_1106 {offsets = [4], sizes = [1], strides = [1]} : vector<16xi32> to vector<1xi32>
        %squeeze3A_1172 = vector.extract %slice3A_1171[0] : i32 from vector<1xi32>
        %dma_start3A_1173 = arith.constant 160 : i32
        %dma_start3A_1174 = arith.constant 0 : i32
        %dma_start3A_1175 = tpu.memref_slice %arg9[%dma_start3A_1173, %dma_start3A_1174] : memref<256x36xf32, #tpu.memory_space<vmem>> -> memref<8x36xf32, #tpu.memory_space<vmem>>
        %dma_start3A_1176 = arith.constant 0 : i32
        %dma_start3A_1177 = arith.constant 0 : i32
        %dma_start3A_1178 = tpu.memref_slice %arg4[%add3A_748, %squeeze3A_1172, %dma_start3A_1176, %dma_start3A_1177] : memref<26x12500x8x36xf32, #tpu.memory_space<hbm>> -> memref<1x1x8x36xf32, #tpu.memory_space<hbm>>
        %dma_start3A_1179 = tpu.memref_squeeze %dma_start3A_1178 : memref<1x1x8x36xf32, #tpu.memory_space<hbm>> -> memref<8x36xf32, #tpu.memory_space<hbm>>
        %dma_start3A_1180 = arith.constant 160 : i32
        %dma_start3A_1181 = arith.constant 0 : i32
        %dma_start3A_1182 = tpu.memref_slice %arg9[%dma_start3A_1180, %dma_start3A_1181] : memref<256x36xf32, #tpu.memory_space<vmem>> -> memref<8x36xf32, #tpu.memory_space<vmem>>
        %dma_start3A_1183 = arith.constant 0 : i32
        %dma_start3A_1184 = arith.constant 0 : i32
        %dma_start3A_1185 = tpu.memref_slice %arg4[%add3A_748, %squeeze3A_1172, %dma_start3A_1183, %dma_start3A_1184] : memref<26x12500x8x36xf32, #tpu.memory_space<hbm>> -> memref<1x1x8x36xf32, #tpu.memory_space<hbm>>
        %dma_start3A_1186 = tpu.memref_squeeze %dma_start3A_1185 : memref<1x1x8x36xf32, #tpu.memory_space<hbm>> -> memref<8x36xf32, #tpu.memory_space<hbm>>
        tpu.enqueue_dma source(%dma_start3A_1186 : memref<8x36xf32, #tpu.memory_space<hbm>>) target(%dma_start3A_1182 : memref<8x36xf32, #tpu.memory_space<vmem>>) target_semaphore(%arg13 : memref<!tpu.dma_semaphore, #tpu.memory_space<semaphore_mem>>)
        %slice3A_1187 = vector.extract_strided_slice %shift_right_logical3A_1106 {offsets = [5], sizes = [1], strides = [1]} : vector<16xi32> to vector<1xi32>
        %squeeze3A_1188 = vector.extract %slice3A_1187[0] : i32 from vector<1xi32>
        %dma_start3A_1189 = arith.constant 168 : i32
        %dma_start3A_1190 = arith.constant 0 : i32
        %dma_start3A_1191 = tpu.memref_slice %arg9[%dma_start3A_1189, %dma_start3A_1190] : memref<256x36xf32, #tpu.memory_space<vmem>> -> memref<8x36xf32, #tpu.memory_space<vmem>>
        %dma_start3A_1192 = arith.constant 0 : i32
        %dma_start3A_1193 = arith.constant 0 : i32
        %dma_start3A_1194 = tpu.memref_slice %arg4[%add3A_748, %squeeze3A_1188, %dma_start3A_1192, %dma_start3A_1193] : memref<26x12500x8x36xf32, #tpu.memory_space<hbm>> -> memref<1x1x8x36xf32, #tpu.memory_space<hbm>>
        %dma_start3A_1195 = tpu.memref_squeeze %dma_start3A_1194 : memref<1x1x8x36xf32, #tpu.memory_space<hbm>> -> memref<8x36xf32, #tpu.memory_space<hbm>>
        %dma_start3A_1196 = arith.constant 168 : i32
        %dma_start3A_1197 = arith.constant 0 : i32
        %dma_start3A_1198 = tpu.memref_slice %arg9[%dma_start3A_1196, %dma_start3A_1197] : memref<256x36xf32, #tpu.memory_space<vmem>> -> memref<8x36xf32, #tpu.memory_space<vmem>>
        %dma_start3A_1199 = arith.constant 0 : i32
        %dma_start3A_1200 = arith.constant 0 : i32
        %dma_start3A_1201 = tpu.memref_slice %arg4[%add3A_748, %squeeze3A_1188, %dma_start3A_1199, %dma_start3A_1200] : memref<26x12500x8x36xf32, #tpu.memory_space<hbm>> -> memref<1x1x8x36xf32, #tpu.memory_space<hbm>>
        %dma_start3A_1202 = tpu.memref_squeeze %dma_start3A_1201 : memref<1x1x8x36xf32, #tpu.memory_space<hbm>> -> memref<8x36xf32, #tpu.memory_space<hbm>>
        tpu.enqueue_dma source(%dma_start3A_1202 : memref<8x36xf32, #tpu.memory_space<hbm>>) target(%dma_start3A_1198 : memref<8x36xf32, #tpu.memory_space<vmem>>) target_semaphore(%arg13 : memref<!tpu.dma_semaphore, #tpu.memory_space<semaphore_mem>>)
        %slice3A_1203 = vector.extract_strided_slice %shift_right_logical3A_1106 {offsets = [6], sizes = [1], strides = [1]} : vector<16xi32> to vector<1xi32>
        %squeeze3A_1204 = vector.extract %slice3A_1203[0] : i32 from vector<1xi32>
        %dma_start3A_1205 = arith.constant 176 : i32
        %dma_start3A_1206 = arith.constant 0 : i32
        %dma_start3A_1207 = tpu.memref_slice %arg9[%dma_start3A_1205, %dma_start3A_1206] : memref<256x36xf32, #tpu.memory_space<vmem>> -> memref<8x36xf32, #tpu.memory_space<vmem>>
        %dma_start3A_1208 = arith.constant 0 : i32
        %dma_start3A_1209 = arith.constant 0 : i32
        %dma_start3A_1210 = tpu.memref_slice %arg4[%add3A_748, %squeeze3A_1204, %dma_start3A_1208, %dma_start3A_1209] : memref<26x12500x8x36xf32, #tpu.memory_space<hbm>> -> memref<1x1x8x36xf32, #tpu.memory_space<hbm>>
        %dma_start3A_1211 = tpu.memref_squeeze %dma_start3A_1210 : memref<1x1x8x36xf32, #tpu.memory_space<hbm>> -> memref<8x36xf32, #tpu.memory_space<hbm>>
        %dma_start3A_1212 = arith.constant 176 : i32
        %dma_start3A_1213 = arith.constant 0 : i32
        %dma_start3A_1214 = tpu.memref_slice %arg9[%dma_start3A_1212, %dma_start3A_1213] : memref<256x36xf32, #tpu.memory_space<vmem>> -> memref<8x36xf32, #tpu.memory_space<vmem>>
        %dma_start3A_1215 = arith.constant 0 : i32
        %dma_start3A_1216 = arith.constant 0 : i32
        %dma_start3A_1217 = tpu.memref_slice %arg4[%add3A_748, %squeeze3A_1204, %dma_start3A_1215, %dma_start3A_1216] : memref<26x12500x8x36xf32, #tpu.memory_space<hbm>> -> memref<1x1x8x36xf32, #tpu.memory_space<hbm>>
        %dma_start3A_1218 = tpu.memref_squeeze %dma_start3A_1217 : memref<1x1x8x36xf32, #tpu.memory_space<hbm>> -> memref<8x36xf32, #tpu.memory_space<hbm>>
        tpu.enqueue_dma source(%dma_start3A_1218 : memref<8x36xf32, #tpu.memory_space<hbm>>) target(%dma_start3A_1214 : memref<8x36xf32, #tpu.memory_space<vmem>>) target_semaphore(%arg13 : memref<!tpu.dma_semaphore, #tpu.memory_space<semaphore_mem>>)
        %slice3A_1219 = vector.extract_strided_slice %shift_right_logical3A_1106 {offsets = [7], sizes = [1], strides = [1]} : vector<16xi32> to vector<1xi32>
        %squeeze3A_1220 = vector.extract %slice3A_1219[0] : i32 from vector<1xi32>
        %dma_start3A_1221 = arith.constant 184 : i32
        %dma_start3A_1222 = arith.constant 0 : i32
        %dma_start3A_1223 = tpu.memref_slice %arg9[%dma_start3A_1221, %dma_start3A_1222] : memref<256x36xf32, #tpu.memory_space<vmem>> -> memref<8x36xf32, #tpu.memory_space<vmem>>
        %dma_start3A_1224 = arith.constant 0 : i32
        %dma_start3A_1225 = arith.constant 0 : i32
        %dma_start3A_1226 = tpu.memref_slice %arg4[%add3A_748, %squeeze3A_1220, %dma_start3A_1224, %dma_start3A_1225] : memref<26x12500x8x36xf32, #tpu.memory_space<hbm>> -> memref<1x1x8x36xf32, #tpu.memory_space<hbm>>
        %dma_start3A_1227 = tpu.memref_squeeze %dma_start3A_1226 : memref<1x1x8x36xf32, #tpu.memory_space<hbm>> -> memref<8x36xf32, #tpu.memory_space<hbm>>
        %dma_start3A_1228 = arith.constant 184 : i32
        %dma_start3A_1229 = arith.constant 0 : i32
        %dma_start3A_1230 = tpu.memref_slice %arg9[%dma_start3A_1228, %dma_start3A_1229] : memref<256x36xf32, #tpu.memory_space<vmem>> -> memref<8x36xf32, #tpu.memory_space<vmem>>
        %dma_start3A_1231 = arith.constant 0 : i32
        %dma_start3A_1232 = arith.constant 0 : i32
        %dma_start3A_1233 = tpu.memref_slice %arg4[%add3A_748, %squeeze3A_1220, %dma_start3A_1231, %dma_start3A_1232] : memref<26x12500x8x36xf32, #tpu.memory_space<hbm>> -> memref<1x1x8x36xf32, #tpu.memory_space<hbm>>
        %dma_start3A_1234 = tpu.memref_squeeze %dma_start3A_1233 : memref<1x1x8x36xf32, #tpu.memory_space<hbm>> -> memref<8x36xf32, #tpu.memory_space<hbm>>
        tpu.enqueue_dma source(%dma_start3A_1234 : memref<8x36xf32, #tpu.memory_space<hbm>>) target(%dma_start3A_1230 : memref<8x36xf32, #tpu.memory_space<vmem>>) target_semaphore(%arg13 : memref<!tpu.dma_semaphore, #tpu.memory_space<semaphore_mem>>)
        %slice3A_1235 = vector.extract_strided_slice %shift_right_logical3A_1106 {offsets = [8], sizes = [1], strides = [1]} : vector<16xi32> to vector<1xi32>
        %squeeze3A_1236 = vector.extract %slice3A_1235[0] : i32 from vector<1xi32>
        %dma_start3A_1237 = arith.constant 192 : i32
        %dma_start3A_1238 = arith.constant 0 : i32
        %dma_start3A_1239 = tpu.memref_slice %arg9[%dma_start3A_1237, %dma_start3A_1238] : memref<256x36xf32, #tpu.memory_space<vmem>> -> memref<8x36xf32, #tpu.memory_space<vmem>>
        %dma_start3A_1240 = arith.constant 0 : i32
        %dma_start3A_1241 = arith.constant 0 : i32
        %dma_start3A_1242 = tpu.memref_slice %arg4[%add3A_748, %squeeze3A_1236, %dma_start3A_1240, %dma_start3A_1241] : memref<26x12500x8x36xf32, #tpu.memory_space<hbm>> -> memref<1x1x8x36xf32, #tpu.memory_space<hbm>>
        %dma_start3A_1243 = tpu.memref_squeeze %dma_start3A_1242 : memref<1x1x8x36xf32, #tpu.memory_space<hbm>> -> memref<8x36xf32, #tpu.memory_space<hbm>>
        %dma_start3A_1244 = arith.constant 192 : i32
        %dma_start3A_1245 = arith.constant 0 : i32
        %dma_start3A_1246 = tpu.memref_slice %arg9[%dma_start3A_1244, %dma_start3A_1245] : memref<256x36xf32, #tpu.memory_space<vmem>> -> memref<8x36xf32, #tpu.memory_space<vmem>>
        %dma_start3A_1247 = arith.constant 0 : i32
        %dma_start3A_1248 = arith.constant 0 : i32
        %dma_start3A_1249 = tpu.memref_slice %arg4[%add3A_748, %squeeze3A_1236, %dma_start3A_1247, %dma_start3A_1248] : memref<26x12500x8x36xf32, #tpu.memory_space<hbm>> -> memref<1x1x8x36xf32, #tpu.memory_space<hbm>>
        %dma_start3A_1250 = tpu.memref_squeeze %dma_start3A_1249 : memref<1x1x8x36xf32, #tpu.memory_space<hbm>> -> memref<8x36xf32, #tpu.memory_space<hbm>>
        tpu.enqueue_dma source(%dma_start3A_1250 : memref<8x36xf32, #tpu.memory_space<hbm>>) target(%dma_start3A_1246 : memref<8x36xf32, #tpu.memory_space<vmem>>) target_semaphore(%arg13 : memref<!tpu.dma_semaphore, #tpu.memory_space<semaphore_mem>>)
        %slice3A_1251 = vector.extract_strided_slice %shift_right_logical3A_1106 {offsets = [9], sizes = [1], strides = [1]} : vector<16xi32> to vector<1xi32>
        %squeeze3A_1252 = vector.extract %slice3A_1251[0] : i32 from vector<1xi32>
        %dma_start3A_1253 = arith.constant 200 : i32
        %dma_start3A_1254 = arith.constant 0 : i32
        %dma_start3A_1255 = tpu.memref_slice %arg9[%dma_start3A_1253, %dma_start3A_1254] : memref<256x36xf32, #tpu.memory_space<vmem>> -> memref<8x36xf32, #tpu.memory_space<vmem>>
        %dma_start3A_1256 = arith.constant 0 : i32
        %dma_start3A_1257 = arith.constant 0 : i32
        %dma_start3A_1258 = tpu.memref_slice %arg4[%add3A_748, %squeeze3A_1252, %dma_start3A_1256, %dma_start3A_1257] : memref<26x12500x8x36xf32, #tpu.memory_space<hbm>> -> memref<1x1x8x36xf32, #tpu.memory_space<hbm>>
        %dma_start3A_1259 = tpu.memref_squeeze %dma_start3A_1258 : memref<1x1x8x36xf32, #tpu.memory_space<hbm>> -> memref<8x36xf32, #tpu.memory_space<hbm>>
        %dma_start3A_1260 = arith.constant 200 : i32
        %dma_start3A_1261 = arith.constant 0 : i32
        %dma_start3A_1262 = tpu.memref_slice %arg9[%dma_start3A_1260, %dma_start3A_1261] : memref<256x36xf32, #tpu.memory_space<vmem>> -> memref<8x36xf32, #tpu.memory_space<vmem>>
        %dma_start3A_1263 = arith.constant 0 : i32
        %dma_start3A_1264 = arith.constant 0 : i32
        %dma_start3A_1265 = tpu.memref_slice %arg4[%add3A_748, %squeeze3A_1252, %dma_start3A_1263, %dma_start3A_1264] : memref<26x12500x8x36xf32, #tpu.memory_space<hbm>> -> memref<1x1x8x36xf32, #tpu.memory_space<hbm>>
        %dma_start3A_1266 = tpu.memref_squeeze %dma_start3A_1265 : memref<1x1x8x36xf32, #tpu.memory_space<hbm>> -> memref<8x36xf32, #tpu.memory_space<hbm>>
        tpu.enqueue_dma source(%dma_start3A_1266 : memref<8x36xf32, #tpu.memory_space<hbm>>) target(%dma_start3A_1262 : memref<8x36xf32, #tpu.memory_space<vmem>>) target_semaphore(%arg13 : memref<!tpu.dma_semaphore, #tpu.memory_space<semaphore_mem>>)
        %slice3A_1267 = vector.extract_strided_slice %shift_right_logical3A_1106 {offsets = [10], sizes = [1], strides = [1]} : vector<16xi32> to vector<1xi32>
        %squeeze3A_1268 = vector.extract %slice3A_1267[0] : i32 from vector<1xi32>
        %dma_start3A_1269 = arith.constant 208 : i32
        %dma_start3A_1270 = arith.constant 0 : i32
        %dma_start3A_1271 = tpu.memref_slice %arg9[%dma_start3A_1269, %dma_start3A_1270] : memref<256x36xf32, #tpu.memory_space<vmem>> -> memref<8x36xf32, #tpu.memory_space<vmem>>
        %dma_start3A_1272 = arith.constant 0 : i32
        %dma_start3A_1273 = arith.constant 0 : i32
        %dma_start3A_1274 = tpu.memref_slice %arg4[%add3A_748, %squeeze3A_1268, %dma_start3A_1272, %dma_start3A_1273] : memref<26x12500x8x36xf32, #tpu.memory_space<hbm>> -> memref<1x1x8x36xf32, #tpu.memory_space<hbm>>
        %dma_start3A_1275 = tpu.memref_squeeze %dma_start3A_1274 : memref<1x1x8x36xf32, #tpu.memory_space<hbm>> -> memref<8x36xf32, #tpu.memory_space<hbm>>
        %dma_start3A_1276 = arith.constant 208 : i32
        %dma_start3A_1277 = arith.constant 0 : i32
        %dma_start3A_1278 = tpu.memref_slice %arg9[%dma_start3A_1276, %dma_start3A_1277] : memref<256x36xf32, #tpu.memory_space<vmem>> -> memref<8x36xf32, #tpu.memory_space<vmem>>
        %dma_start3A_1279 = arith.constant 0 : i32
        %dma_start3A_1280 = arith.constant 0 : i32
        %dma_start3A_1281 = tpu.memref_slice %arg4[%add3A_748, %squeeze3A_1268, %dma_start3A_1279, %dma_start3A_1280] : memref<26x12500x8x36xf32, #tpu.memory_space<hbm>> -> memref<1x1x8x36xf32, #tpu.memory_space<hbm>>
        %dma_start3A_1282 = tpu.memref_squeeze %dma_start3A_1281 : memref<1x1x8x36xf32, #tpu.memory_space<hbm>> -> memref<8x36xf32, #tpu.memory_space<hbm>>
        tpu.enqueue_dma source(%dma_start3A_1282 : memref<8x36xf32, #tpu.memory_space<hbm>>) target(%dma_start3A_1278 : memref<8x36xf32, #tpu.memory_space<vmem>>) target_semaphore(%arg13 : memref<!tpu.dma_semaphore, #tpu.memory_space<semaphore_mem>>)
        %slice3A_1283 = vector.extract_strided_slice %shift_right_logical3A_1106 {offsets = [11], sizes = [1], strides = [1]} : vector<16xi32> to vector<1xi32>
        %squeeze3A_1284 = vector.extract %slice3A_1283[0] : i32 from vector<1xi32>
        %dma_start3A_1285 = arith.constant 216 : i32
        %dma_start3A_1286 = arith.constant 0 : i32
        %dma_start3A_1287 = tpu.memref_slice %arg9[%dma_start3A_1285, %dma_start3A_1286] : memref<256x36xf32, #tpu.memory_space<vmem>> -> memref<8x36xf32, #tpu.memory_space<vmem>>
        %dma_start3A_1288 = arith.constant 0 : i32
        %dma_start3A_1289 = arith.constant 0 : i32
        %dma_start3A_1290 = tpu.memref_slice %arg4[%add3A_748, %squeeze3A_1284, %dma_start3A_1288, %dma_start3A_1289] : memref<26x12500x8x36xf32, #tpu.memory_space<hbm>> -> memref<1x1x8x36xf32, #tpu.memory_space<hbm>>
        %dma_start3A_1291 = tpu.memref_squeeze %dma_start3A_1290 : memref<1x1x8x36xf32, #tpu.memory_space<hbm>> -> memref<8x36xf32, #tpu.memory_space<hbm>>
        %dma_start3A_1292 = arith.constant 216 : i32
        %dma_start3A_1293 = arith.constant 0 : i32
        %dma_start3A_1294 = tpu.memref_slice %arg9[%dma_start3A_1292, %dma_start3A_1293] : memref<256x36xf32, #tpu.memory_space<vmem>> -> memref<8x36xf32, #tpu.memory_space<vmem>>
        %dma_start3A_1295 = arith.constant 0 : i32
        %dma_start3A_1296 = arith.constant 0 : i32
        %dma_start3A_1297 = tpu.memref_slice %arg4[%add3A_748, %squeeze3A_1284, %dma_start3A_1295, %dma_start3A_1296] : memref<26x12500x8x36xf32, #tpu.memory_space<hbm>> -> memref<1x1x8x36xf32, #tpu.memory_space<hbm>>
        %dma_start3A_1298 = tpu.memref_squeeze %dma_start3A_1297 : memref<1x1x8x36xf32, #tpu.memory_space<hbm>> -> memref<8x36xf32, #tpu.memory_space<hbm>>
        tpu.enqueue_dma source(%dma_start3A_1298 : memref<8x36xf32, #tpu.memory_space<hbm>>) target(%dma_start3A_1294 : memref<8x36xf32, #tpu.memory_space<vmem>>) target_semaphore(%arg13 : memref<!tpu.dma_semaphore, #tpu.memory_space<semaphore_mem>>)
        %slice3A_1299 = vector.extract_strided_slice %shift_right_logical3A_1106 {offsets = [12], sizes = [1], strides = [1]} : vector<16xi32> to vector<1xi32>
        %squeeze3A_1300 = vector.extract %slice3A_1299[0] : i32 from vector<1xi32>
        %dma_start3A_1301 = arith.constant 224 : i32
        %dma_start3A_1302 = arith.constant 0 : i32
        %dma_start3A_1303 = tpu.memref_slice %arg9[%dma_start3A_1301, %dma_start3A_1302] : memref<256x36xf32, #tpu.memory_space<vmem>> -> memref<8x36xf32, #tpu.memory_space<vmem>>
        %dma_start3A_1304 = arith.constant 0 : i32
        %dma_start3A_1305 = arith.constant 0 : i32
        %dma_start3A_1306 = tpu.memref_slice %arg4[%add3A_748, %squeeze3A_1300, %dma_start3A_1304, %dma_start3A_1305] : memref<26x12500x8x36xf32, #tpu.memory_space<hbm>> -> memref<1x1x8x36xf32, #tpu.memory_space<hbm>>
        %dma_start3A_1307 = tpu.memref_squeeze %dma_start3A_1306 : memref<1x1x8x36xf32, #tpu.memory_space<hbm>> -> memref<8x36xf32, #tpu.memory_space<hbm>>
        %dma_start3A_1308 = arith.constant 224 : i32
        %dma_start3A_1309 = arith.constant 0 : i32
        %dma_start3A_1310 = tpu.memref_slice %arg9[%dma_start3A_1308, %dma_start3A_1309] : memref<256x36xf32, #tpu.memory_space<vmem>> -> memref<8x36xf32, #tpu.memory_space<vmem>>
        %dma_start3A_1311 = arith.constant 0 : i32
        %dma_start3A_1312 = arith.constant 0 : i32
        %dma_start3A_1313 = tpu.memref_slice %arg4[%add3A_748, %squeeze3A_1300, %dma_start3A_1311, %dma_start3A_1312] : memref<26x12500x8x36xf32, #tpu.memory_space<hbm>> -> memref<1x1x8x36xf32, #tpu.memory_space<hbm>>
        %dma_start3A_1314 = tpu.memref_squeeze %dma_start3A_1313 : memref<1x1x8x36xf32, #tpu.memory_space<hbm>> -> memref<8x36xf32, #tpu.memory_space<hbm>>
        tpu.enqueue_dma source(%dma_start3A_1314 : memref<8x36xf32, #tpu.memory_space<hbm>>) target(%dma_start3A_1310 : memref<8x36xf32, #tpu.memory_space<vmem>>) target_semaphore(%arg13 : memref<!tpu.dma_semaphore, #tpu.memory_space<semaphore_mem>>)
        %slice3A_1315 = vector.extract_strided_slice %shift_right_logical3A_1106 {offsets = [13], sizes = [1], strides = [1]} : vector<16xi32> to vector<1xi32>
        %squeeze3A_1316 = vector.extract %slice3A_1315[0] : i32 from vector<1xi32>
        %dma_start3A_1317 = arith.constant 232 : i32
        %dma_start3A_1318 = arith.constant 0 : i32
        %dma_start3A_1319 = tpu.memref_slice %arg9[%dma_start3A_1317, %dma_start3A_1318] : memref<256x36xf32, #tpu.memory_space<vmem>> -> memref<8x36xf32, #tpu.memory_space<vmem>>
        %dma_start3A_1320 = arith.constant 0 : i32
        %dma_start3A_1321 = arith.constant 0 : i32
        %dma_start3A_1322 = tpu.memref_slice %arg4[%add3A_748, %squeeze3A_1316, %dma_start3A_1320, %dma_start3A_1321] : memref<26x12500x8x36xf32, #tpu.memory_space<hbm>> -> memref<1x1x8x36xf32, #tpu.memory_space<hbm>>
        %dma_start3A_1323 = tpu.memref_squeeze %dma_start3A_1322 : memref<1x1x8x36xf32, #tpu.memory_space<hbm>> -> memref<8x36xf32, #tpu.memory_space<hbm>>
        %dma_start3A_1324 = arith.constant 232 : i32
        %dma_start3A_1325 = arith.constant 0 : i32
        %dma_start3A_1326 = tpu.memref_slice %arg9[%dma_start3A_1324, %dma_start3A_1325] : memref<256x36xf32, #tpu.memory_space<vmem>> -> memref<8x36xf32, #tpu.memory_space<vmem>>
        %dma_start3A_1327 = arith.constant 0 : i32
        %dma_start3A_1328 = arith.constant 0 : i32
        %dma_start3A_1329 = tpu.memref_slice %arg4[%add3A_748, %squeeze3A_1316, %dma_start3A_1327, %dma_start3A_1328] : memref<26x12500x8x36xf32, #tpu.memory_space<hbm>> -> memref<1x1x8x36xf32, #tpu.memory_space<hbm>>
        %dma_start3A_1330 = tpu.memref_squeeze %dma_start3A_1329 : memref<1x1x8x36xf32, #tpu.memory_space<hbm>> -> memref<8x36xf32, #tpu.memory_space<hbm>>
        tpu.enqueue_dma source(%dma_start3A_1330 : memref<8x36xf32, #tpu.memory_space<hbm>>) target(%dma_start3A_1326 : memref<8x36xf32, #tpu.memory_space<vmem>>) target_semaphore(%arg13 : memref<!tpu.dma_semaphore, #tpu.memory_space<semaphore_mem>>)
        %slice3A_1331 = vector.extract_strided_slice %shift_right_logical3A_1106 {offsets = [14], sizes = [1], strides = [1]} : vector<16xi32> to vector<1xi32>
        %squeeze3A_1332 = vector.extract %slice3A_1331[0] : i32 from vector<1xi32>
        %dma_start3A_1333 = arith.constant 240 : i32
        %dma_start3A_1334 = arith.constant 0 : i32
        %dma_start3A_1335 = tpu.memref_slice %arg9[%dma_start3A_1333, %dma_start3A_1334] : memref<256x36xf32, #tpu.memory_space<vmem>> -> memref<8x36xf32, #tpu.memory_space<vmem>>
        %dma_start3A_1336 = arith.constant 0 : i32
        %dma_start3A_1337 = arith.constant 0 : i32
        %dma_start3A_1338 = tpu.memref_slice %arg4[%add3A_748, %squeeze3A_1332, %dma_start3A_1336, %dma_start3A_1337] : memref<26x12500x8x36xf32, #tpu.memory_space<hbm>> -> memref<1x1x8x36xf32, #tpu.memory_space<hbm>>
        %dma_start3A_1339 = tpu.memref_squeeze %dma_start3A_1338 : memref<1x1x8x36xf32, #tpu.memory_space<hbm>> -> memref<8x36xf32, #tpu.memory_space<hbm>>
        %dma_start3A_1340 = arith.constant 240 : i32
        %dma_start3A_1341 = arith.constant 0 : i32
        %dma_start3A_1342 = tpu.memref_slice %arg9[%dma_start3A_1340, %dma_start3A_1341] : memref<256x36xf32, #tpu.memory_space<vmem>> -> memref<8x36xf32, #tpu.memory_space<vmem>>
        %dma_start3A_1343 = arith.constant 0 : i32
        %dma_start3A_1344 = arith.constant 0 : i32
        %dma_start3A_1345 = tpu.memref_slice %arg4[%add3A_748, %squeeze3A_1332, %dma_start3A_1343, %dma_start3A_1344] : memref<26x12500x8x36xf32, #tpu.memory_space<hbm>> -> memref<1x1x8x36xf32, #tpu.memory_space<hbm>>
        %dma_start3A_1346 = tpu.memref_squeeze %dma_start3A_1345 : memref<1x1x8x36xf32, #tpu.memory_space<hbm>> -> memref<8x36xf32, #tpu.memory_space<hbm>>
        tpu.enqueue_dma source(%dma_start3A_1346 : memref<8x36xf32, #tpu.memory_space<hbm>>) target(%dma_start3A_1342 : memref<8x36xf32, #tpu.memory_space<vmem>>) target_semaphore(%arg13 : memref<!tpu.dma_semaphore, #tpu.memory_space<semaphore_mem>>)
        %slice3A_1347 = vector.extract_strided_slice %shift_right_logical3A_1106 {offsets = [15], sizes = [1], strides = [1]} : vector<16xi32> to vector<1xi32>
        %squeeze3A_1348 = vector.extract %slice3A_1347[0] : i32 from vector<1xi32>
        %dma_start3A_1349 = arith.constant 248 : i32
        %dma_start3A_1350 = arith.constant 0 : i32
        %dma_start3A_1351 = tpu.memref_slice %arg9[%dma_start3A_1349, %dma_start3A_1350] : memref<256x36xf32, #tpu.memory_space<vmem>> -> memref<8x36xf32, #tpu.memory_space<vmem>>
        %dma_start3A_1352 = arith.constant 0 : i32
        %dma_start3A_1353 = arith.constant 0 : i32
        %dma_start3A_1354 = tpu.memref_slice %arg4[%add3A_748, %squeeze3A_1348, %dma_start3A_1352, %dma_start3A_1353] : memref<26x12500x8x36xf32, #tpu.memory_space<hbm>> -> memref<1x1x8x36xf32, #tpu.memory_space<hbm>>
        %dma_start3A_1355 = tpu.memref_squeeze %dma_start3A_1354 : memref<1x1x8x36xf32, #tpu.memory_space<hbm>> -> memref<8x36xf32, #tpu.memory_space<hbm>>
        %dma_start3A_1356 = arith.constant 248 : i32
        %dma_start3A_1357 = arith.constant 0 : i32
        %dma_start3A_1358 = tpu.memref_slice %arg9[%dma_start3A_1356, %dma_start3A_1357] : memref<256x36xf32, #tpu.memory_space<vmem>> -> memref<8x36xf32, #tpu.memory_space<vmem>>
        %dma_start3A_1359 = arith.constant 0 : i32
        %dma_start3A_1360 = arith.constant 0 : i32
        %dma_start3A_1361 = tpu.memref_slice %arg4[%add3A_748, %squeeze3A_1348, %dma_start3A_1359, %dma_start3A_1360] : memref<26x12500x8x36xf32, #tpu.memory_space<hbm>> -> memref<1x1x8x36xf32, #tpu.memory_space<hbm>>
        %dma_start3A_1362 = tpu.memref_squeeze %dma_start3A_1361 : memref<1x1x8x36xf32, #tpu.memory_space<hbm>> -> memref<8x36xf32, #tpu.memory_space<hbm>>
        tpu.enqueue_dma source(%dma_start3A_1362 : memref<8x36xf32, #tpu.memory_space<hbm>>) target(%dma_start3A_1358 : memref<8x36xf32, #tpu.memory_space<vmem>>) target_semaphore(%arg13 : memref<!tpu.dma_semaphore, #tpu.memory_space<semaphore_mem>>)
        %mul3A_1363 = arith.constant 36 : i32
        %mul3A_1364 = arith.muli %mul3A_746, %mul3A_1363 : i32
        %add3A_1365 = arith.constant 13 : i32
        %add3A_1366 = arith.addi %add3A_1365, %mul3A_1364 : i32
        %broadcast_in_dim3A_1367 = vector.broadcast %add3A_1366 : i32 to vector<16xi32>
        %dma_wait3A_1368 = arith.constant 0 : i32
        %dma_wait3A_1369 = arith.constant 0 : i32
        %dma_wait3A_1370 = tpu.memref_slice %arg8[%dma_wait3A_1368, %dma_wait3A_1369] : memref<256x36xf32, #tpu.memory_space<vmem>> -> memref<128x36xf32, #tpu.memory_space<vmem>>
        %dma_wait3A_1371 = arith.constant 0 : i32
        %dma_wait3A_1372 = arith.constant 0 : i32
        %dma_wait3A_1373 = tpu.memref_slice %arg5[%dma_wait3A_1371, %dma_wait3A_1372] : memref<256x36xf32, #tpu.memory_space<hbm>> -> memref<128x36xf32, #tpu.memory_space<hbm>>
        %dma_wait3A_1374 = arith.constant 0 : i32
        %dma_wait3A_1375 = arith.constant 0 : i32
        %dma_wait3A_1376 = tpu.memref_slice %arg8[%dma_wait3A_1374, %dma_wait3A_1375] : memref<256x36xf32, #tpu.memory_space<vmem>> -> memref<128x36xf32, #tpu.memory_space<vmem>>
        %dma_wait3A_1377 = arith.constant 0 : i32
        %dma_wait3A_1378 = arith.constant 0 : i32
        %dma_wait3A_1379 = tpu.memref_slice %arg5[%dma_wait3A_1377, %dma_wait3A_1378] : memref<256x36xf32, #tpu.memory_space<hbm>> -> memref<128x36xf32, #tpu.memory_space<hbm>>
        tpu.wait_dma2 semaphore(%arg12 : memref<!tpu.dma_semaphore, #tpu.memory_space<semaphore_mem>>) src(%dma_wait3A_1379 : memref<128x36xf32, #tpu.memory_space<hbm>>) dst(%dma_wait3A_1376 : memref<128x36xf32, #tpu.memory_space<vmem>>)
        %mul3A_1380 = arith.constant 32 : i32
        %mul3A_1381 = arith.muli %scan3A_13, %mul3A_1380 : i32
        %add3A_1382 = arith.constant 0 : i32
        %add3A_1383 = arith.addi %mul3A_1381, %add3A_1382 : i32
        %jit3A_1384 = arith.constant 128 : i32
        %div3A_1385 = arith.divsi %add3A_1383, %jit3A_1384 : i32
        %sign3A_1386 = arith.constant 0 : i32
        %sign3A_1387 = arith.cmpi sgt, %add3A_1383, %sign3A_1386 : i32
        %sign3A_1388 = arith.extui %sign3A_1387 : i1 to i32
        %sign3A_1389 = arith.constant 0 : i32
        %sign3A_1390 = arith.cmpi slt, %add3A_1383, %sign3A_1389 : i32
        %sign3A_1391 = arith.extui %sign3A_1390 : i1 to i32
        %sign3A_1392 = arith.subi %sign3A_1388, %sign3A_1391 : i32
        %sign3A_1393 = arith.constant 0 : i32
        %sign3A_1394 = arith.cmpi sgt, %jit3A_1384, %sign3A_1393 : i32
        %sign3A_1395 = arith.extui %sign3A_1394 : i1 to i32
        %sign3A_1396 = arith.constant 0 : i32
        %sign3A_1397 = arith.cmpi slt, %jit3A_1384, %sign3A_1396 : i32
        %sign3A_1398 = arith.extui %sign3A_1397 : i1 to i32
        %sign3A_1399 = arith.subi %sign3A_1395, %sign3A_1398 : i32
        %ne3A_1400 = arith.cmpi ne, %sign3A_1392, %sign3A_1399 : i32
        %rem3A_1401 = arith.remsi %add3A_1383, %jit3A_1384 : i32
        %ne3A_1402 = arith.constant 0 : i32
        %ne3A_1403 = arith.cmpi ne, %rem3A_1401, %ne3A_1402 : i32
        %and3A_1404 = arith.andi %ne3A_1400, %ne3A_1403 : i1
        %sub3A_1405 = arith.constant 1 : i32
        %sub3A_1406 = arith.subi %div3A_1385, %sub3A_1405 : i32
        %select_n3A_1407 = arith.select %and3A_1404, %sub3A_1406, %div3A_1385 : i32
        %jit3A_1408 = arith.constant 128 : i32
        %eq3A_1409 = arith.constant 0 : i32
        %eq3A_1410 = arith.cmpi eq, %jit3A_1408, %eq3A_1409 : i32
        %jit3A_1411 = arith.constant 1 : i32
        %select_n3A_1412 = arith.select %eq3A_1410, %jit3A_1411, %jit3A_1408 : i32
        %rem3A_1413 = arith.remsi %add3A_1383, %select_n3A_1412 : i32
        %ne3A_1414 = arith.constant 0 : i32
        %ne3A_1415 = arith.cmpi ne, %rem3A_1413, %ne3A_1414 : i32
        %lt3A_1416 = arith.constant 0 : i32
        %lt3A_1417 = arith.cmpi slt, %rem3A_1413, %lt3A_1416 : i32
        %lt3A_1418 = arith.constant 0 : i32
        %lt3A_1419 = arith.cmpi slt, %select_n3A_1412, %lt3A_1418 : i32
        %ne3A_1420 = arith.xori %lt3A_1417, %lt3A_1419 : i1
        %and3A_1421 = arith.andi %ne3A_1420, %ne3A_1415 : i1
        %add3A_1422 = arith.addi %rem3A_1413, %select_n3A_1412 : i32
        %select_n3A_1423 = arith.select %and3A_1421, %add3A_1422, %rem3A_1413 : i32
        %get3A_1424 = arith.index_cast %mul3A_746 : i32 to index
        %get3A_1425 = arith.index_cast %select_n3A_1407 : i32 to index
        %get3A_1426 = arith.index_cast %select_n3A_1423 : i32 to index
        %get3A_1427 = tpu.vector_load %arg7[%get3A_1424, %get3A_1425, %get3A_1426] {strides = array<i32>} : memref<26x4x128xi32, #tpu.memory_space<vmem>>, vector<16xi32>,
        %broadcast_in_dim3A_1428 = arith.constant 7 : i32
        %broadcast_in_dim3A_1429 = vector.broadcast %broadcast_in_dim3A_1428 : i32 to vector<16xi32>
        %and3A_1430 = arith.andi %get3A_1427, %broadcast_in_dim3A_1429 : vector<16xi32>
        %add3A_1431 = arith.constant 0 : i32
        %add3A_1432 = vector.broadcast %add3A_1431 : i32 to vector<16xi32>
        %add3A_1433 = arith.addi %add3A_1432, %iota3A : vector<16xi32>
        %mul3A_1434 = arith.constant 8 : i32
        %mul3A_1435 = vector.broadcast %mul3A_1434 : i32 to vector<16xi32>
        %mul3A_1436 = arith.muli %add3A_1433, %mul3A_1435 : vector<16xi32>
        %add3A_1437 = arith.addi %mul3A_1436, %and3A_1430 : vector<16xi32>
        %broadcast_in_dim3A_1438 = arith.constant 0 : i32
        %broadcast_in_dim3A_1439 = vector.broadcast %broadcast_in_dim3A_1438 : i32 to vector<16xi32>
        %gather3A_1440 = tpu.vector_load_idx %arg8[%add3A_1437, %broadcast_in_dim3A_1439] : memref<256x36xf32, #tpu.memory_space<vmem>>[vector<16xi32>, vector<16xi32>], vector<16xf32>,
        %add3A_1441 = arith.addi %broadcast_in_dim3A_1367, %broadcast_in_dim3A_1439 : vector<16xi32>
        tpu.vector_store_idx %arg11[%add3A_1433, %add3A_1441], %gather3A_1440 : memref<32x949xf32, #tpu.memory_space<vmem>>[vector<16xi32>, vector<16xi32>], vector<16xf32>,
        %broadcast_in_dim3A_1442 = arith.constant 1 : i32
        %broadcast_in_dim3A_1443 = vector.broadcast %broadcast_in_dim3A_1442 : i32 to vector<16xi32>
        %gather3A_1444 = tpu.vector_load_idx %arg8[%add3A_1437, %broadcast_in_dim3A_1443] : memref<256x36xf32, #tpu.memory_space<vmem>>[vector<16xi32>, vector<16xi32>], vector<16xf32>,
        %add3A_1445 = arith.addi %broadcast_in_dim3A_1367, %broadcast_in_dim3A_1443 : vector<16xi32>
        tpu.vector_store_idx %arg11[%add3A_1433, %add3A_1445], %gather3A_1444 : memref<32x949xf32, #tpu.memory_space<vmem>>[vector<16xi32>, vector<16xi32>], vector<16xf32>,
        %broadcast_in_dim3A_1446 = arith.constant 2 : i32
        %broadcast_in_dim3A_1447 = vector.broadcast %broadcast_in_dim3A_1446 : i32 to vector<16xi32>
        %gather3A_1448 = tpu.vector_load_idx %arg8[%add3A_1437, %broadcast_in_dim3A_1447] : memref<256x36xf32, #tpu.memory_space<vmem>>[vector<16xi32>, vector<16xi32>], vector<16xf32>,
        %add3A_1449 = arith.addi %broadcast_in_dim3A_1367, %broadcast_in_dim3A_1447 : vector<16xi32>
        tpu.vector_store_idx %arg11[%add3A_1433, %add3A_1449], %gather3A_1448 : memref<32x949xf32, #tpu.memory_space<vmem>>[vector<16xi32>, vector<16xi32>], vector<16xf32>,
        %broadcast_in_dim3A_1450 = arith.constant 3 : i32
        %broadcast_in_dim3A_1451 = vector.broadcast %broadcast_in_dim3A_1450 : i32 to vector<16xi32>
        %gather3A_1452 = tpu.vector_load_idx %arg8[%add3A_1437, %broadcast_in_dim3A_1451] : memref<256x36xf32, #tpu.memory_space<vmem>>[vector<16xi32>, vector<16xi32>], vector<16xf32>,
        %add3A_1453 = arith.addi %broadcast_in_dim3A_1367, %broadcast_in_dim3A_1451 : vector<16xi32>
        tpu.vector_store_idx %arg11[%add3A_1433, %add3A_1453], %gather3A_1452 : memref<32x949xf32, #tpu.memory_space<vmem>>[vector<16xi32>, vector<16xi32>], vector<16xf32>,
        %broadcast_in_dim3A_1454 = arith.constant 4 : i32
        %broadcast_in_dim3A_1455 = vector.broadcast %broadcast_in_dim3A_1454 : i32 to vector<16xi32>
        %gather3A_1456 = tpu.vector_load_idx %arg8[%add3A_1437, %broadcast_in_dim3A_1455] : memref<256x36xf32, #tpu.memory_space<vmem>>[vector<16xi32>, vector<16xi32>], vector<16xf32>,
        %add3A_1457 = arith.addi %broadcast_in_dim3A_1367, %broadcast_in_dim3A_1455 : vector<16xi32>
        tpu.vector_store_idx %arg11[%add3A_1433, %add3A_1457], %gather3A_1456 : memref<32x949xf32, #tpu.memory_space<vmem>>[vector<16xi32>, vector<16xi32>], vector<16xf32>,
        %broadcast_in_dim3A_1458 = arith.constant 5 : i32
        %broadcast_in_dim3A_1459 = vector.broadcast %broadcast_in_dim3A_1458 : i32 to vector<16xi32>
        %gather3A_1460 = tpu.vector_load_idx %arg8[%add3A_1437, %broadcast_in_dim3A_1459] : memref<256x36xf32, #tpu.memory_space<vmem>>[vector<16xi32>, vector<16xi32>], vector<16xf32>,
        %add3A_1461 = arith.addi %broadcast_in_dim3A_1367, %broadcast_in_dim3A_1459 : vector<16xi32>
        tpu.vector_store_idx %arg11[%add3A_1433, %add3A_1461], %gather3A_1460 : memref<32x949xf32, #tpu.memory_space<vmem>>[vector<16xi32>, vector<16xi32>], vector<16xf32>,
        %broadcast_in_dim3A_1462 = arith.constant 6 : i32
        %broadcast_in_dim3A_1463 = vector.broadcast %broadcast_in_dim3A_1462 : i32 to vector<16xi32>
        %gather3A_1464 = tpu.vector_load_idx %arg8[%add3A_1437, %broadcast_in_dim3A_1463] : memref<256x36xf32, #tpu.memory_space<vmem>>[vector<16xi32>, vector<16xi32>], vector<16xf32>,
        %add3A_1465 = arith.addi %broadcast_in_dim3A_1367, %broadcast_in_dim3A_1463 : vector<16xi32>
        tpu.vector_store_idx %arg11[%add3A_1433, %add3A_1465], %gather3A_1464 : memref<32x949xf32, #tpu.memory_space<vmem>>[vector<16xi32>, vector<16xi32>], vector<16xf32>,
        %broadcast_in_dim3A_1466 = arith.constant 7 : i32
        %broadcast_in_dim3A_1467 = vector.broadcast %broadcast_in_dim3A_1466 : i32 to vector<16xi32>
        %gather3A_1468 = tpu.vector_load_idx %arg8[%add3A_1437, %broadcast_in_dim3A_1467] : memref<256x36xf32, #tpu.memory_space<vmem>>[vector<16xi32>, vector<16xi32>], vector<16xf32>,
        %add3A_1469 = arith.addi %broadcast_in_dim3A_1367, %broadcast_in_dim3A_1467 : vector<16xi32>
        tpu.vector_store_idx %arg11[%add3A_1433, %add3A_1469], %gather3A_1468 : memref<32x949xf32, #tpu.memory_space<vmem>>[vector<16xi32>, vector<16xi32>], vector<16xf32>,
        %broadcast_in_dim3A_1470 = arith.constant 8 : i32
        %broadcast_in_dim3A_1471 = vector.broadcast %broadcast_in_dim3A_1470 : i32 to vector<16xi32>
        %gather3A_1472 = tpu.vector_load_idx %arg8[%add3A_1437, %broadcast_in_dim3A_1471] : memref<256x36xf32, #tpu.memory_space<vmem>>[vector<16xi32>, vector<16xi32>], vector<16xf32>,
        %add3A_1473 = arith.addi %broadcast_in_dim3A_1367, %broadcast_in_dim3A_1471 : vector<16xi32>
        tpu.vector_store_idx %arg11[%add3A_1433, %add3A_1473], %gather3A_1472 : memref<32x949xf32, #tpu.memory_space<vmem>>[vector<16xi32>, vector<16xi32>], vector<16xf32>,
        %broadcast_in_dim3A_1474 = arith.constant 9 : i32
        %broadcast_in_dim3A_1475 = vector.broadcast %broadcast_in_dim3A_1474 : i32 to vector<16xi32>
        %gather3A_1476 = tpu.vector_load_idx %arg8[%add3A_1437, %broadcast_in_dim3A_1475] : memref<256x36xf32, #tpu.memory_space<vmem>>[vector<16xi32>, vector<16xi32>], vector<16xf32>,
        %add3A_1477 = arith.addi %broadcast_in_dim3A_1367, %broadcast_in_dim3A_1475 : vector<16xi32>
        tpu.vector_store_idx %arg11[%add3A_1433, %add3A_1477], %gather3A_1476 : memref<32x949xf32, #tpu.memory_space<vmem>>[vector<16xi32>, vector<16xi32>], vector<16xf32>,
        %broadcast_in_dim3A_1478 = arith.constant 10 : i32
        %broadcast_in_dim3A_1479 = vector.broadcast %broadcast_in_dim3A_1478 : i32 to vector<16xi32>
        %gather3A_1480 = tpu.vector_load_idx %arg8[%add3A_1437, %broadcast_in_dim3A_1479] : memref<256x36xf32, #tpu.memory_space<vmem>>[vector<16xi32>, vector<16xi32>], vector<16xf32>,
        %add3A_1481 = arith.addi %broadcast_in_dim3A_1367, %broadcast_in_dim3A_1479 : vector<16xi32>
        tpu.vector_store_idx %arg11[%add3A_1433, %add3A_1481], %gather3A_1480 : memref<32x949xf32, #tpu.memory_space<vmem>>[vector<16xi32>, vector<16xi32>], vector<16xf32>,
        %broadcast_in_dim3A_1482 = arith.constant 11 : i32
        %broadcast_in_dim3A_1483 = vector.broadcast %broadcast_in_dim3A_1482 : i32 to vector<16xi32>
        %gather3A_1484 = tpu.vector_load_idx %arg8[%add3A_1437, %broadcast_in_dim3A_1483] : memref<256x36xf32, #tpu.memory_space<vmem>>[vector<16xi32>, vector<16xi32>], vector<16xf32>,
        %add3A_1485 = arith.addi %broadcast_in_dim3A_1367, %broadcast_in_dim3A_1483 : vector<16xi32>
        tpu.vector_store_idx %arg11[%add3A_1433, %add3A_1485], %gather3A_1484 : memref<32x949xf32, #tpu.memory_space<vmem>>[vector<16xi32>, vector<16xi32>], vector<16xf32>,
        %broadcast_in_dim3A_1486 = arith.constant 12 : i32
        %broadcast_in_dim3A_1487 = vector.broadcast %broadcast_in_dim3A_1486 : i32 to vector<16xi32>
        %gather3A_1488 = tpu.vector_load_idx %arg8[%add3A_1437, %broadcast_in_dim3A_1487] : memref<256x36xf32, #tpu.memory_space<vmem>>[vector<16xi32>, vector<16xi32>], vector<16xf32>,
        %add3A_1489 = arith.addi %broadcast_in_dim3A_1367, %broadcast_in_dim3A_1487 : vector<16xi32>
        tpu.vector_store_idx %arg11[%add3A_1433, %add3A_1489], %gather3A_1488 : memref<32x949xf32, #tpu.memory_space<vmem>>[vector<16xi32>, vector<16xi32>], vector<16xf32>,
        %broadcast_in_dim3A_1490 = arith.constant 13 : i32
        %broadcast_in_dim3A_1491 = vector.broadcast %broadcast_in_dim3A_1490 : i32 to vector<16xi32>
        %gather3A_1492 = tpu.vector_load_idx %arg8[%add3A_1437, %broadcast_in_dim3A_1491] : memref<256x36xf32, #tpu.memory_space<vmem>>[vector<16xi32>, vector<16xi32>], vector<16xf32>,
        %add3A_1493 = arith.addi %broadcast_in_dim3A_1367, %broadcast_in_dim3A_1491 : vector<16xi32>
        tpu.vector_store_idx %arg11[%add3A_1433, %add3A_1493], %gather3A_1492 : memref<32x949xf32, #tpu.memory_space<vmem>>[vector<16xi32>, vector<16xi32>], vector<16xf32>,
        %broadcast_in_dim3A_1494 = arith.constant 14 : i32
        %broadcast_in_dim3A_1495 = vector.broadcast %broadcast_in_dim3A_1494 : i32 to vector<16xi32>
        %gather3A_1496 = tpu.vector_load_idx %arg8[%add3A_1437, %broadcast_in_dim3A_1495] : memref<256x36xf32, #tpu.memory_space<vmem>>[vector<16xi32>, vector<16xi32>], vector<16xf32>,
        %add3A_1497 = arith.addi %broadcast_in_dim3A_1367, %broadcast_in_dim3A_1495 : vector<16xi32>
        tpu.vector_store_idx %arg11[%add3A_1433, %add3A_1497], %gather3A_1496 : memref<32x949xf32, #tpu.memory_space<vmem>>[vector<16xi32>, vector<16xi32>], vector<16xf32>,
        %broadcast_in_dim3A_1498 = arith.constant 15 : i32
        %broadcast_in_dim3A_1499 = vector.broadcast %broadcast_in_dim3A_1498 : i32 to vector<16xi32>
        %gather3A_1500 = tpu.vector_load_idx %arg8[%add3A_1437, %broadcast_in_dim3A_1499] : memref<256x36xf32, #tpu.memory_space<vmem>>[vector<16xi32>, vector<16xi32>], vector<16xf32>,
        %add3A_1501 = arith.addi %broadcast_in_dim3A_1367, %broadcast_in_dim3A_1499 : vector<16xi32>
        tpu.vector_store_idx %arg11[%add3A_1433, %add3A_1501], %gather3A_1500 : memref<32x949xf32, #tpu.memory_space<vmem>>[vector<16xi32>, vector<16xi32>], vector<16xf32>,
        %broadcast_in_dim3A_1502 = arith.constant 16 : i32
        %broadcast_in_dim3A_1503 = vector.broadcast %broadcast_in_dim3A_1502 : i32 to vector<16xi32>
        %gather3A_1504 = tpu.vector_load_idx %arg8[%add3A_1437, %broadcast_in_dim3A_1503] : memref<256x36xf32, #tpu.memory_space<vmem>>[vector<16xi32>, vector<16xi32>], vector<16xf32>,
        %add3A_1505 = arith.addi %broadcast_in_dim3A_1367, %broadcast_in_dim3A_1503 : vector<16xi32>
        tpu.vector_store_idx %arg11[%add3A_1433, %add3A_1505], %gather3A_1504 : memref<32x949xf32, #tpu.memory_space<vmem>>[vector<16xi32>, vector<16xi32>], vector<16xf32>,
        %broadcast_in_dim3A_1506 = arith.constant 17 : i32
        %broadcast_in_dim3A_1507 = vector.broadcast %broadcast_in_dim3A_1506 : i32 to vector<16xi32>
        %gather3A_1508 = tpu.vector_load_idx %arg8[%add3A_1437, %broadcast_in_dim3A_1507] : memref<256x36xf32, #tpu.memory_space<vmem>>[vector<16xi32>, vector<16xi32>], vector<16xf32>,
        %add3A_1509 = arith.addi %broadcast_in_dim3A_1367, %broadcast_in_dim3A_1507 : vector<16xi32>
        tpu.vector_store_idx %arg11[%add3A_1433, %add3A_1509], %gather3A_1508 : memref<32x949xf32, #tpu.memory_space<vmem>>[vector<16xi32>, vector<16xi32>], vector<16xf32>,
        %broadcast_in_dim3A_1510 = arith.constant 18 : i32
        %broadcast_in_dim3A_1511 = vector.broadcast %broadcast_in_dim3A_1510 : i32 to vector<16xi32>
        %gather3A_1512 = tpu.vector_load_idx %arg8[%add3A_1437, %broadcast_in_dim3A_1511] : memref<256x36xf32, #tpu.memory_space<vmem>>[vector<16xi32>, vector<16xi32>], vector<16xf32>,
        %add3A_1513 = arith.addi %broadcast_in_dim3A_1367, %broadcast_in_dim3A_1511 : vector<16xi32>
        tpu.vector_store_idx %arg11[%add3A_1433, %add3A_1513], %gather3A_1512 : memref<32x949xf32, #tpu.memory_space<vmem>>[vector<16xi32>, vector<16xi32>], vector<16xf32>,
        %broadcast_in_dim3A_1514 = arith.constant 19 : i32
        %broadcast_in_dim3A_1515 = vector.broadcast %broadcast_in_dim3A_1514 : i32 to vector<16xi32>
        %gather3A_1516 = tpu.vector_load_idx %arg8[%add3A_1437, %broadcast_in_dim3A_1515] : memref<256x36xf32, #tpu.memory_space<vmem>>[vector<16xi32>, vector<16xi32>], vector<16xf32>,
        %add3A_1517 = arith.addi %broadcast_in_dim3A_1367, %broadcast_in_dim3A_1515 : vector<16xi32>
        tpu.vector_store_idx %arg11[%add3A_1433, %add3A_1517], %gather3A_1516 : memref<32x949xf32, #tpu.memory_space<vmem>>[vector<16xi32>, vector<16xi32>], vector<16xf32>,
        %broadcast_in_dim3A_1518 = arith.constant 20 : i32
        %broadcast_in_dim3A_1519 = vector.broadcast %broadcast_in_dim3A_1518 : i32 to vector<16xi32>
        %gather3A_1520 = tpu.vector_load_idx %arg8[%add3A_1437, %broadcast_in_dim3A_1519] : memref<256x36xf32, #tpu.memory_space<vmem>>[vector<16xi32>, vector<16xi32>], vector<16xf32>,
        %add3A_1521 = arith.addi %broadcast_in_dim3A_1367, %broadcast_in_dim3A_1519 : vector<16xi32>
        tpu.vector_store_idx %arg11[%add3A_1433, %add3A_1521], %gather3A_1520 : memref<32x949xf32, #tpu.memory_space<vmem>>[vector<16xi32>, vector<16xi32>], vector<16xf32>,
        %broadcast_in_dim3A_1522 = arith.constant 21 : i32
        %broadcast_in_dim3A_1523 = vector.broadcast %broadcast_in_dim3A_1522 : i32 to vector<16xi32>
        %gather3A_1524 = tpu.vector_load_idx %arg8[%add3A_1437, %broadcast_in_dim3A_1523] : memref<256x36xf32, #tpu.memory_space<vmem>>[vector<16xi32>, vector<16xi32>], vector<16xf32>,
        %add3A_1525 = arith.addi %broadcast_in_dim3A_1367, %broadcast_in_dim3A_1523 : vector<16xi32>
        tpu.vector_store_idx %arg11[%add3A_1433, %add3A_1525], %gather3A_1524 : memref<32x949xf32, #tpu.memory_space<vmem>>[vector<16xi32>, vector<16xi32>], vector<16xf32>,
        %broadcast_in_dim3A_1526 = arith.constant 22 : i32
        %broadcast_in_dim3A_1527 = vector.broadcast %broadcast_in_dim3A_1526 : i32 to vector<16xi32>
        %gather3A_1528 = tpu.vector_load_idx %arg8[%add3A_1437, %broadcast_in_dim3A_1527] : memref<256x36xf32, #tpu.memory_space<vmem>>[vector<16xi32>, vector<16xi32>], vector<16xf32>,
        %add3A_1529 = arith.addi %broadcast_in_dim3A_1367, %broadcast_in_dim3A_1527 : vector<16xi32>
        tpu.vector_store_idx %arg11[%add3A_1433, %add3A_1529], %gather3A_1528 : memref<32x949xf32, #tpu.memory_space<vmem>>[vector<16xi32>, vector<16xi32>], vector<16xf32>,
        %broadcast_in_dim3A_1530 = arith.constant 23 : i32
        %broadcast_in_dim3A_1531 = vector.broadcast %broadcast_in_dim3A_1530 : i32 to vector<16xi32>
        %gather3A_1532 = tpu.vector_load_idx %arg8[%add3A_1437, %broadcast_in_dim3A_1531] : memref<256x36xf32, #tpu.memory_space<vmem>>[vector<16xi32>, vector<16xi32>], vector<16xf32>,
        %add3A_1533 = arith.addi %broadcast_in_dim3A_1367, %broadcast_in_dim3A_1531 : vector<16xi32>
        tpu.vector_store_idx %arg11[%add3A_1433, %add3A_1533], %gather3A_1532 : memref<32x949xf32, #tpu.memory_space<vmem>>[vector<16xi32>, vector<16xi32>], vector<16xf32>,
        %broadcast_in_dim3A_1534 = arith.constant 24 : i32
        %broadcast_in_dim3A_1535 = vector.broadcast %broadcast_in_dim3A_1534 : i32 to vector<16xi32>
        %gather3A_1536 = tpu.vector_load_idx %arg8[%add3A_1437, %broadcast_in_dim3A_1535] : memref<256x36xf32, #tpu.memory_space<vmem>>[vector<16xi32>, vector<16xi32>], vector<16xf32>,
        %add3A_1537 = arith.addi %broadcast_in_dim3A_1367, %broadcast_in_dim3A_1535 : vector<16xi32>
        tpu.vector_store_idx %arg11[%add3A_1433, %add3A_1537], %gather3A_1536 : memref<32x949xf32, #tpu.memory_space<vmem>>[vector<16xi32>, vector<16xi32>], vector<16xf32>,
        %broadcast_in_dim3A_1538 = arith.constant 25 : i32
        %broadcast_in_dim3A_1539 = vector.broadcast %broadcast_in_dim3A_1538 : i32 to vector<16xi32>
        %gather3A_1540 = tpu.vector_load_idx %arg8[%add3A_1437, %broadcast_in_dim3A_1539] : memref<256x36xf32, #tpu.memory_space<vmem>>[vector<16xi32>, vector<16xi32>], vector<16xf32>,
        %add3A_1541 = arith.addi %broadcast_in_dim3A_1367, %broadcast_in_dim3A_1539 : vector<16xi32>
        tpu.vector_store_idx %arg11[%add3A_1433, %add3A_1541], %gather3A_1540 : memref<32x949xf32, #tpu.memory_space<vmem>>[vector<16xi32>, vector<16xi32>], vector<16xf32>,
        %broadcast_in_dim3A_1542 = arith.constant 26 : i32
        %broadcast_in_dim3A_1543 = vector.broadcast %broadcast_in_dim3A_1542 : i32 to vector<16xi32>
        %gather3A_1544 = tpu.vector_load_idx %arg8[%add3A_1437, %broadcast_in_dim3A_1543] : memref<256x36xf32, #tpu.memory_space<vmem>>[vector<16xi32>, vector<16xi32>], vector<16xf32>,
        %add3A_1545 = arith.addi %broadcast_in_dim3A_1367, %broadcast_in_dim3A_1543 : vector<16xi32>
        tpu.vector_store_idx %arg11[%add3A_1433, %add3A_1545], %gather3A_1544 : memref<32x949xf32, #tpu.memory_space<vmem>>[vector<16xi32>, vector<16xi32>], vector<16xf32>,
        %broadcast_in_dim3A_1546 = arith.constant 27 : i32
        %broadcast_in_dim3A_1547 = vector.broadcast %broadcast_in_dim3A_1546 : i32 to vector<16xi32>
        %gather3A_1548 = tpu.vector_load_idx %arg8[%add3A_1437, %broadcast_in_dim3A_1547] : memref<256x36xf32, #tpu.memory_space<vmem>>[vector<16xi32>, vector<16xi32>], vector<16xf32>,
        %add3A_1549 = arith.addi %broadcast_in_dim3A_1367, %broadcast_in_dim3A_1547 : vector<16xi32>
        tpu.vector_store_idx %arg11[%add3A_1433, %add3A_1549], %gather3A_1548 : memref<32x949xf32, #tpu.memory_space<vmem>>[vector<16xi32>, vector<16xi32>], vector<16xf32>,
        %broadcast_in_dim3A_1550 = arith.constant 28 : i32
        %broadcast_in_dim3A_1551 = vector.broadcast %broadcast_in_dim3A_1550 : i32 to vector<16xi32>
        %gather3A_1552 = tpu.vector_load_idx %arg8[%add3A_1437, %broadcast_in_dim3A_1551] : memref<256x36xf32, #tpu.memory_space<vmem>>[vector<16xi32>, vector<16xi32>], vector<16xf32>,
        %add3A_1553 = arith.addi %broadcast_in_dim3A_1367, %broadcast_in_dim3A_1551 : vector<16xi32>
        tpu.vector_store_idx %arg11[%add3A_1433, %add3A_1553], %gather3A_1552 : memref<32x949xf32, #tpu.memory_space<vmem>>[vector<16xi32>, vector<16xi32>], vector<16xf32>,
        %broadcast_in_dim3A_1554 = arith.constant 29 : i32
        %broadcast_in_dim3A_1555 = vector.broadcast %broadcast_in_dim3A_1554 : i32 to vector<16xi32>
        %gather3A_1556 = tpu.vector_load_idx %arg8[%add3A_1437, %broadcast_in_dim3A_1555] : memref<256x36xf32, #tpu.memory_space<vmem>>[vector<16xi32>, vector<16xi32>], vector<16xf32>,
        %add3A_1557 = arith.addi %broadcast_in_dim3A_1367, %broadcast_in_dim3A_1555 : vector<16xi32>
        tpu.vector_store_idx %arg11[%add3A_1433, %add3A_1557], %gather3A_1556 : memref<32x949xf32, #tpu.memory_space<vmem>>[vector<16xi32>, vector<16xi32>], vector<16xf32>,
        %broadcast_in_dim3A_1558 = arith.constant 30 : i32
        %broadcast_in_dim3A_1559 = vector.broadcast %broadcast_in_dim3A_1558 : i32 to vector<16xi32>
        %gather3A_1560 = tpu.vector_load_idx %arg8[%add3A_1437, %broadcast_in_dim3A_1559] : memref<256x36xf32, #tpu.memory_space<vmem>>[vector<16xi32>, vector<16xi32>], vector<16xf32>,
        %add3A_1561 = arith.addi %broadcast_in_dim3A_1367, %broadcast_in_dim3A_1559 : vector<16xi32>
        tpu.vector_store_idx %arg11[%add3A_1433, %add3A_1561], %gather3A_1560 : memref<32x949xf32, #tpu.memory_space<vmem>>[vector<16xi32>, vector<16xi32>], vector<16xf32>,
        %broadcast_in_dim3A_1562 = arith.constant 31 : i32
        %broadcast_in_dim3A_1563 = vector.broadcast %broadcast_in_dim3A_1562 : i32 to vector<16xi32>
        %gather3A_1564 = tpu.vector_load_idx %arg8[%add3A_1437, %broadcast_in_dim3A_1563] : memref<256x36xf32, #tpu.memory_space<vmem>>[vector<16xi32>, vector<16xi32>], vector<16xf32>,
        %add3A_1565 = arith.addi %broadcast_in_dim3A_1367, %broadcast_in_dim3A_1563 : vector<16xi32>
        tpu.vector_store_idx %arg11[%add3A_1433, %add3A_1565], %gather3A_1564 : memref<32x949xf32, #tpu.memory_space<vmem>>[vector<16xi32>, vector<16xi32>], vector<16xf32>,
        %broadcast_in_dim3A_1566 = arith.constant 32 : i32
        %broadcast_in_dim3A_1567 = vector.broadcast %broadcast_in_dim3A_1566 : i32 to vector<16xi32>
        %gather3A_1568 = tpu.vector_load_idx %arg8[%add3A_1437, %broadcast_in_dim3A_1567] : memref<256x36xf32, #tpu.memory_space<vmem>>[vector<16xi32>, vector<16xi32>], vector<16xf32>,
        %add3A_1569 = arith.addi %broadcast_in_dim3A_1367, %broadcast_in_dim3A_1567 : vector<16xi32>
        tpu.vector_store_idx %arg11[%add3A_1433, %add3A_1569], %gather3A_1568 : memref<32x949xf32, #tpu.memory_space<vmem>>[vector<16xi32>, vector<16xi32>], vector<16xf32>,
        %broadcast_in_dim3A_1570 = arith.constant 33 : i32
        %broadcast_in_dim3A_1571 = vector.broadcast %broadcast_in_dim3A_1570 : i32 to vector<16xi32>
        %gather3A_1572 = tpu.vector_load_idx %arg8[%add3A_1437, %broadcast_in_dim3A_1571] : memref<256x36xf32, #tpu.memory_space<vmem>>[vector<16xi32>, vector<16xi32>], vector<16xf32>,
        %add3A_1573 = arith.addi %broadcast_in_dim3A_1367, %broadcast_in_dim3A_1571 : vector<16xi32>
        tpu.vector_store_idx %arg11[%add3A_1433, %add3A_1573], %gather3A_1572 : memref<32x949xf32, #tpu.memory_space<vmem>>[vector<16xi32>, vector<16xi32>], vector<16xf32>,
        %broadcast_in_dim3A_1574 = arith.constant 34 : i32
        %broadcast_in_dim3A_1575 = vector.broadcast %broadcast_in_dim3A_1574 : i32 to vector<16xi32>
        %gather3A_1576 = tpu.vector_load_idx %arg8[%add3A_1437, %broadcast_in_dim3A_1575] : memref<256x36xf32, #tpu.memory_space<vmem>>[vector<16xi32>, vector<16xi32>], vector<16xf32>,
        %add3A_1577 = arith.addi %broadcast_in_dim3A_1367, %broadcast_in_dim3A_1575 : vector<16xi32>
        tpu.vector_store_idx %arg11[%add3A_1433, %add3A_1577], %gather3A_1576 : memref<32x949xf32, #tpu.memory_space<vmem>>[vector<16xi32>, vector<16xi32>], vector<16xf32>,
        %broadcast_in_dim3A_1578 = arith.constant 35 : i32
        %broadcast_in_dim3A_1579 = vector.broadcast %broadcast_in_dim3A_1578 : i32 to vector<16xi32>
        %gather3A_1580 = tpu.vector_load_idx %arg8[%add3A_1437, %broadcast_in_dim3A_1579] : memref<256x36xf32, #tpu.memory_space<vmem>>[vector<16xi32>, vector<16xi32>], vector<16xf32>,
        %add3A_1581 = arith.addi %broadcast_in_dim3A_1367, %broadcast_in_dim3A_1579 : vector<16xi32>
        tpu.vector_store_idx %arg11[%add3A_1433, %add3A_1581], %gather3A_1580 : memref<32x949xf32, #tpu.memory_space<vmem>>[vector<16xi32>, vector<16xi32>], vector<16xf32>,
        %dma_wait3A_1582 = arith.constant 128 : i32
        %dma_wait3A_1583 = arith.constant 0 : i32
        %dma_wait3A_1584 = tpu.memref_slice %arg8[%dma_wait3A_1582, %dma_wait3A_1583] : memref<256x36xf32, #tpu.memory_space<vmem>> -> memref<128x36xf32, #tpu.memory_space<vmem>>
        %dma_wait3A_1585 = arith.constant 0 : i32
        %dma_wait3A_1586 = arith.constant 0 : i32
        %dma_wait3A_1587 = tpu.memref_slice %arg5[%dma_wait3A_1585, %dma_wait3A_1586] : memref<256x36xf32, #tpu.memory_space<hbm>> -> memref<128x36xf32, #tpu.memory_space<hbm>>
        %dma_wait3A_1588 = arith.constant 128 : i32
        %dma_wait3A_1589 = arith.constant 0 : i32
        %dma_wait3A_1590 = tpu.memref_slice %arg8[%dma_wait3A_1588, %dma_wait3A_1589] : memref<256x36xf32, #tpu.memory_space<vmem>> -> memref<128x36xf32, #tpu.memory_space<vmem>>
        %dma_wait3A_1591 = arith.constant 0 : i32
        %dma_wait3A_1592 = arith.constant 0 : i32
        %dma_wait3A_1593 = tpu.memref_slice %arg5[%dma_wait3A_1591, %dma_wait3A_1592] : memref<256x36xf32, #tpu.memory_space<hbm>> -> memref<128x36xf32, #tpu.memory_space<hbm>>
        tpu.wait_dma2 semaphore(%arg12 : memref<!tpu.dma_semaphore, #tpu.memory_space<semaphore_mem>>) src(%dma_wait3A_1593 : memref<128x36xf32, #tpu.memory_space<hbm>>) dst(%dma_wait3A_1590 : memref<128x36xf32, #tpu.memory_space<vmem>>)
        %mul3A_1594 = arith.constant 32 : i32
        %mul3A_1595 = arith.muli %scan3A_13, %mul3A_1594 : i32
        %add3A_1596 = arith.constant 16 : i32
        %add3A_1597 = arith.addi %mul3A_1595, %add3A_1596 : i32
        %jit3A_1598 = arith.constant 128 : i32
        %div3A_1599 = arith.divsi %add3A_1597, %jit3A_1598 : i32
        %sign3A_1600 = arith.constant 0 : i32
        %sign3A_1601 = arith.cmpi sgt, %add3A_1597, %sign3A_1600 : i32
        %sign3A_1602 = arith.extui %sign3A_1601 : i1 to i32
        %sign3A_1603 = arith.constant 0 : i32
        %sign3A_1604 = arith.cmpi slt, %add3A_1597, %sign3A_1603 : i32
        %sign3A_1605 = arith.extui %sign3A_1604 : i1 to i32
        %sign3A_1606 = arith.subi %sign3A_1602, %sign3A_1605 : i32
        %sign3A_1607 = arith.constant 0 : i32
        %sign3A_1608 = arith.cmpi sgt, %jit3A_1598, %sign3A_1607 : i32
        %sign3A_1609 = arith.extui %sign3A_1608 : i1 to i32
        %sign3A_1610 = arith.constant 0 : i32
        %sign3A_1611 = arith.cmpi slt, %jit3A_1598, %sign3A_1610 : i32
        %sign3A_1612 = arith.extui %sign3A_1611 : i1 to i32
        %sign3A_1613 = arith.subi %sign3A_1609, %sign3A_1612 : i32
        %ne3A_1614 = arith.cmpi ne, %sign3A_1606, %sign3A_1613 : i32
        %rem3A_1615 = arith.remsi %add3A_1597, %jit3A_1598 : i32
        %ne3A_1616 = arith.constant 0 : i32
        %ne3A_1617 = arith.cmpi ne, %rem3A_1615, %ne3A_1616 : i32
        %and3A_1618 = arith.andi %ne3A_1614, %ne3A_1617 : i1
        %sub3A_1619 = arith.constant 1 : i32
        %sub3A_1620 = arith.subi %div3A_1599, %sub3A_1619 : i32
        %select_n3A_1621 = arith.select %and3A_1618, %sub3A_1620, %div3A_1599 : i32
        %jit3A_1622 = arith.constant 128 : i32
        %eq3A_1623 = arith.constant 0 : i32
        %eq3A_1624 = arith.cmpi eq, %jit3A_1622, %eq3A_1623 : i32
        %jit3A_1625 = arith.constant 1 : i32
        %select_n3A_1626 = arith.select %eq3A_1624, %jit3A_1625, %jit3A_1622 : i32
        %rem3A_1627 = arith.remsi %add3A_1597, %select_n3A_1626 : i32
        %ne3A_1628 = arith.constant 0 : i32
        %ne3A_1629 = arith.cmpi ne, %rem3A_1627, %ne3A_1628 : i32
        %lt3A_1630 = arith.constant 0 : i32
        %lt3A_1631 = arith.cmpi slt, %rem3A_1627, %lt3A_1630 : i32
        %lt3A_1632 = arith.constant 0 : i32
        %lt3A_1633 = arith.cmpi slt, %select_n3A_1626, %lt3A_1632 : i32
        %ne3A_1634 = arith.xori %lt3A_1631, %lt3A_1633 : i1
        %and3A_1635 = arith.andi %ne3A_1634, %ne3A_1629 : i1
        %add3A_1636 = arith.addi %rem3A_1627, %select_n3A_1626 : i32
        %select_n3A_1637 = arith.select %and3A_1635, %add3A_1636, %rem3A_1627 : i32
        %get3A_1638 = arith.index_cast %mul3A_746 : i32 to index
        %get3A_1639 = arith.index_cast %select_n3A_1621 : i32 to index
        %get3A_1640 = arith.index_cast %select_n3A_1637 : i32 to index
        %get3A_1641 = tpu.vector_load %arg7[%get3A_1638, %get3A_1639, %get3A_1640] {strides = array<i32>} : memref<26x4x128xi32, #tpu.memory_space<vmem>>, vector<16xi32>,
        %broadcast_in_dim3A_1642 = arith.constant 7 : i32
        %broadcast_in_dim3A_1643 = vector.broadcast %broadcast_in_dim3A_1642 : i32 to vector<16xi32>
        %and3A_1644 = arith.andi %get3A_1641, %broadcast_in_dim3A_1643 : vector<16xi32>
        %add3A_1645 = arith.constant 16 : i32
        %add3A_1646 = vector.broadcast %add3A_1645 : i32 to vector<16xi32>
        %add3A_1647 = arith.addi %add3A_1646, %iota3A : vector<16xi32>
        %mul3A_1648 = arith.constant 8 : i32
        %mul3A_1649 = vector.broadcast %mul3A_1648 : i32 to vector<16xi32>
        %mul3A_1650 = arith.muli %add3A_1647, %mul3A_1649 : vector<16xi32>
        %add3A_1651 = arith.addi %mul3A_1650, %and3A_1644 : vector<16xi32>
        %broadcast_in_dim3A_1652 = arith.constant 0 : i32
        %broadcast_in_dim3A_1653 = vector.broadcast %broadcast_in_dim3A_1652 : i32 to vector<16xi32>
        %gather3A_1654 = tpu.vector_load_idx %arg8[%add3A_1651, %broadcast_in_dim3A_1653] : memref<256x36xf32, #tpu.memory_space<vmem>>[vector<16xi32>, vector<16xi32>], vector<16xf32>,
        %add3A_1655 = arith.addi %broadcast_in_dim3A_1367, %broadcast_in_dim3A_1653 : vector<16xi32>
        tpu.vector_store_idx %arg11[%add3A_1647, %add3A_1655], %gather3A_1654 : memref<32x949xf32, #tpu.memory_space<vmem>>[vector<16xi32>, vector<16xi32>], vector<16xf32>,
        %broadcast_in_dim3A_1656 = arith.constant 1 : i32
        %broadcast_in_dim3A_1657 = vector.broadcast %broadcast_in_dim3A_1656 : i32 to vector<16xi32>
        %gather3A_1658 = tpu.vector_load_idx %arg8[%add3A_1651, %broadcast_in_dim3A_1657] : memref<256x36xf32, #tpu.memory_space<vmem>>[vector<16xi32>, vector<16xi32>], vector<16xf32>,
        %add3A_1659 = arith.addi %broadcast_in_dim3A_1367, %broadcast_in_dim3A_1657 : vector<16xi32>
        tpu.vector_store_idx %arg11[%add3A_1647, %add3A_1659], %gather3A_1658 : memref<32x949xf32, #tpu.memory_space<vmem>>[vector<16xi32>, vector<16xi32>], vector<16xf32>,
        %broadcast_in_dim3A_1660 = arith.constant 2 : i32
        %broadcast_in_dim3A_1661 = vector.broadcast %broadcast_in_dim3A_1660 : i32 to vector<16xi32>
        %gather3A_1662 = tpu.vector_load_idx %arg8[%add3A_1651, %broadcast_in_dim3A_1661] : memref<256x36xf32, #tpu.memory_space<vmem>>[vector<16xi32>, vector<16xi32>], vector<16xf32>,
        %add3A_1663 = arith.addi %broadcast_in_dim3A_1367, %broadcast_in_dim3A_1661 : vector<16xi32>
        tpu.vector_store_idx %arg11[%add3A_1647, %add3A_1663], %gather3A_1662 : memref<32x949xf32, #tpu.memory_space<vmem>>[vector<16xi32>, vector<16xi32>], vector<16xf32>,
        %broadcast_in_dim3A_1664 = arith.constant 3 : i32
        %broadcast_in_dim3A_1665 = vector.broadcast %broadcast_in_dim3A_1664 : i32 to vector<16xi32>
        %gather3A_1666 = tpu.vector_load_idx %arg8[%add3A_1651, %broadcast_in_dim3A_1665] : memref<256x36xf32, #tpu.memory_space<vmem>>[vector<16xi32>, vector<16xi32>], vector<16xf32>,
        %add3A_1667 = arith.addi %broadcast_in_dim3A_1367, %broadcast_in_dim3A_1665 : vector<16xi32>
        tpu.vector_store_idx %arg11[%add3A_1647, %add3A_1667], %gather3A_1666 : memref<32x949xf32, #tpu.memory_space<vmem>>[vector<16xi32>, vector<16xi32>], vector<16xf32>,
        %broadcast_in_dim3A_1668 = arith.constant 4 : i32
        %broadcast_in_dim3A_1669 = vector.broadcast %broadcast_in_dim3A_1668 : i32 to vector<16xi32>
        %gather3A_1670 = tpu.vector_load_idx %arg8[%add3A_1651, %broadcast_in_dim3A_1669] : memref<256x36xf32, #tpu.memory_space<vmem>>[vector<16xi32>, vector<16xi32>], vector<16xf32>,
        %add3A_1671 = arith.addi %broadcast_in_dim3A_1367, %broadcast_in_dim3A_1669 : vector<16xi32>
        tpu.vector_store_idx %arg11[%add3A_1647, %add3A_1671], %gather3A_1670 : memref<32x949xf32, #tpu.memory_space<vmem>>[vector<16xi32>, vector<16xi32>], vector<16xf32>,
        %broadcast_in_dim3A_1672 = arith.constant 5 : i32
        %broadcast_in_dim3A_1673 = vector.broadcast %broadcast_in_dim3A_1672 : i32 to vector<16xi32>
        %gather3A_1674 = tpu.vector_load_idx %arg8[%add3A_1651, %broadcast_in_dim3A_1673] : memref<256x36xf32, #tpu.memory_space<vmem>>[vector<16xi32>, vector<16xi32>], vector<16xf32>,
        %add3A_1675 = arith.addi %broadcast_in_dim3A_1367, %broadcast_in_dim3A_1673 : vector<16xi32>
        tpu.vector_store_idx %arg11[%add3A_1647, %add3A_1675], %gather3A_1674 : memref<32x949xf32, #tpu.memory_space<vmem>>[vector<16xi32>, vector<16xi32>], vector<16xf32>,
        %broadcast_in_dim3A_1676 = arith.constant 6 : i32
        %broadcast_in_dim3A_1677 = vector.broadcast %broadcast_in_dim3A_1676 : i32 to vector<16xi32>
        %gather3A_1678 = tpu.vector_load_idx %arg8[%add3A_1651, %broadcast_in_dim3A_1677] : memref<256x36xf32, #tpu.memory_space<vmem>>[vector<16xi32>, vector<16xi32>], vector<16xf32>,
        %add3A_1679 = arith.addi %broadcast_in_dim3A_1367, %broadcast_in_dim3A_1677 : vector<16xi32>
        tpu.vector_store_idx %arg11[%add3A_1647, %add3A_1679], %gather3A_1678 : memref<32x949xf32, #tpu.memory_space<vmem>>[vector<16xi32>, vector<16xi32>], vector<16xf32>,
        %broadcast_in_dim3A_1680 = arith.constant 7 : i32
        %broadcast_in_dim3A_1681 = vector.broadcast %broadcast_in_dim3A_1680 : i32 to vector<16xi32>
        %gather3A_1682 = tpu.vector_load_idx %arg8[%add3A_1651, %broadcast_in_dim3A_1681] : memref<256x36xf32, #tpu.memory_space<vmem>>[vector<16xi32>, vector<16xi32>], vector<16xf32>,
        %add3A_1683 = arith.addi %broadcast_in_dim3A_1367, %broadcast_in_dim3A_1681 : vector<16xi32>
        tpu.vector_store_idx %arg11[%add3A_1647, %add3A_1683], %gather3A_1682 : memref<32x949xf32, #tpu.memory_space<vmem>>[vector<16xi32>, vector<16xi32>], vector<16xf32>,
        %broadcast_in_dim3A_1684 = arith.constant 8 : i32
        %broadcast_in_dim3A_1685 = vector.broadcast %broadcast_in_dim3A_1684 : i32 to vector<16xi32>
        %gather3A_1686 = tpu.vector_load_idx %arg8[%add3A_1651, %broadcast_in_dim3A_1685] : memref<256x36xf32, #tpu.memory_space<vmem>>[vector<16xi32>, vector<16xi32>], vector<16xf32>,
        %add3A_1687 = arith.addi %broadcast_in_dim3A_1367, %broadcast_in_dim3A_1685 : vector<16xi32>
        tpu.vector_store_idx %arg11[%add3A_1647, %add3A_1687], %gather3A_1686 : memref<32x949xf32, #tpu.memory_space<vmem>>[vector<16xi32>, vector<16xi32>], vector<16xf32>,
        %broadcast_in_dim3A_1688 = arith.constant 9 : i32
        %broadcast_in_dim3A_1689 = vector.broadcast %broadcast_in_dim3A_1688 : i32 to vector<16xi32>
        %gather3A_1690 = tpu.vector_load_idx %arg8[%add3A_1651, %broadcast_in_dim3A_1689] : memref<256x36xf32, #tpu.memory_space<vmem>>[vector<16xi32>, vector<16xi32>], vector<16xf32>,
        %add3A_1691 = arith.addi %broadcast_in_dim3A_1367, %broadcast_in_dim3A_1689 : vector<16xi32>
        tpu.vector_store_idx %arg11[%add3A_1647, %add3A_1691], %gather3A_1690 : memref<32x949xf32, #tpu.memory_space<vmem>>[vector<16xi32>, vector<16xi32>], vector<16xf32>,
        %broadcast_in_dim3A_1692 = arith.constant 10 : i32
        %broadcast_in_dim3A_1693 = vector.broadcast %broadcast_in_dim3A_1692 : i32 to vector<16xi32>
        %gather3A_1694 = tpu.vector_load_idx %arg8[%add3A_1651, %broadcast_in_dim3A_1693] : memref<256x36xf32, #tpu.memory_space<vmem>>[vector<16xi32>, vector<16xi32>], vector<16xf32>,
        %add3A_1695 = arith.addi %broadcast_in_dim3A_1367, %broadcast_in_dim3A_1693 : vector<16xi32>
        tpu.vector_store_idx %arg11[%add3A_1647, %add3A_1695], %gather3A_1694 : memref<32x949xf32, #tpu.memory_space<vmem>>[vector<16xi32>, vector<16xi32>], vector<16xf32>,
        %broadcast_in_dim3A_1696 = arith.constant 11 : i32
        %broadcast_in_dim3A_1697 = vector.broadcast %broadcast_in_dim3A_1696 : i32 to vector<16xi32>
        %gather3A_1698 = tpu.vector_load_idx %arg8[%add3A_1651, %broadcast_in_dim3A_1697] : memref<256x36xf32, #tpu.memory_space<vmem>>[vector<16xi32>, vector<16xi32>], vector<16xf32>,
        %add3A_1699 = arith.addi %broadcast_in_dim3A_1367, %broadcast_in_dim3A_1697 : vector<16xi32>
        tpu.vector_store_idx %arg11[%add3A_1647, %add3A_1699], %gather3A_1698 : memref<32x949xf32, #tpu.memory_space<vmem>>[vector<16xi32>, vector<16xi32>], vector<16xf32>,
        %broadcast_in_dim3A_1700 = arith.constant 12 : i32
        %broadcast_in_dim3A_1701 = vector.broadcast %broadcast_in_dim3A_1700 : i32 to vector<16xi32>
        %gather3A_1702 = tpu.vector_load_idx %arg8[%add3A_1651, %broadcast_in_dim3A_1701] : memref<256x36xf32, #tpu.memory_space<vmem>>[vector<16xi32>, vector<16xi32>], vector<16xf32>,
        %add3A_1703 = arith.addi %broadcast_in_dim3A_1367, %broadcast_in_dim3A_1701 : vector<16xi32>
        tpu.vector_store_idx %arg11[%add3A_1647, %add3A_1703], %gather3A_1702 : memref<32x949xf32, #tpu.memory_space<vmem>>[vector<16xi32>, vector<16xi32>], vector<16xf32>,
        %broadcast_in_dim3A_1704 = arith.constant 13 : i32
        %broadcast_in_dim3A_1705 = vector.broadcast %broadcast_in_dim3A_1704 : i32 to vector<16xi32>
        %gather3A_1706 = tpu.vector_load_idx %arg8[%add3A_1651, %broadcast_in_dim3A_1705] : memref<256x36xf32, #tpu.memory_space<vmem>>[vector<16xi32>, vector<16xi32>], vector<16xf32>,
        %add3A_1707 = arith.addi %broadcast_in_dim3A_1367, %broadcast_in_dim3A_1705 : vector<16xi32>
        tpu.vector_store_idx %arg11[%add3A_1647, %add3A_1707], %gather3A_1706 : memref<32x949xf32, #tpu.memory_space<vmem>>[vector<16xi32>, vector<16xi32>], vector<16xf32>,
        %broadcast_in_dim3A_1708 = arith.constant 14 : i32
        %broadcast_in_dim3A_1709 = vector.broadcast %broadcast_in_dim3A_1708 : i32 to vector<16xi32>
        %gather3A_1710 = tpu.vector_load_idx %arg8[%add3A_1651, %broadcast_in_dim3A_1709] : memref<256x36xf32, #tpu.memory_space<vmem>>[vector<16xi32>, vector<16xi32>], vector<16xf32>,
        %add3A_1711 = arith.addi %broadcast_in_dim3A_1367, %broadcast_in_dim3A_1709 : vector<16xi32>
        tpu.vector_store_idx %arg11[%add3A_1647, %add3A_1711], %gather3A_1710 : memref<32x949xf32, #tpu.memory_space<vmem>>[vector<16xi32>, vector<16xi32>], vector<16xf32>,
        %broadcast_in_dim3A_1712 = arith.constant 15 : i32
        %broadcast_in_dim3A_1713 = vector.broadcast %broadcast_in_dim3A_1712 : i32 to vector<16xi32>
        %gather3A_1714 = tpu.vector_load_idx %arg8[%add3A_1651, %broadcast_in_dim3A_1713] : memref<256x36xf32, #tpu.memory_space<vmem>>[vector<16xi32>, vector<16xi32>], vector<16xf32>,
        %add3A_1715 = arith.addi %broadcast_in_dim3A_1367, %broadcast_in_dim3A_1713 : vector<16xi32>
        tpu.vector_store_idx %arg11[%add3A_1647, %add3A_1715], %gather3A_1714 : memref<32x949xf32, #tpu.memory_space<vmem>>[vector<16xi32>, vector<16xi32>], vector<16xf32>,
        %broadcast_in_dim3A_1716 = arith.constant 16 : i32
        %broadcast_in_dim3A_1717 = vector.broadcast %broadcast_in_dim3A_1716 : i32 to vector<16xi32>
        %gather3A_1718 = tpu.vector_load_idx %arg8[%add3A_1651, %broadcast_in_dim3A_1717] : memref<256x36xf32, #tpu.memory_space<vmem>>[vector<16xi32>, vector<16xi32>], vector<16xf32>,
        %add3A_1719 = arith.addi %broadcast_in_dim3A_1367, %broadcast_in_dim3A_1717 : vector<16xi32>
        tpu.vector_store_idx %arg11[%add3A_1647, %add3A_1719], %gather3A_1718 : memref<32x949xf32, #tpu.memory_space<vmem>>[vector<16xi32>, vector<16xi32>], vector<16xf32>,
        %broadcast_in_dim3A_1720 = arith.constant 17 : i32
        %broadcast_in_dim3A_1721 = vector.broadcast %broadcast_in_dim3A_1720 : i32 to vector<16xi32>
        %gather3A_1722 = tpu.vector_load_idx %arg8[%add3A_1651, %broadcast_in_dim3A_1721] : memref<256x36xf32, #tpu.memory_space<vmem>>[vector<16xi32>, vector<16xi32>], vector<16xf32>,
        %add3A_1723 = arith.addi %broadcast_in_dim3A_1367, %broadcast_in_dim3A_1721 : vector<16xi32>
        tpu.vector_store_idx %arg11[%add3A_1647, %add3A_1723], %gather3A_1722 : memref<32x949xf32, #tpu.memory_space<vmem>>[vector<16xi32>, vector<16xi32>], vector<16xf32>,
        %broadcast_in_dim3A_1724 = arith.constant 18 : i32
        %broadcast_in_dim3A_1725 = vector.broadcast %broadcast_in_dim3A_1724 : i32 to vector<16xi32>
        %gather3A_1726 = tpu.vector_load_idx %arg8[%add3A_1651, %broadcast_in_dim3A_1725] : memref<256x36xf32, #tpu.memory_space<vmem>>[vector<16xi32>, vector<16xi32>], vector<16xf32>,
        %add3A_1727 = arith.addi %broadcast_in_dim3A_1367, %broadcast_in_dim3A_1725 : vector<16xi32>
        tpu.vector_store_idx %arg11[%add3A_1647, %add3A_1727], %gather3A_1726 : memref<32x949xf32, #tpu.memory_space<vmem>>[vector<16xi32>, vector<16xi32>], vector<16xf32>,
        %broadcast_in_dim3A_1728 = arith.constant 19 : i32
        %broadcast_in_dim3A_1729 = vector.broadcast %broadcast_in_dim3A_1728 : i32 to vector<16xi32>
        %gather3A_1730 = tpu.vector_load_idx %arg8[%add3A_1651, %broadcast_in_dim3A_1729] : memref<256x36xf32, #tpu.memory_space<vmem>>[vector<16xi32>, vector<16xi32>], vector<16xf32>,
        %add3A_1731 = arith.addi %broadcast_in_dim3A_1367, %broadcast_in_dim3A_1729 : vector<16xi32>
        tpu.vector_store_idx %arg11[%add3A_1647, %add3A_1731], %gather3A_1730 : memref<32x949xf32, #tpu.memory_space<vmem>>[vector<16xi32>, vector<16xi32>], vector<16xf32>,
        %broadcast_in_dim3A_1732 = arith.constant 20 : i32
        %broadcast_in_dim3A_1733 = vector.broadcast %broadcast_in_dim3A_1732 : i32 to vector<16xi32>
        %gather3A_1734 = tpu.vector_load_idx %arg8[%add3A_1651, %broadcast_in_dim3A_1733] : memref<256x36xf32, #tpu.memory_space<vmem>>[vector<16xi32>, vector<16xi32>], vector<16xf32>,
        %add3A_1735 = arith.addi %broadcast_in_dim3A_1367, %broadcast_in_dim3A_1733 : vector<16xi32>
        tpu.vector_store_idx %arg11[%add3A_1647, %add3A_1735], %gather3A_1734 : memref<32x949xf32, #tpu.memory_space<vmem>>[vector<16xi32>, vector<16xi32>], vector<16xf32>,
        %broadcast_in_dim3A_1736 = arith.constant 21 : i32
        %broadcast_in_dim3A_1737 = vector.broadcast %broadcast_in_dim3A_1736 : i32 to vector<16xi32>
        %gather3A_1738 = tpu.vector_load_idx %arg8[%add3A_1651, %broadcast_in_dim3A_1737] : memref<256x36xf32, #tpu.memory_space<vmem>>[vector<16xi32>, vector<16xi32>], vector<16xf32>,
        %add3A_1739 = arith.addi %broadcast_in_dim3A_1367, %broadcast_in_dim3A_1737 : vector<16xi32>
        tpu.vector_store_idx %arg11[%add3A_1647, %add3A_1739], %gather3A_1738 : memref<32x949xf32, #tpu.memory_space<vmem>>[vector<16xi32>, vector<16xi32>], vector<16xf32>,
        %broadcast_in_dim3A_1740 = arith.constant 22 : i32
        %broadcast_in_dim3A_1741 = vector.broadcast %broadcast_in_dim3A_1740 : i32 to vector<16xi32>
        %gather3A_1742 = tpu.vector_load_idx %arg8[%add3A_1651, %broadcast_in_dim3A_1741] : memref<256x36xf32, #tpu.memory_space<vmem>>[vector<16xi32>, vector<16xi32>], vector<16xf32>,
        %add3A_1743 = arith.addi %broadcast_in_dim3A_1367, %broadcast_in_dim3A_1741 : vector<16xi32>
        tpu.vector_store_idx %arg11[%add3A_1647, %add3A_1743], %gather3A_1742 : memref<32x949xf32, #tpu.memory_space<vmem>>[vector<16xi32>, vector<16xi32>], vector<16xf32>,
        %broadcast_in_dim3A_1744 = arith.constant 23 : i32
        %broadcast_in_dim3A_1745 = vector.broadcast %broadcast_in_dim3A_1744 : i32 to vector<16xi32>
        %gather3A_1746 = tpu.vector_load_idx %arg8[%add3A_1651, %broadcast_in_dim3A_1745] : memref<256x36xf32, #tpu.memory_space<vmem>>[vector<16xi32>, vector<16xi32>], vector<16xf32>,
        %add3A_1747 = arith.addi %broadcast_in_dim3A_1367, %broadcast_in_dim3A_1745 : vector<16xi32>
        tpu.vector_store_idx %arg11[%add3A_1647, %add3A_1747], %gather3A_1746 : memref<32x949xf32, #tpu.memory_space<vmem>>[vector<16xi32>, vector<16xi32>], vector<16xf32>,
        %broadcast_in_dim3A_1748 = arith.constant 24 : i32
        %broadcast_in_dim3A_1749 = vector.broadcast %broadcast_in_dim3A_1748 : i32 to vector<16xi32>
        %gather3A_1750 = tpu.vector_load_idx %arg8[%add3A_1651, %broadcast_in_dim3A_1749] : memref<256x36xf32, #tpu.memory_space<vmem>>[vector<16xi32>, vector<16xi32>], vector<16xf32>,
        %add3A_1751 = arith.addi %broadcast_in_dim3A_1367, %broadcast_in_dim3A_1749 : vector<16xi32>
        tpu.vector_store_idx %arg11[%add3A_1647, %add3A_1751], %gather3A_1750 : memref<32x949xf32, #tpu.memory_space<vmem>>[vector<16xi32>, vector<16xi32>], vector<16xf32>,
        %broadcast_in_dim3A_1752 = arith.constant 25 : i32
        %broadcast_in_dim3A_1753 = vector.broadcast %broadcast_in_dim3A_1752 : i32 to vector<16xi32>
        %gather3A_1754 = tpu.vector_load_idx %arg8[%add3A_1651, %broadcast_in_dim3A_1753] : memref<256x36xf32, #tpu.memory_space<vmem>>[vector<16xi32>, vector<16xi32>], vector<16xf32>,
        %add3A_1755 = arith.addi %broadcast_in_dim3A_1367, %broadcast_in_dim3A_1753 : vector<16xi32>
        tpu.vector_store_idx %arg11[%add3A_1647, %add3A_1755], %gather3A_1754 : memref<32x949xf32, #tpu.memory_space<vmem>>[vector<16xi32>, vector<16xi32>], vector<16xf32>,
        %broadcast_in_dim3A_1756 = arith.constant 26 : i32
        %broadcast_in_dim3A_1757 = vector.broadcast %broadcast_in_dim3A_1756 : i32 to vector<16xi32>
        %gather3A_1758 = tpu.vector_load_idx %arg8[%add3A_1651, %broadcast_in_dim3A_1757] : memref<256x36xf32, #tpu.memory_space<vmem>>[vector<16xi32>, vector<16xi32>], vector<16xf32>,
        %add3A_1759 = arith.addi %broadcast_in_dim3A_1367, %broadcast_in_dim3A_1757 : vector<16xi32>
        tpu.vector_store_idx %arg11[%add3A_1647, %add3A_1759], %gather3A_1758 : memref<32x949xf32, #tpu.memory_space<vmem>>[vector<16xi32>, vector<16xi32>], vector<16xf32>,
        %broadcast_in_dim3A_1760 = arith.constant 27 : i32
        %broadcast_in_dim3A_1761 = vector.broadcast %broadcast_in_dim3A_1760 : i32 to vector<16xi32>
        %gather3A_1762 = tpu.vector_load_idx %arg8[%add3A_1651, %broadcast_in_dim3A_1761] : memref<256x36xf32, #tpu.memory_space<vmem>>[vector<16xi32>, vector<16xi32>], vector<16xf32>,
        %add3A_1763 = arith.addi %broadcast_in_dim3A_1367, %broadcast_in_dim3A_1761 : vector<16xi32>
        tpu.vector_store_idx %arg11[%add3A_1647, %add3A_1763], %gather3A_1762 : memref<32x949xf32, #tpu.memory_space<vmem>>[vector<16xi32>, vector<16xi32>], vector<16xf32>,
        %broadcast_in_dim3A_1764 = arith.constant 28 : i32
        %broadcast_in_dim3A_1765 = vector.broadcast %broadcast_in_dim3A_1764 : i32 to vector<16xi32>
        %gather3A_1766 = tpu.vector_load_idx %arg8[%add3A_1651, %broadcast_in_dim3A_1765] : memref<256x36xf32, #tpu.memory_space<vmem>>[vector<16xi32>, vector<16xi32>], vector<16xf32>,
        %add3A_1767 = arith.addi %broadcast_in_dim3A_1367, %broadcast_in_dim3A_1765 : vector<16xi32>
        tpu.vector_store_idx %arg11[%add3A_1647, %add3A_1767], %gather3A_1766 : memref<32x949xf32, #tpu.memory_space<vmem>>[vector<16xi32>, vector<16xi32>], vector<16xf32>,
        %broadcast_in_dim3A_1768 = arith.constant 29 : i32
        %broadcast_in_dim3A_1769 = vector.broadcast %broadcast_in_dim3A_1768 : i32 to vector<16xi32>
        %gather3A_1770 = tpu.vector_load_idx %arg8[%add3A_1651, %broadcast_in_dim3A_1769] : memref<256x36xf32, #tpu.memory_space<vmem>>[vector<16xi32>, vector<16xi32>], vector<16xf32>,
        %add3A_1771 = arith.addi %broadcast_in_dim3A_1367, %broadcast_in_dim3A_1769 : vector<16xi32>
        tpu.vector_store_idx %arg11[%add3A_1647, %add3A_1771], %gather3A_1770 : memref<32x949xf32, #tpu.memory_space<vmem>>[vector<16xi32>, vector<16xi32>], vector<16xf32>,
        %broadcast_in_dim3A_1772 = arith.constant 30 : i32
        %broadcast_in_dim3A_1773 = vector.broadcast %broadcast_in_dim3A_1772 : i32 to vector<16xi32>
        %gather3A_1774 = tpu.vector_load_idx %arg8[%add3A_1651, %broadcast_in_dim3A_1773] : memref<256x36xf32, #tpu.memory_space<vmem>>[vector<16xi32>, vector<16xi32>], vector<16xf32>,
        %add3A_1775 = arith.addi %broadcast_in_dim3A_1367, %broadcast_in_dim3A_1773 : vector<16xi32>
        tpu.vector_store_idx %arg11[%add3A_1647, %add3A_1775], %gather3A_1774 : memref<32x949xf32, #tpu.memory_space<vmem>>[vector<16xi32>, vector<16xi32>], vector<16xf32>,
        %broadcast_in_dim3A_1776 = arith.constant 31 : i32
        %broadcast_in_dim3A_1777 = vector.broadcast %broadcast_in_dim3A_1776 : i32 to vector<16xi32>
        %gather3A_1778 = tpu.vector_load_idx %arg8[%add3A_1651, %broadcast_in_dim3A_1777] : memref<256x36xf32, #tpu.memory_space<vmem>>[vector<16xi32>, vector<16xi32>], vector<16xf32>,
        %add3A_1779 = arith.addi %broadcast_in_dim3A_1367, %broadcast_in_dim3A_1777 : vector<16xi32>
        tpu.vector_store_idx %arg11[%add3A_1647, %add3A_1779], %gather3A_1778 : memref<32x949xf32, #tpu.memory_space<vmem>>[vector<16xi32>, vector<16xi32>], vector<16xf32>,
        %broadcast_in_dim3A_1780 = arith.constant 32 : i32
        %broadcast_in_dim3A_1781 = vector.broadcast %broadcast_in_dim3A_1780 : i32 to vector<16xi32>
        %gather3A_1782 = tpu.vector_load_idx %arg8[%add3A_1651, %broadcast_in_dim3A_1781] : memref<256x36xf32, #tpu.memory_space<vmem>>[vector<16xi32>, vector<16xi32>], vector<16xf32>,
        %add3A_1783 = arith.addi %broadcast_in_dim3A_1367, %broadcast_in_dim3A_1781 : vector<16xi32>
        tpu.vector_store_idx %arg11[%add3A_1647, %add3A_1783], %gather3A_1782 : memref<32x949xf32, #tpu.memory_space<vmem>>[vector<16xi32>, vector<16xi32>], vector<16xf32>,
        %broadcast_in_dim3A_1784 = arith.constant 33 : i32
        %broadcast_in_dim3A_1785 = vector.broadcast %broadcast_in_dim3A_1784 : i32 to vector<16xi32>
        %gather3A_1786 = tpu.vector_load_idx %arg8[%add3A_1651, %broadcast_in_dim3A_1785] : memref<256x36xf32, #tpu.memory_space<vmem>>[vector<16xi32>, vector<16xi32>], vector<16xf32>,
        %add3A_1787 = arith.addi %broadcast_in_dim3A_1367, %broadcast_in_dim3A_1785 : vector<16xi32>
        tpu.vector_store_idx %arg11[%add3A_1647, %add3A_1787], %gather3A_1786 : memref<32x949xf32, #tpu.memory_space<vmem>>[vector<16xi32>, vector<16xi32>], vector<16xf32>,
        %broadcast_in_dim3A_1788 = arith.constant 34 : i32
        %broadcast_in_dim3A_1789 = vector.broadcast %broadcast_in_dim3A_1788 : i32 to vector<16xi32>
        %gather3A_1790 = tpu.vector_load_idx %arg8[%add3A_1651, %broadcast_in_dim3A_1789] : memref<256x36xf32, #tpu.memory_space<vmem>>[vector<16xi32>, vector<16xi32>], vector<16xf32>,
        %add3A_1791 = arith.addi %broadcast_in_dim3A_1367, %broadcast_in_dim3A_1789 : vector<16xi32>
        tpu.vector_store_idx %arg11[%add3A_1647, %add3A_1791], %gather3A_1790 : memref<32x949xf32, #tpu.memory_space<vmem>>[vector<16xi32>, vector<16xi32>], vector<16xf32>,
        %broadcast_in_dim3A_1792 = arith.constant 35 : i32
        %broadcast_in_dim3A_1793 = vector.broadcast %broadcast_in_dim3A_1792 : i32 to vector<16xi32>
        %gather3A_1794 = tpu.vector_load_idx %arg8[%add3A_1651, %broadcast_in_dim3A_1793] : memref<256x36xf32, #tpu.memory_space<vmem>>[vector<16xi32>, vector<16xi32>], vector<16xf32>,
        %add3A_1795 = arith.addi %broadcast_in_dim3A_1367, %broadcast_in_dim3A_1793 : vector<16xi32>
        tpu.vector_store_idx %arg11[%add3A_1647, %add3A_1795], %gather3A_1794 : memref<32x949xf32, #tpu.memory_space<vmem>>[vector<16xi32>, vector<16xi32>], vector<16xf32>,
        %add3A_1796 = arith.constant 2 : i32
        %add3A_1797 = arith.addi %mul3A_746, %add3A_1796 : i32
        %lt3A_1798 = arith.constant 26 : i32
        %lt3A_1799 = arith.cmpi slt, %add3A_1797, %lt3A_1798 : i32
        %convert_element_type3A_1800 = arith.extui %lt3A_1799 : i1 to i32
        %cond3A_1801 = arith.constant 0 : i32
        %cond3A_1802 = arith.cmpi ne, %convert_element_type3A_1800, %cond3A_1801 : i32
        scf.if %cond3A_1802 {
          %add3A_2238 = arith.constant 2 : i32
          %add3A_2239 = arith.addi %mul3A_746, %add3A_2238 : i32
          %mul3A_2240 = arith.constant 32 : i32
          %mul3A_2241 = arith.muli %scan3A_13, %mul3A_2240 : i32
          %add3A_2242 = arith.constant 0 : i32
          %add3A_2243 = arith.addi %mul3A_2241, %add3A_2242 : i32
          %jit3A_2244 = arith.constant 128 : i32
          %div3A_2245 = arith.divsi %add3A_2243, %jit3A_2244 : i32
          %sign3A_2246 = arith.constant 0 : i32
          %sign3A_2247 = arith.cmpi sgt, %add3A_2243, %sign3A_2246 : i32
          %sign3A_2248 = arith.extui %sign3A_2247 : i1 to i32
          %sign3A_2249 = arith.constant 0 : i32
          %sign3A_2250 = arith.cmpi slt, %add3A_2243, %sign3A_2249 : i32
          %sign3A_2251 = arith.extui %sign3A_2250 : i1 to i32
          %sign3A_2252 = arith.subi %sign3A_2248, %sign3A_2251 : i32
          %sign3A_2253 = arith.constant 0 : i32
          %sign3A_2254 = arith.cmpi sgt, %jit3A_2244, %sign3A_2253 : i32
          %sign3A_2255 = arith.extui %sign3A_2254 : i1 to i32
          %sign3A_2256 = arith.constant 0 : i32
          %sign3A_2257 = arith.cmpi slt, %jit3A_2244, %sign3A_2256 : i32
          %sign3A_2258 = arith.extui %sign3A_2257 : i1 to i32
          %sign3A_2259 = arith.subi %sign3A_2255, %sign3A_2258 : i32
          %ne3A_2260 = arith.cmpi ne, %sign3A_2252, %sign3A_2259 : i32
          %rem3A_2261 = arith.remsi %add3A_2243, %jit3A_2244 : i32
          %ne3A_2262 = arith.constant 0 : i32
          %ne3A_2263 = arith.cmpi ne, %rem3A_2261, %ne3A_2262 : i32
          %and3A_2264 = arith.andi %ne3A_2260, %ne3A_2263 : i1
          %sub3A_2265 = arith.constant 1 : i32
          %sub3A_2266 = arith.subi %div3A_2245, %sub3A_2265 : i32
          %select_n3A_2267 = arith.select %and3A_2264, %sub3A_2266, %div3A_2245 : i32
          %jit3A_2268 = arith.constant 128 : i32
          %eq3A_2269 = arith.constant 0 : i32
          %eq3A_2270 = arith.cmpi eq, %jit3A_2268, %eq3A_2269 : i32
          %jit3A_2271 = arith.constant 1 : i32
          %select_n3A_2272 = arith.select %eq3A_2270, %jit3A_2271, %jit3A_2268 : i32
          %rem3A_2273 = arith.remsi %add3A_2243, %select_n3A_2272 : i32
          %ne3A_2274 = arith.constant 0 : i32
          %ne3A_2275 = arith.cmpi ne, %rem3A_2273, %ne3A_2274 : i32
          %lt3A_2276 = arith.constant 0 : i32
          %lt3A_2277 = arith.cmpi slt, %rem3A_2273, %lt3A_2276 : i32
          %lt3A_2278 = arith.constant 0 : i32
          %lt3A_2279 = arith.cmpi slt, %select_n3A_2272, %lt3A_2278 : i32
          %ne3A_2280 = arith.xori %lt3A_2277, %lt3A_2279 : i1
          %and3A_2281 = arith.andi %ne3A_2280, %ne3A_2275 : i1
          %add3A_2282 = arith.addi %rem3A_2273, %select_n3A_2272 : i32
          %select_n3A_2283 = arith.select %and3A_2281, %add3A_2282, %rem3A_2273 : i32
          %get3A_2284 = arith.index_cast %add3A_2239 : i32 to index
          %get3A_2285 = arith.index_cast %select_n3A_2267 : i32 to index
          %get3A_2286 = arith.index_cast %select_n3A_2283 : i32 to index
          %get3A_2287 = tpu.vector_load %arg7[%get3A_2284, %get3A_2285, %get3A_2286] {strides = array<i32>} : memref<26x4x128xi32, #tpu.memory_space<vmem>>, vector<16xi32>,
          %shift_right_logical3A_2288 = arith.constant 3 : i32
          %shift_right_logical3A_2289 = vector.broadcast %shift_right_logical3A_2288 : i32 to vector<16xi32>
          %shift_right_logical3A_2290 = arith.shrui %get3A_2287, %shift_right_logical3A_2289 : vector<16xi32>
          %slice3A_2291 = vector.extract_strided_slice %shift_right_logical3A_2290 {offsets = [0], sizes = [1], strides = [1]} : vector<16xi32> to vector<1xi32>
          %squeeze3A_2292 = vector.extract %slice3A_2291[0] : i32 from vector<1xi32>
          %dma_start3A_2293 = arith.constant 0 : i32
          %dma_start3A_2294 = arith.constant 0 : i32
          %dma_start3A_2295 = tpu.memref_slice %arg8[%dma_start3A_2293, %dma_start3A_2294] : memref<256x36xf32, #tpu.memory_space<vmem>> -> memref<8x36xf32, #tpu.memory_space<vmem>>
          %dma_start3A_2296 = arith.constant 0 : i32
          %dma_start3A_2297 = arith.constant 0 : i32
          %dma_start3A_2298 = tpu.memref_slice %arg4[%add3A_2239, %squeeze3A_2292, %dma_start3A_2296, %dma_start3A_2297] : memref<26x12500x8x36xf32, #tpu.memory_space<hbm>> -> memref<1x1x8x36xf32, #tpu.memory_space<hbm>>
          %dma_start3A_2299 = tpu.memref_squeeze %dma_start3A_2298 : memref<1x1x8x36xf32, #tpu.memory_space<hbm>> -> memref<8x36xf32, #tpu.memory_space<hbm>>
          %dma_start3A_2300 = arith.constant 0 : i32
          %dma_start3A_2301 = arith.constant 0 : i32
          %dma_start3A_2302 = tpu.memref_slice %arg8[%dma_start3A_2300, %dma_start3A_2301] : memref<256x36xf32, #tpu.memory_space<vmem>> -> memref<8x36xf32, #tpu.memory_space<vmem>>
          %dma_start3A_2303 = arith.constant 0 : i32
          %dma_start3A_2304 = arith.constant 0 : i32
          %dma_start3A_2305 = tpu.memref_slice %arg4[%add3A_2239, %squeeze3A_2292, %dma_start3A_2303, %dma_start3A_2304] : memref<26x12500x8x36xf32, #tpu.memory_space<hbm>> -> memref<1x1x8x36xf32, #tpu.memory_space<hbm>>
          %dma_start3A_2306 = tpu.memref_squeeze %dma_start3A_2305 : memref<1x1x8x36xf32, #tpu.memory_space<hbm>> -> memref<8x36xf32, #tpu.memory_space<hbm>>
          tpu.enqueue_dma source(%dma_start3A_2306 : memref<8x36xf32, #tpu.memory_space<hbm>>) target(%dma_start3A_2302 : memref<8x36xf32, #tpu.memory_space<vmem>>) target_semaphore(%arg12 : memref<!tpu.dma_semaphore, #tpu.memory_space<semaphore_mem>>)
          %slice3A_2307 = vector.extract_strided_slice %shift_right_logical3A_2290 {offsets = [1], sizes = [1], strides = [1]} : vector<16xi32> to vector<1xi32>
          %squeeze3A_2308 = vector.extract %slice3A_2307[0] : i32 from vector<1xi32>
          %dma_start3A_2309 = arith.constant 8 : i32
          %dma_start3A_2310 = arith.constant 0 : i32
          %dma_start3A_2311 = tpu.memref_slice %arg8[%dma_start3A_2309, %dma_start3A_2310] : memref<256x36xf32, #tpu.memory_space<vmem>> -> memref<8x36xf32, #tpu.memory_space<vmem>>
          %dma_start3A_2312 = arith.constant 0 : i32
          %dma_start3A_2313 = arith.constant 0 : i32
          %dma_start3A_2314 = tpu.memref_slice %arg4[%add3A_2239, %squeeze3A_2308, %dma_start3A_2312, %dma_start3A_2313] : memref<26x12500x8x36xf32, #tpu.memory_space<hbm>> -> memref<1x1x8x36xf32, #tpu.memory_space<hbm>>
          %dma_start3A_2315 = tpu.memref_squeeze %dma_start3A_2314 : memref<1x1x8x36xf32, #tpu.memory_space<hbm>> -> memref<8x36xf32, #tpu.memory_space<hbm>>
          %dma_start3A_2316 = arith.constant 8 : i32
          %dma_start3A_2317 = arith.constant 0 : i32
          %dma_start3A_2318 = tpu.memref_slice %arg8[%dma_start3A_2316, %dma_start3A_2317] : memref<256x36xf32, #tpu.memory_space<vmem>> -> memref<8x36xf32, #tpu.memory_space<vmem>>
          %dma_start3A_2319 = arith.constant 0 : i32
          %dma_start3A_2320 = arith.constant 0 : i32
          %dma_start3A_2321 = tpu.memref_slice %arg4[%add3A_2239, %squeeze3A_2308, %dma_start3A_2319, %dma_start3A_2320] : memref<26x12500x8x36xf32, #tpu.memory_space<hbm>> -> memref<1x1x8x36xf32, #tpu.memory_space<hbm>>
          %dma_start3A_2322 = tpu.memref_squeeze %dma_start3A_2321 : memref<1x1x8x36xf32, #tpu.memory_space<hbm>> -> memref<8x36xf32, #tpu.memory_space<hbm>>
          tpu.enqueue_dma source(%dma_start3A_2322 : memref<8x36xf32, #tpu.memory_space<hbm>>) target(%dma_start3A_2318 : memref<8x36xf32, #tpu.memory_space<vmem>>) target_semaphore(%arg12 : memref<!tpu.dma_semaphore, #tpu.memory_space<semaphore_mem>>)
          %slice3A_2323 = vector.extract_strided_slice %shift_right_logical3A_2290 {offsets = [2], sizes = [1], strides = [1]} : vector<16xi32> to vector<1xi32>
          %squeeze3A_2324 = vector.extract %slice3A_2323[0] : i32 from vector<1xi32>
          %dma_start3A_2325 = arith.constant 16 : i32
          %dma_start3A_2326 = arith.constant 0 : i32
          %dma_start3A_2327 = tpu.memref_slice %arg8[%dma_start3A_2325, %dma_start3A_2326] : memref<256x36xf32, #tpu.memory_space<vmem>> -> memref<8x36xf32, #tpu.memory_space<vmem>>
          %dma_start3A_2328 = arith.constant 0 : i32
          %dma_start3A_2329 = arith.constant 0 : i32
          %dma_start3A_2330 = tpu.memref_slice %arg4[%add3A_2239, %squeeze3A_2324, %dma_start3A_2328, %dma_start3A_2329] : memref<26x12500x8x36xf32, #tpu.memory_space<hbm>> -> memref<1x1x8x36xf32, #tpu.memory_space<hbm>>
          %dma_start3A_2331 = tpu.memref_squeeze %dma_start3A_2330 : memref<1x1x8x36xf32, #tpu.memory_space<hbm>> -> memref<8x36xf32, #tpu.memory_space<hbm>>
          %dma_start3A_2332 = arith.constant 16 : i32
          %dma_start3A_2333 = arith.constant 0 : i32
          %dma_start3A_2334 = tpu.memref_slice %arg8[%dma_start3A_2332, %dma_start3A_2333] : memref<256x36xf32, #tpu.memory_space<vmem>> -> memref<8x36xf32, #tpu.memory_space<vmem>>
          %dma_start3A_2335 = arith.constant 0 : i32
          %dma_start3A_2336 = arith.constant 0 : i32
          %dma_start3A_2337 = tpu.memref_slice %arg4[%add3A_2239, %squeeze3A_2324, %dma_start3A_2335, %dma_start3A_2336] : memref<26x12500x8x36xf32, #tpu.memory_space<hbm>> -> memref<1x1x8x36xf32, #tpu.memory_space<hbm>>
          %dma_start3A_2338 = tpu.memref_squeeze %dma_start3A_2337 : memref<1x1x8x36xf32, #tpu.memory_space<hbm>> -> memref<8x36xf32, #tpu.memory_space<hbm>>
          tpu.enqueue_dma source(%dma_start3A_2338 : memref<8x36xf32, #tpu.memory_space<hbm>>) target(%dma_start3A_2334 : memref<8x36xf32, #tpu.memory_space<vmem>>) target_semaphore(%arg12 : memref<!tpu.dma_semaphore, #tpu.memory_space<semaphore_mem>>)
          %slice3A_2339 = vector.extract_strided_slice %shift_right_logical3A_2290 {offsets = [3], sizes = [1], strides = [1]} : vector<16xi32> to vector<1xi32>
          %squeeze3A_2340 = vector.extract %slice3A_2339[0] : i32 from vector<1xi32>
          %dma_start3A_2341 = arith.constant 24 : i32
          %dma_start3A_2342 = arith.constant 0 : i32
          %dma_start3A_2343 = tpu.memref_slice %arg8[%dma_start3A_2341, %dma_start3A_2342] : memref<256x36xf32, #tpu.memory_space<vmem>> -> memref<8x36xf32, #tpu.memory_space<vmem>>
          %dma_start3A_2344 = arith.constant 0 : i32
          %dma_start3A_2345 = arith.constant 0 : i32
          %dma_start3A_2346 = tpu.memref_slice %arg4[%add3A_2239, %squeeze3A_2340, %dma_start3A_2344, %dma_start3A_2345] : memref<26x12500x8x36xf32, #tpu.memory_space<hbm>> -> memref<1x1x8x36xf32, #tpu.memory_space<hbm>>
          %dma_start3A_2347 = tpu.memref_squeeze %dma_start3A_2346 : memref<1x1x8x36xf32, #tpu.memory_space<hbm>> -> memref<8x36xf32, #tpu.memory_space<hbm>>
          %dma_start3A_2348 = arith.constant 24 : i32
          %dma_start3A_2349 = arith.constant 0 : i32
          %dma_start3A_2350 = tpu.memref_slice %arg8[%dma_start3A_2348, %dma_start3A_2349] : memref<256x36xf32, #tpu.memory_space<vmem>> -> memref<8x36xf32, #tpu.memory_space<vmem>>
          %dma_start3A_2351 = arith.constant 0 : i32
          %dma_start3A_2352 = arith.constant 0 : i32
          %dma_start3A_2353 = tpu.memref_slice %arg4[%add3A_2239, %squeeze3A_2340, %dma_start3A_2351, %dma_start3A_2352] : memref<26x12500x8x36xf32, #tpu.memory_space<hbm>> -> memref<1x1x8x36xf32, #tpu.memory_space<hbm>>
          %dma_start3A_2354 = tpu.memref_squeeze %dma_start3A_2353 : memref<1x1x8x36xf32, #tpu.memory_space<hbm>> -> memref<8x36xf32, #tpu.memory_space<hbm>>
          tpu.enqueue_dma source(%dma_start3A_2354 : memref<8x36xf32, #tpu.memory_space<hbm>>) target(%dma_start3A_2350 : memref<8x36xf32, #tpu.memory_space<vmem>>) target_semaphore(%arg12 : memref<!tpu.dma_semaphore, #tpu.memory_space<semaphore_mem>>)
          %slice3A_2355 = vector.extract_strided_slice %shift_right_logical3A_2290 {offsets = [4], sizes = [1], strides = [1]} : vector<16xi32> to vector<1xi32>
          %squeeze3A_2356 = vector.extract %slice3A_2355[0] : i32 from vector<1xi32>
          %dma_start3A_2357 = arith.constant 32 : i32
          %dma_start3A_2358 = arith.constant 0 : i32
          %dma_start3A_2359 = tpu.memref_slice %arg8[%dma_start3A_2357, %dma_start3A_2358] : memref<256x36xf32, #tpu.memory_space<vmem>> -> memref<8x36xf32, #tpu.memory_space<vmem>>
          %dma_start3A_2360 = arith.constant 0 : i32
          %dma_start3A_2361 = arith.constant 0 : i32
          %dma_start3A_2362 = tpu.memref_slice %arg4[%add3A_2239, %squeeze3A_2356, %dma_start3A_2360, %dma_start3A_2361] : memref<26x12500x8x36xf32, #tpu.memory_space<hbm>> -> memref<1x1x8x36xf32, #tpu.memory_space<hbm>>
          %dma_start3A_2363 = tpu.memref_squeeze %dma_start3A_2362 : memref<1x1x8x36xf32, #tpu.memory_space<hbm>> -> memref<8x36xf32, #tpu.memory_space<hbm>>
          %dma_start3A_2364 = arith.constant 32 : i32
          %dma_start3A_2365 = arith.constant 0 : i32
          %dma_start3A_2366 = tpu.memref_slice %arg8[%dma_start3A_2364, %dma_start3A_2365] : memref<256x36xf32, #tpu.memory_space<vmem>> -> memref<8x36xf32, #tpu.memory_space<vmem>>
          %dma_start3A_2367 = arith.constant 0 : i32
          %dma_start3A_2368 = arith.constant 0 : i32
          %dma_start3A_2369 = tpu.memref_slice %arg4[%add3A_2239, %squeeze3A_2356, %dma_start3A_2367, %dma_start3A_2368] : memref<26x12500x8x36xf32, #tpu.memory_space<hbm>> -> memref<1x1x8x36xf32, #tpu.memory_space<hbm>>
          %dma_start3A_2370 = tpu.memref_squeeze %dma_start3A_2369 : memref<1x1x8x36xf32, #tpu.memory_space<hbm>> -> memref<8x36xf32, #tpu.memory_space<hbm>>
          tpu.enqueue_dma source(%dma_start3A_2370 : memref<8x36xf32, #tpu.memory_space<hbm>>) target(%dma_start3A_2366 : memref<8x36xf32, #tpu.memory_space<vmem>>) target_semaphore(%arg12 : memref<!tpu.dma_semaphore, #tpu.memory_space<semaphore_mem>>)
          %slice3A_2371 = vector.extract_strided_slice %shift_right_logical3A_2290 {offsets = [5], sizes = [1], strides = [1]} : vector<16xi32> to vector<1xi32>
          %squeeze3A_2372 = vector.extract %slice3A_2371[0] : i32 from vector<1xi32>
          %dma_start3A_2373 = arith.constant 40 : i32
          %dma_start3A_2374 = arith.constant 0 : i32
          %dma_start3A_2375 = tpu.memref_slice %arg8[%dma_start3A_2373, %dma_start3A_2374] : memref<256x36xf32, #tpu.memory_space<vmem>> -> memref<8x36xf32, #tpu.memory_space<vmem>>
          %dma_start3A_2376 = arith.constant 0 : i32
          %dma_start3A_2377 = arith.constant 0 : i32
          %dma_start3A_2378 = tpu.memref_slice %arg4[%add3A_2239, %squeeze3A_2372, %dma_start3A_2376, %dma_start3A_2377] : memref<26x12500x8x36xf32, #tpu.memory_space<hbm>> -> memref<1x1x8x36xf32, #tpu.memory_space<hbm>>
          %dma_start3A_2379 = tpu.memref_squeeze %dma_start3A_2378 : memref<1x1x8x36xf32, #tpu.memory_space<hbm>> -> memref<8x36xf32, #tpu.memory_space<hbm>>
          %dma_start3A_2380 = arith.constant 40 : i32
          %dma_start3A_2381 = arith.constant 0 : i32
          %dma_start3A_2382 = tpu.memref_slice %arg8[%dma_start3A_2380, %dma_start3A_2381] : memref<256x36xf32, #tpu.memory_space<vmem>> -> memref<8x36xf32, #tpu.memory_space<vmem>>
          %dma_start3A_2383 = arith.constant 0 : i32
          %dma_start3A_2384 = arith.constant 0 : i32
          %dma_start3A_2385 = tpu.memref_slice %arg4[%add3A_2239, %squeeze3A_2372, %dma_start3A_2383, %dma_start3A_2384] : memref<26x12500x8x36xf32, #tpu.memory_space<hbm>> -> memref<1x1x8x36xf32, #tpu.memory_space<hbm>>
          %dma_start3A_2386 = tpu.memref_squeeze %dma_start3A_2385 : memref<1x1x8x36xf32, #tpu.memory_space<hbm>> -> memref<8x36xf32, #tpu.memory_space<hbm>>
          tpu.enqueue_dma source(%dma_start3A_2386 : memref<8x36xf32, #tpu.memory_space<hbm>>) target(%dma_start3A_2382 : memref<8x36xf32, #tpu.memory_space<vmem>>) target_semaphore(%arg12 : memref<!tpu.dma_semaphore, #tpu.memory_space<semaphore_mem>>)
          %slice3A_2387 = vector.extract_strided_slice %shift_right_logical3A_2290 {offsets = [6], sizes = [1], strides = [1]} : vector<16xi32> to vector<1xi32>
          %squeeze3A_2388 = vector.extract %slice3A_2387[0] : i32 from vector<1xi32>
          %dma_start3A_2389 = arith.constant 48 : i32
          %dma_start3A_2390 = arith.constant 0 : i32
          %dma_start3A_2391 = tpu.memref_slice %arg8[%dma_start3A_2389, %dma_start3A_2390] : memref<256x36xf32, #tpu.memory_space<vmem>> -> memref<8x36xf32, #tpu.memory_space<vmem>>
          %dma_start3A_2392 = arith.constant 0 : i32
          %dma_start3A_2393 = arith.constant 0 : i32
          %dma_start3A_2394 = tpu.memref_slice %arg4[%add3A_2239, %squeeze3A_2388, %dma_start3A_2392, %dma_start3A_2393] : memref<26x12500x8x36xf32, #tpu.memory_space<hbm>> -> memref<1x1x8x36xf32, #tpu.memory_space<hbm>>
          %dma_start3A_2395 = tpu.memref_squeeze %dma_start3A_2394 : memref<1x1x8x36xf32, #tpu.memory_space<hbm>> -> memref<8x36xf32, #tpu.memory_space<hbm>>
          %dma_start3A_2396 = arith.constant 48 : i32
          %dma_start3A_2397 = arith.constant 0 : i32
          %dma_start3A_2398 = tpu.memref_slice %arg8[%dma_start3A_2396, %dma_start3A_2397] : memref<256x36xf32, #tpu.memory_space<vmem>> -> memref<8x36xf32, #tpu.memory_space<vmem>>
          %dma_start3A_2399 = arith.constant 0 : i32
          %dma_start3A_2400 = arith.constant 0 : i32
          %dma_start3A_2401 = tpu.memref_slice %arg4[%add3A_2239, %squeeze3A_2388, %dma_start3A_2399, %dma_start3A_2400] : memref<26x12500x8x36xf32, #tpu.memory_space<hbm>> -> memref<1x1x8x36xf32, #tpu.memory_space<hbm>>
          %dma_start3A_2402 = tpu.memref_squeeze %dma_start3A_2401 : memref<1x1x8x36xf32, #tpu.memory_space<hbm>> -> memref<8x36xf32, #tpu.memory_space<hbm>>
          tpu.enqueue_dma source(%dma_start3A_2402 : memref<8x36xf32, #tpu.memory_space<hbm>>) target(%dma_start3A_2398 : memref<8x36xf32, #tpu.memory_space<vmem>>) target_semaphore(%arg12 : memref<!tpu.dma_semaphore, #tpu.memory_space<semaphore_mem>>)
          %slice3A_2403 = vector.extract_strided_slice %shift_right_logical3A_2290 {offsets = [7], sizes = [1], strides = [1]} : vector<16xi32> to vector<1xi32>
          %squeeze3A_2404 = vector.extract %slice3A_2403[0] : i32 from vector<1xi32>
          %dma_start3A_2405 = arith.constant 56 : i32
          %dma_start3A_2406 = arith.constant 0 : i32
          %dma_start3A_2407 = tpu.memref_slice %arg8[%dma_start3A_2405, %dma_start3A_2406] : memref<256x36xf32, #tpu.memory_space<vmem>> -> memref<8x36xf32, #tpu.memory_space<vmem>>
          %dma_start3A_2408 = arith.constant 0 : i32
          %dma_start3A_2409 = arith.constant 0 : i32
          %dma_start3A_2410 = tpu.memref_slice %arg4[%add3A_2239, %squeeze3A_2404, %dma_start3A_2408, %dma_start3A_2409] : memref<26x12500x8x36xf32, #tpu.memory_space<hbm>> -> memref<1x1x8x36xf32, #tpu.memory_space<hbm>>
          %dma_start3A_2411 = tpu.memref_squeeze %dma_start3A_2410 : memref<1x1x8x36xf32, #tpu.memory_space<hbm>> -> memref<8x36xf32, #tpu.memory_space<hbm>>
          %dma_start3A_2412 = arith.constant 56 : i32
          %dma_start3A_2413 = arith.constant 0 : i32
          %dma_start3A_2414 = tpu.memref_slice %arg8[%dma_start3A_2412, %dma_start3A_2413] : memref<256x36xf32, #tpu.memory_space<vmem>> -> memref<8x36xf32, #tpu.memory_space<vmem>>
          %dma_start3A_2415 = arith.constant 0 : i32
          %dma_start3A_2416 = arith.constant 0 : i32
          %dma_start3A_2417 = tpu.memref_slice %arg4[%add3A_2239, %squeeze3A_2404, %dma_start3A_2415, %dma_start3A_2416] : memref<26x12500x8x36xf32, #tpu.memory_space<hbm>> -> memref<1x1x8x36xf32, #tpu.memory_space<hbm>>
          %dma_start3A_2418 = tpu.memref_squeeze %dma_start3A_2417 : memref<1x1x8x36xf32, #tpu.memory_space<hbm>> -> memref<8x36xf32, #tpu.memory_space<hbm>>
          tpu.enqueue_dma source(%dma_start3A_2418 : memref<8x36xf32, #tpu.memory_space<hbm>>) target(%dma_start3A_2414 : memref<8x36xf32, #tpu.memory_space<vmem>>) target_semaphore(%arg12 : memref<!tpu.dma_semaphore, #tpu.memory_space<semaphore_mem>>)
          %slice3A_2419 = vector.extract_strided_slice %shift_right_logical3A_2290 {offsets = [8], sizes = [1], strides = [1]} : vector<16xi32> to vector<1xi32>
          %squeeze3A_2420 = vector.extract %slice3A_2419[0] : i32 from vector<1xi32>
          %dma_start3A_2421 = arith.constant 64 : i32
          %dma_start3A_2422 = arith.constant 0 : i32
          %dma_start3A_2423 = tpu.memref_slice %arg8[%dma_start3A_2421, %dma_start3A_2422] : memref<256x36xf32, #tpu.memory_space<vmem>> -> memref<8x36xf32, #tpu.memory_space<vmem>>
          %dma_start3A_2424 = arith.constant 0 : i32
          %dma_start3A_2425 = arith.constant 0 : i32
          %dma_start3A_2426 = tpu.memref_slice %arg4[%add3A_2239, %squeeze3A_2420, %dma_start3A_2424, %dma_start3A_2425] : memref<26x12500x8x36xf32, #tpu.memory_space<hbm>> -> memref<1x1x8x36xf32, #tpu.memory_space<hbm>>
          %dma_start3A_2427 = tpu.memref_squeeze %dma_start3A_2426 : memref<1x1x8x36xf32, #tpu.memory_space<hbm>> -> memref<8x36xf32, #tpu.memory_space<hbm>>
          %dma_start3A_2428 = arith.constant 64 : i32
          %dma_start3A_2429 = arith.constant 0 : i32
          %dma_start3A_2430 = tpu.memref_slice %arg8[%dma_start3A_2428, %dma_start3A_2429] : memref<256x36xf32, #tpu.memory_space<vmem>> -> memref<8x36xf32, #tpu.memory_space<vmem>>
          %dma_start3A_2431 = arith.constant 0 : i32
          %dma_start3A_2432 = arith.constant 0 : i32
          %dma_start3A_2433 = tpu.memref_slice %arg4[%add3A_2239, %squeeze3A_2420, %dma_start3A_2431, %dma_start3A_2432] : memref<26x12500x8x36xf32, #tpu.memory_space<hbm>> -> memref<1x1x8x36xf32, #tpu.memory_space<hbm>>
          %dma_start3A_2434 = tpu.memref_squeeze %dma_start3A_2433 : memref<1x1x8x36xf32, #tpu.memory_space<hbm>> -> memref<8x36xf32, #tpu.memory_space<hbm>>
          tpu.enqueue_dma source(%dma_start3A_2434 : memref<8x36xf32, #tpu.memory_space<hbm>>) target(%dma_start3A_2430 : memref<8x36xf32, #tpu.memory_space<vmem>>) target_semaphore(%arg12 : memref<!tpu.dma_semaphore, #tpu.memory_space<semaphore_mem>>)
          %slice3A_2435 = vector.extract_strided_slice %shift_right_logical3A_2290 {offsets = [9], sizes = [1], strides = [1]} : vector<16xi32> to vector<1xi32>
          %squeeze3A_2436 = vector.extract %slice3A_2435[0] : i32 from vector<1xi32>
          %dma_start3A_2437 = arith.constant 72 : i32
          %dma_start3A_2438 = arith.constant 0 : i32
          %dma_start3A_2439 = tpu.memref_slice %arg8[%dma_start3A_2437, %dma_start3A_2438] : memref<256x36xf32, #tpu.memory_space<vmem>> -> memref<8x36xf32, #tpu.memory_space<vmem>>
          %dma_start3A_2440 = arith.constant 0 : i32
          %dma_start3A_2441 = arith.constant 0 : i32
          %dma_start3A_2442 = tpu.memref_slice %arg4[%add3A_2239, %squeeze3A_2436, %dma_start3A_2440, %dma_start3A_2441] : memref<26x12500x8x36xf32, #tpu.memory_space<hbm>> -> memref<1x1x8x36xf32, #tpu.memory_space<hbm>>
          %dma_start3A_2443 = tpu.memref_squeeze %dma_start3A_2442 : memref<1x1x8x36xf32, #tpu.memory_space<hbm>> -> memref<8x36xf32, #tpu.memory_space<hbm>>
          %dma_start3A_2444 = arith.constant 72 : i32
          %dma_start3A_2445 = arith.constant 0 : i32
          %dma_start3A_2446 = tpu.memref_slice %arg8[%dma_start3A_2444, %dma_start3A_2445] : memref<256x36xf32, #tpu.memory_space<vmem>> -> memref<8x36xf32, #tpu.memory_space<vmem>>
          %dma_start3A_2447 = arith.constant 0 : i32
          %dma_start3A_2448 = arith.constant 0 : i32
          %dma_start3A_2449 = tpu.memref_slice %arg4[%add3A_2239, %squeeze3A_2436, %dma_start3A_2447, %dma_start3A_2448] : memref<26x12500x8x36xf32, #tpu.memory_space<hbm>> -> memref<1x1x8x36xf32, #tpu.memory_space<hbm>>
          %dma_start3A_2450 = tpu.memref_squeeze %dma_start3A_2449 : memref<1x1x8x36xf32, #tpu.memory_space<hbm>> -> memref<8x36xf32, #tpu.memory_space<hbm>>
          tpu.enqueue_dma source(%dma_start3A_2450 : memref<8x36xf32, #tpu.memory_space<hbm>>) target(%dma_start3A_2446 : memref<8x36xf32, #tpu.memory_space<vmem>>) target_semaphore(%arg12 : memref<!tpu.dma_semaphore, #tpu.memory_space<semaphore_mem>>)
          %slice3A_2451 = vector.extract_strided_slice %shift_right_logical3A_2290 {offsets = [10], sizes = [1], strides = [1]} : vector<16xi32> to vector<1xi32>
          %squeeze3A_2452 = vector.extract %slice3A_2451[0] : i32 from vector<1xi32>
          %dma_start3A_2453 = arith.constant 80 : i32
          %dma_start3A_2454 = arith.constant 0 : i32
          %dma_start3A_2455 = tpu.memref_slice %arg8[%dma_start3A_2453, %dma_start3A_2454] : memref<256x36xf32, #tpu.memory_space<vmem>> -> memref<8x36xf32, #tpu.memory_space<vmem>>
          %dma_start3A_2456 = arith.constant 0 : i32
          %dma_start3A_2457 = arith.constant 0 : i32
          %dma_start3A_2458 = tpu.memref_slice %arg4[%add3A_2239, %squeeze3A_2452, %dma_start3A_2456, %dma_start3A_2457] : memref<26x12500x8x36xf32, #tpu.memory_space<hbm>> -> memref<1x1x8x36xf32, #tpu.memory_space<hbm>>
          %dma_start3A_2459 = tpu.memref_squeeze %dma_start3A_2458 : memref<1x1x8x36xf32, #tpu.memory_space<hbm>> -> memref<8x36xf32, #tpu.memory_space<hbm>>
          %dma_start3A_2460 = arith.constant 80 : i32
          %dma_start3A_2461 = arith.constant 0 : i32
          %dma_start3A_2462 = tpu.memref_slice %arg8[%dma_start3A_2460, %dma_start3A_2461] : memref<256x36xf32, #tpu.memory_space<vmem>> -> memref<8x36xf32, #tpu.memory_space<vmem>>
          %dma_start3A_2463 = arith.constant 0 : i32
          %dma_start3A_2464 = arith.constant 0 : i32
          %dma_start3A_2465 = tpu.memref_slice %arg4[%add3A_2239, %squeeze3A_2452, %dma_start3A_2463, %dma_start3A_2464] : memref<26x12500x8x36xf32, #tpu.memory_space<hbm>> -> memref<1x1x8x36xf32, #tpu.memory_space<hbm>>
          %dma_start3A_2466 = tpu.memref_squeeze %dma_start3A_2465 : memref<1x1x8x36xf32, #tpu.memory_space<hbm>> -> memref<8x36xf32, #tpu.memory_space<hbm>>
          tpu.enqueue_dma source(%dma_start3A_2466 : memref<8x36xf32, #tpu.memory_space<hbm>>) target(%dma_start3A_2462 : memref<8x36xf32, #tpu.memory_space<vmem>>) target_semaphore(%arg12 : memref<!tpu.dma_semaphore, #tpu.memory_space<semaphore_mem>>)
          %slice3A_2467 = vector.extract_strided_slice %shift_right_logical3A_2290 {offsets = [11], sizes = [1], strides = [1]} : vector<16xi32> to vector<1xi32>
          %squeeze3A_2468 = vector.extract %slice3A_2467[0] : i32 from vector<1xi32>
          %dma_start3A_2469 = arith.constant 88 : i32
          %dma_start3A_2470 = arith.constant 0 : i32
          %dma_start3A_2471 = tpu.memref_slice %arg8[%dma_start3A_2469, %dma_start3A_2470] : memref<256x36xf32, #tpu.memory_space<vmem>> -> memref<8x36xf32, #tpu.memory_space<vmem>>
          %dma_start3A_2472 = arith.constant 0 : i32
          %dma_start3A_2473 = arith.constant 0 : i32
          %dma_start3A_2474 = tpu.memref_slice %arg4[%add3A_2239, %squeeze3A_2468, %dma_start3A_2472, %dma_start3A_2473] : memref<26x12500x8x36xf32, #tpu.memory_space<hbm>> -> memref<1x1x8x36xf32, #tpu.memory_space<hbm>>
          %dma_start3A_2475 = tpu.memref_squeeze %dma_start3A_2474 : memref<1x1x8x36xf32, #tpu.memory_space<hbm>> -> memref<8x36xf32, #tpu.memory_space<hbm>>
          %dma_start3A_2476 = arith.constant 88 : i32
          %dma_start3A_2477 = arith.constant 0 : i32
          %dma_start3A_2478 = tpu.memref_slice %arg8[%dma_start3A_2476, %dma_start3A_2477] : memref<256x36xf32, #tpu.memory_space<vmem>> -> memref<8x36xf32, #tpu.memory_space<vmem>>
          %dma_start3A_2479 = arith.constant 0 : i32
          %dma_start3A_2480 = arith.constant 0 : i32
          %dma_start3A_2481 = tpu.memref_slice %arg4[%add3A_2239, %squeeze3A_2468, %dma_start3A_2479, %dma_start3A_2480] : memref<26x12500x8x36xf32, #tpu.memory_space<hbm>> -> memref<1x1x8x36xf32, #tpu.memory_space<hbm>>
          %dma_start3A_2482 = tpu.memref_squeeze %dma_start3A_2481 : memref<1x1x8x36xf32, #tpu.memory_space<hbm>> -> memref<8x36xf32, #tpu.memory_space<hbm>>
          tpu.enqueue_dma source(%dma_start3A_2482 : memref<8x36xf32, #tpu.memory_space<hbm>>) target(%dma_start3A_2478 : memref<8x36xf32, #tpu.memory_space<vmem>>) target_semaphore(%arg12 : memref<!tpu.dma_semaphore, #tpu.memory_space<semaphore_mem>>)
          %slice3A_2483 = vector.extract_strided_slice %shift_right_logical3A_2290 {offsets = [12], sizes = [1], strides = [1]} : vector<16xi32> to vector<1xi32>
          %squeeze3A_2484 = vector.extract %slice3A_2483[0] : i32 from vector<1xi32>
          %dma_start3A_2485 = arith.constant 96 : i32
          %dma_start3A_2486 = arith.constant 0 : i32
          %dma_start3A_2487 = tpu.memref_slice %arg8[%dma_start3A_2485, %dma_start3A_2486] : memref<256x36xf32, #tpu.memory_space<vmem>> -> memref<8x36xf32, #tpu.memory_space<vmem>>
          %dma_start3A_2488 = arith.constant 0 : i32
          %dma_start3A_2489 = arith.constant 0 : i32
          %dma_start3A_2490 = tpu.memref_slice %arg4[%add3A_2239, %squeeze3A_2484, %dma_start3A_2488, %dma_start3A_2489] : memref<26x12500x8x36xf32, #tpu.memory_space<hbm>> -> memref<1x1x8x36xf32, #tpu.memory_space<hbm>>
          %dma_start3A_2491 = tpu.memref_squeeze %dma_start3A_2490 : memref<1x1x8x36xf32, #tpu.memory_space<hbm>> -> memref<8x36xf32, #tpu.memory_space<hbm>>
          %dma_start3A_2492 = arith.constant 96 : i32
          %dma_start3A_2493 = arith.constant 0 : i32
          %dma_start3A_2494 = tpu.memref_slice %arg8[%dma_start3A_2492, %dma_start3A_2493] : memref<256x36xf32, #tpu.memory_space<vmem>> -> memref<8x36xf32, #tpu.memory_space<vmem>>
          %dma_start3A_2495 = arith.constant 0 : i32
          %dma_start3A_2496 = arith.constant 0 : i32
          %dma_start3A_2497 = tpu.memref_slice %arg4[%add3A_2239, %squeeze3A_2484, %dma_start3A_2495, %dma_start3A_2496] : memref<26x12500x8x36xf32, #tpu.memory_space<hbm>> -> memref<1x1x8x36xf32, #tpu.memory_space<hbm>>
          %dma_start3A_2498 = tpu.memref_squeeze %dma_start3A_2497 : memref<1x1x8x36xf32, #tpu.memory_space<hbm>> -> memref<8x36xf32, #tpu.memory_space<hbm>>
          tpu.enqueue_dma source(%dma_start3A_2498 : memref<8x36xf32, #tpu.memory_space<hbm>>) target(%dma_start3A_2494 : memref<8x36xf32, #tpu.memory_space<vmem>>) target_semaphore(%arg12 : memref<!tpu.dma_semaphore, #tpu.memory_space<semaphore_mem>>)
          %slice3A_2499 = vector.extract_strided_slice %shift_right_logical3A_2290 {offsets = [13], sizes = [1], strides = [1]} : vector<16xi32> to vector<1xi32>
          %squeeze3A_2500 = vector.extract %slice3A_2499[0] : i32 from vector<1xi32>
          %dma_start3A_2501 = arith.constant 104 : i32
          %dma_start3A_2502 = arith.constant 0 : i32
          %dma_start3A_2503 = tpu.memref_slice %arg8[%dma_start3A_2501, %dma_start3A_2502] : memref<256x36xf32, #tpu.memory_space<vmem>> -> memref<8x36xf32, #tpu.memory_space<vmem>>
          %dma_start3A_2504 = arith.constant 0 : i32
          %dma_start3A_2505 = arith.constant 0 : i32
          %dma_start3A_2506 = tpu.memref_slice %arg4[%add3A_2239, %squeeze3A_2500, %dma_start3A_2504, %dma_start3A_2505] : memref<26x12500x8x36xf32, #tpu.memory_space<hbm>> -> memref<1x1x8x36xf32, #tpu.memory_space<hbm>>
          %dma_start3A_2507 = tpu.memref_squeeze %dma_start3A_2506 : memref<1x1x8x36xf32, #tpu.memory_space<hbm>> -> memref<8x36xf32, #tpu.memory_space<hbm>>
          %dma_start3A_2508 = arith.constant 104 : i32
          %dma_start3A_2509 = arith.constant 0 : i32
          %dma_start3A_2510 = tpu.memref_slice %arg8[%dma_start3A_2508, %dma_start3A_2509] : memref<256x36xf32, #tpu.memory_space<vmem>> -> memref<8x36xf32, #tpu.memory_space<vmem>>
          %dma_start3A_2511 = arith.constant 0 : i32
          %dma_start3A_2512 = arith.constant 0 : i32
          %dma_start3A_2513 = tpu.memref_slice %arg4[%add3A_2239, %squeeze3A_2500, %dma_start3A_2511, %dma_start3A_2512] : memref<26x12500x8x36xf32, #tpu.memory_space<hbm>> -> memref<1x1x8x36xf32, #tpu.memory_space<hbm>>
          %dma_start3A_2514 = tpu.memref_squeeze %dma_start3A_2513 : memref<1x1x8x36xf32, #tpu.memory_space<hbm>> -> memref<8x36xf32, #tpu.memory_space<hbm>>
          tpu.enqueue_dma source(%dma_start3A_2514 : memref<8x36xf32, #tpu.memory_space<hbm>>) target(%dma_start3A_2510 : memref<8x36xf32, #tpu.memory_space<vmem>>) target_semaphore(%arg12 : memref<!tpu.dma_semaphore, #tpu.memory_space<semaphore_mem>>)
          %slice3A_2515 = vector.extract_strided_slice %shift_right_logical3A_2290 {offsets = [14], sizes = [1], strides = [1]} : vector<16xi32> to vector<1xi32>
          %squeeze3A_2516 = vector.extract %slice3A_2515[0] : i32 from vector<1xi32>
          %dma_start3A_2517 = arith.constant 112 : i32
          %dma_start3A_2518 = arith.constant 0 : i32
          %dma_start3A_2519 = tpu.memref_slice %arg8[%dma_start3A_2517, %dma_start3A_2518] : memref<256x36xf32, #tpu.memory_space<vmem>> -> memref<8x36xf32, #tpu.memory_space<vmem>>
          %dma_start3A_2520 = arith.constant 0 : i32
          %dma_start3A_2521 = arith.constant 0 : i32
          %dma_start3A_2522 = tpu.memref_slice %arg4[%add3A_2239, %squeeze3A_2516, %dma_start3A_2520, %dma_start3A_2521] : memref<26x12500x8x36xf32, #tpu.memory_space<hbm>> -> memref<1x1x8x36xf32, #tpu.memory_space<hbm>>
          %dma_start3A_2523 = tpu.memref_squeeze %dma_start3A_2522 : memref<1x1x8x36xf32, #tpu.memory_space<hbm>> -> memref<8x36xf32, #tpu.memory_space<hbm>>
          %dma_start3A_2524 = arith.constant 112 : i32
          %dma_start3A_2525 = arith.constant 0 : i32
          %dma_start3A_2526 = tpu.memref_slice %arg8[%dma_start3A_2524, %dma_start3A_2525] : memref<256x36xf32, #tpu.memory_space<vmem>> -> memref<8x36xf32, #tpu.memory_space<vmem>>
          %dma_start3A_2527 = arith.constant 0 : i32
          %dma_start3A_2528 = arith.constant 0 : i32
          %dma_start3A_2529 = tpu.memref_slice %arg4[%add3A_2239, %squeeze3A_2516, %dma_start3A_2527, %dma_start3A_2528] : memref<26x12500x8x36xf32, #tpu.memory_space<hbm>> -> memref<1x1x8x36xf32, #tpu.memory_space<hbm>>
          %dma_start3A_2530 = tpu.memref_squeeze %dma_start3A_2529 : memref<1x1x8x36xf32, #tpu.memory_space<hbm>> -> memref<8x36xf32, #tpu.memory_space<hbm>>
          tpu.enqueue_dma source(%dma_start3A_2530 : memref<8x36xf32, #tpu.memory_space<hbm>>) target(%dma_start3A_2526 : memref<8x36xf32, #tpu.memory_space<vmem>>) target_semaphore(%arg12 : memref<!tpu.dma_semaphore, #tpu.memory_space<semaphore_mem>>)
          %slice3A_2531 = vector.extract_strided_slice %shift_right_logical3A_2290 {offsets = [15], sizes = [1], strides = [1]} : vector<16xi32> to vector<1xi32>
          %squeeze3A_2532 = vector.extract %slice3A_2531[0] : i32 from vector<1xi32>
          %dma_start3A_2533 = arith.constant 120 : i32
          %dma_start3A_2534 = arith.constant 0 : i32
          %dma_start3A_2535 = tpu.memref_slice %arg8[%dma_start3A_2533, %dma_start3A_2534] : memref<256x36xf32, #tpu.memory_space<vmem>> -> memref<8x36xf32, #tpu.memory_space<vmem>>
          %dma_start3A_2536 = arith.constant 0 : i32
          %dma_start3A_2537 = arith.constant 0 : i32
          %dma_start3A_2538 = tpu.memref_slice %arg4[%add3A_2239, %squeeze3A_2532, %dma_start3A_2536, %dma_start3A_2537] : memref<26x12500x8x36xf32, #tpu.memory_space<hbm>> -> memref<1x1x8x36xf32, #tpu.memory_space<hbm>>
          %dma_start3A_2539 = tpu.memref_squeeze %dma_start3A_2538 : memref<1x1x8x36xf32, #tpu.memory_space<hbm>> -> memref<8x36xf32, #tpu.memory_space<hbm>>
          %dma_start3A_2540 = arith.constant 120 : i32
          %dma_start3A_2541 = arith.constant 0 : i32
          %dma_start3A_2542 = tpu.memref_slice %arg8[%dma_start3A_2540, %dma_start3A_2541] : memref<256x36xf32, #tpu.memory_space<vmem>> -> memref<8x36xf32, #tpu.memory_space<vmem>>
          %dma_start3A_2543 = arith.constant 0 : i32
          %dma_start3A_2544 = arith.constant 0 : i32
          %dma_start3A_2545 = tpu.memref_slice %arg4[%add3A_2239, %squeeze3A_2532, %dma_start3A_2543, %dma_start3A_2544] : memref<26x12500x8x36xf32, #tpu.memory_space<hbm>> -> memref<1x1x8x36xf32, #tpu.memory_space<hbm>>
          %dma_start3A_2546 = tpu.memref_squeeze %dma_start3A_2545 : memref<1x1x8x36xf32, #tpu.memory_space<hbm>> -> memref<8x36xf32, #tpu.memory_space<hbm>>
          tpu.enqueue_dma source(%dma_start3A_2546 : memref<8x36xf32, #tpu.memory_space<hbm>>) target(%dma_start3A_2542 : memref<8x36xf32, #tpu.memory_space<vmem>>) target_semaphore(%arg12 : memref<!tpu.dma_semaphore, #tpu.memory_space<semaphore_mem>>)
          %mul3A_2547 = arith.constant 32 : i32
          %mul3A_2548 = arith.muli %scan3A_13, %mul3A_2547 : i32
          %add3A_2549 = arith.constant 16 : i32
          %add3A_2550 = arith.addi %mul3A_2548, %add3A_2549 : i32
          %jit3A_2551 = arith.constant 128 : i32
          %div3A_2552 = arith.divsi %add3A_2550, %jit3A_2551 : i32
          %sign3A_2553 = arith.constant 0 : i32
          %sign3A_2554 = arith.cmpi sgt, %add3A_2550, %sign3A_2553 : i32
          %sign3A_2555 = arith.extui %sign3A_2554 : i1 to i32
          %sign3A_2556 = arith.constant 0 : i32
          %sign3A_2557 = arith.cmpi slt, %add3A_2550, %sign3A_2556 : i32
          %sign3A_2558 = arith.extui %sign3A_2557 : i1 to i32
          %sign3A_2559 = arith.subi %sign3A_2555, %sign3A_2558 : i32
          %sign3A_2560 = arith.constant 0 : i32
          %sign3A_2561 = arith.cmpi sgt, %jit3A_2551, %sign3A_2560 : i32
          %sign3A_2562 = arith.extui %sign3A_2561 : i1 to i32
          %sign3A_2563 = arith.constant 0 : i32
          %sign3A_2564 = arith.cmpi slt, %jit3A_2551, %sign3A_2563 : i32
          %sign3A_2565 = arith.extui %sign3A_2564 : i1 to i32
          %sign3A_2566 = arith.subi %sign3A_2562, %sign3A_2565 : i32
          %ne3A_2567 = arith.cmpi ne, %sign3A_2559, %sign3A_2566 : i32
          %rem3A_2568 = arith.remsi %add3A_2550, %jit3A_2551 : i32
          %ne3A_2569 = arith.constant 0 : i32
          %ne3A_2570 = arith.cmpi ne, %rem3A_2568, %ne3A_2569 : i32
          %and3A_2571 = arith.andi %ne3A_2567, %ne3A_2570 : i1
          %sub3A_2572 = arith.constant 1 : i32
          %sub3A_2573 = arith.subi %div3A_2552, %sub3A_2572 : i32
          %select_n3A_2574 = arith.select %and3A_2571, %sub3A_2573, %div3A_2552 : i32
          %jit3A_2575 = arith.constant 128 : i32
          %eq3A_2576 = arith.constant 0 : i32
          %eq3A_2577 = arith.cmpi eq, %jit3A_2575, %eq3A_2576 : i32
          %jit3A_2578 = arith.constant 1 : i32
          %select_n3A_2579 = arith.select %eq3A_2577, %jit3A_2578, %jit3A_2575 : i32
          %rem3A_2580 = arith.remsi %add3A_2550, %select_n3A_2579 : i32
          %ne3A_2581 = arith.constant 0 : i32
          %ne3A_2582 = arith.cmpi ne, %rem3A_2580, %ne3A_2581 : i32
          %lt3A_2583 = arith.constant 0 : i32
          %lt3A_2584 = arith.cmpi slt, %rem3A_2580, %lt3A_2583 : i32
          %lt3A_2585 = arith.constant 0 : i32
          %lt3A_2586 = arith.cmpi slt, %select_n3A_2579, %lt3A_2585 : i32
          %ne3A_2587 = arith.xori %lt3A_2584, %lt3A_2586 : i1
          %and3A_2588 = arith.andi %ne3A_2587, %ne3A_2582 : i1
          %add3A_2589 = arith.addi %rem3A_2580, %select_n3A_2579 : i32
          %select_n3A_2590 = arith.select %and3A_2588, %add3A_2589, %rem3A_2580 : i32
          %get3A_2591 = arith.index_cast %add3A_2239 : i32 to index
          %get3A_2592 = arith.index_cast %select_n3A_2574 : i32 to index
          %get3A_2593 = arith.index_cast %select_n3A_2590 : i32 to index
          %get3A_2594 = tpu.vector_load %arg7[%get3A_2591, %get3A_2592, %get3A_2593] {strides = array<i32>} : memref<26x4x128xi32, #tpu.memory_space<vmem>>, vector<16xi32>,
          %shift_right_logical3A_2595 = arith.constant 3 : i32
          %shift_right_logical3A_2596 = vector.broadcast %shift_right_logical3A_2595 : i32 to vector<16xi32>
          %shift_right_logical3A_2597 = arith.shrui %get3A_2594, %shift_right_logical3A_2596 : vector<16xi32>
          %slice3A_2598 = vector.extract_strided_slice %shift_right_logical3A_2597 {offsets = [0], sizes = [1], strides = [1]} : vector<16xi32> to vector<1xi32>
          %squeeze3A_2599 = vector.extract %slice3A_2598[0] : i32 from vector<1xi32>
          %dma_start3A_2600 = arith.constant 128 : i32
          %dma_start3A_2601 = arith.constant 0 : i32
          %dma_start3A_2602 = tpu.memref_slice %arg8[%dma_start3A_2600, %dma_start3A_2601] : memref<256x36xf32, #tpu.memory_space<vmem>> -> memref<8x36xf32, #tpu.memory_space<vmem>>
          %dma_start3A_2603 = arith.constant 0 : i32
          %dma_start3A_2604 = arith.constant 0 : i32
          %dma_start3A_2605 = tpu.memref_slice %arg4[%add3A_2239, %squeeze3A_2599, %dma_start3A_2603, %dma_start3A_2604] : memref<26x12500x8x36xf32, #tpu.memory_space<hbm>> -> memref<1x1x8x36xf32, #tpu.memory_space<hbm>>
          %dma_start3A_2606 = tpu.memref_squeeze %dma_start3A_2605 : memref<1x1x8x36xf32, #tpu.memory_space<hbm>> -> memref<8x36xf32, #tpu.memory_space<hbm>>
          %dma_start3A_2607 = arith.constant 128 : i32
          %dma_start3A_2608 = arith.constant 0 : i32
          %dma_start3A_2609 = tpu.memref_slice %arg8[%dma_start3A_2607, %dma_start3A_2608] : memref<256x36xf32, #tpu.memory_space<vmem>> -> memref<8x36xf32, #tpu.memory_space<vmem>>
          %dma_start3A_2610 = arith.constant 0 : i32
          %dma_start3A_2611 = arith.constant 0 : i32
          %dma_start3A_2612 = tpu.memref_slice %arg4[%add3A_2239, %squeeze3A_2599, %dma_start3A_2610, %dma_start3A_2611] : memref<26x12500x8x36xf32, #tpu.memory_space<hbm>> -> memref<1x1x8x36xf32, #tpu.memory_space<hbm>>
          %dma_start3A_2613 = tpu.memref_squeeze %dma_start3A_2612 : memref<1x1x8x36xf32, #tpu.memory_space<hbm>> -> memref<8x36xf32, #tpu.memory_space<hbm>>
          tpu.enqueue_dma source(%dma_start3A_2613 : memref<8x36xf32, #tpu.memory_space<hbm>>) target(%dma_start3A_2609 : memref<8x36xf32, #tpu.memory_space<vmem>>) target_semaphore(%arg12 : memref<!tpu.dma_semaphore, #tpu.memory_space<semaphore_mem>>)
          %slice3A_2614 = vector.extract_strided_slice %shift_right_logical3A_2597 {offsets = [1], sizes = [1], strides = [1]} : vector<16xi32> to vector<1xi32>
          %squeeze3A_2615 = vector.extract %slice3A_2614[0] : i32 from vector<1xi32>
          %dma_start3A_2616 = arith.constant 136 : i32
          %dma_start3A_2617 = arith.constant 0 : i32
          %dma_start3A_2618 = tpu.memref_slice %arg8[%dma_start3A_2616, %dma_start3A_2617] : memref<256x36xf32, #tpu.memory_space<vmem>> -> memref<8x36xf32, #tpu.memory_space<vmem>>
          %dma_start3A_2619 = arith.constant 0 : i32
          %dma_start3A_2620 = arith.constant 0 : i32
          %dma_start3A_2621 = tpu.memref_slice %arg4[%add3A_2239, %squeeze3A_2615, %dma_start3A_2619, %dma_start3A_2620] : memref<26x12500x8x36xf32, #tpu.memory_space<hbm>> -> memref<1x1x8x36xf32, #tpu.memory_space<hbm>>
          %dma_start3A_2622 = tpu.memref_squeeze %dma_start3A_2621 : memref<1x1x8x36xf32, #tpu.memory_space<hbm>> -> memref<8x36xf32, #tpu.memory_space<hbm>>
          %dma_start3A_2623 = arith.constant 136 : i32
          %dma_start3A_2624 = arith.constant 0 : i32
          %dma_start3A_2625 = tpu.memref_slice %arg8[%dma_start3A_2623, %dma_start3A_2624] : memref<256x36xf32, #tpu.memory_space<vmem>> -> memref<8x36xf32, #tpu.memory_space<vmem>>
          %dma_start3A_2626 = arith.constant 0 : i32
          %dma_start3A_2627 = arith.constant 0 : i32
          %dma_start3A_2628 = tpu.memref_slice %arg4[%add3A_2239, %squeeze3A_2615, %dma_start3A_2626, %dma_start3A_2627] : memref<26x12500x8x36xf32, #tpu.memory_space<hbm>> -> memref<1x1x8x36xf32, #tpu.memory_space<hbm>>
          %dma_start3A_2629 = tpu.memref_squeeze %dma_start3A_2628 : memref<1x1x8x36xf32, #tpu.memory_space<hbm>> -> memref<8x36xf32, #tpu.memory_space<hbm>>
          tpu.enqueue_dma source(%dma_start3A_2629 : memref<8x36xf32, #tpu.memory_space<hbm>>) target(%dma_start3A_2625 : memref<8x36xf32, #tpu.memory_space<vmem>>) target_semaphore(%arg12 : memref<!tpu.dma_semaphore, #tpu.memory_space<semaphore_mem>>)
          %slice3A_2630 = vector.extract_strided_slice %shift_right_logical3A_2597 {offsets = [2], sizes = [1], strides = [1]} : vector<16xi32> to vector<1xi32>
          %squeeze3A_2631 = vector.extract %slice3A_2630[0] : i32 from vector<1xi32>
          %dma_start3A_2632 = arith.constant 144 : i32
          %dma_start3A_2633 = arith.constant 0 : i32
          %dma_start3A_2634 = tpu.memref_slice %arg8[%dma_start3A_2632, %dma_start3A_2633] : memref<256x36xf32, #tpu.memory_space<vmem>> -> memref<8x36xf32, #tpu.memory_space<vmem>>
          %dma_start3A_2635 = arith.constant 0 : i32
          %dma_start3A_2636 = arith.constant 0 : i32
          %dma_start3A_2637 = tpu.memref_slice %arg4[%add3A_2239, %squeeze3A_2631, %dma_start3A_2635, %dma_start3A_2636] : memref<26x12500x8x36xf32, #tpu.memory_space<hbm>> -> memref<1x1x8x36xf32, #tpu.memory_space<hbm>>
          %dma_start3A_2638 = tpu.memref_squeeze %dma_start3A_2637 : memref<1x1x8x36xf32, #tpu.memory_space<hbm>> -> memref<8x36xf32, #tpu.memory_space<hbm>>
          %dma_start3A_2639 = arith.constant 144 : i32
          %dma_start3A_2640 = arith.constant 0 : i32
          %dma_start3A_2641 = tpu.memref_slice %arg8[%dma_start3A_2639, %dma_start3A_2640] : memref<256x36xf32, #tpu.memory_space<vmem>> -> memref<8x36xf32, #tpu.memory_space<vmem>>
          %dma_start3A_2642 = arith.constant 0 : i32
          %dma_start3A_2643 = arith.constant 0 : i32
          %dma_start3A_2644 = tpu.memref_slice %arg4[%add3A_2239, %squeeze3A_2631, %dma_start3A_2642, %dma_start3A_2643] : memref<26x12500x8x36xf32, #tpu.memory_space<hbm>> -> memref<1x1x8x36xf32, #tpu.memory_space<hbm>>
          %dma_start3A_2645 = tpu.memref_squeeze %dma_start3A_2644 : memref<1x1x8x36xf32, #tpu.memory_space<hbm>> -> memref<8x36xf32, #tpu.memory_space<hbm>>
          tpu.enqueue_dma source(%dma_start3A_2645 : memref<8x36xf32, #tpu.memory_space<hbm>>) target(%dma_start3A_2641 : memref<8x36xf32, #tpu.memory_space<vmem>>) target_semaphore(%arg12 : memref<!tpu.dma_semaphore, #tpu.memory_space<semaphore_mem>>)
          %slice3A_2646 = vector.extract_strided_slice %shift_right_logical3A_2597 {offsets = [3], sizes = [1], strides = [1]} : vector<16xi32> to vector<1xi32>
          %squeeze3A_2647 = vector.extract %slice3A_2646[0] : i32 from vector<1xi32>
          %dma_start3A_2648 = arith.constant 152 : i32
          %dma_start3A_2649 = arith.constant 0 : i32
          %dma_start3A_2650 = tpu.memref_slice %arg8[%dma_start3A_2648, %dma_start3A_2649] : memref<256x36xf32, #tpu.memory_space<vmem>> -> memref<8x36xf32, #tpu.memory_space<vmem>>
          %dma_start3A_2651 = arith.constant 0 : i32
          %dma_start3A_2652 = arith.constant 0 : i32
          %dma_start3A_2653 = tpu.memref_slice %arg4[%add3A_2239, %squeeze3A_2647, %dma_start3A_2651, %dma_start3A_2652] : memref<26x12500x8x36xf32, #tpu.memory_space<hbm>> -> memref<1x1x8x36xf32, #tpu.memory_space<hbm>>
          %dma_start3A_2654 = tpu.memref_squeeze %dma_start3A_2653 : memref<1x1x8x36xf32, #tpu.memory_space<hbm>> -> memref<8x36xf32, #tpu.memory_space<hbm>>
          %dma_start3A_2655 = arith.constant 152 : i32
          %dma_start3A_2656 = arith.constant 0 : i32
          %dma_start3A_2657 = tpu.memref_slice %arg8[%dma_start3A_2655, %dma_start3A_2656] : memref<256x36xf32, #tpu.memory_space<vmem>> -> memref<8x36xf32, #tpu.memory_space<vmem>>
          %dma_start3A_2658 = arith.constant 0 : i32
          %dma_start3A_2659 = arith.constant 0 : i32
          %dma_start3A_2660 = tpu.memref_slice %arg4[%add3A_2239, %squeeze3A_2647, %dma_start3A_2658, %dma_start3A_2659] : memref<26x12500x8x36xf32, #tpu.memory_space<hbm>> -> memref<1x1x8x36xf32, #tpu.memory_space<hbm>>
          %dma_start3A_2661 = tpu.memref_squeeze %dma_start3A_2660 : memref<1x1x8x36xf32, #tpu.memory_space<hbm>> -> memref<8x36xf32, #tpu.memory_space<hbm>>
          tpu.enqueue_dma source(%dma_start3A_2661 : memref<8x36xf32, #tpu.memory_space<hbm>>) target(%dma_start3A_2657 : memref<8x36xf32, #tpu.memory_space<vmem>>) target_semaphore(%arg12 : memref<!tpu.dma_semaphore, #tpu.memory_space<semaphore_mem>>)
          %slice3A_2662 = vector.extract_strided_slice %shift_right_logical3A_2597 {offsets = [4], sizes = [1], strides = [1]} : vector<16xi32> to vector<1xi32>
          %squeeze3A_2663 = vector.extract %slice3A_2662[0] : i32 from vector<1xi32>
          %dma_start3A_2664 = arith.constant 160 : i32
          %dma_start3A_2665 = arith.constant 0 : i32
          %dma_start3A_2666 = tpu.memref_slice %arg8[%dma_start3A_2664, %dma_start3A_2665] : memref<256x36xf32, #tpu.memory_space<vmem>> -> memref<8x36xf32, #tpu.memory_space<vmem>>
          %dma_start3A_2667 = arith.constant 0 : i32
          %dma_start3A_2668 = arith.constant 0 : i32
          %dma_start3A_2669 = tpu.memref_slice %arg4[%add3A_2239, %squeeze3A_2663, %dma_start3A_2667, %dma_start3A_2668] : memref<26x12500x8x36xf32, #tpu.memory_space<hbm>> -> memref<1x1x8x36xf32, #tpu.memory_space<hbm>>
          %dma_start3A_2670 = tpu.memref_squeeze %dma_start3A_2669 : memref<1x1x8x36xf32, #tpu.memory_space<hbm>> -> memref<8x36xf32, #tpu.memory_space<hbm>>
          %dma_start3A_2671 = arith.constant 160 : i32
          %dma_start3A_2672 = arith.constant 0 : i32
          %dma_start3A_2673 = tpu.memref_slice %arg8[%dma_start3A_2671, %dma_start3A_2672] : memref<256x36xf32, #tpu.memory_space<vmem>> -> memref<8x36xf32, #tpu.memory_space<vmem>>
          %dma_start3A_2674 = arith.constant 0 : i32
          %dma_start3A_2675 = arith.constant 0 : i32
          %dma_start3A_2676 = tpu.memref_slice %arg4[%add3A_2239, %squeeze3A_2663, %dma_start3A_2674, %dma_start3A_2675] : memref<26x12500x8x36xf32, #tpu.memory_space<hbm>> -> memref<1x1x8x36xf32, #tpu.memory_space<hbm>>
          %dma_start3A_2677 = tpu.memref_squeeze %dma_start3A_2676 : memref<1x1x8x36xf32, #tpu.memory_space<hbm>> -> memref<8x36xf32, #tpu.memory_space<hbm>>
          tpu.enqueue_dma source(%dma_start3A_2677 : memref<8x36xf32, #tpu.memory_space<hbm>>) target(%dma_start3A_2673 : memref<8x36xf32, #tpu.memory_space<vmem>>) target_semaphore(%arg12 : memref<!tpu.dma_semaphore, #tpu.memory_space<semaphore_mem>>)
          %slice3A_2678 = vector.extract_strided_slice %shift_right_logical3A_2597 {offsets = [5], sizes = [1], strides = [1]} : vector<16xi32> to vector<1xi32>
          %squeeze3A_2679 = vector.extract %slice3A_2678[0] : i32 from vector<1xi32>
          %dma_start3A_2680 = arith.constant 168 : i32
          %dma_start3A_2681 = arith.constant 0 : i32
          %dma_start3A_2682 = tpu.memref_slice %arg8[%dma_start3A_2680, %dma_start3A_2681] : memref<256x36xf32, #tpu.memory_space<vmem>> -> memref<8x36xf32, #tpu.memory_space<vmem>>
          %dma_start3A_2683 = arith.constant 0 : i32
          %dma_start3A_2684 = arith.constant 0 : i32
          %dma_start3A_2685 = tpu.memref_slice %arg4[%add3A_2239, %squeeze3A_2679, %dma_start3A_2683, %dma_start3A_2684] : memref<26x12500x8x36xf32, #tpu.memory_space<hbm>> -> memref<1x1x8x36xf32, #tpu.memory_space<hbm>>
          %dma_start3A_2686 = tpu.memref_squeeze %dma_start3A_2685 : memref<1x1x8x36xf32, #tpu.memory_space<hbm>> -> memref<8x36xf32, #tpu.memory_space<hbm>>
          %dma_start3A_2687 = arith.constant 168 : i32
          %dma_start3A_2688 = arith.constant 0 : i32
          %dma_start3A_2689 = tpu.memref_slice %arg8[%dma_start3A_2687, %dma_start3A_2688] : memref<256x36xf32, #tpu.memory_space<vmem>> -> memref<8x36xf32, #tpu.memory_space<vmem>>
          %dma_start3A_2690 = arith.constant 0 : i32
          %dma_start3A_2691 = arith.constant 0 : i32
          %dma_start3A_2692 = tpu.memref_slice %arg4[%add3A_2239, %squeeze3A_2679, %dma_start3A_2690, %dma_start3A_2691] : memref<26x12500x8x36xf32, #tpu.memory_space<hbm>> -> memref<1x1x8x36xf32, #tpu.memory_space<hbm>>
          %dma_start3A_2693 = tpu.memref_squeeze %dma_start3A_2692 : memref<1x1x8x36xf32, #tpu.memory_space<hbm>> -> memref<8x36xf32, #tpu.memory_space<hbm>>
          tpu.enqueue_dma source(%dma_start3A_2693 : memref<8x36xf32, #tpu.memory_space<hbm>>) target(%dma_start3A_2689 : memref<8x36xf32, #tpu.memory_space<vmem>>) target_semaphore(%arg12 : memref<!tpu.dma_semaphore, #tpu.memory_space<semaphore_mem>>)
          %slice3A_2694 = vector.extract_strided_slice %shift_right_logical3A_2597 {offsets = [6], sizes = [1], strides = [1]} : vector<16xi32> to vector<1xi32>
          %squeeze3A_2695 = vector.extract %slice3A_2694[0] : i32 from vector<1xi32>
          %dma_start3A_2696 = arith.constant 176 : i32
          %dma_start3A_2697 = arith.constant 0 : i32
          %dma_start3A_2698 = tpu.memref_slice %arg8[%dma_start3A_2696, %dma_start3A_2697] : memref<256x36xf32, #tpu.memory_space<vmem>> -> memref<8x36xf32, #tpu.memory_space<vmem>>
          %dma_start3A_2699 = arith.constant 0 : i32
          %dma_start3A_2700 = arith.constant 0 : i32
          %dma_start3A_2701 = tpu.memref_slice %arg4[%add3A_2239, %squeeze3A_2695, %dma_start3A_2699, %dma_start3A_2700] : memref<26x12500x8x36xf32, #tpu.memory_space<hbm>> -> memref<1x1x8x36xf32, #tpu.memory_space<hbm>>
          %dma_start3A_2702 = tpu.memref_squeeze %dma_start3A_2701 : memref<1x1x8x36xf32, #tpu.memory_space<hbm>> -> memref<8x36xf32, #tpu.memory_space<hbm>>
          %dma_start3A_2703 = arith.constant 176 : i32
          %dma_start3A_2704 = arith.constant 0 : i32
          %dma_start3A_2705 = tpu.memref_slice %arg8[%dma_start3A_2703, %dma_start3A_2704] : memref<256x36xf32, #tpu.memory_space<vmem>> -> memref<8x36xf32, #tpu.memory_space<vmem>>
          %dma_start3A_2706 = arith.constant 0 : i32
          %dma_start3A_2707 = arith.constant 0 : i32
          %dma_start3A_2708 = tpu.memref_slice %arg4[%add3A_2239, %squeeze3A_2695, %dma_start3A_2706, %dma_start3A_2707] : memref<26x12500x8x36xf32, #tpu.memory_space<hbm>> -> memref<1x1x8x36xf32, #tpu.memory_space<hbm>>
          %dma_start3A_2709 = tpu.memref_squeeze %dma_start3A_2708 : memref<1x1x8x36xf32, #tpu.memory_space<hbm>> -> memref<8x36xf32, #tpu.memory_space<hbm>>
          tpu.enqueue_dma source(%dma_start3A_2709 : memref<8x36xf32, #tpu.memory_space<hbm>>) target(%dma_start3A_2705 : memref<8x36xf32, #tpu.memory_space<vmem>>) target_semaphore(%arg12 : memref<!tpu.dma_semaphore, #tpu.memory_space<semaphore_mem>>)
          %slice3A_2710 = vector.extract_strided_slice %shift_right_logical3A_2597 {offsets = [7], sizes = [1], strides = [1]} : vector<16xi32> to vector<1xi32>
          %squeeze3A_2711 = vector.extract %slice3A_2710[0] : i32 from vector<1xi32>
          %dma_start3A_2712 = arith.constant 184 : i32
          %dma_start3A_2713 = arith.constant 0 : i32
          %dma_start3A_2714 = tpu.memref_slice %arg8[%dma_start3A_2712, %dma_start3A_2713] : memref<256x36xf32, #tpu.memory_space<vmem>> -> memref<8x36xf32, #tpu.memory_space<vmem>>
          %dma_start3A_2715 = arith.constant 0 : i32
          %dma_start3A_2716 = arith.constant 0 : i32
          %dma_start3A_2717 = tpu.memref_slice %arg4[%add3A_2239, %squeeze3A_2711, %dma_start3A_2715, %dma_start3A_2716] : memref<26x12500x8x36xf32, #tpu.memory_space<hbm>> -> memref<1x1x8x36xf32, #tpu.memory_space<hbm>>
          %dma_start3A_2718 = tpu.memref_squeeze %dma_start3A_2717 : memref<1x1x8x36xf32, #tpu.memory_space<hbm>> -> memref<8x36xf32, #tpu.memory_space<hbm>>
          %dma_start3A_2719 = arith.constant 184 : i32
          %dma_start3A_2720 = arith.constant 0 : i32
          %dma_start3A_2721 = tpu.memref_slice %arg8[%dma_start3A_2719, %dma_start3A_2720] : memref<256x36xf32, #tpu.memory_space<vmem>> -> memref<8x36xf32, #tpu.memory_space<vmem>>
          %dma_start3A_2722 = arith.constant 0 : i32
          %dma_start3A_2723 = arith.constant 0 : i32
          %dma_start3A_2724 = tpu.memref_slice %arg4[%add3A_2239, %squeeze3A_2711, %dma_start3A_2722, %dma_start3A_2723] : memref<26x12500x8x36xf32, #tpu.memory_space<hbm>> -> memref<1x1x8x36xf32, #tpu.memory_space<hbm>>
          %dma_start3A_2725 = tpu.memref_squeeze %dma_start3A_2724 : memref<1x1x8x36xf32, #tpu.memory_space<hbm>> -> memref<8x36xf32, #tpu.memory_space<hbm>>
          tpu.enqueue_dma source(%dma_start3A_2725 : memref<8x36xf32, #tpu.memory_space<hbm>>) target(%dma_start3A_2721 : memref<8x36xf32, #tpu.memory_space<vmem>>) target_semaphore(%arg12 : memref<!tpu.dma_semaphore, #tpu.memory_space<semaphore_mem>>)
          %slice3A_2726 = vector.extract_strided_slice %shift_right_logical3A_2597 {offsets = [8], sizes = [1], strides = [1]} : vector<16xi32> to vector<1xi32>
          %squeeze3A_2727 = vector.extract %slice3A_2726[0] : i32 from vector<1xi32>
          %dma_start3A_2728 = arith.constant 192 : i32
          %dma_start3A_2729 = arith.constant 0 : i32
          %dma_start3A_2730 = tpu.memref_slice %arg8[%dma_start3A_2728, %dma_start3A_2729] : memref<256x36xf32, #tpu.memory_space<vmem>> -> memref<8x36xf32, #tpu.memory_space<vmem>>
          %dma_start3A_2731 = arith.constant 0 : i32
          %dma_start3A_2732 = arith.constant 0 : i32
          %dma_start3A_2733 = tpu.memref_slice %arg4[%add3A_2239, %squeeze3A_2727, %dma_start3A_2731, %dma_start3A_2732] : memref<26x12500x8x36xf32, #tpu.memory_space<hbm>> -> memref<1x1x8x36xf32, #tpu.memory_space<hbm>>
          %dma_start3A_2734 = tpu.memref_squeeze %dma_start3A_2733 : memref<1x1x8x36xf32, #tpu.memory_space<hbm>> -> memref<8x36xf32, #tpu.memory_space<hbm>>
          %dma_start3A_2735 = arith.constant 192 : i32
          %dma_start3A_2736 = arith.constant 0 : i32
          %dma_start3A_2737 = tpu.memref_slice %arg8[%dma_start3A_2735, %dma_start3A_2736] : memref<256x36xf32, #tpu.memory_space<vmem>> -> memref<8x36xf32, #tpu.memory_space<vmem>>
          %dma_start3A_2738 = arith.constant 0 : i32
          %dma_start3A_2739 = arith.constant 0 : i32
          %dma_start3A_2740 = tpu.memref_slice %arg4[%add3A_2239, %squeeze3A_2727, %dma_start3A_2738, %dma_start3A_2739] : memref<26x12500x8x36xf32, #tpu.memory_space<hbm>> -> memref<1x1x8x36xf32, #tpu.memory_space<hbm>>
          %dma_start3A_2741 = tpu.memref_squeeze %dma_start3A_2740 : memref<1x1x8x36xf32, #tpu.memory_space<hbm>> -> memref<8x36xf32, #tpu.memory_space<hbm>>
          tpu.enqueue_dma source(%dma_start3A_2741 : memref<8x36xf32, #tpu.memory_space<hbm>>) target(%dma_start3A_2737 : memref<8x36xf32, #tpu.memory_space<vmem>>) target_semaphore(%arg12 : memref<!tpu.dma_semaphore, #tpu.memory_space<semaphore_mem>>)
          %slice3A_2742 = vector.extract_strided_slice %shift_right_logical3A_2597 {offsets = [9], sizes = [1], strides = [1]} : vector<16xi32> to vector<1xi32>
          %squeeze3A_2743 = vector.extract %slice3A_2742[0] : i32 from vector<1xi32>
          %dma_start3A_2744 = arith.constant 200 : i32
          %dma_start3A_2745 = arith.constant 0 : i32
          %dma_start3A_2746 = tpu.memref_slice %arg8[%dma_start3A_2744, %dma_start3A_2745] : memref<256x36xf32, #tpu.memory_space<vmem>> -> memref<8x36xf32, #tpu.memory_space<vmem>>
          %dma_start3A_2747 = arith.constant 0 : i32
          %dma_start3A_2748 = arith.constant 0 : i32
          %dma_start3A_2749 = tpu.memref_slice %arg4[%add3A_2239, %squeeze3A_2743, %dma_start3A_2747, %dma_start3A_2748] : memref<26x12500x8x36xf32, #tpu.memory_space<hbm>> -> memref<1x1x8x36xf32, #tpu.memory_space<hbm>>
          %dma_start3A_2750 = tpu.memref_squeeze %dma_start3A_2749 : memref<1x1x8x36xf32, #tpu.memory_space<hbm>> -> memref<8x36xf32, #tpu.memory_space<hbm>>
          %dma_start3A_2751 = arith.constant 200 : i32
          %dma_start3A_2752 = arith.constant 0 : i32
          %dma_start3A_2753 = tpu.memref_slice %arg8[%dma_start3A_2751, %dma_start3A_2752] : memref<256x36xf32, #tpu.memory_space<vmem>> -> memref<8x36xf32, #tpu.memory_space<vmem>>
          %dma_start3A_2754 = arith.constant 0 : i32
          %dma_start3A_2755 = arith.constant 0 : i32
          %dma_start3A_2756 = tpu.memref_slice %arg4[%add3A_2239, %squeeze3A_2743, %dma_start3A_2754, %dma_start3A_2755] : memref<26x12500x8x36xf32, #tpu.memory_space<hbm>> -> memref<1x1x8x36xf32, #tpu.memory_space<hbm>>
          %dma_start3A_2757 = tpu.memref_squeeze %dma_start3A_2756 : memref<1x1x8x36xf32, #tpu.memory_space<hbm>> -> memref<8x36xf32, #tpu.memory_space<hbm>>
          tpu.enqueue_dma source(%dma_start3A_2757 : memref<8x36xf32, #tpu.memory_space<hbm>>) target(%dma_start3A_2753 : memref<8x36xf32, #tpu.memory_space<vmem>>) target_semaphore(%arg12 : memref<!tpu.dma_semaphore, #tpu.memory_space<semaphore_mem>>)
          %slice3A_2758 = vector.extract_strided_slice %shift_right_logical3A_2597 {offsets = [10], sizes = [1], strides = [1]} : vector<16xi32> to vector<1xi32>
          %squeeze3A_2759 = vector.extract %slice3A_2758[0] : i32 from vector<1xi32>
          %dma_start3A_2760 = arith.constant 208 : i32
          %dma_start3A_2761 = arith.constant 0 : i32
          %dma_start3A_2762 = tpu.memref_slice %arg8[%dma_start3A_2760, %dma_start3A_2761] : memref<256x36xf32, #tpu.memory_space<vmem>> -> memref<8x36xf32, #tpu.memory_space<vmem>>
          %dma_start3A_2763 = arith.constant 0 : i32
          %dma_start3A_2764 = arith.constant 0 : i32
          %dma_start3A_2765 = tpu.memref_slice %arg4[%add3A_2239, %squeeze3A_2759, %dma_start3A_2763, %dma_start3A_2764] : memref<26x12500x8x36xf32, #tpu.memory_space<hbm>> -> memref<1x1x8x36xf32, #tpu.memory_space<hbm>>
          %dma_start3A_2766 = tpu.memref_squeeze %dma_start3A_2765 : memref<1x1x8x36xf32, #tpu.memory_space<hbm>> -> memref<8x36xf32, #tpu.memory_space<hbm>>
          %dma_start3A_2767 = arith.constant 208 : i32
          %dma_start3A_2768 = arith.constant 0 : i32
          %dma_start3A_2769 = tpu.memref_slice %arg8[%dma_start3A_2767, %dma_start3A_2768] : memref<256x36xf32, #tpu.memory_space<vmem>> -> memref<8x36xf32, #tpu.memory_space<vmem>>
          %dma_start3A_2770 = arith.constant 0 : i32
          %dma_start3A_2771 = arith.constant 0 : i32
          %dma_start3A_2772 = tpu.memref_slice %arg4[%add3A_2239, %squeeze3A_2759, %dma_start3A_2770, %dma_start3A_2771] : memref<26x12500x8x36xf32, #tpu.memory_space<hbm>> -> memref<1x1x8x36xf32, #tpu.memory_space<hbm>>
          %dma_start3A_2773 = tpu.memref_squeeze %dma_start3A_2772 : memref<1x1x8x36xf32, #tpu.memory_space<hbm>> -> memref<8x36xf32, #tpu.memory_space<hbm>>
          tpu.enqueue_dma source(%dma_start3A_2773 : memref<8x36xf32, #tpu.memory_space<hbm>>) target(%dma_start3A_2769 : memref<8x36xf32, #tpu.memory_space<vmem>>) target_semaphore(%arg12 : memref<!tpu.dma_semaphore, #tpu.memory_space<semaphore_mem>>)
          %slice3A_2774 = vector.extract_strided_slice %shift_right_logical3A_2597 {offsets = [11], sizes = [1], strides = [1]} : vector<16xi32> to vector<1xi32>
          %squeeze3A_2775 = vector.extract %slice3A_2774[0] : i32 from vector<1xi32>
          %dma_start3A_2776 = arith.constant 216 : i32
          %dma_start3A_2777 = arith.constant 0 : i32
          %dma_start3A_2778 = tpu.memref_slice %arg8[%dma_start3A_2776, %dma_start3A_2777] : memref<256x36xf32, #tpu.memory_space<vmem>> -> memref<8x36xf32, #tpu.memory_space<vmem>>
          %dma_start3A_2779 = arith.constant 0 : i32
          %dma_start3A_2780 = arith.constant 0 : i32
          %dma_start3A_2781 = tpu.memref_slice %arg4[%add3A_2239, %squeeze3A_2775, %dma_start3A_2779, %dma_start3A_2780] : memref<26x12500x8x36xf32, #tpu.memory_space<hbm>> -> memref<1x1x8x36xf32, #tpu.memory_space<hbm>>
          %dma_start3A_2782 = tpu.memref_squeeze %dma_start3A_2781 : memref<1x1x8x36xf32, #tpu.memory_space<hbm>> -> memref<8x36xf32, #tpu.memory_space<hbm>>
          %dma_start3A_2783 = arith.constant 216 : i32
          %dma_start3A_2784 = arith.constant 0 : i32
          %dma_start3A_2785 = tpu.memref_slice %arg8[%dma_start3A_2783, %dma_start3A_2784] : memref<256x36xf32, #tpu.memory_space<vmem>> -> memref<8x36xf32, #tpu.memory_space<vmem>>
          %dma_start3A_2786 = arith.constant 0 : i32
          %dma_start3A_2787 = arith.constant 0 : i32
          %dma_start3A_2788 = tpu.memref_slice %arg4[%add3A_2239, %squeeze3A_2775, %dma_start3A_2786, %dma_start3A_2787] : memref<26x12500x8x36xf32, #tpu.memory_space<hbm>> -> memref<1x1x8x36xf32, #tpu.memory_space<hbm>>
          %dma_start3A_2789 = tpu.memref_squeeze %dma_start3A_2788 : memref<1x1x8x36xf32, #tpu.memory_space<hbm>> -> memref<8x36xf32, #tpu.memory_space<hbm>>
          tpu.enqueue_dma source(%dma_start3A_2789 : memref<8x36xf32, #tpu.memory_space<hbm>>) target(%dma_start3A_2785 : memref<8x36xf32, #tpu.memory_space<vmem>>) target_semaphore(%arg12 : memref<!tpu.dma_semaphore, #tpu.memory_space<semaphore_mem>>)
          %slice3A_2790 = vector.extract_strided_slice %shift_right_logical3A_2597 {offsets = [12], sizes = [1], strides = [1]} : vector<16xi32> to vector<1xi32>
          %squeeze3A_2791 = vector.extract %slice3A_2790[0] : i32 from vector<1xi32>
          %dma_start3A_2792 = arith.constant 224 : i32
          %dma_start3A_2793 = arith.constant 0 : i32
          %dma_start3A_2794 = tpu.memref_slice %arg8[%dma_start3A_2792, %dma_start3A_2793] : memref<256x36xf32, #tpu.memory_space<vmem>> -> memref<8x36xf32, #tpu.memory_space<vmem>>
          %dma_start3A_2795 = arith.constant 0 : i32
          %dma_start3A_2796 = arith.constant 0 : i32
          %dma_start3A_2797 = tpu.memref_slice %arg4[%add3A_2239, %squeeze3A_2791, %dma_start3A_2795, %dma_start3A_2796] : memref<26x12500x8x36xf32, #tpu.memory_space<hbm>> -> memref<1x1x8x36xf32, #tpu.memory_space<hbm>>
          %dma_start3A_2798 = tpu.memref_squeeze %dma_start3A_2797 : memref<1x1x8x36xf32, #tpu.memory_space<hbm>> -> memref<8x36xf32, #tpu.memory_space<hbm>>
          %dma_start3A_2799 = arith.constant 224 : i32
          %dma_start3A_2800 = arith.constant 0 : i32
          %dma_start3A_2801 = tpu.memref_slice %arg8[%dma_start3A_2799, %dma_start3A_2800] : memref<256x36xf32, #tpu.memory_space<vmem>> -> memref<8x36xf32, #tpu.memory_space<vmem>>
          %dma_start3A_2802 = arith.constant 0 : i32
          %dma_start3A_2803 = arith.constant 0 : i32
          %dma_start3A_2804 = tpu.memref_slice %arg4[%add3A_2239, %squeeze3A_2791, %dma_start3A_2802, %dma_start3A_2803] : memref<26x12500x8x36xf32, #tpu.memory_space<hbm>> -> memref<1x1x8x36xf32, #tpu.memory_space<hbm>>
          %dma_start3A_2805 = tpu.memref_squeeze %dma_start3A_2804 : memref<1x1x8x36xf32, #tpu.memory_space<hbm>> -> memref<8x36xf32, #tpu.memory_space<hbm>>
          tpu.enqueue_dma source(%dma_start3A_2805 : memref<8x36xf32, #tpu.memory_space<hbm>>) target(%dma_start3A_2801 : memref<8x36xf32, #tpu.memory_space<vmem>>) target_semaphore(%arg12 : memref<!tpu.dma_semaphore, #tpu.memory_space<semaphore_mem>>)
          %slice3A_2806 = vector.extract_strided_slice %shift_right_logical3A_2597 {offsets = [13], sizes = [1], strides = [1]} : vector<16xi32> to vector<1xi32>
          %squeeze3A_2807 = vector.extract %slice3A_2806[0] : i32 from vector<1xi32>
          %dma_start3A_2808 = arith.constant 232 : i32
          %dma_start3A_2809 = arith.constant 0 : i32
          %dma_start3A_2810 = tpu.memref_slice %arg8[%dma_start3A_2808, %dma_start3A_2809] : memref<256x36xf32, #tpu.memory_space<vmem>> -> memref<8x36xf32, #tpu.memory_space<vmem>>
          %dma_start3A_2811 = arith.constant 0 : i32
          %dma_start3A_2812 = arith.constant 0 : i32
          %dma_start3A_2813 = tpu.memref_slice %arg4[%add3A_2239, %squeeze3A_2807, %dma_start3A_2811, %dma_start3A_2812] : memref<26x12500x8x36xf32, #tpu.memory_space<hbm>> -> memref<1x1x8x36xf32, #tpu.memory_space<hbm>>
          %dma_start3A_2814 = tpu.memref_squeeze %dma_start3A_2813 : memref<1x1x8x36xf32, #tpu.memory_space<hbm>> -> memref<8x36xf32, #tpu.memory_space<hbm>>
          %dma_start3A_2815 = arith.constant 232 : i32
          %dma_start3A_2816 = arith.constant 0 : i32
          %dma_start3A_2817 = tpu.memref_slice %arg8[%dma_start3A_2815, %dma_start3A_2816] : memref<256x36xf32, #tpu.memory_space<vmem>> -> memref<8x36xf32, #tpu.memory_space<vmem>>
          %dma_start3A_2818 = arith.constant 0 : i32
          %dma_start3A_2819 = arith.constant 0 : i32
          %dma_start3A_2820 = tpu.memref_slice %arg4[%add3A_2239, %squeeze3A_2807, %dma_start3A_2818, %dma_start3A_2819] : memref<26x12500x8x36xf32, #tpu.memory_space<hbm>> -> memref<1x1x8x36xf32, #tpu.memory_space<hbm>>
          %dma_start3A_2821 = tpu.memref_squeeze %dma_start3A_2820 : memref<1x1x8x36xf32, #tpu.memory_space<hbm>> -> memref<8x36xf32, #tpu.memory_space<hbm>>
          tpu.enqueue_dma source(%dma_start3A_2821 : memref<8x36xf32, #tpu.memory_space<hbm>>) target(%dma_start3A_2817 : memref<8x36xf32, #tpu.memory_space<vmem>>) target_semaphore(%arg12 : memref<!tpu.dma_semaphore, #tpu.memory_space<semaphore_mem>>)
          %slice3A_2822 = vector.extract_strided_slice %shift_right_logical3A_2597 {offsets = [14], sizes = [1], strides = [1]} : vector<16xi32> to vector<1xi32>
          %squeeze3A_2823 = vector.extract %slice3A_2822[0] : i32 from vector<1xi32>
          %dma_start3A_2824 = arith.constant 240 : i32
          %dma_start3A_2825 = arith.constant 0 : i32
          %dma_start3A_2826 = tpu.memref_slice %arg8[%dma_start3A_2824, %dma_start3A_2825] : memref<256x36xf32, #tpu.memory_space<vmem>> -> memref<8x36xf32, #tpu.memory_space<vmem>>
          %dma_start3A_2827 = arith.constant 0 : i32
          %dma_start3A_2828 = arith.constant 0 : i32
          %dma_start3A_2829 = tpu.memref_slice %arg4[%add3A_2239, %squeeze3A_2823, %dma_start3A_2827, %dma_start3A_2828] : memref<26x12500x8x36xf32, #tpu.memory_space<hbm>> -> memref<1x1x8x36xf32, #tpu.memory_space<hbm>>
          %dma_start3A_2830 = tpu.memref_squeeze %dma_start3A_2829 : memref<1x1x8x36xf32, #tpu.memory_space<hbm>> -> memref<8x36xf32, #tpu.memory_space<hbm>>
          %dma_start3A_2831 = arith.constant 240 : i32
          %dma_start3A_2832 = arith.constant 0 : i32
          %dma_start3A_2833 = tpu.memref_slice %arg8[%dma_start3A_2831, %dma_start3A_2832] : memref<256x36xf32, #tpu.memory_space<vmem>> -> memref<8x36xf32, #tpu.memory_space<vmem>>
          %dma_start3A_2834 = arith.constant 0 : i32
          %dma_start3A_2835 = arith.constant 0 : i32
          %dma_start3A_2836 = tpu.memref_slice %arg4[%add3A_2239, %squeeze3A_2823, %dma_start3A_2834, %dma_start3A_2835] : memref<26x12500x8x36xf32, #tpu.memory_space<hbm>> -> memref<1x1x8x36xf32, #tpu.memory_space<hbm>>
          %dma_start3A_2837 = tpu.memref_squeeze %dma_start3A_2836 : memref<1x1x8x36xf32, #tpu.memory_space<hbm>> -> memref<8x36xf32, #tpu.memory_space<hbm>>
          tpu.enqueue_dma source(%dma_start3A_2837 : memref<8x36xf32, #tpu.memory_space<hbm>>) target(%dma_start3A_2833 : memref<8x36xf32, #tpu.memory_space<vmem>>) target_semaphore(%arg12 : memref<!tpu.dma_semaphore, #tpu.memory_space<semaphore_mem>>)
          %slice3A_2838 = vector.extract_strided_slice %shift_right_logical3A_2597 {offsets = [15], sizes = [1], strides = [1]} : vector<16xi32> to vector<1xi32>
          %squeeze3A_2839 = vector.extract %slice3A_2838[0] : i32 from vector<1xi32>
          %dma_start3A_2840 = arith.constant 248 : i32
          %dma_start3A_2841 = arith.constant 0 : i32
          %dma_start3A_2842 = tpu.memref_slice %arg8[%dma_start3A_2840, %dma_start3A_2841] : memref<256x36xf32, #tpu.memory_space<vmem>> -> memref<8x36xf32, #tpu.memory_space<vmem>>
          %dma_start3A_2843 = arith.constant 0 : i32
          %dma_start3A_2844 = arith.constant 0 : i32
          %dma_start3A_2845 = tpu.memref_slice %arg4[%add3A_2239, %squeeze3A_2839, %dma_start3A_2843, %dma_start3A_2844] : memref<26x12500x8x36xf32, #tpu.memory_space<hbm>> -> memref<1x1x8x36xf32, #tpu.memory_space<hbm>>
          %dma_start3A_2846 = tpu.memref_squeeze %dma_start3A_2845 : memref<1x1x8x36xf32, #tpu.memory_space<hbm>> -> memref<8x36xf32, #tpu.memory_space<hbm>>
          %dma_start3A_2847 = arith.constant 248 : i32
          %dma_start3A_2848 = arith.constant 0 : i32
          %dma_start3A_2849 = tpu.memref_slice %arg8[%dma_start3A_2847, %dma_start3A_2848] : memref<256x36xf32, #tpu.memory_space<vmem>> -> memref<8x36xf32, #tpu.memory_space<vmem>>
          %dma_start3A_2850 = arith.constant 0 : i32
          %dma_start3A_2851 = arith.constant 0 : i32
          %dma_start3A_2852 = tpu.memref_slice %arg4[%add3A_2239, %squeeze3A_2839, %dma_start3A_2850, %dma_start3A_2851] : memref<26x12500x8x36xf32, #tpu.memory_space<hbm>> -> memref<1x1x8x36xf32, #tpu.memory_space<hbm>>
          %dma_start3A_2853 = tpu.memref_squeeze %dma_start3A_2852 : memref<1x1x8x36xf32, #tpu.memory_space<hbm>> -> memref<8x36xf32, #tpu.memory_space<hbm>>
          tpu.enqueue_dma source(%dma_start3A_2853 : memref<8x36xf32, #tpu.memory_space<hbm>>) target(%dma_start3A_2849 : memref<8x36xf32, #tpu.memory_space<vmem>>) target_semaphore(%arg12 : memref<!tpu.dma_semaphore, #tpu.memory_space<semaphore_mem>>)
        } else {
        }
        %add3A_1803 = arith.constant 1 : i32
        %add3A_1804 = arith.addi %mul3A_746, %add3A_1803 : i32
        %mul3A_1805 = arith.constant 36 : i32
        %mul3A_1806 = arith.muli %add3A_1804, %mul3A_1805 : i32
        %add3A_1807 = arith.constant 13 : i32
        %add3A_1808 = arith.addi %add3A_1807, %mul3A_1806 : i32
        %broadcast_in_dim3A_1809 = vector.broadcast %add3A_1808 : i32 to vector<16xi32>
        %dma_wait3A_1810 = arith.constant 0 : i32
        %dma_wait3A_1811 = arith.constant 0 : i32
        %dma_wait3A_1812 = tpu.memref_slice %arg9[%dma_wait3A_1810, %dma_wait3A_1811] : memref<256x36xf32, #tpu.memory_space<vmem>> -> memref<128x36xf32, #tpu.memory_space<vmem>>
        %dma_wait3A_1813 = arith.constant 0 : i32
        %dma_wait3A_1814 = arith.constant 0 : i32
        %dma_wait3A_1815 = tpu.memref_slice %arg5[%dma_wait3A_1813, %dma_wait3A_1814] : memref<256x36xf32, #tpu.memory_space<hbm>> -> memref<128x36xf32, #tpu.memory_space<hbm>>
        %dma_wait3A_1816 = arith.constant 0 : i32
        %dma_wait3A_1817 = arith.constant 0 : i32
        %dma_wait3A_1818 = tpu.memref_slice %arg9[%dma_wait3A_1816, %dma_wait3A_1817] : memref<256x36xf32, #tpu.memory_space<vmem>> -> memref<128x36xf32, #tpu.memory_space<vmem>>
        %dma_wait3A_1819 = arith.constant 0 : i32
        %dma_wait3A_1820 = arith.constant 0 : i32
        %dma_wait3A_1821 = tpu.memref_slice %arg5[%dma_wait3A_1819, %dma_wait3A_1820] : memref<256x36xf32, #tpu.memory_space<hbm>> -> memref<128x36xf32, #tpu.memory_space<hbm>>
        tpu.wait_dma2 semaphore(%arg13 : memref<!tpu.dma_semaphore, #tpu.memory_space<semaphore_mem>>) src(%dma_wait3A_1821 : memref<128x36xf32, #tpu.memory_space<hbm>>) dst(%dma_wait3A_1818 : memref<128x36xf32, #tpu.memory_space<vmem>>)
        %mul3A_1822 = arith.constant 32 : i32
        %mul3A_1823 = arith.muli %scan3A_13, %mul3A_1822 : i32
        %add3A_1824 = arith.constant 0 : i32
        %add3A_1825 = arith.addi %mul3A_1823, %add3A_1824 : i32
        %jit3A_1826 = arith.constant 128 : i32
        %div3A_1827 = arith.divsi %add3A_1825, %jit3A_1826 : i32
        %sign3A_1828 = arith.constant 0 : i32
        %sign3A_1829 = arith.cmpi sgt, %add3A_1825, %sign3A_1828 : i32
        %sign3A_1830 = arith.extui %sign3A_1829 : i1 to i32
        %sign3A_1831 = arith.constant 0 : i32
        %sign3A_1832 = arith.cmpi slt, %add3A_1825, %sign3A_1831 : i32
        %sign3A_1833 = arith.extui %sign3A_1832 : i1 to i32
        %sign3A_1834 = arith.subi %sign3A_1830, %sign3A_1833 : i32
        %sign3A_1835 = arith.constant 0 : i32
        %sign3A_1836 = arith.cmpi sgt, %jit3A_1826, %sign3A_1835 : i32
        %sign3A_1837 = arith.extui %sign3A_1836 : i1 to i32
        %sign3A_1838 = arith.constant 0 : i32
        %sign3A_1839 = arith.cmpi slt, %jit3A_1826, %sign3A_1838 : i32
        %sign3A_1840 = arith.extui %sign3A_1839 : i1 to i32
        %sign3A_1841 = arith.subi %sign3A_1837, %sign3A_1840 : i32
        %ne3A_1842 = arith.cmpi ne, %sign3A_1834, %sign3A_1841 : i32
        %rem3A_1843 = arith.remsi %add3A_1825, %jit3A_1826 : i32
        %ne3A_1844 = arith.constant 0 : i32
        %ne3A_1845 = arith.cmpi ne, %rem3A_1843, %ne3A_1844 : i32
        %and3A_1846 = arith.andi %ne3A_1842, %ne3A_1845 : i1
        %sub3A_1847 = arith.constant 1 : i32
        %sub3A_1848 = arith.subi %div3A_1827, %sub3A_1847 : i32
        %select_n3A_1849 = arith.select %and3A_1846, %sub3A_1848, %div3A_1827 : i32
        %jit3A_1850 = arith.constant 128 : i32
        %eq3A_1851 = arith.constant 0 : i32
        %eq3A_1852 = arith.cmpi eq, %jit3A_1850, %eq3A_1851 : i32
        %jit3A_1853 = arith.constant 1 : i32
        %select_n3A_1854 = arith.select %eq3A_1852, %jit3A_1853, %jit3A_1850 : i32
        %rem3A_1855 = arith.remsi %add3A_1825, %select_n3A_1854 : i32
        %ne3A_1856 = arith.constant 0 : i32
        %ne3A_1857 = arith.cmpi ne, %rem3A_1855, %ne3A_1856 : i32
        %lt3A_1858 = arith.constant 0 : i32
        %lt3A_1859 = arith.cmpi slt, %rem3A_1855, %lt3A_1858 : i32
        %lt3A_1860 = arith.constant 0 : i32
        %lt3A_1861 = arith.cmpi slt, %select_n3A_1854, %lt3A_1860 : i32
        %ne3A_1862 = arith.xori %lt3A_1859, %lt3A_1861 : i1
        %and3A_1863 = arith.andi %ne3A_1862, %ne3A_1857 : i1
        %add3A_1864 = arith.addi %rem3A_1855, %select_n3A_1854 : i32
        %select_n3A_1865 = arith.select %and3A_1863, %add3A_1864, %rem3A_1855 : i32
        %get3A_1866 = arith.index_cast %add3A_1804 : i32 to index
        %get3A_1867 = arith.index_cast %select_n3A_1849 : i32 to index
        %get3A_1868 = arith.index_cast %select_n3A_1865 : i32 to index
        %get3A_1869 = tpu.vector_load %arg7[%get3A_1866, %get3A_1867, %get3A_1868] {strides = array<i32>} : memref<26x4x128xi32, #tpu.memory_space<vmem>>, vector<16xi32>,
        %broadcast_in_dim3A_1870 = arith.constant 7 : i32
        %broadcast_in_dim3A_1871 = vector.broadcast %broadcast_in_dim3A_1870 : i32 to vector<16xi32>
        %and3A_1872 = arith.andi %get3A_1869, %broadcast_in_dim3A_1871 : vector<16xi32>
        %add3A_1873 = arith.constant 0 : i32
        %add3A_1874 = vector.broadcast %add3A_1873 : i32 to vector<16xi32>
        %add3A_1875 = arith.addi %add3A_1874, %iota3A : vector<16xi32>
        %mul3A_1876 = arith.constant 8 : i32
        %mul3A_1877 = vector.broadcast %mul3A_1876 : i32 to vector<16xi32>
        %mul3A_1878 = arith.muli %add3A_1875, %mul3A_1877 : vector<16xi32>
        %add3A_1879 = arith.addi %mul3A_1878, %and3A_1872 : vector<16xi32>
        %broadcast_in_dim3A_1880 = arith.constant 0 : i32
        %broadcast_in_dim3A_1881 = vector.broadcast %broadcast_in_dim3A_1880 : i32 to vector<16xi32>
        %gather3A_1882 = tpu.vector_load_idx %arg9[%add3A_1879, %broadcast_in_dim3A_1881] : memref<256x36xf32, #tpu.memory_space<vmem>>[vector<16xi32>, vector<16xi32>], vector<16xf32>,
        %add3A_1883 = arith.addi %broadcast_in_dim3A_1809, %broadcast_in_dim3A_1881 : vector<16xi32>
        tpu.vector_store_idx %arg11[%add3A_1875, %add3A_1883], %gather3A_1882 : memref<32x949xf32, #tpu.memory_space<vmem>>[vector<16xi32>, vector<16xi32>], vector<16xf32>,
        %broadcast_in_dim3A_1884 = arith.constant 1 : i32
        %broadcast_in_dim3A_1885 = vector.broadcast %broadcast_in_dim3A_1884 : i32 to vector<16xi32>
        %gather3A_1886 = tpu.vector_load_idx %arg9[%add3A_1879, %broadcast_in_dim3A_1885] : memref<256x36xf32, #tpu.memory_space<vmem>>[vector<16xi32>, vector<16xi32>], vector<16xf32>,
        %add3A_1887 = arith.addi %broadcast_in_dim3A_1809, %broadcast_in_dim3A_1885 : vector<16xi32>
        tpu.vector_store_idx %arg11[%add3A_1875, %add3A_1887], %gather3A_1886 : memref<32x949xf32, #tpu.memory_space<vmem>>[vector<16xi32>, vector<16xi32>], vector<16xf32>,
        %broadcast_in_dim3A_1888 = arith.constant 2 : i32
        %broadcast_in_dim3A_1889 = vector.broadcast %broadcast_in_dim3A_1888 : i32 to vector<16xi32>
        %gather3A_1890 = tpu.vector_load_idx %arg9[%add3A_1879, %broadcast_in_dim3A_1889] : memref<256x36xf32, #tpu.memory_space<vmem>>[vector<16xi32>, vector<16xi32>], vector<16xf32>,
        %add3A_1891 = arith.addi %broadcast_in_dim3A_1809, %broadcast_in_dim3A_1889 : vector<16xi32>
        tpu.vector_store_idx %arg11[%add3A_1875, %add3A_1891], %gather3A_1890 : memref<32x949xf32, #tpu.memory_space<vmem>>[vector<16xi32>, vector<16xi32>], vector<16xf32>,
        %broadcast_in_dim3A_1892 = arith.constant 3 : i32
        %broadcast_in_dim3A_1893 = vector.broadcast %broadcast_in_dim3A_1892 : i32 to vector<16xi32>
        %gather3A_1894 = tpu.vector_load_idx %arg9[%add3A_1879, %broadcast_in_dim3A_1893] : memref<256x36xf32, #tpu.memory_space<vmem>>[vector<16xi32>, vector<16xi32>], vector<16xf32>,
        %add3A_1895 = arith.addi %broadcast_in_dim3A_1809, %broadcast_in_dim3A_1893 : vector<16xi32>
        tpu.vector_store_idx %arg11[%add3A_1875, %add3A_1895], %gather3A_1894 : memref<32x949xf32, #tpu.memory_space<vmem>>[vector<16xi32>, vector<16xi32>], vector<16xf32>,
        %broadcast_in_dim3A_1896 = arith.constant 4 : i32
        %broadcast_in_dim3A_1897 = vector.broadcast %broadcast_in_dim3A_1896 : i32 to vector<16xi32>
        %gather3A_1898 = tpu.vector_load_idx %arg9[%add3A_1879, %broadcast_in_dim3A_1897] : memref<256x36xf32, #tpu.memory_space<vmem>>[vector<16xi32>, vector<16xi32>], vector<16xf32>,
        %add3A_1899 = arith.addi %broadcast_in_dim3A_1809, %broadcast_in_dim3A_1897 : vector<16xi32>
        tpu.vector_store_idx %arg11[%add3A_1875, %add3A_1899], %gather3A_1898 : memref<32x949xf32, #tpu.memory_space<vmem>>[vector<16xi32>, vector<16xi32>], vector<16xf32>,
        %broadcast_in_dim3A_1900 = arith.constant 5 : i32
        %broadcast_in_dim3A_1901 = vector.broadcast %broadcast_in_dim3A_1900 : i32 to vector<16xi32>
        %gather3A_1902 = tpu.vector_load_idx %arg9[%add3A_1879, %broadcast_in_dim3A_1901] : memref<256x36xf32, #tpu.memory_space<vmem>>[vector<16xi32>, vector<16xi32>], vector<16xf32>,
        %add3A_1903 = arith.addi %broadcast_in_dim3A_1809, %broadcast_in_dim3A_1901 : vector<16xi32>
        tpu.vector_store_idx %arg11[%add3A_1875, %add3A_1903], %gather3A_1902 : memref<32x949xf32, #tpu.memory_space<vmem>>[vector<16xi32>, vector<16xi32>], vector<16xf32>,
        %broadcast_in_dim3A_1904 = arith.constant 6 : i32
        %broadcast_in_dim3A_1905 = vector.broadcast %broadcast_in_dim3A_1904 : i32 to vector<16xi32>
        %gather3A_1906 = tpu.vector_load_idx %arg9[%add3A_1879, %broadcast_in_dim3A_1905] : memref<256x36xf32, #tpu.memory_space<vmem>>[vector<16xi32>, vector<16xi32>], vector<16xf32>,
        %add3A_1907 = arith.addi %broadcast_in_dim3A_1809, %broadcast_in_dim3A_1905 : vector<16xi32>
        tpu.vector_store_idx %arg11[%add3A_1875, %add3A_1907], %gather3A_1906 : memref<32x949xf32, #tpu.memory_space<vmem>>[vector<16xi32>, vector<16xi32>], vector<16xf32>,
        %broadcast_in_dim3A_1908 = arith.constant 7 : i32
        %broadcast_in_dim3A_1909 = vector.broadcast %broadcast_in_dim3A_1908 : i32 to vector<16xi32>
        %gather3A_1910 = tpu.vector_load_idx %arg9[%add3A_1879, %broadcast_in_dim3A_1909] : memref<256x36xf32, #tpu.memory_space<vmem>>[vector<16xi32>, vector<16xi32>], vector<16xf32>,
        %add3A_1911 = arith.addi %broadcast_in_dim3A_1809, %broadcast_in_dim3A_1909 : vector<16xi32>
        tpu.vector_store_idx %arg11[%add3A_1875, %add3A_1911], %gather3A_1910 : memref<32x949xf32, #tpu.memory_space<vmem>>[vector<16xi32>, vector<16xi32>], vector<16xf32>,
        %broadcast_in_dim3A_1912 = arith.constant 8 : i32
        %broadcast_in_dim3A_1913 = vector.broadcast %broadcast_in_dim3A_1912 : i32 to vector<16xi32>
        %gather3A_1914 = tpu.vector_load_idx %arg9[%add3A_1879, %broadcast_in_dim3A_1913] : memref<256x36xf32, #tpu.memory_space<vmem>>[vector<16xi32>, vector<16xi32>], vector<16xf32>,
        %add3A_1915 = arith.addi %broadcast_in_dim3A_1809, %broadcast_in_dim3A_1913 : vector<16xi32>
        tpu.vector_store_idx %arg11[%add3A_1875, %add3A_1915], %gather3A_1914 : memref<32x949xf32, #tpu.memory_space<vmem>>[vector<16xi32>, vector<16xi32>], vector<16xf32>,
        %broadcast_in_dim3A_1916 = arith.constant 9 : i32
        %broadcast_in_dim3A_1917 = vector.broadcast %broadcast_in_dim3A_1916 : i32 to vector<16xi32>
        %gather3A_1918 = tpu.vector_load_idx %arg9[%add3A_1879, %broadcast_in_dim3A_1917] : memref<256x36xf32, #tpu.memory_space<vmem>>[vector<16xi32>, vector<16xi32>], vector<16xf32>,
        %add3A_1919 = arith.addi %broadcast_in_dim3A_1809, %broadcast_in_dim3A_1917 : vector<16xi32>
        tpu.vector_store_idx %arg11[%add3A_1875, %add3A_1919], %gather3A_1918 : memref<32x949xf32, #tpu.memory_space<vmem>>[vector<16xi32>, vector<16xi32>], vector<16xf32>,
        %broadcast_in_dim3A_1920 = arith.constant 10 : i32
        %broadcast_in_dim3A_1921 = vector.broadcast %broadcast_in_dim3A_1920 : i32 to vector<16xi32>
        %gather3A_1922 = tpu.vector_load_idx %arg9[%add3A_1879, %broadcast_in_dim3A_1921] : memref<256x36xf32, #tpu.memory_space<vmem>>[vector<16xi32>, vector<16xi32>], vector<16xf32>,
        %add3A_1923 = arith.addi %broadcast_in_dim3A_1809, %broadcast_in_dim3A_1921 : vector<16xi32>
        tpu.vector_store_idx %arg11[%add3A_1875, %add3A_1923], %gather3A_1922 : memref<32x949xf32, #tpu.memory_space<vmem>>[vector<16xi32>, vector<16xi32>], vector<16xf32>,
        %broadcast_in_dim3A_1924 = arith.constant 11 : i32
        %broadcast_in_dim3A_1925 = vector.broadcast %broadcast_in_dim3A_1924 : i32 to vector<16xi32>
        %gather3A_1926 = tpu.vector_load_idx %arg9[%add3A_1879, %broadcast_in_dim3A_1925] : memref<256x36xf32, #tpu.memory_space<vmem>>[vector<16xi32>, vector<16xi32>], vector<16xf32>,
        %add3A_1927 = arith.addi %broadcast_in_dim3A_1809, %broadcast_in_dim3A_1925 : vector<16xi32>
        tpu.vector_store_idx %arg11[%add3A_1875, %add3A_1927], %gather3A_1926 : memref<32x949xf32, #tpu.memory_space<vmem>>[vector<16xi32>, vector<16xi32>], vector<16xf32>,
        %broadcast_in_dim3A_1928 = arith.constant 12 : i32
        %broadcast_in_dim3A_1929 = vector.broadcast %broadcast_in_dim3A_1928 : i32 to vector<16xi32>
        %gather3A_1930 = tpu.vector_load_idx %arg9[%add3A_1879, %broadcast_in_dim3A_1929] : memref<256x36xf32, #tpu.memory_space<vmem>>[vector<16xi32>, vector<16xi32>], vector<16xf32>,
        %add3A_1931 = arith.addi %broadcast_in_dim3A_1809, %broadcast_in_dim3A_1929 : vector<16xi32>
        tpu.vector_store_idx %arg11[%add3A_1875, %add3A_1931], %gather3A_1930 : memref<32x949xf32, #tpu.memory_space<vmem>>[vector<16xi32>, vector<16xi32>], vector<16xf32>,
        %broadcast_in_dim3A_1932 = arith.constant 13 : i32
        %broadcast_in_dim3A_1933 = vector.broadcast %broadcast_in_dim3A_1932 : i32 to vector<16xi32>
        %gather3A_1934 = tpu.vector_load_idx %arg9[%add3A_1879, %broadcast_in_dim3A_1933] : memref<256x36xf32, #tpu.memory_space<vmem>>[vector<16xi32>, vector<16xi32>], vector<16xf32>,
        %add3A_1935 = arith.addi %broadcast_in_dim3A_1809, %broadcast_in_dim3A_1933 : vector<16xi32>
        tpu.vector_store_idx %arg11[%add3A_1875, %add3A_1935], %gather3A_1934 : memref<32x949xf32, #tpu.memory_space<vmem>>[vector<16xi32>, vector<16xi32>], vector<16xf32>,
        %broadcast_in_dim3A_1936 = arith.constant 14 : i32
        %broadcast_in_dim3A_1937 = vector.broadcast %broadcast_in_dim3A_1936 : i32 to vector<16xi32>
        %gather3A_1938 = tpu.vector_load_idx %arg9[%add3A_1879, %broadcast_in_dim3A_1937] : memref<256x36xf32, #tpu.memory_space<vmem>>[vector<16xi32>, vector<16xi32>], vector<16xf32>,
        %add3A_1939 = arith.addi %broadcast_in_dim3A_1809, %broadcast_in_dim3A_1937 : vector<16xi32>
        tpu.vector_store_idx %arg11[%add3A_1875, %add3A_1939], %gather3A_1938 : memref<32x949xf32, #tpu.memory_space<vmem>>[vector<16xi32>, vector<16xi32>], vector<16xf32>,
        %broadcast_in_dim3A_1940 = arith.constant 15 : i32
        %broadcast_in_dim3A_1941 = vector.broadcast %broadcast_in_dim3A_1940 : i32 to vector<16xi32>
        %gather3A_1942 = tpu.vector_load_idx %arg9[%add3A_1879, %broadcast_in_dim3A_1941] : memref<256x36xf32, #tpu.memory_space<vmem>>[vector<16xi32>, vector<16xi32>], vector<16xf32>,
        %add3A_1943 = arith.addi %broadcast_in_dim3A_1809, %broadcast_in_dim3A_1941 : vector<16xi32>
        tpu.vector_store_idx %arg11[%add3A_1875, %add3A_1943], %gather3A_1942 : memref<32x949xf32, #tpu.memory_space<vmem>>[vector<16xi32>, vector<16xi32>], vector<16xf32>,
        %broadcast_in_dim3A_1944 = arith.constant 16 : i32
        %broadcast_in_dim3A_1945 = vector.broadcast %broadcast_in_dim3A_1944 : i32 to vector<16xi32>
        %gather3A_1946 = tpu.vector_load_idx %arg9[%add3A_1879, %broadcast_in_dim3A_1945] : memref<256x36xf32, #tpu.memory_space<vmem>>[vector<16xi32>, vector<16xi32>], vector<16xf32>,
        %add3A_1947 = arith.addi %broadcast_in_dim3A_1809, %broadcast_in_dim3A_1945 : vector<16xi32>
        tpu.vector_store_idx %arg11[%add3A_1875, %add3A_1947], %gather3A_1946 : memref<32x949xf32, #tpu.memory_space<vmem>>[vector<16xi32>, vector<16xi32>], vector<16xf32>,
        %broadcast_in_dim3A_1948 = arith.constant 17 : i32
        %broadcast_in_dim3A_1949 = vector.broadcast %broadcast_in_dim3A_1948 : i32 to vector<16xi32>
        %gather3A_1950 = tpu.vector_load_idx %arg9[%add3A_1879, %broadcast_in_dim3A_1949] : memref<256x36xf32, #tpu.memory_space<vmem>>[vector<16xi32>, vector<16xi32>], vector<16xf32>,
        %add3A_1951 = arith.addi %broadcast_in_dim3A_1809, %broadcast_in_dim3A_1949 : vector<16xi32>
        tpu.vector_store_idx %arg11[%add3A_1875, %add3A_1951], %gather3A_1950 : memref<32x949xf32, #tpu.memory_space<vmem>>[vector<16xi32>, vector<16xi32>], vector<16xf32>,
        %broadcast_in_dim3A_1952 = arith.constant 18 : i32
        %broadcast_in_dim3A_1953 = vector.broadcast %broadcast_in_dim3A_1952 : i32 to vector<16xi32>
        %gather3A_1954 = tpu.vector_load_idx %arg9[%add3A_1879, %broadcast_in_dim3A_1953] : memref<256x36xf32, #tpu.memory_space<vmem>>[vector<16xi32>, vector<16xi32>], vector<16xf32>,
        %add3A_1955 = arith.addi %broadcast_in_dim3A_1809, %broadcast_in_dim3A_1953 : vector<16xi32>
        tpu.vector_store_idx %arg11[%add3A_1875, %add3A_1955], %gather3A_1954 : memref<32x949xf32, #tpu.memory_space<vmem>>[vector<16xi32>, vector<16xi32>], vector<16xf32>,
        %broadcast_in_dim3A_1956 = arith.constant 19 : i32
        %broadcast_in_dim3A_1957 = vector.broadcast %broadcast_in_dim3A_1956 : i32 to vector<16xi32>
        %gather3A_1958 = tpu.vector_load_idx %arg9[%add3A_1879, %broadcast_in_dim3A_1957] : memref<256x36xf32, #tpu.memory_space<vmem>>[vector<16xi32>, vector<16xi32>], vector<16xf32>,
        %add3A_1959 = arith.addi %broadcast_in_dim3A_1809, %broadcast_in_dim3A_1957 : vector<16xi32>
        tpu.vector_store_idx %arg11[%add3A_1875, %add3A_1959], %gather3A_1958 : memref<32x949xf32, #tpu.memory_space<vmem>>[vector<16xi32>, vector<16xi32>], vector<16xf32>,
        %broadcast_in_dim3A_1960 = arith.constant 20 : i32
        %broadcast_in_dim3A_1961 = vector.broadcast %broadcast_in_dim3A_1960 : i32 to vector<16xi32>
        %gather3A_1962 = tpu.vector_load_idx %arg9[%add3A_1879, %broadcast_in_dim3A_1961] : memref<256x36xf32, #tpu.memory_space<vmem>>[vector<16xi32>, vector<16xi32>], vector<16xf32>,
        %add3A_1963 = arith.addi %broadcast_in_dim3A_1809, %broadcast_in_dim3A_1961 : vector<16xi32>
        tpu.vector_store_idx %arg11[%add3A_1875, %add3A_1963], %gather3A_1962 : memref<32x949xf32, #tpu.memory_space<vmem>>[vector<16xi32>, vector<16xi32>], vector<16xf32>,
        %broadcast_in_dim3A_1964 = arith.constant 21 : i32
        %broadcast_in_dim3A_1965 = vector.broadcast %broadcast_in_dim3A_1964 : i32 to vector<16xi32>
        %gather3A_1966 = tpu.vector_load_idx %arg9[%add3A_1879, %broadcast_in_dim3A_1965] : memref<256x36xf32, #tpu.memory_space<vmem>>[vector<16xi32>, vector<16xi32>], vector<16xf32>,
        %add3A_1967 = arith.addi %broadcast_in_dim3A_1809, %broadcast_in_dim3A_1965 : vector<16xi32>
        tpu.vector_store_idx %arg11[%add3A_1875, %add3A_1967], %gather3A_1966 : memref<32x949xf32, #tpu.memory_space<vmem>>[vector<16xi32>, vector<16xi32>], vector<16xf32>,
        %broadcast_in_dim3A_1968 = arith.constant 22 : i32
        %broadcast_in_dim3A_1969 = vector.broadcast %broadcast_in_dim3A_1968 : i32 to vector<16xi32>
        %gather3A_1970 = tpu.vector_load_idx %arg9[%add3A_1879, %broadcast_in_dim3A_1969] : memref<256x36xf32, #tpu.memory_space<vmem>>[vector<16xi32>, vector<16xi32>], vector<16xf32>,
        %add3A_1971 = arith.addi %broadcast_in_dim3A_1809, %broadcast_in_dim3A_1969 : vector<16xi32>
        tpu.vector_store_idx %arg11[%add3A_1875, %add3A_1971], %gather3A_1970 : memref<32x949xf32, #tpu.memory_space<vmem>>[vector<16xi32>, vector<16xi32>], vector<16xf32>,
        %broadcast_in_dim3A_1972 = arith.constant 23 : i32
        %broadcast_in_dim3A_1973 = vector.broadcast %broadcast_in_dim3A_1972 : i32 to vector<16xi32>
        %gather3A_1974 = tpu.vector_load_idx %arg9[%add3A_1879, %broadcast_in_dim3A_1973] : memref<256x36xf32, #tpu.memory_space<vmem>>[vector<16xi32>, vector<16xi32>], vector<16xf32>,
        %add3A_1975 = arith.addi %broadcast_in_dim3A_1809, %broadcast_in_dim3A_1973 : vector<16xi32>
        tpu.vector_store_idx %arg11[%add3A_1875, %add3A_1975], %gather3A_1974 : memref<32x949xf32, #tpu.memory_space<vmem>>[vector<16xi32>, vector<16xi32>], vector<16xf32>,
        %broadcast_in_dim3A_1976 = arith.constant 24 : i32
        %broadcast_in_dim3A_1977 = vector.broadcast %broadcast_in_dim3A_1976 : i32 to vector<16xi32>
        %gather3A_1978 = tpu.vector_load_idx %arg9[%add3A_1879, %broadcast_in_dim3A_1977] : memref<256x36xf32, #tpu.memory_space<vmem>>[vector<16xi32>, vector<16xi32>], vector<16xf32>,
        %add3A_1979 = arith.addi %broadcast_in_dim3A_1809, %broadcast_in_dim3A_1977 : vector<16xi32>
        tpu.vector_store_idx %arg11[%add3A_1875, %add3A_1979], %gather3A_1978 : memref<32x949xf32, #tpu.memory_space<vmem>>[vector<16xi32>, vector<16xi32>], vector<16xf32>,
        %broadcast_in_dim3A_1980 = arith.constant 25 : i32
        %broadcast_in_dim3A_1981 = vector.broadcast %broadcast_in_dim3A_1980 : i32 to vector<16xi32>
        %gather3A_1982 = tpu.vector_load_idx %arg9[%add3A_1879, %broadcast_in_dim3A_1981] : memref<256x36xf32, #tpu.memory_space<vmem>>[vector<16xi32>, vector<16xi32>], vector<16xf32>,
        %add3A_1983 = arith.addi %broadcast_in_dim3A_1809, %broadcast_in_dim3A_1981 : vector<16xi32>
        tpu.vector_store_idx %arg11[%add3A_1875, %add3A_1983], %gather3A_1982 : memref<32x949xf32, #tpu.memory_space<vmem>>[vector<16xi32>, vector<16xi32>], vector<16xf32>,
        %broadcast_in_dim3A_1984 = arith.constant 26 : i32
        %broadcast_in_dim3A_1985 = vector.broadcast %broadcast_in_dim3A_1984 : i32 to vector<16xi32>
        %gather3A_1986 = tpu.vector_load_idx %arg9[%add3A_1879, %broadcast_in_dim3A_1985] : memref<256x36xf32, #tpu.memory_space<vmem>>[vector<16xi32>, vector<16xi32>], vector<16xf32>,
        %add3A_1987 = arith.addi %broadcast_in_dim3A_1809, %broadcast_in_dim3A_1985 : vector<16xi32>
        tpu.vector_store_idx %arg11[%add3A_1875, %add3A_1987], %gather3A_1986 : memref<32x949xf32, #tpu.memory_space<vmem>>[vector<16xi32>, vector<16xi32>], vector<16xf32>,
        %broadcast_in_dim3A_1988 = arith.constant 27 : i32
        %broadcast_in_dim3A_1989 = vector.broadcast %broadcast_in_dim3A_1988 : i32 to vector<16xi32>
        %gather3A_1990 = tpu.vector_load_idx %arg9[%add3A_1879, %broadcast_in_dim3A_1989] : memref<256x36xf32, #tpu.memory_space<vmem>>[vector<16xi32>, vector<16xi32>], vector<16xf32>,
        %add3A_1991 = arith.addi %broadcast_in_dim3A_1809, %broadcast_in_dim3A_1989 : vector<16xi32>
        tpu.vector_store_idx %arg11[%add3A_1875, %add3A_1991], %gather3A_1990 : memref<32x949xf32, #tpu.memory_space<vmem>>[vector<16xi32>, vector<16xi32>], vector<16xf32>,
        %broadcast_in_dim3A_1992 = arith.constant 28 : i32
        %broadcast_in_dim3A_1993 = vector.broadcast %broadcast_in_dim3A_1992 : i32 to vector<16xi32>
        %gather3A_1994 = tpu.vector_load_idx %arg9[%add3A_1879, %broadcast_in_dim3A_1993] : memref<256x36xf32, #tpu.memory_space<vmem>>[vector<16xi32>, vector<16xi32>], vector<16xf32>,
        %add3A_1995 = arith.addi %broadcast_in_dim3A_1809, %broadcast_in_dim3A_1993 : vector<16xi32>
        tpu.vector_store_idx %arg11[%add3A_1875, %add3A_1995], %gather3A_1994 : memref<32x949xf32, #tpu.memory_space<vmem>>[vector<16xi32>, vector<16xi32>], vector<16xf32>,
        %broadcast_in_dim3A_1996 = arith.constant 29 : i32
        %broadcast_in_dim3A_1997 = vector.broadcast %broadcast_in_dim3A_1996 : i32 to vector<16xi32>
        %gather3A_1998 = tpu.vector_load_idx %arg9[%add3A_1879, %broadcast_in_dim3A_1997] : memref<256x36xf32, #tpu.memory_space<vmem>>[vector<16xi32>, vector<16xi32>], vector<16xf32>,
        %add3A_1999 = arith.addi %broadcast_in_dim3A_1809, %broadcast_in_dim3A_1997 : vector<16xi32>
        tpu.vector_store_idx %arg11[%add3A_1875, %add3A_1999], %gather3A_1998 : memref<32x949xf32, #tpu.memory_space<vmem>>[vector<16xi32>, vector<16xi32>], vector<16xf32>,
        %broadcast_in_dim3A_2000 = arith.constant 30 : i32
        %broadcast_in_dim3A_2001 = vector.broadcast %broadcast_in_dim3A_2000 : i32 to vector<16xi32>
        %gather3A_2002 = tpu.vector_load_idx %arg9[%add3A_1879, %broadcast_in_dim3A_2001] : memref<256x36xf32, #tpu.memory_space<vmem>>[vector<16xi32>, vector<16xi32>], vector<16xf32>,
        %add3A_2003 = arith.addi %broadcast_in_dim3A_1809, %broadcast_in_dim3A_2001 : vector<16xi32>
        tpu.vector_store_idx %arg11[%add3A_1875, %add3A_2003], %gather3A_2002 : memref<32x949xf32, #tpu.memory_space<vmem>>[vector<16xi32>, vector<16xi32>], vector<16xf32>,
        %broadcast_in_dim3A_2004 = arith.constant 31 : i32
        %broadcast_in_dim3A_2005 = vector.broadcast %broadcast_in_dim3A_2004 : i32 to vector<16xi32>
        %gather3A_2006 = tpu.vector_load_idx %arg9[%add3A_1879, %broadcast_in_dim3A_2005] : memref<256x36xf32, #tpu.memory_space<vmem>>[vector<16xi32>, vector<16xi32>], vector<16xf32>,
        %add3A_2007 = arith.addi %broadcast_in_dim3A_1809, %broadcast_in_dim3A_2005 : vector<16xi32>
        tpu.vector_store_idx %arg11[%add3A_1875, %add3A_2007], %gather3A_2006 : memref<32x949xf32, #tpu.memory_space<vmem>>[vector<16xi32>, vector<16xi32>], vector<16xf32>,
        %broadcast_in_dim3A_2008 = arith.constant 32 : i32
        %broadcast_in_dim3A_2009 = vector.broadcast %broadcast_in_dim3A_2008 : i32 to vector<16xi32>
        %gather3A_2010 = tpu.vector_load_idx %arg9[%add3A_1879, %broadcast_in_dim3A_2009] : memref<256x36xf32, #tpu.memory_space<vmem>>[vector<16xi32>, vector<16xi32>], vector<16xf32>,
        %add3A_2011 = arith.addi %broadcast_in_dim3A_1809, %broadcast_in_dim3A_2009 : vector<16xi32>
        tpu.vector_store_idx %arg11[%add3A_1875, %add3A_2011], %gather3A_2010 : memref<32x949xf32, #tpu.memory_space<vmem>>[vector<16xi32>, vector<16xi32>], vector<16xf32>,
        %broadcast_in_dim3A_2012 = arith.constant 33 : i32
        %broadcast_in_dim3A_2013 = vector.broadcast %broadcast_in_dim3A_2012 : i32 to vector<16xi32>
        %gather3A_2014 = tpu.vector_load_idx %arg9[%add3A_1879, %broadcast_in_dim3A_2013] : memref<256x36xf32, #tpu.memory_space<vmem>>[vector<16xi32>, vector<16xi32>], vector<16xf32>,
        %add3A_2015 = arith.addi %broadcast_in_dim3A_1809, %broadcast_in_dim3A_2013 : vector<16xi32>
        tpu.vector_store_idx %arg11[%add3A_1875, %add3A_2015], %gather3A_2014 : memref<32x949xf32, #tpu.memory_space<vmem>>[vector<16xi32>, vector<16xi32>], vector<16xf32>,
        %broadcast_in_dim3A_2016 = arith.constant 34 : i32
        %broadcast_in_dim3A_2017 = vector.broadcast %broadcast_in_dim3A_2016 : i32 to vector<16xi32>
        %gather3A_2018 = tpu.vector_load_idx %arg9[%add3A_1879, %broadcast_in_dim3A_2017] : memref<256x36xf32, #tpu.memory_space<vmem>>[vector<16xi32>, vector<16xi32>], vector<16xf32>,
        %add3A_2019 = arith.addi %broadcast_in_dim3A_1809, %broadcast_in_dim3A_2017 : vector<16xi32>
        tpu.vector_store_idx %arg11[%add3A_1875, %add3A_2019], %gather3A_2018 : memref<32x949xf32, #tpu.memory_space<vmem>>[vector<16xi32>, vector<16xi32>], vector<16xf32>,
        %broadcast_in_dim3A_2020 = arith.constant 35 : i32
        %broadcast_in_dim3A_2021 = vector.broadcast %broadcast_in_dim3A_2020 : i32 to vector<16xi32>
        %gather3A_2022 = tpu.vector_load_idx %arg9[%add3A_1879, %broadcast_in_dim3A_2021] : memref<256x36xf32, #tpu.memory_space<vmem>>[vector<16xi32>, vector<16xi32>], vector<16xf32>,
        %add3A_2023 = arith.addi %broadcast_in_dim3A_1809, %broadcast_in_dim3A_2021 : vector<16xi32>
        tpu.vector_store_idx %arg11[%add3A_1875, %add3A_2023], %gather3A_2022 : memref<32x949xf32, #tpu.memory_space<vmem>>[vector<16xi32>, vector<16xi32>], vector<16xf32>,
        %dma_wait3A_2024 = arith.constant 128 : i32
        %dma_wait3A_2025 = arith.constant 0 : i32
        %dma_wait3A_2026 = tpu.memref_slice %arg9[%dma_wait3A_2024, %dma_wait3A_2025] : memref<256x36xf32, #tpu.memory_space<vmem>> -> memref<128x36xf32, #tpu.memory_space<vmem>>
        %dma_wait3A_2027 = arith.constant 0 : i32
        %dma_wait3A_2028 = arith.constant 0 : i32
        %dma_wait3A_2029 = tpu.memref_slice %arg5[%dma_wait3A_2027, %dma_wait3A_2028] : memref<256x36xf32, #tpu.memory_space<hbm>> -> memref<128x36xf32, #tpu.memory_space<hbm>>
        %dma_wait3A_2030 = arith.constant 128 : i32
        %dma_wait3A_2031 = arith.constant 0 : i32
        %dma_wait3A_2032 = tpu.memref_slice %arg9[%dma_wait3A_2030, %dma_wait3A_2031] : memref<256x36xf32, #tpu.memory_space<vmem>> -> memref<128x36xf32, #tpu.memory_space<vmem>>
        %dma_wait3A_2033 = arith.constant 0 : i32
        %dma_wait3A_2034 = arith.constant 0 : i32
        %dma_wait3A_2035 = tpu.memref_slice %arg5[%dma_wait3A_2033, %dma_wait3A_2034] : memref<256x36xf32, #tpu.memory_space<hbm>> -> memref<128x36xf32, #tpu.memory_space<hbm>>
        tpu.wait_dma2 semaphore(%arg13 : memref<!tpu.dma_semaphore, #tpu.memory_space<semaphore_mem>>) src(%dma_wait3A_2035 : memref<128x36xf32, #tpu.memory_space<hbm>>) dst(%dma_wait3A_2032 : memref<128x36xf32, #tpu.memory_space<vmem>>)
        %mul3A_2036 = arith.constant 32 : i32
        %mul3A_2037 = arith.muli %scan3A_13, %mul3A_2036 : i32
        %add3A_2038 = arith.constant 16 : i32
        %add3A_2039 = arith.addi %mul3A_2037, %add3A_2038 : i32
        %jit3A_2040 = arith.constant 128 : i32
        %div3A_2041 = arith.divsi %add3A_2039, %jit3A_2040 : i32
        %sign3A_2042 = arith.constant 0 : i32
        %sign3A_2043 = arith.cmpi sgt, %add3A_2039, %sign3A_2042 : i32
        %sign3A_2044 = arith.extui %sign3A_2043 : i1 to i32
        %sign3A_2045 = arith.constant 0 : i32
        %sign3A_2046 = arith.cmpi slt, %add3A_2039, %sign3A_2045 : i32
        %sign3A_2047 = arith.extui %sign3A_2046 : i1 to i32
        %sign3A_2048 = arith.subi %sign3A_2044, %sign3A_2047 : i32
        %sign3A_2049 = arith.constant 0 : i32
        %sign3A_2050 = arith.cmpi sgt, %jit3A_2040, %sign3A_2049 : i32
        %sign3A_2051 = arith.extui %sign3A_2050 : i1 to i32
        %sign3A_2052 = arith.constant 0 : i32
        %sign3A_2053 = arith.cmpi slt, %jit3A_2040, %sign3A_2052 : i32
        %sign3A_2054 = arith.extui %sign3A_2053 : i1 to i32
        %sign3A_2055 = arith.subi %sign3A_2051, %sign3A_2054 : i32
        %ne3A_2056 = arith.cmpi ne, %sign3A_2048, %sign3A_2055 : i32
        %rem3A_2057 = arith.remsi %add3A_2039, %jit3A_2040 : i32
        %ne3A_2058 = arith.constant 0 : i32
        %ne3A_2059 = arith.cmpi ne, %rem3A_2057, %ne3A_2058 : i32
        %and3A_2060 = arith.andi %ne3A_2056, %ne3A_2059 : i1
        %sub3A_2061 = arith.constant 1 : i32
        %sub3A_2062 = arith.subi %div3A_2041, %sub3A_2061 : i32
        %select_n3A_2063 = arith.select %and3A_2060, %sub3A_2062, %div3A_2041 : i32
        %jit3A_2064 = arith.constant 128 : i32
        %eq3A_2065 = arith.constant 0 : i32
        %eq3A_2066 = arith.cmpi eq, %jit3A_2064, %eq3A_2065 : i32
        %jit3A_2067 = arith.constant 1 : i32
        %select_n3A_2068 = arith.select %eq3A_2066, %jit3A_2067, %jit3A_2064 : i32
        %rem3A_2069 = arith.remsi %add3A_2039, %select_n3A_2068 : i32
        %ne3A_2070 = arith.constant 0 : i32
        %ne3A_2071 = arith.cmpi ne, %rem3A_2069, %ne3A_2070 : i32
        %lt3A_2072 = arith.constant 0 : i32
        %lt3A_2073 = arith.cmpi slt, %rem3A_2069, %lt3A_2072 : i32
        %lt3A_2074 = arith.constant 0 : i32
        %lt3A_2075 = arith.cmpi slt, %select_n3A_2068, %lt3A_2074 : i32
        %ne3A_2076 = arith.xori %lt3A_2073, %lt3A_2075 : i1
        %and3A_2077 = arith.andi %ne3A_2076, %ne3A_2071 : i1
        %add3A_2078 = arith.addi %rem3A_2069, %select_n3A_2068 : i32
        %select_n3A_2079 = arith.select %and3A_2077, %add3A_2078, %rem3A_2069 : i32
        %get3A_2080 = arith.index_cast %add3A_1804 : i32 to index
        %get3A_2081 = arith.index_cast %select_n3A_2063 : i32 to index
        %get3A_2082 = arith.index_cast %select_n3A_2079 : i32 to index
        %get3A_2083 = tpu.vector_load %arg7[%get3A_2080, %get3A_2081, %get3A_2082] {strides = array<i32>} : memref<26x4x128xi32, #tpu.memory_space<vmem>>, vector<16xi32>,
        %broadcast_in_dim3A_2084 = arith.constant 7 : i32
        %broadcast_in_dim3A_2085 = vector.broadcast %broadcast_in_dim3A_2084 : i32 to vector<16xi32>
        %and3A_2086 = arith.andi %get3A_2083, %broadcast_in_dim3A_2085 : vector<16xi32>
        %add3A_2087 = arith.constant 16 : i32
        %add3A_2088 = vector.broadcast %add3A_2087 : i32 to vector<16xi32>
        %add3A_2089 = arith.addi %add3A_2088, %iota3A : vector<16xi32>
        %mul3A_2090 = arith.constant 8 : i32
        %mul3A_2091 = vector.broadcast %mul3A_2090 : i32 to vector<16xi32>
        %mul3A_2092 = arith.muli %add3A_2089, %mul3A_2091 : vector<16xi32>
        %add3A_2093 = arith.addi %mul3A_2092, %and3A_2086 : vector<16xi32>
        %broadcast_in_dim3A_2094 = arith.constant 0 : i32
        %broadcast_in_dim3A_2095 = vector.broadcast %broadcast_in_dim3A_2094 : i32 to vector<16xi32>
        %gather3A_2096 = tpu.vector_load_idx %arg9[%add3A_2093, %broadcast_in_dim3A_2095] : memref<256x36xf32, #tpu.memory_space<vmem>>[vector<16xi32>, vector<16xi32>], vector<16xf32>,
        %add3A_2097 = arith.addi %broadcast_in_dim3A_1809, %broadcast_in_dim3A_2095 : vector<16xi32>
        tpu.vector_store_idx %arg11[%add3A_2089, %add3A_2097], %gather3A_2096 : memref<32x949xf32, #tpu.memory_space<vmem>>[vector<16xi32>, vector<16xi32>], vector<16xf32>,
        %broadcast_in_dim3A_2098 = arith.constant 1 : i32
        %broadcast_in_dim3A_2099 = vector.broadcast %broadcast_in_dim3A_2098 : i32 to vector<16xi32>
        %gather3A_2100 = tpu.vector_load_idx %arg9[%add3A_2093, %broadcast_in_dim3A_2099] : memref<256x36xf32, #tpu.memory_space<vmem>>[vector<16xi32>, vector<16xi32>], vector<16xf32>,
        %add3A_2101 = arith.addi %broadcast_in_dim3A_1809, %broadcast_in_dim3A_2099 : vector<16xi32>
        tpu.vector_store_idx %arg11[%add3A_2089, %add3A_2101], %gather3A_2100 : memref<32x949xf32, #tpu.memory_space<vmem>>[vector<16xi32>, vector<16xi32>], vector<16xf32>,
        %broadcast_in_dim3A_2102 = arith.constant 2 : i32
        %broadcast_in_dim3A_2103 = vector.broadcast %broadcast_in_dim3A_2102 : i32 to vector<16xi32>
        %gather3A_2104 = tpu.vector_load_idx %arg9[%add3A_2093, %broadcast_in_dim3A_2103] : memref<256x36xf32, #tpu.memory_space<vmem>>[vector<16xi32>, vector<16xi32>], vector<16xf32>,
        %add3A_2105 = arith.addi %broadcast_in_dim3A_1809, %broadcast_in_dim3A_2103 : vector<16xi32>
        tpu.vector_store_idx %arg11[%add3A_2089, %add3A_2105], %gather3A_2104 : memref<32x949xf32, #tpu.memory_space<vmem>>[vector<16xi32>, vector<16xi32>], vector<16xf32>,
        %broadcast_in_dim3A_2106 = arith.constant 3 : i32
        %broadcast_in_dim3A_2107 = vector.broadcast %broadcast_in_dim3A_2106 : i32 to vector<16xi32>
        %gather3A_2108 = tpu.vector_load_idx %arg9[%add3A_2093, %broadcast_in_dim3A_2107] : memref<256x36xf32, #tpu.memory_space<vmem>>[vector<16xi32>, vector<16xi32>], vector<16xf32>,
        %add3A_2109 = arith.addi %broadcast_in_dim3A_1809, %broadcast_in_dim3A_2107 : vector<16xi32>
        tpu.vector_store_idx %arg11[%add3A_2089, %add3A_2109], %gather3A_2108 : memref<32x949xf32, #tpu.memory_space<vmem>>[vector<16xi32>, vector<16xi32>], vector<16xf32>,
        %broadcast_in_dim3A_2110 = arith.constant 4 : i32
        %broadcast_in_dim3A_2111 = vector.broadcast %broadcast_in_dim3A_2110 : i32 to vector<16xi32>
        %gather3A_2112 = tpu.vector_load_idx %arg9[%add3A_2093, %broadcast_in_dim3A_2111] : memref<256x36xf32, #tpu.memory_space<vmem>>[vector<16xi32>, vector<16xi32>], vector<16xf32>,
        %add3A_2113 = arith.addi %broadcast_in_dim3A_1809, %broadcast_in_dim3A_2111 : vector<16xi32>
        tpu.vector_store_idx %arg11[%add3A_2089, %add3A_2113], %gather3A_2112 : memref<32x949xf32, #tpu.memory_space<vmem>>[vector<16xi32>, vector<16xi32>], vector<16xf32>,
        %broadcast_in_dim3A_2114 = arith.constant 5 : i32
        %broadcast_in_dim3A_2115 = vector.broadcast %broadcast_in_dim3A_2114 : i32 to vector<16xi32>
        %gather3A_2116 = tpu.vector_load_idx %arg9[%add3A_2093, %broadcast_in_dim3A_2115] : memref<256x36xf32, #tpu.memory_space<vmem>>[vector<16xi32>, vector<16xi32>], vector<16xf32>,
        %add3A_2117 = arith.addi %broadcast_in_dim3A_1809, %broadcast_in_dim3A_2115 : vector<16xi32>
        tpu.vector_store_idx %arg11[%add3A_2089, %add3A_2117], %gather3A_2116 : memref<32x949xf32, #tpu.memory_space<vmem>>[vector<16xi32>, vector<16xi32>], vector<16xf32>,
        %broadcast_in_dim3A_2118 = arith.constant 6 : i32
        %broadcast_in_dim3A_2119 = vector.broadcast %broadcast_in_dim3A_2118 : i32 to vector<16xi32>
        %gather3A_2120 = tpu.vector_load_idx %arg9[%add3A_2093, %broadcast_in_dim3A_2119] : memref<256x36xf32, #tpu.memory_space<vmem>>[vector<16xi32>, vector<16xi32>], vector<16xf32>,
        %add3A_2121 = arith.addi %broadcast_in_dim3A_1809, %broadcast_in_dim3A_2119 : vector<16xi32>
        tpu.vector_store_idx %arg11[%add3A_2089, %add3A_2121], %gather3A_2120 : memref<32x949xf32, #tpu.memory_space<vmem>>[vector<16xi32>, vector<16xi32>], vector<16xf32>,
        %broadcast_in_dim3A_2122 = arith.constant 7 : i32
        %broadcast_in_dim3A_2123 = vector.broadcast %broadcast_in_dim3A_2122 : i32 to vector<16xi32>
        %gather3A_2124 = tpu.vector_load_idx %arg9[%add3A_2093, %broadcast_in_dim3A_2123] : memref<256x36xf32, #tpu.memory_space<vmem>>[vector<16xi32>, vector<16xi32>], vector<16xf32>,
        %add3A_2125 = arith.addi %broadcast_in_dim3A_1809, %broadcast_in_dim3A_2123 : vector<16xi32>
        tpu.vector_store_idx %arg11[%add3A_2089, %add3A_2125], %gather3A_2124 : memref<32x949xf32, #tpu.memory_space<vmem>>[vector<16xi32>, vector<16xi32>], vector<16xf32>,
        %broadcast_in_dim3A_2126 = arith.constant 8 : i32
        %broadcast_in_dim3A_2127 = vector.broadcast %broadcast_in_dim3A_2126 : i32 to vector<16xi32>
        %gather3A_2128 = tpu.vector_load_idx %arg9[%add3A_2093, %broadcast_in_dim3A_2127] : memref<256x36xf32, #tpu.memory_space<vmem>>[vector<16xi32>, vector<16xi32>], vector<16xf32>,
        %add3A_2129 = arith.addi %broadcast_in_dim3A_1809, %broadcast_in_dim3A_2127 : vector<16xi32>
        tpu.vector_store_idx %arg11[%add3A_2089, %add3A_2129], %gather3A_2128 : memref<32x949xf32, #tpu.memory_space<vmem>>[vector<16xi32>, vector<16xi32>], vector<16xf32>,
        %broadcast_in_dim3A_2130 = arith.constant 9 : i32
        %broadcast_in_dim3A_2131 = vector.broadcast %broadcast_in_dim3A_2130 : i32 to vector<16xi32>
        %gather3A_2132 = tpu.vector_load_idx %arg9[%add3A_2093, %broadcast_in_dim3A_2131] : memref<256x36xf32, #tpu.memory_space<vmem>>[vector<16xi32>, vector<16xi32>], vector<16xf32>,
        %add3A_2133 = arith.addi %broadcast_in_dim3A_1809, %broadcast_in_dim3A_2131 : vector<16xi32>
        tpu.vector_store_idx %arg11[%add3A_2089, %add3A_2133], %gather3A_2132 : memref<32x949xf32, #tpu.memory_space<vmem>>[vector<16xi32>, vector<16xi32>], vector<16xf32>,
        %broadcast_in_dim3A_2134 = arith.constant 10 : i32
        %broadcast_in_dim3A_2135 = vector.broadcast %broadcast_in_dim3A_2134 : i32 to vector<16xi32>
        %gather3A_2136 = tpu.vector_load_idx %arg9[%add3A_2093, %broadcast_in_dim3A_2135] : memref<256x36xf32, #tpu.memory_space<vmem>>[vector<16xi32>, vector<16xi32>], vector<16xf32>,
        %add3A_2137 = arith.addi %broadcast_in_dim3A_1809, %broadcast_in_dim3A_2135 : vector<16xi32>
        tpu.vector_store_idx %arg11[%add3A_2089, %add3A_2137], %gather3A_2136 : memref<32x949xf32, #tpu.memory_space<vmem>>[vector<16xi32>, vector<16xi32>], vector<16xf32>,
        %broadcast_in_dim3A_2138 = arith.constant 11 : i32
        %broadcast_in_dim3A_2139 = vector.broadcast %broadcast_in_dim3A_2138 : i32 to vector<16xi32>
        %gather3A_2140 = tpu.vector_load_idx %arg9[%add3A_2093, %broadcast_in_dim3A_2139] : memref<256x36xf32, #tpu.memory_space<vmem>>[vector<16xi32>, vector<16xi32>], vector<16xf32>,
        %add3A_2141 = arith.addi %broadcast_in_dim3A_1809, %broadcast_in_dim3A_2139 : vector<16xi32>
        tpu.vector_store_idx %arg11[%add3A_2089, %add3A_2141], %gather3A_2140 : memref<32x949xf32, #tpu.memory_space<vmem>>[vector<16xi32>, vector<16xi32>], vector<16xf32>,
        %broadcast_in_dim3A_2142 = arith.constant 12 : i32
        %broadcast_in_dim3A_2143 = vector.broadcast %broadcast_in_dim3A_2142 : i32 to vector<16xi32>
        %gather3A_2144 = tpu.vector_load_idx %arg9[%add3A_2093, %broadcast_in_dim3A_2143] : memref<256x36xf32, #tpu.memory_space<vmem>>[vector<16xi32>, vector<16xi32>], vector<16xf32>,
        %add3A_2145 = arith.addi %broadcast_in_dim3A_1809, %broadcast_in_dim3A_2143 : vector<16xi32>
        tpu.vector_store_idx %arg11[%add3A_2089, %add3A_2145], %gather3A_2144 : memref<32x949xf32, #tpu.memory_space<vmem>>[vector<16xi32>, vector<16xi32>], vector<16xf32>,
        %broadcast_in_dim3A_2146 = arith.constant 13 : i32
        %broadcast_in_dim3A_2147 = vector.broadcast %broadcast_in_dim3A_2146 : i32 to vector<16xi32>
        %gather3A_2148 = tpu.vector_load_idx %arg9[%add3A_2093, %broadcast_in_dim3A_2147] : memref<256x36xf32, #tpu.memory_space<vmem>>[vector<16xi32>, vector<16xi32>], vector<16xf32>,
        %add3A_2149 = arith.addi %broadcast_in_dim3A_1809, %broadcast_in_dim3A_2147 : vector<16xi32>
        tpu.vector_store_idx %arg11[%add3A_2089, %add3A_2149], %gather3A_2148 : memref<32x949xf32, #tpu.memory_space<vmem>>[vector<16xi32>, vector<16xi32>], vector<16xf32>,
        %broadcast_in_dim3A_2150 = arith.constant 14 : i32
        %broadcast_in_dim3A_2151 = vector.broadcast %broadcast_in_dim3A_2150 : i32 to vector<16xi32>
        %gather3A_2152 = tpu.vector_load_idx %arg9[%add3A_2093, %broadcast_in_dim3A_2151] : memref<256x36xf32, #tpu.memory_space<vmem>>[vector<16xi32>, vector<16xi32>], vector<16xf32>,
        %add3A_2153 = arith.addi %broadcast_in_dim3A_1809, %broadcast_in_dim3A_2151 : vector<16xi32>
        tpu.vector_store_idx %arg11[%add3A_2089, %add3A_2153], %gather3A_2152 : memref<32x949xf32, #tpu.memory_space<vmem>>[vector<16xi32>, vector<16xi32>], vector<16xf32>,
        %broadcast_in_dim3A_2154 = arith.constant 15 : i32
        %broadcast_in_dim3A_2155 = vector.broadcast %broadcast_in_dim3A_2154 : i32 to vector<16xi32>
        %gather3A_2156 = tpu.vector_load_idx %arg9[%add3A_2093, %broadcast_in_dim3A_2155] : memref<256x36xf32, #tpu.memory_space<vmem>>[vector<16xi32>, vector<16xi32>], vector<16xf32>,
        %add3A_2157 = arith.addi %broadcast_in_dim3A_1809, %broadcast_in_dim3A_2155 : vector<16xi32>
        tpu.vector_store_idx %arg11[%add3A_2089, %add3A_2157], %gather3A_2156 : memref<32x949xf32, #tpu.memory_space<vmem>>[vector<16xi32>, vector<16xi32>], vector<16xf32>,
        %broadcast_in_dim3A_2158 = arith.constant 16 : i32
        %broadcast_in_dim3A_2159 = vector.broadcast %broadcast_in_dim3A_2158 : i32 to vector<16xi32>
        %gather3A_2160 = tpu.vector_load_idx %arg9[%add3A_2093, %broadcast_in_dim3A_2159] : memref<256x36xf32, #tpu.memory_space<vmem>>[vector<16xi32>, vector<16xi32>], vector<16xf32>,
        %add3A_2161 = arith.addi %broadcast_in_dim3A_1809, %broadcast_in_dim3A_2159 : vector<16xi32>
        tpu.vector_store_idx %arg11[%add3A_2089, %add3A_2161], %gather3A_2160 : memref<32x949xf32, #tpu.memory_space<vmem>>[vector<16xi32>, vector<16xi32>], vector<16xf32>,
        %broadcast_in_dim3A_2162 = arith.constant 17 : i32
        %broadcast_in_dim3A_2163 = vector.broadcast %broadcast_in_dim3A_2162 : i32 to vector<16xi32>
        %gather3A_2164 = tpu.vector_load_idx %arg9[%add3A_2093, %broadcast_in_dim3A_2163] : memref<256x36xf32, #tpu.memory_space<vmem>>[vector<16xi32>, vector<16xi32>], vector<16xf32>,
        %add3A_2165 = arith.addi %broadcast_in_dim3A_1809, %broadcast_in_dim3A_2163 : vector<16xi32>
        tpu.vector_store_idx %arg11[%add3A_2089, %add3A_2165], %gather3A_2164 : memref<32x949xf32, #tpu.memory_space<vmem>>[vector<16xi32>, vector<16xi32>], vector<16xf32>,
        %broadcast_in_dim3A_2166 = arith.constant 18 : i32
        %broadcast_in_dim3A_2167 = vector.broadcast %broadcast_in_dim3A_2166 : i32 to vector<16xi32>
        %gather3A_2168 = tpu.vector_load_idx %arg9[%add3A_2093, %broadcast_in_dim3A_2167] : memref<256x36xf32, #tpu.memory_space<vmem>>[vector<16xi32>, vector<16xi32>], vector<16xf32>,
        %add3A_2169 = arith.addi %broadcast_in_dim3A_1809, %broadcast_in_dim3A_2167 : vector<16xi32>
        tpu.vector_store_idx %arg11[%add3A_2089, %add3A_2169], %gather3A_2168 : memref<32x949xf32, #tpu.memory_space<vmem>>[vector<16xi32>, vector<16xi32>], vector<16xf32>,
        %broadcast_in_dim3A_2170 = arith.constant 19 : i32
        %broadcast_in_dim3A_2171 = vector.broadcast %broadcast_in_dim3A_2170 : i32 to vector<16xi32>
        %gather3A_2172 = tpu.vector_load_idx %arg9[%add3A_2093, %broadcast_in_dim3A_2171] : memref<256x36xf32, #tpu.memory_space<vmem>>[vector<16xi32>, vector<16xi32>], vector<16xf32>,
        %add3A_2173 = arith.addi %broadcast_in_dim3A_1809, %broadcast_in_dim3A_2171 : vector<16xi32>
        tpu.vector_store_idx %arg11[%add3A_2089, %add3A_2173], %gather3A_2172 : memref<32x949xf32, #tpu.memory_space<vmem>>[vector<16xi32>, vector<16xi32>], vector<16xf32>,
        %broadcast_in_dim3A_2174 = arith.constant 20 : i32
        %broadcast_in_dim3A_2175 = vector.broadcast %broadcast_in_dim3A_2174 : i32 to vector<16xi32>
        %gather3A_2176 = tpu.vector_load_idx %arg9[%add3A_2093, %broadcast_in_dim3A_2175] : memref<256x36xf32, #tpu.memory_space<vmem>>[vector<16xi32>, vector<16xi32>], vector<16xf32>,
        %add3A_2177 = arith.addi %broadcast_in_dim3A_1809, %broadcast_in_dim3A_2175 : vector<16xi32>
        tpu.vector_store_idx %arg11[%add3A_2089, %add3A_2177], %gather3A_2176 : memref<32x949xf32, #tpu.memory_space<vmem>>[vector<16xi32>, vector<16xi32>], vector<16xf32>,
        %broadcast_in_dim3A_2178 = arith.constant 21 : i32
        %broadcast_in_dim3A_2179 = vector.broadcast %broadcast_in_dim3A_2178 : i32 to vector<16xi32>
        %gather3A_2180 = tpu.vector_load_idx %arg9[%add3A_2093, %broadcast_in_dim3A_2179] : memref<256x36xf32, #tpu.memory_space<vmem>>[vector<16xi32>, vector<16xi32>], vector<16xf32>,
        %add3A_2181 = arith.addi %broadcast_in_dim3A_1809, %broadcast_in_dim3A_2179 : vector<16xi32>
        tpu.vector_store_idx %arg11[%add3A_2089, %add3A_2181], %gather3A_2180 : memref<32x949xf32, #tpu.memory_space<vmem>>[vector<16xi32>, vector<16xi32>], vector<16xf32>,
        %broadcast_in_dim3A_2182 = arith.constant 22 : i32
        %broadcast_in_dim3A_2183 = vector.broadcast %broadcast_in_dim3A_2182 : i32 to vector<16xi32>
        %gather3A_2184 = tpu.vector_load_idx %arg9[%add3A_2093, %broadcast_in_dim3A_2183] : memref<256x36xf32, #tpu.memory_space<vmem>>[vector<16xi32>, vector<16xi32>], vector<16xf32>,
        %add3A_2185 = arith.addi %broadcast_in_dim3A_1809, %broadcast_in_dim3A_2183 : vector<16xi32>
        tpu.vector_store_idx %arg11[%add3A_2089, %add3A_2185], %gather3A_2184 : memref<32x949xf32, #tpu.memory_space<vmem>>[vector<16xi32>, vector<16xi32>], vector<16xf32>,
        %broadcast_in_dim3A_2186 = arith.constant 23 : i32
        %broadcast_in_dim3A_2187 = vector.broadcast %broadcast_in_dim3A_2186 : i32 to vector<16xi32>
        %gather3A_2188 = tpu.vector_load_idx %arg9[%add3A_2093, %broadcast_in_dim3A_2187] : memref<256x36xf32, #tpu.memory_space<vmem>>[vector<16xi32>, vector<16xi32>], vector<16xf32>,
        %add3A_2189 = arith.addi %broadcast_in_dim3A_1809, %broadcast_in_dim3A_2187 : vector<16xi32>
        tpu.vector_store_idx %arg11[%add3A_2089, %add3A_2189], %gather3A_2188 : memref<32x949xf32, #tpu.memory_space<vmem>>[vector<16xi32>, vector<16xi32>], vector<16xf32>,
        %broadcast_in_dim3A_2190 = arith.constant 24 : i32
        %broadcast_in_dim3A_2191 = vector.broadcast %broadcast_in_dim3A_2190 : i32 to vector<16xi32>
        %gather3A_2192 = tpu.vector_load_idx %arg9[%add3A_2093, %broadcast_in_dim3A_2191] : memref<256x36xf32, #tpu.memory_space<vmem>>[vector<16xi32>, vector<16xi32>], vector<16xf32>,
        %add3A_2193 = arith.addi %broadcast_in_dim3A_1809, %broadcast_in_dim3A_2191 : vector<16xi32>
        tpu.vector_store_idx %arg11[%add3A_2089, %add3A_2193], %gather3A_2192 : memref<32x949xf32, #tpu.memory_space<vmem>>[vector<16xi32>, vector<16xi32>], vector<16xf32>,
        %broadcast_in_dim3A_2194 = arith.constant 25 : i32
        %broadcast_in_dim3A_2195 = vector.broadcast %broadcast_in_dim3A_2194 : i32 to vector<16xi32>
        %gather3A_2196 = tpu.vector_load_idx %arg9[%add3A_2093, %broadcast_in_dim3A_2195] : memref<256x36xf32, #tpu.memory_space<vmem>>[vector<16xi32>, vector<16xi32>], vector<16xf32>,
        %add3A_2197 = arith.addi %broadcast_in_dim3A_1809, %broadcast_in_dim3A_2195 : vector<16xi32>
        tpu.vector_store_idx %arg11[%add3A_2089, %add3A_2197], %gather3A_2196 : memref<32x949xf32, #tpu.memory_space<vmem>>[vector<16xi32>, vector<16xi32>], vector<16xf32>,
        %broadcast_in_dim3A_2198 = arith.constant 26 : i32
        %broadcast_in_dim3A_2199 = vector.broadcast %broadcast_in_dim3A_2198 : i32 to vector<16xi32>
        %gather3A_2200 = tpu.vector_load_idx %arg9[%add3A_2093, %broadcast_in_dim3A_2199] : memref<256x36xf32, #tpu.memory_space<vmem>>[vector<16xi32>, vector<16xi32>], vector<16xf32>,
        %add3A_2201 = arith.addi %broadcast_in_dim3A_1809, %broadcast_in_dim3A_2199 : vector<16xi32>
        tpu.vector_store_idx %arg11[%add3A_2089, %add3A_2201], %gather3A_2200 : memref<32x949xf32, #tpu.memory_space<vmem>>[vector<16xi32>, vector<16xi32>], vector<16xf32>,
        %broadcast_in_dim3A_2202 = arith.constant 27 : i32
        %broadcast_in_dim3A_2203 = vector.broadcast %broadcast_in_dim3A_2202 : i32 to vector<16xi32>
        %gather3A_2204 = tpu.vector_load_idx %arg9[%add3A_2093, %broadcast_in_dim3A_2203] : memref<256x36xf32, #tpu.memory_space<vmem>>[vector<16xi32>, vector<16xi32>], vector<16xf32>,
        %add3A_2205 = arith.addi %broadcast_in_dim3A_1809, %broadcast_in_dim3A_2203 : vector<16xi32>
        tpu.vector_store_idx %arg11[%add3A_2089, %add3A_2205], %gather3A_2204 : memref<32x949xf32, #tpu.memory_space<vmem>>[vector<16xi32>, vector<16xi32>], vector<16xf32>,
        %broadcast_in_dim3A_2206 = arith.constant 28 : i32
        %broadcast_in_dim3A_2207 = vector.broadcast %broadcast_in_dim3A_2206 : i32 to vector<16xi32>
        %gather3A_2208 = tpu.vector_load_idx %arg9[%add3A_2093, %broadcast_in_dim3A_2207] : memref<256x36xf32, #tpu.memory_space<vmem>>[vector<16xi32>, vector<16xi32>], vector<16xf32>,
        %add3A_2209 = arith.addi %broadcast_in_dim3A_1809, %broadcast_in_dim3A_2207 : vector<16xi32>
        tpu.vector_store_idx %arg11[%add3A_2089, %add3A_2209], %gather3A_2208 : memref<32x949xf32, #tpu.memory_space<vmem>>[vector<16xi32>, vector<16xi32>], vector<16xf32>,
        %broadcast_in_dim3A_2210 = arith.constant 29 : i32
        %broadcast_in_dim3A_2211 = vector.broadcast %broadcast_in_dim3A_2210 : i32 to vector<16xi32>
        %gather3A_2212 = tpu.vector_load_idx %arg9[%add3A_2093, %broadcast_in_dim3A_2211] : memref<256x36xf32, #tpu.memory_space<vmem>>[vector<16xi32>, vector<16xi32>], vector<16xf32>,
        %add3A_2213 = arith.addi %broadcast_in_dim3A_1809, %broadcast_in_dim3A_2211 : vector<16xi32>
        tpu.vector_store_idx %arg11[%add3A_2089, %add3A_2213], %gather3A_2212 : memref<32x949xf32, #tpu.memory_space<vmem>>[vector<16xi32>, vector<16xi32>], vector<16xf32>,
        %broadcast_in_dim3A_2214 = arith.constant 30 : i32
        %broadcast_in_dim3A_2215 = vector.broadcast %broadcast_in_dim3A_2214 : i32 to vector<16xi32>
        %gather3A_2216 = tpu.vector_load_idx %arg9[%add3A_2093, %broadcast_in_dim3A_2215] : memref<256x36xf32, #tpu.memory_space<vmem>>[vector<16xi32>, vector<16xi32>], vector<16xf32>,
        %add3A_2217 = arith.addi %broadcast_in_dim3A_1809, %broadcast_in_dim3A_2215 : vector<16xi32>
        tpu.vector_store_idx %arg11[%add3A_2089, %add3A_2217], %gather3A_2216 : memref<32x949xf32, #tpu.memory_space<vmem>>[vector<16xi32>, vector<16xi32>], vector<16xf32>,
        %broadcast_in_dim3A_2218 = arith.constant 31 : i32
        %broadcast_in_dim3A_2219 = vector.broadcast %broadcast_in_dim3A_2218 : i32 to vector<16xi32>
        %gather3A_2220 = tpu.vector_load_idx %arg9[%add3A_2093, %broadcast_in_dim3A_2219] : memref<256x36xf32, #tpu.memory_space<vmem>>[vector<16xi32>, vector<16xi32>], vector<16xf32>,
        %add3A_2221 = arith.addi %broadcast_in_dim3A_1809, %broadcast_in_dim3A_2219 : vector<16xi32>
        tpu.vector_store_idx %arg11[%add3A_2089, %add3A_2221], %gather3A_2220 : memref<32x949xf32, #tpu.memory_space<vmem>>[vector<16xi32>, vector<16xi32>], vector<16xf32>,
        %broadcast_in_dim3A_2222 = arith.constant 32 : i32
        %broadcast_in_dim3A_2223 = vector.broadcast %broadcast_in_dim3A_2222 : i32 to vector<16xi32>
        %gather3A_2224 = tpu.vector_load_idx %arg9[%add3A_2093, %broadcast_in_dim3A_2223] : memref<256x36xf32, #tpu.memory_space<vmem>>[vector<16xi32>, vector<16xi32>], vector<16xf32>,
        %add3A_2225 = arith.addi %broadcast_in_dim3A_1809, %broadcast_in_dim3A_2223 : vector<16xi32>
        tpu.vector_store_idx %arg11[%add3A_2089, %add3A_2225], %gather3A_2224 : memref<32x949xf32, #tpu.memory_space<vmem>>[vector<16xi32>, vector<16xi32>], vector<16xf32>,
        %broadcast_in_dim3A_2226 = arith.constant 33 : i32
        %broadcast_in_dim3A_2227 = vector.broadcast %broadcast_in_dim3A_2226 : i32 to vector<16xi32>
        %gather3A_2228 = tpu.vector_load_idx %arg9[%add3A_2093, %broadcast_in_dim3A_2227] : memref<256x36xf32, #tpu.memory_space<vmem>>[vector<16xi32>, vector<16xi32>], vector<16xf32>,
        %add3A_2229 = arith.addi %broadcast_in_dim3A_1809, %broadcast_in_dim3A_2227 : vector<16xi32>
        tpu.vector_store_idx %arg11[%add3A_2089, %add3A_2229], %gather3A_2228 : memref<32x949xf32, #tpu.memory_space<vmem>>[vector<16xi32>, vector<16xi32>], vector<16xf32>,
        %broadcast_in_dim3A_2230 = arith.constant 34 : i32
        %broadcast_in_dim3A_2231 = vector.broadcast %broadcast_in_dim3A_2230 : i32 to vector<16xi32>
        %gather3A_2232 = tpu.vector_load_idx %arg9[%add3A_2093, %broadcast_in_dim3A_2231] : memref<256x36xf32, #tpu.memory_space<vmem>>[vector<16xi32>, vector<16xi32>], vector<16xf32>,
        %add3A_2233 = arith.addi %broadcast_in_dim3A_1809, %broadcast_in_dim3A_2231 : vector<16xi32>
        tpu.vector_store_idx %arg11[%add3A_2089, %add3A_2233], %gather3A_2232 : memref<32x949xf32, #tpu.memory_space<vmem>>[vector<16xi32>, vector<16xi32>], vector<16xf32>,
        %broadcast_in_dim3A_2234 = arith.constant 35 : i32
        %broadcast_in_dim3A_2235 = vector.broadcast %broadcast_in_dim3A_2234 : i32 to vector<16xi32>
        %gather3A_2236 = tpu.vector_load_idx %arg9[%add3A_2093, %broadcast_in_dim3A_2235] : memref<256x36xf32, #tpu.memory_space<vmem>>[vector<16xi32>, vector<16xi32>], vector<16xf32>,
        %add3A_2237 = arith.addi %broadcast_in_dim3A_1809, %broadcast_in_dim3A_2235 : vector<16xi32>
        tpu.vector_store_idx %arg11[%add3A_2089, %add3A_2237], %gather3A_2236 : memref<32x949xf32, #tpu.memory_space<vmem>>[vector<16xi32>, vector<16xi32>], vector<16xf32>,
      }
      %scan3A_739 = arith.constant 13 : i32
      %dma_start3A_740 = arith.constant 0 : i32
      %dma_start3A_741 = tpu.memref_slice %arg6[%multiple_of3A, %dma_start3A_740] : memref<16384x949xf32, #tpu.memory_space<hbm>> -> memref<32x949xf32, #tpu.memory_space<hbm>>
      %dma_start3A_742 = arith.constant 0 : i32
      %dma_start3A_743 = tpu.memref_slice %arg6[%multiple_of3A, %dma_start3A_742] : memref<16384x949xf32, #tpu.memory_space<hbm>> -> memref<32x949xf32, #tpu.memory_space<hbm>>
      tpu.enqueue_dma source(%arg11 : memref<32x949xf32, #tpu.memory_space<vmem>>) target(%dma_start3A_743 : memref<32x949xf32, #tpu.memory_space<hbm>>) target_semaphore(%arg14 : memref<!tpu.dma_semaphore, #tpu.memory_space<semaphore_mem>>)
    }
    %scan3A_7 = arith.constant 16 : i32
    %dma_wait3A = arith.constant 0 : i32
    %dma_wait3A_8 = arith.constant 0 : i32
    %dma_wait3A_9 = tpu.memref_slice %arg6[%dma_wait3A, %dma_wait3A_8] : memref<16384x949xf32, #tpu.memory_space<hbm>> -> memref<32x949xf32, #tpu.memory_space<hbm>>
    %dma_wait3A_10 = arith.constant 0 : i32
    %dma_wait3A_11 = arith.constant 0 : i32
    %dma_wait3A_12 = tpu.memref_slice %arg6[%dma_wait3A_10, %dma_wait3A_11] : memref<16384x949xf32, #tpu.memory_space<hbm>> -> memref<32x949xf32, #tpu.memory_space<hbm>>
    tpu.wait_dma2 semaphore(%arg14 : memref<!tpu.dma_semaphore, #tpu.memory_space<semaphore_mem>>) src(%arg11 : memref<32x949xf32, #tpu.memory_space<vmem>>) dst(%dma_wait3A_12 : memref<32x949xf32, #tpu.memory_space<hbm>>)
    return
  }
}

</mosaic_0001>

<sc_bundles>
// kernel: kernel.3.cloned.1.call-start
scs
__scs_entry_jumppad:
0x0: {  	(pc) =	sbr.rel $0x88, $3  }
0x1: {  	(tag) =	ssettag $0x0;
	lr =	simm.s32 $0x1  }
0x2: {  	[smem:$0x3F9E] =	sst lr;
	_ =	strace $0xD0000000  }
0x3: {  	_ = 	snop  }
0x4: {  	_ = 	snop  }
0x5: {  	_ = 	snop  }
0x6: {  	_ = 	snop  }
0x7: {  	_ = 	snop  }
__scs_overlays_trampoline_lowered:
0x8: {  	[smem:$0x3FAD] =	sst s0  }
0x9: {  	[smem:$0x3FAE] =	sst s1  }
0xa: {  	[smem:$0x3FAF] =	sst s2  }
0xb: {  	[smem:$0x3FB0] =	sst s3  }
0xc: {  	[smem:$0x3FB1] =	sst s4  }
0xd: {  	[smem:$0x3FB2] =	sst s5  }
0xe: {  	[smem:$0x3FB3] =	sst s6  }
0xf: {  	[smem:$0x3FB4] =	sst s7  }
0x10: {  	[smem:$0x3FB5] =	sst s8  }
0x11: {  	[smem:$0x3FB6] =	sst s9;
	s0 =	simm.s32 @!p0 $0x0  }
0x12: {  	s1 =	sld [smem:$0x3F9C];
	s0 =	simm.s32 @p0 $0x1  }
0x13: {  	[smem:$0x3FB7] =	sst s0;
	s0 =	simm.s32 @!p1 $0x0  }
0x14: {  	s2 =	sld [smem:$0x3F9B];
	s0 =	simm.s32 @p1 $0x1  }
0x15: {  	[smem:$0x3FB8] =	sst s0;
	s0 =	simm.s32 @!p2 $0x0  }
0x16: {  	s3 =	sld [smem:$0x3FDB];
	s0 =	simm.s32 @p2 $0x1  }
0x17: {  	s4 =	simm.s32 $0x1BF5;
	[smem:$0x3FBA] =	sst s0  }
0x18: {  	s0 =	sld [smem:$0x3F9D];
	_ =	swait.ge [sflag:s4], $0x0  }
0x19: {  	s7 =	sld [smem:$0x3F9E]  }
0x1a: {  	s8 =	sadd.s32 $0xFFFFE003, lr  }
0x1b: {  	s9 =	sadd.s32 $0xFFFFFEF7, lr;
	s5 =	simm.s32 $0xFFFFFFFF;
	p2 =	slt.u32 s8, $0xFFFFF086  }
0x1c: {  	p1 =	slt.u32 s9, $0xF7A;
	s5 =	simm.s32 @!p2 $0x0  }
0x1d: {  	s5 =	simm.s32 @p1 $0x1;
	p0 =	seq.s32 s7, s2  }
0x1e: {  	s7 =	smul.u32 @!p0 $0xF7A, s2;
	p2 =	seq.s32 @!p0 s5, $0x0  }
0x1f: {  	s9 =	smul.u32 $0xF7A, s1;
	s8 =	simm.s32 @!p0 $0x1BF5;
	p2 =	por !p2, p0  }
0x20: {  	[sflag:s8] =	ssyncset.s32 @!p0 $0xFFFFF086;
	s6 =	sadd.s32 @!p0 s3, s7;
	s7 =	simm.s32 @!p0 $0x108  }
0x21: {  	s3 =	sadd.s32 s3, s9;
	s6 =	sadd.s32 @!p0 $0x88, s6;
	s7 =	simm.s32 @p2 $0x1082  }
0x22: {  	[simem:s7], [sflag:s8] =	dma.local @!p0 [hbm:s6], $0xF7A  }
0x23: {  	s9 =	sor.u32 $0xD0000000, s2;
	s6 =	simm.s32 $0x108;
	_ =	swait.ge @!p0 [sflag:s8], $0x0  }
0x24: {  	s3 =	sadd.s32 $0x88, s3;
	s6 =	simm.s32 @!p1 $0x1082;
	[sflag:s4] =	ssyncset.s32 $0xFFFFF086  }
0x25: {  	[simem:s6], [sflag:s4] =	dma.local [hbm:s3], $0xF7A  }
0x26: {  	[smem:$0x3F9E] =	sst s1;
	(tag) =	ssettag s2;
	_ =	strace s9  }
0x27: {  	s1 =	sld [smem:$0x3FAE]  }
0x28: {  	s2 =	sld [smem:$0x3FAF]  }
0x29: {  	s4 =	sld [smem:$0x3FB1]  }
0x2a: {  	p0 =	seq.s32 s5, $0x0;
	s5 =	sld [smem:$0x3FB2]  }
0x2b: {  	s6 =	sld [smem:$0x3FB3]  }
0x2c: {  	s7 =	sld [smem:$0x3FB4]  }
0x2d: {  	s3 =	simm.s32 $0x108;
	s8 =	sld [smem:$0x3FB5]  }
0x2e: {  	s3 =	simm.s32 @!p0 $0x1082;
	s9 =	sld [smem:$0x3FB6]  }
0x2f: {  	lr =	sadd.s32 s0, s3;
	s0 =	sld [smem:$0x3FAD]  }
0x30: {  	s3 =	sld [smem:$0x3FB0]  }
0x31: {  	[smem:$0x3FB9] =	sst s10  }
0x32: {  	s10 =	sld [smem:$0x3FB7];
	_ =	sdelay $0x3  }
0x33: {  	p0 =	seq.s32 s10, $0x1;
	s10 =	sld [smem:$0x3FB9];
	_ =	sdelay $0x3  }
0x34: {  	[smem:$0x3FB9] =	sst s10  }
0x35: {  	s10 =	sld [smem:$0x3FB8];
	_ =	sdelay $0x3  }
0x36: {  	p1 =	seq.s32 s10, $0x1;
	s10 =	sld [smem:$0x3FB9];
	_ =	sdelay $0x3  }
0x37: {  	[smem:$0x3FB9] =	sst s10  }
0x38: {  	s10 =	sld [smem:$0x3FBA]  }
0x39: {  	_ = 	snop;
	(pc) =	sbr.ind lr, $3  }
0x3a: {  	_ = 	snop  }
0x3b: {  	_ = 	snop  }
0x3c: {  	p2 =	seq.s32 s10, $0x1;
	s10 =	sld [smem:$0x3FB9]  }
0x3d: {  	_ =	shalt  }
0x3e: {  	_ =	shalt  }
0x3f: {  	_ =	shalt  }
0x40: {  	_ =	shalt  }
0x41: {  	_ =	shalt  }
0x42: {  	_ =	shalt  }
0x43: {  	_ =	shalt  }
0x44: {  	_ =	shalt  }
0x45: {  	_ =	shalt  }
0x46: {  	_ =	shalt  }
0x47: {  	_ =	shalt  }
0x48: {  	_ =	shalt  }
0x49: {  	_ =	shalt  }
0x4a: {  	_ =	shalt  }
0x4b: {  	_ =	shalt  }
0x4c: {  	_ =	shalt  }
0x4d: {  	_ =	shalt  }
0x4e: {  	_ =	shalt  }
0x4f: {  	_ =	shalt  }
0x50: {  	_ =	shalt  }
0x51: {  	_ =	shalt  }
0x52: {  	_ =	shalt  }
0x53: {  	_ =	shalt  }
0x54: {  	_ =	shalt  }
0x55: {  	_ =	shalt  }
0x56: {  	_ =	shalt  }
0x57: {  	_ =	shalt  }
0x58: {  	_ =	shalt  }
0x59: {  	_ =	shalt  }
0x5a: {  	_ =	shalt  }
0x5b: {  	_ =	shalt  }
0x5c: {  	_ =	shalt  }
0x5d: {  	_ =	shalt  }
0x5e: {  	_ =	shalt  }
0x5f: {  	_ =	shalt  }
0x60: {  	_ =	shalt  }
0x61: {  	_ =	shalt  }
0x62: {  	_ =	shalt  }
0x63: {  	_ =	shalt  }
0x64: {  	_ =	shalt  }
0x65: {  	_ =	shalt  }
0x66: {  	_ =	shalt  }
0x67: {  	_ =	shalt  }
0x68: {  	_ =	shalt  }
0x69: {  	_ =	shalt  }
0x6a: {  	_ =	shalt  }
0x6b: {  	_ =	shalt  }
0x6c: {  	_ =	shalt  }
0x6d: {  	_ =	shalt  }
0x6e: {  	_ =	shalt  }
0x6f: {  	_ =	shalt  }
0x70: {  	_ =	shalt  }
0x71: {  	_ =	shalt  }
0x72: {  	_ =	shalt  }
0x73: {  	_ =	shalt  }
0x74: {  	_ =	shalt  }
0x75: {  	_ =	shalt  }
0x76: {  	_ =	shalt  }
0x77: {  	_ =	shalt  }
0x78: {  	_ =	shalt  }
0x79: {  	_ =	shalt  }
0x7a: {  	_ =	shalt  }
0x7b: {  	_ =	shalt  }
0x7c: {  	_ =	shalt  }
0x7d: {  	_ =	shalt  }
0x7e: {  	_ =	shalt  }
0x7f: {  	_ =	shalt  }
0x80: {  	_ =	shalt  }
0x81: {  	_ =	shalt  }
0x82: {  	_ =	shalt  }
0x83: {  	_ =	shalt  }
0x84: {  	_ =	shalt  }
0x85: {  	_ =	shalt  }
0x86: {  	_ =	shalt  }
0x87: {  	_ =	shalt  }
.Lfunc_end0:
.L_simem_size_0:
called_computation_lowered:
.L_overlay_start_0:
0x88: {  	s2 =	sld [smem:$0x3FD9]  }
0x89: {  	s3 =	sld [smem:$0x3FFE];
	_ =	sdelay $0x1  }
0x8a: {  	s1 =	srdreg.scid  }
0x8b: {  	s0 =	sand.u32 $0x1, s1  }
0x8c: {  	s17 =	sshll.u32 s0, $0xA;
	s2 =	sadd.s32 s3, s2  }
0x8d: {  	s2 =	sadd.s32 s2, s17  }
0x8e: {  	[smem:$0x3FC5] =	sst s2  }
0x8f: {  	_ = 	snop  }
0x90: {  	s2 =	sld [smem:$0x3FD0];
	(tm) =	ssettm $0x1  }
0x91: {  	s18 =	sld [smem:$0x3FFB];
	_ =	sdelay $0x3  }
0x92: {  	_ =	strace s18  }
0x93: {  	s3 =	sld [smem:$0x3FFC];
	_ =	sdelay $0x3  }
0x94: {  	_ =	strace s3  }
0x95: {  	s3 =	sld [smem:$0x3FFD];
	_ =	sdelay $0x3  }
0x96: {  	_ =	strace s3  }
0x97: {  	_ =	strace $0x8FFFFFFF  }
0x98: {  	s19 =	sld [smem:$0x3FDB];
	_ =	sdelay $0x1  }
0x99: {  	s4 =	simm.s32 $_scs_section_size  }
0x9a: {  	s5 =	simm.s32 $_size__tile_overlayer_lowered;
	s6 =	simm.s32 $_tile_overlayer_lowered  }
0x9b: {  	s22 =	simm.s32 $0x1BFF;
	s21 =	sshll.u32 s6, $0x1;
	s3 =	sadd.s32 s4, s19  }
0x9c: {  	s7 =	simm.s32 $0x0;
	s20 =	sshll.u32 s5, $0x1;
	s5 =	sadd.s32 s21, s3  }
0x9d: {  	[timem:s7], [sflag:s22] =	dma.local [hbm:s5], s20  }
0x9e: {  	_ =	swait.ge [sflag:s22], s20  }
0x9f: {  	s4 =	ssub.s32 $0x0, s20;
	[sflag:s22] =	ssyncset.done $0x0  }
0xa0: {  	[sflag:s22] =	ssyncadd.s32 s4;
	_ =	sdelay $0x1  }
0xa1: {  	s23 =	simm.s32 $0x1B8B  }
0xa2: {  	_ =	swait.ge [sflag:s23], $0x1  }
0xa3: {  	[sflag:s23] =	ssyncset.done $0x0  }
0xa4: {  	s25 =	simm.s32 $0x1B8E;
	s24 =	sld [smem:$0x3FFE];
	[sflag:s23] =	ssyncadd.s32 $0xFFFFFFFF  }
0xa5: {  	s26 =	simm.s32 $execute0_lowered;
	[smem:$0x3FD2] =	sst s25  }
0xa6: {  	s5 =	sshll.u32 s26, $0x1;
	_ =	strace $0x80000046;
	[dreg:$0x1] =	wrdreg $0xFFFFFFFF  }
0xa7: {  	s28 =	simm.s32 $_size_execute0_lowered;
	s3 =	sadd.s32 s3, s5;
	[dreg:$0x0] =	wrdreg $0x0  }
0xa8: {  	s5 =	sshll.u32 s28, $0x1;
	[dreg:$0x2] =	wrdreg s3  }
0xa9: {  	[dreg:$0x3] =	wrdreg s5  }
0xaa: {  	[dreg:$0x4] =	wrdreg $0xC0  }
0xab: {  	_ =	task [dreg:s7], $0x5FFFF  }
0xac: {  	[dreg:$0x1] =	wrdreg $0xFFFFFFFF  }
0xad: {  	[dreg:$0x0] =	wrdreg $0x60  }
0xae: {  	[dreg:$0x2] =	wrdreg s2  }
0xaf: {  	[dreg:$0x3] =	wrdreg s24  }
0xb0: {  	[dreg:$0x4] =	wrdreg $0x9  }
0xb1: {  	_ =	task.clear_ibuf [dreg:s7], $0x5FFFF;
	_ =	strace $0x90000046  }
0xb2: {  	s29 =	simm.s32 $0x9;
	_ =	strace $0x80000048  }
0xb3: {  	_ =	swait.ge [sflag:s29], $0x1  }
0xb4: {  	[sflag:s29] =	ssyncadd.s32 $0xFFFFFFFF  }
0xb5: {  	_ =	strace $0x90000048  }
0xb6: {  	_ =	sfence  }
0xb7: {  	s30 =	sld [smem:$0x0];
	_ =	sdelay $0x2  }
0xb8: {  	s31 =	sshll.u32 s1, $0xD;
	s1 =	sshrl.u32 s1, $0x2  }
0xb9: {  	s3 =	sand.u32 $0x4000, s31;
	s1 =	sadd.s32 s1, s30  }
0xba: {  	s0 =	sor.u32 s3, s0;
	s1 =	sshll.u32 s1, $0x11  }
0xbb: {  	s0 =	sor.u32 s1, s0  }
0xbc: {  	s0 =	sadd.s32 $0x8F2B, s0  }
0xbd: {  	[sflag:s0] =	ssyncadd.remote.s32 $0x1  }
0xbe: {  	_ =	sfence.sel $0xFFFF  }
0xbf: {  	[dreg:$0x0] =	wrdreg $0xFFFFFFFF;
	(pc) =	sbr.abs _section_cstart, $3  }
0xc0: {  	[dreg:$0x1] =	wrdreg $0xFFFFFFFF  }
0xc1: {  	_ =	task.clear_ibuf [dreg:s7], $0x2FFFF;
	_ =	strace $0x9FFFFFFF  }
0xc2: {  	(tm) =	ssettm $0x7FFFFFFF  }
0xc3: {  	_ =	shalt  }
tec
execute0_lowered:
.L_overlay_start_1:
0x0: {  	(tag) =	ssettag $0x1  }
0x1: {  	v0 =	vimm.s32 $0x2380;
	vm14 =	vcmask $0x300  }
0x2: {  	vm13 =	vcmask $0x704;
	v1 =	vimm.s32 $0x2381;
	v0 =	vsel vm14, $0x0, v0  }
0x3: {  	vm12 =	vcmask $0xB08;
	v1 =	vsel vm14, $0x1, v1;
	v0 =	vsel vm13, $0x80, v0  }
0x4: {  	vm11 =	vcmask $0xF0C;
	v1 =	vsel vm13, $0x81, v1;
	v0 =	vsel vm12, $0x100, v0  }
0x5: {  	vm10 =	vcmask $0x1310;
	v1 =	vsel vm12, $0x101, v1;
	v0 =	vsel vm11, $0x180, v0  }
0x6: {  	vm9 =	vcmask $0x1714;
	v1 =	vsel vm11, $0x181, v1;
	v0 =	vsel vm10, $0x200, v0  }
0x7: {  	vm8 =	vcmask $0x1B18;
	v1 =	vsel vm10, $0x201, v1;
	v0 =	vsel vm9, $0x280, v0  }
0x8: {  	vm7 =	vcmask $0x1F1C;
	v1 =	vsel vm9, $0x281, v1;
	v0 =	vsel vm8, $0x300, v0  }
0x9: {  	vm6 =	vcmask $0x2320;
	v1 =	vsel vm8, $0x301, v1;
	v0 =	vsel vm7, $0x380, v0  }
0xa: {  	vm5 =	vcmask $0x2724;
	v1 =	vsel vm7, $0x381, v1;
	v0 =	vsel vm6, $0x2000, v0  }
0xb: {  	vm4 =	vcmask $0x2B28;
	v1 =	vsel vm6, $0x2001, v1;
	v0 =	vsel vm5, $0x2080, v0  }
0xc: {  	vm3 =	vcmask $0x2F2C;
	v1 =	vsel vm5, $0x2081, v1;
	v0 =	vsel vm4, $0x2100, v0  }
0xd: {  	vm2 =	vcmask $0x3330;
	v1 =	vsel vm4, $0x2101, v1;
	v0 =	vsel vm3, $0x2180, v0  }
0xe: {  	vm1 =	vcmask $0x3734;
	v1 =	vsel vm3, $0x2181, v1;
	v0 =	vsel vm2, $0x2200, v0  }
0xf: {  	vm0 =	vcmask $0x3B38;
	v2 =	vsel vm2, $0x2201, v1;
	v0 =	vsel vm1, $0x2280, v0  }
0x10: {  	v48 =	vlaneseq.u32;
	v1 =	vsel vm0, $0x2300, v0;
	v0 =	vsel vm1, $0x2281, v2  }
0x11: {  	v4 =	vmul.u32 $0x80, v48;
	v2 =	vimm.s32 $0x2382;
	v0 =	vsel vm0, $0x2301, v0  }
0x12: {  	[tilespmem:$0x1FE10] =	vst v0;
	v0 =	vsel vm14, $0x2, v2  }
0x13: {  	v2 =	vor.u32 $0x2, v4;
	v0 =	vsel vm13, $0x82, v0  }
0x14: {  	[tilespmem:$0x1FE20] =	vst v2;
	v2 =	vimm.s32 $0x2383;
	v0 =	vsel vm12, $0x102, v0  }
0x15: {  	v3 =	vor.u32 $0x1, v4;
	v2 =	vsel vm14, $0x3, v2;
	v0 =	vsel vm11, $0x182, v0  }
0x16: {  	[tilespmem:$0x1FE00] =	vst v3;
	v3 =	vimm.s32 $0x2384;
	v2 =	vsel vm13, $0x83, v2;
	v0 =	vsel vm10, $0x202, v0  }
0x17: {  	v3 =	vsel vm14, $0x4, v3;
	v2 =	vsel vm12, $0x103, v2;
	v0 =	vsel vm9, $0x282, v0  }
0x18: {  	v3 =	vsel vm13, $0x84, v3;
	v2 =	vsel vm11, $0x183, v2;
	v0 =	vsel vm8, $0x302, v0  }
0x19: {  	v3 =	vsel vm12, $0x104, v3;
	v2 =	vsel vm10, $0x203, v2;
	v0 =	vsel vm7, $0x382, v0  }
0x1a: {  	v3 =	vsel vm11, $0x184, v3;
	v2 =	vsel vm9, $0x283, v2;
	v0 =	vsel vm6, $0x2002, v0  }
0x1b: {  	v3 =	vsel vm10, $0x204, v3;
	v2 =	vsel vm8, $0x303, v2;
	v0 =	vsel vm5, $0x2082, v0  }
0x1c: {  	v3 =	vsel vm9, $0x284, v3;
	v2 =	vsel vm7, $0x383, v2;
	v0 =	vsel vm4, $0x2102, v0  }
0x1d: {  	v3 =	vsel vm8, $0x304, v3;
	v2 =	vsel vm6, $0x2003, v2;
	v0 =	vsel vm3, $0x2182, v0  }
0x1e: {  	v3 =	vsel vm7, $0x384, v3;
	v2 =	vsel vm5, $0x2083, v2;
	v0 =	vsel vm2, $0x2202, v0  }
0x1f: {  	v3 =	vsel vm6, $0x2004, v3;
	v2 =	vsel vm4, $0x2103, v2;
	v0 =	vsel vm1, $0x2282, v0  }
0x20: {  	v3 =	vsel vm5, $0x2084, v3;
	v2 =	vsel vm3, $0x2183, v2;
	v0 =	vsel vm0, $0x2302, v0  }
0x21: {  	v3 =	vsel vm4, $0x2104, v3;
	[tilespmem:$0x1FE30] =	vst v0;
	v0 =	vsel vm2, $0x2203, v2  }
0x22: {  	v2 =	vsel vm3, $0x2184, v3;
	v0 =	vsel vm1, $0x2283, v0  }
0x23: {  	v2 =	vsel vm2, $0x2204, v2;
	v0 =	vsel vm0, $0x2303, v0  }
0x24: {  	[tilespmem:$0x1FE50] =	vst v0;
	v0 =	vsel vm1, $0x2284, v2  }
0x25: {  	v2 =	vimm.s32 $0x2385;
	v0 =	vsel vm0, $0x2304, v0  }
0x26: {  	[tilespmem:$0x1FE70] =	vst v0;
	v0 =	vsel vm14, $0x5, v2  }
0x27: {  	v2 =	vor.u32 $0x5, v4;
	v0 =	vsel vm13, $0x85, v0  }
0x28: {  	v3 =	vor.u32 $0x3, v4;
	[tilespmem:$0x1FE80] =	vst v2;
	v2 =	vimm.s32 $0x2386;
	v0 =	vsel vm12, $0x105, v0  }
0x29: {  	[tilespmem:$0x1FE40] =	vst v3;
	v3 =	vor.u32 $0x4, v4;
	v2 =	vsel vm14, $0x6, v2;
	v0 =	vsel vm11, $0x185, v0  }
0x2a: {  	[tilespmem:$0x1FE60] =	vst v3;
	v3 =	vimm.s32 $0x2387;
	v2 =	vsel vm13, $0x86, v2;
	v0 =	vsel vm10, $0x205, v0  }
0x2b: {  	v3 =	vsel vm14, $0x7, v3;
	v2 =	vsel vm12, $0x106, v2;
	v0 =	vsel vm9, $0x285, v0  }
0x2c: {  	v3 =	vsel vm13, $0x87, v3;
	v2 =	vsel vm11, $0x186, v2;
	v0 =	vsel vm8, $0x305, v0  }
0x2d: {  	v3 =	vsel vm12, $0x107, v3;
	v2 =	vsel vm10, $0x206, v2;
	v0 =	vsel vm7, $0x385, v0  }
0x2e: {  	v3 =	vsel vm11, $0x187, v3;
	v2 =	vsel vm9, $0x286, v2;
	v0 =	vsel vm6, $0x2005, v0  }
0x2f: {  	v3 =	vsel vm10, $0x207, v3;
	v2 =	vsel vm8, $0x306, v2;
	v0 =	vsel vm5, $0x2085, v0  }
0x30: {  	v3 =	vsel vm9, $0x287, v3;
	v2 =	vsel vm7, $0x386, v2;
	v0 =	vsel vm4, $0x2105, v0  }
0x31: {  	v3 =	vsel vm8, $0x307, v3;
	v2 =	vsel vm6, $0x2006, v2;
	v0 =	vsel vm3, $0x2185, v0  }
0x32: {  	v3 =	vsel vm7, $0x387, v3;
	v2 =	vsel vm5, $0x2086, v2;
	v0 =	vsel vm2, $0x2205, v0  }
0x33: {  	v3 =	vsel vm6, $0x2007, v3;
	v2 =	vsel vm4, $0x2106, v2;
	v0 =	vsel vm1, $0x2285, v0  }
0x34: {  	v3 =	vsel vm5, $0x2087, v3;
	v2 =	vsel vm3, $0x2186, v2;
	v0 =	vsel vm0, $0x2305, v0  }
0x35: {  	v3 =	vsel vm4, $0x2107, v3;
	[tilespmem:$0x1FE90] =	vst v0;
	v0 =	vsel vm2, $0x2206, v2  }
0x36: {  	v2 =	vsel vm3, $0x2187, v3;
	v0 =	vsel vm1, $0x2286, v0  }
0x37: {  	v2 =	vsel vm2, $0x2207, v2;
	v0 =	vsel vm0, $0x2306, v0  }
0x38: {  	[tilespmem:$0x1FEB0] =	vst v0;
	v0 =	vsel vm1, $0x2287, v2  }
0x39: {  	v2 =	vimm.s32 $0x2388;
	v0 =	vsel vm0, $0x2307, v0  }
0x3a: {  	[tilespmem:$0x1FED0] =	vst v0;
	v0 =	vsel vm14, $0x8, v2  }
0x3b: {  	v2 =	vor.u32 $0x8, v4;
	v0 =	vsel vm13, $0x88, v0  }
0x3c: {  	v3 =	vor.u32 $0x6, v4;
	[tilespmem:$0x1FEE0] =	vst v2;
	v2 =	vimm.s32 $0x2389;
	v0 =	vsel vm12, $0x108, v0  }
0x3d: {  	[tilespmem:$0x1FEA0] =	vst v3;
	v3 =	vor.u32 $0x7, v4;
	v2 =	vsel vm14, $0x9, v2;
	v0 =	vsel vm11, $0x188, v0  }
0x3e: {  	[tilespmem:$0x1FEC0] =	vst v3;
	v3 =	vimm.s32 $0x238A;
	v2 =	vsel vm13, $0x89, v2;
	v0 =	vsel vm10, $0x208, v0  }
0x3f: {  	v3 =	vsel vm14, $0xA, v3;
	v2 =	vsel vm12, $0x109, v2;
	v0 =	vsel vm9, $0x288, v0  }
0x40: {  	v3 =	vsel vm13, $0x8A, v3;
	v2 =	vsel vm11, $0x189, v2;
	v0 =	vsel vm8, $0x308, v0  }
0x41: {  	v3 =	vsel vm12, $0x10A, v3;
	v2 =	vsel vm10, $0x209, v2;
	v0 =	vsel vm7, $0x388, v0  }
0x42: {  	v3 =	vsel vm11, $0x18A, v3;
	v2 =	vsel vm9, $0x289, v2;
	v0 =	vsel vm6, $0x2008, v0  }
0x43: {  	v3 =	vsel vm10, $0x20A, v3;
	v2 =	vsel vm8, $0x309, v2;
	v0 =	vsel vm5, $0x2088, v0  }
0x44: {  	v3 =	vsel vm9, $0x28A, v3;
	v2 =	vsel vm7, $0x389, v2;
	v0 =	vsel vm4, $0x2108, v0  }
0x45: {  	v3 =	vsel vm8, $0x30A, v3;
	v2 =	vsel vm6, $0x2009, v2;
	v0 =	vsel vm3, $0x2188, v0  }
0x46: {  	v3 =	vsel vm7, $0x38A, v3;
	v2 =	vsel vm5, $0x2089, v2;
	v0 =	vsel vm2, $0x2208, v0  }
0x47: {  	v3 =	vsel vm6, $0x200A, v3;
	v2 =	vsel vm4, $0x2109, v2;
	v0 =	vsel vm1, $0x2288, v0  }
0x48: {  	v3 =	vsel vm5, $0x208A, v3;
	v2 =	vsel vm3, $0x2189, v2;
	v0 =	vsel vm0, $0x2308, v0  }
0x49: {  	v3 =	vsel vm4, $0x210A, v3;
	[tilespmem:$0x1FEF0] =	vst v0;
	v0 =	vsel vm2, $0x2209, v2  }
0x4a: {  	v2 =	vsel vm3, $0x218A, v3;
	v0 =	vsel vm1, $0x2289, v0  }
0x4b: {  	v2 =	vsel vm2, $0x220A, v2;
	v0 =	vsel vm0, $0x2309, v0  }
0x4c: {  	[tilespmem:$0x1FF10] =	vst v0;
	v0 =	vsel vm1, $0x228A, v2  }
0x4d: {  	v2 =	vimm.s32 $0x238B;
	v0 =	vsel vm0, $0x230A, v0  }
0x4e: {  	[tilespmem:$0x1FF30] =	vst v0;
	v0 =	vsel vm14, $0xB, v2  }
0x4f: {  	v2 =	vor.u32 $0xB, v4;
	v0 =	vsel vm13, $0x8B, v0  }
0x50: {  	v3 =	vor.u32 $0x9, v4;
	[tilespmem:$0x1FF40] =	vst v2;
	v2 =	vimm.s32 $0x238C;
	v0 =	vsel vm12, $0x10B, v0  }
0x51: {  	[tilespmem:$0x1FF00] =	vst v3;
	v3 =	vor.u32 $0xA, v4;
	v2 =	vsel vm14, $0xC, v2;
	v0 =	vsel vm11, $0x18B, v0  }
0x52: {  	[tilespmem:$0x1FF20] =	vst v3;
	v3 =	vimm.s32 $0x6380;
	v2 =	vsel vm13, $0x8C, v2;
	v0 =	vsel vm10, $0x20B, v0  }
0x53: {  	v3 =	vsel vm14, $0x4000, v3;
	v2 =	vsel vm12, $0x10C, v2;
	v0 =	vsel vm9, $0x28B, v0  }
0x54: {  	v3 =	vsel vm13, $0x4080, v3;
	v2 =	vsel vm11, $0x18C, v2;
	v0 =	vsel vm8, $0x30B, v0  }
0x55: {  	v3 =	vsel vm12, $0x4100, v3;
	v2 =	vsel vm10, $0x20C, v2;
	v0 =	vsel vm7, $0x38B, v0  }
0x56: {  	v3 =	vsel vm11, $0x4180, v3;
	v2 =	vsel vm9, $0x28C, v2;
	v0 =	vsel vm6, $0x200B, v0  }
0x57: {  	v3 =	vsel vm10, $0x4200, v3;
	v2 =	vsel vm8, $0x30C, v2;
	v0 =	vsel vm5, $0x208B, v0  }
0x58: {  	v3 =	vsel vm9, $0x4280, v3;
	v2 =	vsel vm7, $0x38C, v2;
	v0 =	vsel vm4, $0x210B, v0  }
0x59: {  	v3 =	vsel vm8, $0x4300, v3;
	v2 =	vsel vm6, $0x200C, v2;
	v0 =	vsel vm3, $0x218B, v0  }
0x5a: {  	v3 =	vsel vm7, $0x4380, v3;
	v2 =	vsel vm5, $0x208C, v2;
	v0 =	vsel vm2, $0x220B, v0  }
0x5b: {  	v3 =	vsel vm6, $0x6000, v3;
	v2 =	vsel vm4, $0x210C, v2;
	v0 =	vsel vm1, $0x228B, v0  }
0x5c: {  	v3 =	vsel vm5, $0x6080, v3;
	v2 =	vsel vm3, $0x218C, v2;
	v0 =	vsel vm0, $0x230B, v0  }
0x5d: {  	v3 =	vsel vm4, $0x6100, v3;
	[tilespmem:$0x1FF50] =	vst v0;
	v0 =	vsel vm2, $0x220C, v2  }
0x5e: {  	v2 =	vsel vm3, $0x6180, v3;
	v0 =	vsel vm1, $0x228C, v0  }
0x5f: {  	v2 =	vsel vm2, $0x6200, v2;
	v0 =	vsel vm0, $0x230C, v0  }
0x60: {  	[tilespmem:$0x1FF70] =	vst v0;
	v0 =	vsel vm1, $0x6280, v2;
	v2 =	vimm.s32 $0x6381  }
0x61: {  	v27 =	vsel vm0, $0x6300, v0;
	v0 =	vsel vm14, $0x4001, v2  }
0x62: {  	v2 =	vor.u32 $0x801, v4;
	v0 =	vsel vm13, $0x4081, v0  }
0x63: {  	v3 =	vor.u32 $0xC, v4;
	[tilespmem:$0x1FF90] =	vst v2;
	v2 =	vimm.s32 $0x6382;
	v0 =	vsel vm12, $0x4101, v0  }
0x64: {  	[tilespmem:$0x1FF60] =	vst v3;
	v3 =	vor.u32 $0x800, v4;
	v2 =	vsel vm14, $0x4002, v2;
	v0 =	vsel vm11, $0x4181, v0  }
0x65: {  	[tilespmem:$0x1FF80] =	vst v3;
	v3 =	vimm.s32 $0x6383;
	v2 =	vsel vm13, $0x4082, v2;
	v0 =	vsel vm10, $0x4201, v0  }
0x66: {  	v3 =	vsel vm14, $0x4003, v3;
	v2 =	vsel vm12, $0x4102, v2;
	v0 =	vsel vm9, $0x4281, v0  }
0x67: {  	v3 =	vsel vm13, $0x4083, v3;
	v2 =	vsel vm11, $0x4182, v2;
	v0 =	vsel vm8, $0x4301, v0  }
0x68: {  	v3 =	vsel vm12, $0x4103, v3;
	v2 =	vsel vm10, $0x4202, v2;
	v0 =	vsel vm7, $0x4381, v0  }
0x69: {  	v3 =	vsel vm11, $0x4183, v3;
	v2 =	vsel vm9, $0x4282, v2;
	v0 =	vsel vm6, $0x6001, v0  }
0x6a: {  	v3 =	vsel vm10, $0x4203, v3;
	v2 =	vsel vm8, $0x4302, v2;
	v0 =	vsel vm5, $0x6081, v0  }
0x6b: {  	v3 =	vsel vm9, $0x4283, v3;
	v2 =	vsel vm7, $0x4382, v2;
	v0 =	vsel vm4, $0x6101, v0  }
0x6c: {  	v3 =	vsel vm8, $0x4303, v3;
	v2 =	vsel vm6, $0x6002, v2;
	v0 =	vsel vm3, $0x6181, v0  }
0x6d: {  	v3 =	vsel vm7, $0x4383, v3;
	v2 =	vsel vm5, $0x6082, v2;
	v0 =	vsel vm2, $0x6201, v0  }
0x6e: {  	v3 =	vsel vm6, $0x6003, v3;
	v2 =	vsel vm4, $0x6102, v2;
	v0 =	vsel vm1, $0x6281, v0  }
0x6f: {  	v3 =	vsel vm5, $0x6083, v3;
	v2 =	vsel vm3, $0x6182, v2;
	v0 =	vsel vm0, $0x6301, v0  }
0x70: {  	v3 =	vsel vm4, $0x6103, v3;
	[tilespmem:$0x1FFA0] =	vst v0;
	v0 =	vsel vm2, $0x6202, v2  }
0x71: {  	v2 =	vsel vm3, $0x6183, v3;
	v0 =	vsel vm1, $0x6282, v0  }
0x72: {  	v2 =	vsel vm2, $0x6203, v2;
	v0 =	vsel vm0, $0x6302, v0  }
0x73: {  	v3 =	vor.u32 $0x802, v4;
	[tilespmem:$0x1FFC0] =	vst v0;
	v0 =	vsel vm1, $0x6283, v2  }
0x74: {  	[tilespmem:$0x1FFB0] =	vst v3;
	v2 =	vimm.s32 $0x6384;
	v0 =	vsel vm0, $0x6303, v0  }
0x75: {  	[tilespmem:$0x1FFE0] =	vst v0;
	v0 =	vsel vm14, $0x4004, v2;
	v2 =	vor.u32 $0x804, v4  }
0x76: {  	v3 =	vor.u32 $0x803, v4;
	[tilespmem:$0x1FFF0] =	vst v2;
	v0 =	vsel vm13, $0x4084, v0;
	v2 =	vimm.s32 $0x6385  }
0x77: {  	[tilespmem:$0x1FFD0] =	vst v3;
	v3 =	vimm.s32 $0x6386;
	v0 =	vsel vm12, $0x4104, v0;
	v2 =	vsel vm14, $0x4005, v2  }
0x78: {  	v3 =	vsel vm14, $0x4006, v3;
	v0 =	vsel vm11, $0x4184, v0;
	v2 =	vsel vm13, $0x4085, v2  }
0x79: {  	v3 =	vsel vm13, $0x4086, v3;
	v0 =	vsel vm10, $0x4204, v0;
	v2 =	vsel vm12, $0x4105, v2  }
0x7a: {  	v3 =	vsel vm12, $0x4106, v3;
	v0 =	vsel vm9, $0x4284, v0;
	v2 =	vsel vm11, $0x4185, v2  }
0x7b: {  	v3 =	vsel vm11, $0x4186, v3;
	v0 =	vsel vm8, $0x4304, v0;
	v2 =	vsel vm10, $0x4205, v2  }
0x7c: {  	v3 =	vsel vm10, $0x4206, v3;
	v0 =	vsel vm7, $0x4384, v0;
	v2 =	vsel vm9, $0x4285, v2  }
0x7d: {  	v3 =	vsel vm9, $0x4286, v3;
	v0 =	vsel vm6, $0x6004, v0;
	v2 =	vsel vm8, $0x4305, v2  }
0x7e: {  	v3 =	vsel vm8, $0x4306, v3;
	v0 =	vsel vm5, $0x6084, v0;
	v2 =	vsel vm7, $0x4385, v2  }
0x7f: {  	v3 =	vsel vm7, $0x4386, v3;
	v0 =	vsel vm4, $0x6104, v0;
	v2 =	vsel vm6, $0x6005, v2  }
0x80: {  	v3 =	vsel vm6, $0x6006, v3;
	v0 =	vsel vm3, $0x6184, v0;
	v2 =	vsel vm5, $0x6085, v2  }
0x81: {  	v3 =	vsel vm5, $0x6086, v3;
	v0 =	vsel vm2, $0x6204, v0;
	v2 =	vsel vm4, $0x6105, v2  }
0x82: {  	v3 =	vsel vm4, $0x6106, v3;
	v0 =	vsel vm1, $0x6284, v0;
	v2 =	vsel vm3, $0x6185, v2  }
0x83: {  	v35 =	vsel vm0, $0x6304, v0;
	v0 =	vsel vm2, $0x6205, v2;
	v2 =	vsel vm3, $0x6186, v3  }
0x84: {  	v48 =	vmul.u32 $0x400, v48;
	v0 =	vsel vm1, $0x6285, v0;
	v2 =	vsel vm2, $0x6206, v2  }
0x85: {  	v37 =	vsel vm0, $0x6305, v0;
	v0 =	vsel vm1, $0x6286, v2;
	v2 =	vimm.s32 $0x6387  }
0x86: {  	v36 =	vor.u32 $0x805, v4;
	v39 =	vsel vm0, $0x6306, v0;
	v0 =	vsel vm14, $0x4007, v2  }
0x87: {  	v38 =	vor.u32 $0x806, v4;
	v2 =	vimm.s32 $0x6388;
	v0 =	vsel vm13, $0x4087, v0  }
0x88: {  	v3 =	vimm.s32 $0x6389;
	v2 =	vsel vm14, $0x4008, v2;
	v0 =	vsel vm12, $0x4107, v0  }
0x89: {  	v3 =	vsel vm14, $0x4009, v3;
	v2 =	vsel vm13, $0x4088, v2;
	v0 =	vsel vm11, $0x4187, v0  }
0x8a: {  	v3 =	vsel vm13, $0x4089, v3;
	v2 =	vsel vm12, $0x4108, v2;
	v0 =	vsel vm10, $0x4207, v0  }
0x8b: {  	v3 =	vsel vm12, $0x4109, v3;
	v2 =	vsel vm11, $0x4188, v2;
	v0 =	vsel vm9, $0x4287, v0  }
0x8c: {  	v3 =	vsel vm11, $0x4189, v3;
	v2 =	vsel vm10, $0x4208, v2;
	v0 =	vsel vm8, $0x4307, v0  }
0x8d: {  	v3 =	vsel vm10, $0x4209, v3;
	v2 =	vsel vm9, $0x4288, v2;
	v0 =	vsel vm7, $0x4387, v0  }
0x8e: {  	v3 =	vsel vm9, $0x4289, v3;
	v2 =	vsel vm8, $0x4308, v2;
	v0 =	vsel vm6, $0x6007, v0  }
0x8f: {  	v3 =	vsel vm8, $0x4309, v3;
	v2 =	vsel vm7, $0x4388, v2;
	v0 =	vsel vm5, $0x6087, v0  }
0x90: {  	v3 =	vsel vm7, $0x4389, v3;
	v2 =	vsel vm6, $0x6008, v2;
	v0 =	vsel vm4, $0x6107, v0  }
0x91: {  	v3 =	vsel vm6, $0x6009, v3;
	v2 =	vsel vm5, $0x6088, v2;
	v0 =	vsel vm3, $0x6187, v0  }
0x92: {  	v3 =	vsel vm5, $0x6089, v3;
	v2 =	vsel vm4, $0x6108, v2;
	v0 =	vsel vm2, $0x6207, v0  }
0x93: {  	v3 =	vsel vm4, $0x6109, v3;
	v2 =	vsel vm3, $0x6188, v2;
	v0 =	vsel vm1, $0x6287, v0  }
0x94: {  	v41 =	vsel vm0, $0x6307, v0;
	v0 =	vsel vm2, $0x6208, v2;
	v2 =	vsel vm3, $0x6189, v3  }
0x95: {  	v40 =	vor.u32 $0x807, v4;
	v0 =	vsel vm1, $0x6288, v0;
	v2 =	vsel vm2, $0x6209, v2  }
0x96: {  	v43 =	vsel vm0, $0x6308, v0;
	v0 =	vsel vm1, $0x6289, v2;
	v2 =	vimm.s32 $0x638A  }
0x97: {  	v42 =	vor.u32 $0x808, v4;
	v45 =	vsel vm0, $0x6309, v0;
	v0 =	vsel vm14, $0x400A, v2  }
0x98: {  	v44 =	vor.u32 $0x809, v4;
	v2 =	vimm.s32 $0x638B;
	v0 =	vsel vm13, $0x408A, v0  }
0x99: {  	s0 =	rddreg [dreg:$0x1];
	s1 =	srdreg.scid;
	v3 =	vimm.s32 $0x638C;
	v2 =	vsel vm14, $0x400B, v2;
	v0 =	vsel vm12, $0x410A, v0  }
0x9a: {  	s2 =	stileid.u32;
	s3 =	simm.s32 $0x0;
	s12 =	simm.s32 $0x3400;
	v3 =	vsel vm14, $0x400C, v3;
	v2 =	vsel vm13, $0x408B, v2;
	v0 =	vsel vm11, $0x418A, v0  }
0x9b: {  	s16 =	simm.s32 $0x14400;
	s17 =	simm.s32 $0xB400;
	s30 =	simm.s32 $0xB800;
	v3 =	vsel vm13, $0x408C, v3;
	v2 =	vsel vm12, $0x410B, v2;
	v0 =	vsel vm10, $0x420A, v0  }
0x9c: {  	s9 =	simm.s32 $0xF400;
	s7 =	simm.s32 $0xF800;
	s8 =	simm.s32 $0xFC00;
	v3 =	vsel vm12, $0x410C, v3;
	v2 =	vsel vm11, $0x418B, v2;
	v0 =	vsel vm9, $0x428A, v0  }
0x9d: {  	s6 =	simm.s32 $0x10800;
	s11 =	simm.s32 $0x10C00;
	s10 =	simm.s32 $0x11000;
	v3 =	vsel vm11, $0x418C, v3;
	v2 =	vsel vm10, $0x420B, v2;
	v0 =	vsel vm8, $0x430A, v0  }
0x9e: {  	s13 =	simm.s32 $0x11400;
	s14 =	simm.s32 $0x11800;
	s15 =	simm.s32 $0x11C00;
	v3 =	vsel vm10, $0x420C, v3;
	v2 =	vsel vm9, $0x428B, v2;
	v0 =	vsel vm7, $0x438A, v0  }
0x9f: {  	s18 =	simm.s32 $0x12000;
	s19 =	simm.s32 $0x12400;
	s20 =	simm.s32 $0x12800;
	v3 =	vsel vm9, $0x428C, v3;
	v2 =	vsel vm8, $0x430B, v2;
	v0 =	vsel vm6, $0x600A, v0  }
0xa0: {  	s21 =	simm.s32 $0x12C00;
	s22 =	simm.s32 $0x13000;
	s1 =	sand.u32 $0x1, s1;
	v3 =	vsel vm8, $0x430C, v3;
	v2 =	vsel vm7, $0x438B, v2;
	v0 =	vsel vm5, $0x608A, v0  }
0xa1: {  	s23 =	simm.s32 $0x1;
	s4 =	sshll.u32 s1, $0x9;
	s1 =	ssub.s32 $0x2, s1;
	v3 =	vsel vm7, $0x438C, v3;
	v2 =	vsel vm6, $0x600B, v2;
	v0 =	vsel vm4, $0x610A, v0  }
0xa2: {  	s24 =	simm.s32 $0x2;
	s2 =	sshll.u32 s2, $0xA;
	s26 =	sshrl.u32 s1, $0x1;
	v3 =	vsel vm6, $0x600C, v3;
	v2 =	vsel vm5, $0x608B, v2;
	v0 =	vsel vm3, $0x618A, v0  }
0xa3: {  	[smem:$0x7FF] =	sst s3;
	s5 =	sadd.s32 $0xD400, s0;
	s1 =	ssub.s32 s1, s26;
	v3 =	vsel vm5, $0x608C, v3;
	v2 =	vsel vm4, $0x610B, v2;
	v0 =	vsel vm2, $0x620A, v0  }
.Ltmp0:
0xa4: {  	s2 =	sor.u32 s4, s2;
	s31 =	smax.u32 s1, $0x1;
	v3 =	vsel vm4, $0x610C, v3;
	v2 =	vsel vm3, $0x618B, v2;
	v0 =	vsel vm1, $0x628A, v0;
	(pc) =	sbr.rel .LBB2_1-.Ltmp0, $4  }
0xa5: {  	_ =	strace $0x80000047;
	[dreg:$0x3] =	wrdreg s2;
	s2 =	sshrl.u32 s2, $0x3;
	v47 =	vsel vm0, $0x630A, v0;
	v0 =	vsel vm2, $0x620B, v2;
	v2 =	vsel vm3, $0x618C, v3  }
0xa6: {  	v46 =	vor.u32 $0x80A, v4;
	[dreg:$0x6] =	wrdreg s31;
	s2 =	sadd.s32 s2, s0;
	s0 =	sadd.s32 $0x27BA800, s0;
	v0 =	vsel vm1, $0x628B, v0;
	v2 =	vsel vm2, $0x620C, v2  }
0xa7: {  	s28 =	simm.s32 $0x0;
	v49 =	vor.u32 $0x80B, v4;
	[dreg:$0x4] =	wrdreg s0;
	s29 =	sadd.s32 $0x400, s2;
	v50 =	vsel vm0, $0x630B, v0;
	v0 =	vsel vm1, $0x628C, v2  }
0xa8: {  	s4 =	simm.s32 $0x10400;
	v34 =	vmovc v4;
	v51 =	vor.u32 $0x80C, v4;
	v53 =	vor.u32 $0x4000, v48;
	s0 =	simm.s32 $0x10000;
	[dreg:$0x5] =	wrdreg s29;
	v52 =	vsel vm0, $0x630C, v0  }
.LBB2_7:
0xa9: {  	s26 =	simm.s32 $0x3  }
0xaa: {  	_ =	swait.ge [sflag:s26], $0x8000  }
0xab: {  	s28 =	rddreg [dreg:$0x7]  }
0xac: {  	s25 =	rddreg [dreg:$0x6];
	s28 =	sadd.s32 $0x1, s28  }
0xad: {  	p0 =	sne.s32 s28, s25  }
.Ltmp1:
0xae: {  	_ = 	snop;
	(pc) =	sbr.rel @!p0 .LBB2_8-.Ltmp1, $3  }
0xaf: {  	_ =	sdelay $0x1  }
0xb0: {  	[sflag:s26] =	ssyncset.done $0x0  }
0xb1: {  	[sflag:s26] =	ssyncadd.s32 $0xFFFF8000  }
.LBB2_1:
0xb2: {  	[dreg:$0x7] =	wrdreg s28  }
0xb3: {  	s25 =	rddreg [dreg:$0x5];
	s26 =	simm.s32 $0x200  }
.Ltmp2:
0xb4: {  	s2 =	simm.s32 $0x4000;
	s29 =	simm.s32 $0x4;
	(pc) =	sbr.rel .LBB2_2-.Ltmp2, $4  }
0xb5: {  	[tilespmem:s3], [sflag:$0x4] =	stream.strided.gather [hbm4b:s25+s26], $0x3400, s2, s26, $0x38;
	[tilespmem:$0x1C400] =	vst v63  }
0xb6: {  	_ =	swait.ge [sflag:s29], $0x3400  }
0xb7: {  	s31 =	simm.s32 $0x0;
	[sflag:s29] =	ssyncset.done $0x0  }
0xb8: {  	s1 =	simm.s32 $0x0;
	s2 =	simm.s32 $0x0;
	[sflag:s29] =	ssyncadd.s32 $0xFFFFCC00  }
.LBB2_6:
0xb9: {  	s2 =	rddreg [dreg:$0xa]  }
0xba: {  	s2 =	sadd.s32 $0x1, s2  }
0xbb: {  	s1 =	rddreg [dreg:$0xb];
	p0 =	sne.s32 s2, $0x10  }
.Ltmp3:
0xbc: {  	s26 =	rddreg [dreg:$0x4];
	(pc) =	sbr.rel @!p0 .LBB2_7-.Ltmp3, $4  }
0xbd: {  	s29 =	rddreg [dreg:$0x9]  }
0xbe: {  	s31 =	rddreg [dreg:$0x8];
	s25 =	sshll.u32 s1, $0x7  }
0xbf: {  	s1 =	sadd.s32 $0x20, s29;
	s31 =	sadd.s32 $0x1, s31;
	s25 =	sadd.s32 s26, s25  }
0xc0: {  	[hbm4b:s25+s3] =	stream.linear.scatter [tilespmem:s16], [sflag:$0x3], $0x8000, $0x38;
	[tilespmem:$0x1C400] =	vst v63  }
.LBB2_2:
0xc1: {  	s25 =	sshll.u32 s2, $0x5  }
0xc2: {  	s26 =	sand.u32 $0x1E0, s25  }
0xc3: {  	v0 =	vld [tilespmem:s26+$0x0];
	_ =	sdelay $0x4  }
0xc4: {  	v0 =	vshrl.u32 v0, $0x3  }
0xc5: {  	v0 =	vshll.u32 v0, $0x7  }
0xc6: {  	(v2sf) =	vpush v0, $0x0;
	_ =	sdelay $0x3  }
0xc7: {  	(v2sf) =	vpush v0, $0x1;
	_ =	sdelay $0x3  }
0xc8: {  	(v2sf) =	vpush v0, $0x2;
	_ =	sdelay $0x3  }
0xc9: {  	(v2sf) =	vpush v0, $0x3;
	_ =	sdelay $0x2  }
0xca: {  	s28 =	spop (v2sf)  }
0xcb: {  	(v2sf) =	vpush v0, $0x4;
	s28 =	sand.u32 $0x1FFFFF80, s28  }
0xcc: {  	s28 =	sadd.s32 s5, s28  }
0xcd: {  	[tilespmem:s12], [sflag:$0x1] =	stream.linear.gather [hbm4b:s28+s3], $0x400, $0x38;
	[tilespmem:$0x1C400] =	vst v63  }
0xce: {  	s28 =	spop (v2sf)  }
0xcf: {  	(v2sf) =	vpush v0, $0x5;
	s28 =	sand.u32 $0x1FFFFF80, s28  }
0xd0: {  	s29 =	simm.s32 $0x3800;
	s28 =	sadd.s32 s5, s28  }
0xd1: {  	[tilespmem:s29], [sflag:$0x1] =	stream.linear.gather [hbm4b:s28+s3], $0x400, $0x38;
	[tilespmem:$0x1C400] =	vst v63  }
0xd2: {  	s28 =	spop (v2sf)  }
0xd3: {  	(v2sf) =	vpush v0, $0x6;
	s28 =	sand.u32 $0x1FFFFF80, s28  }
0xd4: {  	s29 =	simm.s32 $0x3C00;
	s28 =	sadd.s32 s5, s28  }
0xd5: {  	[tilespmem:s29], [sflag:$0x1] =	stream.linear.gather [hbm4b:s28+s3], $0x400, $0x38;
	[tilespmem:$0x1C400] =	vst v63  }
0xd6: {  	s28 =	spop (v2sf)  }
0xd7: {  	(v2sf) =	vpush v0, $0x7;
	s28 =	sand.u32 $0x1FFFFF80, s28  }
0xd8: {  	s29 =	simm.s32 $0x4000;
	s28 =	sadd.s32 s5, s28  }
0xd9: {  	[tilespmem:s29], [sflag:$0x1] =	stream.linear.gather [hbm4b:s28+s3], $0x400, $0x38;
	[tilespmem:$0x1C400] =	vst v63  }
0xda: {  	s28 =	spop (v2sf)  }
0xdb: {  	(v2sf) =	vpush v0, $0x8;
	s28 =	sand.u32 $0x1FFFFF80, s28  }
0xdc: {  	s29 =	simm.s32 $0x4400;
	s28 =	sadd.s32 s5, s28  }
0xdd: {  	[tilespmem:s29], [sflag:$0x1] =	stream.linear.gather [hbm4b:s28+s3], $0x400, $0x38;
	[tilespmem:$0x1C400] =	vst v63  }
0xde: {  	s28 =	spop (v2sf)  }
0xdf: {  	(v2sf) =	vpush v0, $0x9;
	s28 =	sand.u32 $0x1FFFFF80, s28  }
0xe0: {  	s29 =	simm.s32 $0x4800;
	s28 =	sadd.s32 s5, s28  }
0xe1: {  	[tilespmem:s29], [sflag:$0x1] =	stream.linear.gather [hbm4b:s28+s3], $0x400, $0x38;
	[tilespmem:$0x1C400] =	vst v63  }
0xe2: {  	s28 =	spop (v2sf)  }
0xe3: {  	(v2sf) =	vpush v0, $0xA;
	s28 =	sand.u32 $0x1FFFFF80, s28  }
0xe4: {  	s29 =	simm.s32 $0x4C00;
	s28 =	sadd.s32 s5, s28  }
0xe5: {  	[tilespmem:s29], [sflag:$0x1] =	stream.linear.gather [hbm4b:s28+s3], $0x400, $0x38;
	[tilespmem:$0x1C400] =	vst v63  }
0xe6: {  	s28 =	spop (v2sf)  }
0xe7: {  	(v2sf) =	vpush v0, $0xB;
	s28 =	sand.u32 $0x1FFFFF80, s28  }
0xe8: {  	s29 =	simm.s32 $0x5000;
	s28 =	sadd.s32 s5, s28  }
0xe9: {  	[tilespmem:s29], [sflag:$0x1] =	stream.linear.gather [hbm4b:s28+s3], $0x400, $0x38;
	[tilespmem:$0x1C400] =	vst v63  }
0xea: {  	s28 =	spop (v2sf)  }
0xeb: {  	(v2sf) =	vpush v0, $0xC;
	s28 =	sand.u32 $0x1FFFFF80, s28  }
0xec: {  	s29 =	simm.s32 $0x5400;
	s28 =	sadd.s32 s5, s28  }
0xed: {  	[tilespmem:s29], [sflag:$0x1] =	stream.linear.gather [hbm4b:s28+s3], $0x400, $0x38;
	[tilespmem:$0x1C400] =	vst v63  }
0xee: {  	s28 =	spop (v2sf)  }
0xef: {  	(v2sf) =	vpush v0, $0xD;
	s28 =	sand.u32 $0x1FFFFF80, s28  }
0xf0: {  	s29 =	simm.s32 $0x5800;
	s28 =	sadd.s32 s5, s28  }
0xf1: {  	[tilespmem:s29], [sflag:$0x1] =	stream.linear.gather [hbm4b:s28+s3], $0x400, $0x38;
	[tilespmem:$0x1C400] =	vst v63  }
0xf2: {  	s28 =	spop (v2sf)  }
0xf3: {  	(v2sf) =	vpush v0, $0xE;
	s28 =	sand.u32 $0x1FFFFF80, s28  }
0xf4: {  	s29 =	simm.s32 $0x5C00;
	s28 =	sadd.s32 s5, s28  }
0xf5: {  	[tilespmem:s29], [sflag:$0x1] =	stream.linear.gather [hbm4b:s28+s3], $0x400, $0x38;
	[tilespmem:$0x1C400] =	vst v63  }
0xf6: {  	s28 =	spop (v2sf)  }
0xf7: {  	(v2sf) =	vpush v0, $0xF;
	s28 =	sand.u32 $0x1FFFFF80, s28  }
0xf8: {  	s29 =	simm.s32 $0x6000;
	s28 =	sadd.s32 s5, s28  }
0xf9: {  	[tilespmem:s29], [sflag:$0x1] =	stream.linear.gather [hbm4b:s28+s3], $0x400, $0x38;
	[tilespmem:$0x1C400] =	vst v63  }
0xfa: {  	s28 =	spop (v2sf)  }
0xfb: {  	s28 =	sand.u32 $0x1FFFFF80, s28  }
0xfc: {  	s29 =	simm.s32 $0x6400;
	s28 =	sadd.s32 s5, s28  }
0xfd: {  	[tilespmem:s29], [sflag:$0x1] =	stream.linear.gather [hbm4b:s28+s3], $0x400, $0x38;
	[tilespmem:$0x1C400] =	vst v63  }
0xfe: {  	s28 =	spop (v2sf)  }
0xff: {  	s28 =	sand.u32 $0x1FFFFF80, s28  }
0x100: {  	s29 =	simm.s32 $0x6800;
	s28 =	sadd.s32 s5, s28  }
0x101: {  	[tilespmem:s29], [sflag:$0x1] =	stream.linear.gather [hbm4b:s28+s3], $0x400, $0x38;
	[tilespmem:$0x1C400] =	vst v63  }
0x102: {  	s28 =	spop (v2sf)  }
0x103: {  	s28 =	sand.u32 $0x1FFFFF80, s28  }
0x104: {  	s29 =	simm.s32 $0x6C00;
	s28 =	sadd.s32 s5, s28  }
0x105: {  	[tilespmem:s29], [sflag:$0x1] =	stream.linear.gather [hbm4b:s28+s3], $0x400, $0x38;
	[tilespmem:$0x1C400] =	vst v63  }
0x106: {  	s28 =	spop (v2sf)  }
0x107: {  	s28 =	sand.u32 $0x1FFFFF80, s28  }
0x108: {  	s29 =	simm.s32 $0x7000;
	s28 =	sadd.s32 s5, s28  }
0x109: {  	[tilespmem:s29], [sflag:$0x1] =	stream.linear.gather [hbm4b:s28+s3], $0x400, $0x38;
	[tilespmem:$0x1C400] =	vst v63  }
0x10a: {  	v0 =	vld [tilespmem:s26+$0x10];
	_ =	sdelay $0x4  }
0x10b: {  	v0 =	vshrl.u32 v0, $0x3  }
0x10c: {  	v0 =	vshll.u32 v0, $0x7  }
0x10d: {  	(v2sf) =	vpush v0, $0x0;
	_ =	sdelay $0x1  }
0x10e: {  	(v2sf) =	vpush v0, $0x1;
	_ =	sdelay $0x2  }
0x10f: {  	(v2sf) =	vpush v0, $0x2;
	_ =	sdelay $0x1  }
0x110: {  	(v2sf) =	vpush v0, $0x3;
	_ =	sdelay $0x2  }
0x111: {  	(v2sf) =	vpush v0, $0x4;
	_ =	sdelay $0x4  }
0x112: {  	s29 =	spop (v2sf);
	(v2sf) =	vpush v0, $0x5  }
0x113: {  	s26 =	sand.u32 $0x1FFFFF80, s29  }
0x114: {  	s28 =	simm.s32 $0x7400;
	s29 =	spop (v2sf);
	s26 =	sadd.s32 s5, s26  }
0x115: {  	[tilespmem:s28], [sflag:$0x1] =	stream.linear.gather [hbm4b:s26+s3], $0x400, $0x38;
	[tilespmem:$0x1C400] =	vst v63  }
0x116: {  	s26 =	sand.u32 $0x1FFFFF80, s29  }
0x117: {  	s28 =	simm.s32 $0x7800;
	s29 =	spop (v2sf);
	(v2sf) =	vpush v0, $0x6;
	s26 =	sadd.s32 s5, s26  }
0x118: {  	[tilespmem:s28], [sflag:$0x1] =	stream.linear.gather [hbm4b:s26+s3], $0x400, $0x38;
	[tilespmem:$0x1C400] =	vst v63  }
0x119: {  	s26 =	sand.u32 $0x1FFFFF80, s29;
	s29 =	spop (v2sf);
	(v2sf) =	vpush v0, $0x7  }
0x11a: {  	s28 =	simm.s32 $0x7C00;
	s26 =	sadd.s32 s5, s26  }
0x11b: {  	[tilespmem:s28], [sflag:$0x1] =	stream.linear.gather [hbm4b:s26+s3], $0x400, $0x38;
	[tilespmem:$0x1C400] =	vst v63  }
0x11c: {  	s26 =	sand.u32 $0x1FFFFF80, s29;
	s29 =	spop (v2sf);
	(v2sf) =	vpush v0, $0x8;
	_ =	sdelay $0x1  }
0x11d: {  	s28 =	simm.s32 $0x8000;
	s26 =	sadd.s32 s5, s26  }
0x11e: {  	[tilespmem:s28], [sflag:$0x1] =	stream.linear.gather [hbm4b:s26+s3], $0x400, $0x38;
	[tilespmem:$0x1C400] =	vst v63  }
0x11f: {  	s26 =	sand.u32 $0x1FFFFF80, s29  }
0x120: {  	s28 =	simm.s32 $0x8400;
	s26 =	sadd.s32 s5, s26;
	s29 =	spop (v2sf);
	(v2sf) =	vpush v0, $0x9  }
0x121: {  	[tilespmem:s28], [sflag:$0x1] =	stream.linear.gather [hbm4b:s26+s3], $0x400, $0x38;
	[tilespmem:$0x1C400] =	vst v63  }
0x122: {  	s26 =	sand.u32 $0x1FFFFF80, s29;
	(v2sf) =	vpush v0, $0xA  }
0x123: {  	s28 =	simm.s32 $0x8800;
	s26 =	sadd.s32 s5, s26  }
0x124: {  	[tilespmem:s28], [sflag:$0x1] =	stream.linear.gather [hbm4b:s26+s3], $0x400, $0x38;
	[tilespmem:$0x1C400] =	vst v63  }
0x125: {  	s29 =	spop (v2sf);
	(v2sf) =	vpush v0, $0xB  }
0x126: {  	s26 =	sand.u32 $0x1FFFFF80, s29  }
0x127: {  	s28 =	simm.s32 $0x8C00;
	s26 =	sadd.s32 s5, s26;
	s29 =	spop (v2sf)  }
0x128: {  	(v2sf) =	vpush v0, $0xC;
	[tilespmem:s28], [sflag:$0x1] =	stream.linear.gather [hbm4b:s26+s3], $0x400, $0x38;
	[tilespmem:$0x1C400] =	vst v63  }
0x129: {  	s26 =	sand.u32 $0x1FFFFF80, s29  }
0x12a: {  	s28 =	simm.s32 $0x9000;
	s26 =	sadd.s32 s5, s26;
	s29 =	spop (v2sf)  }
0x12b: {  	(v2sf) =	vpush v0, $0xD;
	[tilespmem:s28], [sflag:$0x1] =	stream.linear.gather [hbm4b:s26+s3], $0x400, $0x38;
	[tilespmem:$0x1C400] =	vst v63  }
0x12c: {  	s26 =	sand.u32 $0x1FFFFF80, s29  }
0x12d: {  	s28 =	simm.s32 $0x9400;
	s26 =	sadd.s32 s5, s26  }
0x12e: {  	[tilespmem:s28], [sflag:$0x1] =	stream.linear.gather [hbm4b:s26+s3], $0x400, $0x38;
	[tilespmem:$0x1C400] =	vst v63  }
0x12f: {  	s29 =	spop (v2sf)  }
0x130: {  	(v2sf) =	vpush v0, $0xE;
	s26 =	sand.u32 $0x1FFFFF80, s29  }
0x131: {  	s28 =	simm.s32 $0x9800;
	s29 =	spop (v2sf);
	s26 =	sadd.s32 s5, s26  }
0x132: {  	(v2sf) =	vpush v0, $0xF;
	[tilespmem:s28], [sflag:$0x1] =	stream.linear.gather [hbm4b:s26+s3], $0x400, $0x38;
	[tilespmem:$0x1C400] =	vst v63  }
0x133: {  	s26 =	sand.u32 $0x1FFFFF80, s29  }
0x134: {  	s28 =	spop (v2sf);
	s29 =	simm.s32 $0x9C00;
	s26 =	sadd.s32 s5, s26  }
0x135: {  	[tilespmem:s29], [sflag:$0x1] =	stream.linear.gather [hbm4b:s26+s3], $0x400, $0x38;
	[tilespmem:$0x1C400] =	vst v63  }
0x136: {  	s29 =	sand.u32 $0x1FFFFF80, s28  }
0x137: {  	s28 =	spop (v2sf);
	s26 =	sadd.s32 s5, s29;
	s29 =	simm.s32 $0xA000  }
0x138: {  	[tilespmem:s29], [sflag:$0x1] =	stream.linear.gather [hbm4b:s26+s3], $0x400, $0x38;
	[tilespmem:$0x1C400] =	vst v63  }
0x139: {  	s29 =	sand.u32 $0x1FFFFF80, s28  }
0x13a: {  	s28 =	spop (v2sf);
	s26 =	sadd.s32 s5, s29;
	s29 =	simm.s32 $0xA400  }
0x13b: {  	[tilespmem:s29], [sflag:$0x1] =	stream.linear.gather [hbm4b:s26+s3], $0x400, $0x38;
	[tilespmem:$0x1C400] =	vst v63  }
0x13c: {  	s29 =	sand.u32 $0x1FFFFF80, s28  }
0x13d: {  	s26 =	sadd.s32 s5, s29;
	s29 =	simm.s32 $0xA800  }
0x13e: {  	[tilespmem:s29], [sflag:$0x1] =	stream.linear.gather [hbm4b:s26+s3], $0x400, $0x38;
	[tilespmem:$0x1C400] =	vst v63  }
0x13f: {  	s28 =	spop (v2sf)  }
0x140: {  	s29 =	sand.u32 $0x1FFFFF80, s28  }
0x141: {  	s28 =	simm.s32 $0xAC00;
	s26 =	sadd.s32 s5, s29;
	s29 =	spop (v2sf)  }
0x142: {  	[tilespmem:s28], [sflag:$0x1] =	stream.linear.gather [hbm4b:s26+s3], $0x400, $0x38;
	[tilespmem:$0x1C400] =	vst v63  }
0x143: {  	s26 =	sand.u32 $0x1FFFFF80, s29;
	s28 =	rddreg [dreg:$0x3]  }
0x144: {  	s29 =	simm.s32 $0xB000;
	s28 =	sor.u32 s28, s25;
	s26 =	sadd.s32 s5, s26  }
0x145: {  	[tilespmem:s29], [sflag:$0x1] =	stream.linear.gather [hbm4b:s26+s3], $0x400, $0x38;
	[tilespmem:$0x1C400] =	vst v63  }
0x146: {  	[dreg:$0xb] =	wrdreg s28  }
0x147: {  	s26 =	sshll.u32 s28, $0x4;
	s29 =	rddreg [dreg:$0x0]  }
0x148: {  	s25 =	sadd.s32 s29, s26;
	s26 =	simm.s32 $0x13400;
	s29 =	simm.s32 $0x4  }
0x149: {  	[tilespmem:s26], [sflag:$0x4] =	stream.linear.gather [hbm4b:s25+s3], $0x1000, $0x38;
	[tilespmem:$0x1C400] =	vst v63  }
0x14a: {  	_ =	swait.ge [sflag:s29], $0x1000  }
0x14b: {  	p0 =	seq.s32 s2, $0x0;
	[sflag:s29] =	ssyncset.done $0x0  }
0x14c: {  	s25 =	simm.s32 @!p0 $0x3;
	[dreg:$0xa] =	wrdreg s2;
	[sflag:s29] =	ssyncadd.s32 $0xFFFFF000  }
0x14d: {  	_ =	swait.ge @!p0 [sflag:s25], $0x8000  }
0x14e: {  	[sflag:s25] =	ssyncset.done @!p0 $0x0  }
0x14f: {  	[sflag:s25] =	ssyncadd.s32 @!p0 $0xFFFF8000  }
0x150: {  	v0 =	vld.idx.msk [tilespmem:v34+s26+$0x0], $0xffff;
	_ =	sdelay $0x4  }
0x151: {  	[tilespmem:v1+s16+$0x0] =	vst.idx.msk $0xffff, v0;
	v0 =	vld [tilespmem:$0x1FE00];
	_ =	sdelay $0x4  }
0x152: {  	v2 =	vld [tilespmem:$0x1FE10];
	_ =	sdelay $0x2  }
0x153: {  	v0 =	vld.idx.msk [tilespmem:v0+s26+$0x0], $0xffff;
	_ =	sdelay $0x4  }
0x154: {  	[tilespmem:v2+s16+$0x0] =	vst.idx.msk $0xffff, v0;
	v0 =	vld [tilespmem:$0x1FE20];
	_ =	sdelay $0x4  }
0x155: {  	v2 =	vld [tilespmem:$0x1FE30];
	_ =	sdelay $0x2  }
0x156: {  	v0 =	vld.idx.msk [tilespmem:v0+s26+$0x0], $0xffff;
	_ =	sdelay $0x4  }
0x157: {  	[tilespmem:v2+s16+$0x0] =	vst.idx.msk $0xffff, v0;
	v0 =	vld [tilespmem:$0x1FE40];
	_ =	sdelay $0x4  }
0x158: {  	v2 =	vld [tilespmem:$0x1FE50];
	_ =	sdelay $0x2  }
0x159: {  	v0 =	vld.idx.msk [tilespmem:v0+s26+$0x0], $0xffff;
	_ =	sdelay $0x4  }
0x15a: {  	[tilespmem:v2+s16+$0x0] =	vst.idx.msk $0xffff, v0;
	v0 =	vld [tilespmem:$0x1FE60];
	_ =	sdelay $0x4  }
0x15b: {  	v2 =	vld [tilespmem:$0x1FE70];
	_ =	sdelay $0x2  }
0x15c: {  	v0 =	vld.idx.msk [tilespmem:v0+s26+$0x0], $0xffff;
	_ =	sdelay $0x4  }
0x15d: {  	[tilespmem:v2+s16+$0x0] =	vst.idx.msk $0xffff, v0;
	v0 =	vld [tilespmem:$0x1FE80];
	_ =	sdelay $0x4  }
0x15e: {  	v2 =	vld [tilespmem:$0x1FE90];
	_ =	sdelay $0x2  }
0x15f: {  	v0 =	vld.idx.msk [tilespmem:v0+s26+$0x0], $0xffff;
	_ =	sdelay $0x4  }
0x160: {  	[tilespmem:v2+s16+$0x0] =	vst.idx.msk $0xffff, v0;
	v0 =	vld [tilespmem:$0x1FEA0];
	_ =	sdelay $0x4  }
0x161: {  	v2 =	vld [tilespmem:$0x1FEB0];
	_ =	sdelay $0x2  }
0x162: {  	v0 =	vld.idx.msk [tilespmem:v0+s26+$0x0], $0xffff;
	_ =	sdelay $0x4  }
0x163: {  	[tilespmem:v2+s16+$0x0] =	vst.idx.msk $0xffff, v0;
	v0 =	vld [tilespmem:$0x1FEC0];
	_ =	sdelay $0x4  }
0x164: {  	v2 =	vld [tilespmem:$0x1FED0];
	_ =	sdelay $0x2  }
0x165: {  	v0 =	vld.idx.msk [tilespmem:v0+s26+$0x0], $0xffff;
	_ =	sdelay $0x4  }
0x166: {  	[tilespmem:v2+s16+$0x0] =	vst.idx.msk $0xffff, v0;
	v0 =	vld [tilespmem:$0x1FEE0];
	_ =	sdelay $0x4  }
0x167: {  	v2 =	vld [tilespmem:$0x1FEF0];
	_ =	sdelay $0x2  }
0x168: {  	v0 =	vld.idx.msk [tilespmem:v0+s26+$0x0], $0xffff;
	_ =	sdelay $0x4  }
0x169: {  	[tilespmem:v2+s16+$0x0] =	vst.idx.msk $0xffff, v0;
	v0 =	vld [tilespmem:$0x1FF00];
	_ =	sdelay $0x4  }
0x16a: {  	v2 =	vld [tilespmem:$0x1FF10];
	_ =	sdelay $0x2  }
0x16b: {  	v0 =	vld.idx.msk [tilespmem:v0+s26+$0x0], $0xffff;
	_ =	sdelay $0x4  }
0x16c: {  	[tilespmem:v2+s16+$0x0] =	vst.idx.msk $0xffff, v0;
	v0 =	vld [tilespmem:$0x1FF20];
	_ =	sdelay $0x4  }
0x16d: {  	v2 =	vld [tilespmem:$0x1FF30];
	_ =	sdelay $0x2  }
0x16e: {  	v0 =	vld.idx.msk [tilespmem:v0+s26+$0x0], $0xffff;
	_ =	sdelay $0x4  }
0x16f: {  	[tilespmem:v2+s16+$0x0] =	vst.idx.msk $0xffff, v0;
	v0 =	vld [tilespmem:$0x1FF40];
	_ =	sdelay $0x4  }
0x170: {  	v2 =	vld [tilespmem:$0x1FF50];
	_ =	sdelay $0x2  }
0x171: {  	v0 =	vld.idx.msk [tilespmem:v0+s26+$0x0], $0xffff;
	_ =	sdelay $0x4  }
0x172: {  	[tilespmem:v2+s16+$0x0] =	vst.idx.msk $0xffff, v0;
	v0 =	vld [tilespmem:$0x1FF60];
	_ =	sdelay $0x4  }
0x173: {  	v2 =	vld [tilespmem:$0x1FF70];
	_ =	sdelay $0x2  }
0x174: {  	v0 =	vld.idx.msk [tilespmem:v0+s26+$0x0], $0xffff;
	_ =	sdelay $0x4  }
0x175: {  	[tilespmem:v2+s16+$0x0] =	vst.idx.msk $0xffff, v0;
	v0 =	vld [tilespmem:$0x1FF80];
	_ =	sdelay $0x7  }
0x176: {  	v0 =	vld.idx.msk [tilespmem:v0+s26+$0x0], $0xffff;
	_ =	sdelay $0x4  }
0x177: {  	[tilespmem:v27+s16+$0x0] =	vst.idx.msk $0xffff, v0;
	v0 =	vld [tilespmem:$0x1FF90];
	_ =	sdelay $0x4  }
0x178: {  	v2 =	vld [tilespmem:$0x1FFA0];
	_ =	sdelay $0x2  }
0x179: {  	v0 =	vld.idx.msk [tilespmem:v0+s26+$0x0], $0xffff;
	_ =	sdelay $0x4  }
0x17a: {  	[tilespmem:v2+s16+$0x0] =	vst.idx.msk $0xffff, v0;
	v0 =	vld [tilespmem:$0x1FFB0];
	_ =	sdelay $0x4  }
0x17b: {  	v2 =	vld [tilespmem:$0x1FFC0];
	_ =	sdelay $0x2  }
0x17c: {  	v0 =	vld.idx.msk [tilespmem:v0+s26+$0x0], $0xffff;
	_ =	sdelay $0x4  }
0x17d: {  	[tilespmem:v2+s16+$0x0] =	vst.idx.msk $0xffff, v0;
	v0 =	vld [tilespmem:$0x1FFD0];
	_ =	sdelay $0x4  }
0x17e: {  	v2 =	vld [tilespmem:$0x1FFE0];
	_ =	sdelay $0x2  }
0x17f: {  	v0 =	vld.idx.msk [tilespmem:v0+s26+$0x0], $0xffff;
	_ =	sdelay $0x4  }
0x180: {  	[tilespmem:v2+s16+$0x0] =	vst.idx.msk $0xffff, v0;
	v0 =	vld [tilespmem:$0x1FFF0];
	_ =	sdelay $0x7  }
0x181: {  	v0 =	vld.idx.msk [tilespmem:v0+s26+$0x0], $0xffff;
	_ =	sdelay $0x4  }
0x182: {  	[tilespmem:v35+s16+$0x0] =	vst.idx.msk $0xffff, v0  }
0x183: {  	v0 =	vld.idx.msk [tilespmem:v36+s26+$0x0], $0xffff;
	_ =	sdelay $0x4  }
0x184: {  	[tilespmem:v37+s16+$0x0] =	vst.idx.msk $0xffff, v0  }
0x185: {  	v0 =	vld.idx.msk [tilespmem:v38+s26+$0x0], $0xffff;
	_ =	sdelay $0x4  }
0x186: {  	[tilespmem:v39+s16+$0x0] =	vst.idx.msk $0xffff, v0  }
0x187: {  	v0 =	vld.idx.msk [tilespmem:v40+s26+$0x0], $0xffff;
	_ =	sdelay $0x4  }
0x188: {  	[tilespmem:v41+s16+$0x0] =	vst.idx.msk $0xffff, v0  }
0x189: {  	v0 =	vld.idx.msk [tilespmem:v42+s26+$0x0], $0xffff;
	_ =	sdelay $0x4  }
0x18a: {  	[tilespmem:v43+s16+$0x0] =	vst.idx.msk $0xffff, v0  }
0x18b: {  	v0 =	vld.idx.msk [tilespmem:v44+s26+$0x0], $0xffff;
	_ =	sdelay $0x4  }
0x18c: {  	[tilespmem:v45+s16+$0x0] =	vst.idx.msk $0xffff, v0  }
0x18d: {  	v0 =	vld.idx.msk [tilespmem:v46+s26+$0x0], $0xffff;
	_ =	sdelay $0x4  }
0x18e: {  	[tilespmem:v47+s16+$0x0] =	vst.idx.msk $0xffff, v0  }
0x18f: {  	v0 =	vld.idx.msk [tilespmem:v49+s26+$0x0], $0xffff;
	_ =	sdelay $0x4  }
0x190: {  	[tilespmem:v50+s16+$0x0] =	vst.idx.msk $0xffff, v0  }
0x191: {  	s29 =	sshll.u32 s1, $0x2;
	v0 =	vld.idx.msk [tilespmem:v51+s26+$0x0], $0xffff  }
.Ltmp4:
0x192: {  	[dreg:$0x8] =	wrdreg s31;
	s31 =	sand.u32 $0x3, s31;
	(pc) =	sbr.rel .LBB2_3-.Ltmp4, $4  }
0x193: {  	s25 =	sand.u32 $0xFFFFFE00, s29;
	s26 =	sshll.u32 s31, $0x7  }
0x194: {  	s28 =	simm.s32 $0x31;
	s25 =	sor.u32 s26, s25  }
0x195: {  	s2 =	simm.s32 $0xF000;
	[dreg:$0x9] =	wrdreg s1;
	s25 =	sshrl.u32 s25, $0x2  }
0x196: {  	s1 =	simm.s32 $0xEC00;
	s26 =	simm.s32 $0x186A000;
	s25 =	sadd.s32 $0x210, s25;
	[tilespmem:v52+s16+$0x0] =	vst.idx.msk $0xffff, v0  }
.LBB2_5:
0x197: {  	_ =	swait.ge [sflag:s24], $0x4000  }
0x198: {  	[sflag:s24] =	ssyncset.done $0x0  }
0x199: {  	[sflag:s24] =	ssyncadd.s32 $0xFFFFC000  }
0x19a: {  	v0 =	vld [tilespmem:s25+$0xFFFFFFF0];
	_ =	sdelay $0x4  }
0x19b: {  	v0 =	vand.u32 $0x7, v0  }
0x19c: {  	v0 =	vshll.u32 v0, $0x7  }
0x19d: {  	v61 =	vor.u32 v48, v0  }
0x19e: {  	v60 =	vmov s28  }
0x19f: {  	v0 =	vshll.u32 v60, $0x3  }
0x1a0: {  	v55 =	vand.u32 $0x7FFFFC00, v0  }
0x1a1: {  	v54 =	vand.u32 $0x79, v60;
	v0 =	vadd.s32 v1, v55  }
0x1a2: {  	v3 =	vor.u32 v54, v0;
	v2 =	vld.idx.msk [tilespmem:v61+s17+$0x0], $0xffff  }
0x1a3: {  	v4 =	vor.u32 $0x1, v61  }
0x1a4: {  	v5 =	vadd.s32 $0x1, v60  }
0x1a5: {  	v6 =	vshll.u32 v5, $0x3  }
0x1a6: {  	v5 =	vand.u32 $0x7A, v5;
	v6 =	vand.u32 $0xFFFFFC00, v6  }
0x1a7: {  	v56 =	vor.u32 v5, v6;
	[tilespmem:v3+s16+$0x0] =	vst.idx.msk $0xffff, v2  }
0x1a8: {  	v3 =	vadd.s32 v1, v56;
	v2 =	vld.idx.msk [tilespmem:v4+s17+$0x0], $0xffff  }
0x1a9: {  	v32 =	vor.u32 $0x2, v61;
	_ =	sdelay $0x3  }
0x1aa: {  	v57 =	vor.u32 $0x2, v54;
	[tilespmem:v3+s16+$0x0] =	vst.idx.msk $0xffff, v2  }
0x1ab: {  	v3 =	vor.u32 v57, v0;
	v2 =	vld.idx.msk [tilespmem:v32+s17+$0x0], $0xffff  }
0x1ac: {  	v33 =	vor.u32 $0x3, v61  }
0x1ad: {  	v62 =	vadd.s32 $0x3, v60  }
0x1ae: {  	v63 =	vshll.u32 v62, $0x3  }
0x1af: {  	v5 =	vand.u32 $0x7C, v62;
	v6 =	vand.u32 $0xFFFFFC00, v63  }
0x1b0: {  	v58 =	vor.u32 v5, v6;
	[tilespmem:v3+s16+$0x0] =	vst.idx.msk $0xffff, v2  }
0x1b1: {  	v3 =	vadd.s32 v1, v58;
	v2 =	vld.idx.msk [tilespmem:v33+s17+$0x0], $0xffff  }
0x1b2: {  	v9 =	vor.u32 $0x4, v61;
	_ =	sdelay $0x3  }
0x1b3: {  	v59 =	vor.u32 $0x4, v54;
	[tilespmem:v3+s16+$0x0] =	vst.idx.msk $0xffff, v2  }
0x1b4: {  	v3 =	vor.u32 v59, v0;
	v2 =	vld.idx.msk [tilespmem:v9+s17+$0x0], $0xffff  }
0x1b5: {  	v10 =	vor.u32 $0x5, v61  }
0x1b6: {  	v11 =	vadd.s32 $0x5, v60  }
0x1b7: {  	v12 =	vshll.u32 v11, $0x3  }
0x1b8: {  	v5 =	vand.u32 $0x7E, v11;
	v6 =	vand.u32 $0xFFFFFC00, v12  }
0x1b9: {  	v62 =	vor.u32 v5, v6;
	[tilespmem:v3+s16+$0x0] =	vst.idx.msk $0xffff, v2  }
0x1ba: {  	v3 =	vadd.s32 v1, v62;
	v2 =	vld.idx.msk [tilespmem:v10+s17+$0x0], $0xffff  }
0x1bb: {  	v13 =	vor.u32 $0x6, v61;
	_ =	sdelay $0x3  }
0x1bc: {  	v63 =	vor.u32 $0x6, v54;
	[tilespmem:v3+s16+$0x0] =	vst.idx.msk $0xffff, v2  }
0x1bd: {  	v0 =	vor.u32 v63, v0;
	v2 =	vld.idx.msk [tilespmem:v13+s17+$0x0], $0xffff  }
0x1be: {  	v3 =	vor.u32 $0x7, v61  }
0x1bf: {  	v14 =	vadd.s32 $0x7, v60  }
0x1c0: {  	v15 =	vshll.u32 v14, $0x3  }
0x1c1: {  	v5 =	vand.u32 $0xFFFFFC00, v15;
	v4 =	vand.u32 $0x78, v14  }
0x1c2: {  	[tilespmem:v0+s16+$0x0] =	vst.idx.msk $0xffff, v2;
	v2 =	vor.u32 v4, v5  }
0x1c3: {  	v0 =	vld.idx.msk [tilespmem:v3+s17+$0x0], $0xffff;
	v3 =	vadd.s32 v1, v2  }
0x1c4: {  	v16 =	vor.u32 $0x8, v61  }
0x1c5: {  	v17 =	vadd.s32 $0x8, v60  }
0x1c6: {  	v18 =	vshll.u32 v17, $0x3  }
0x1c7: {  	v6 =	vand.u32 $0xFFFFFC00, v18;
	v5 =	vand.u32 $0x79, v17  }
0x1c8: {  	[tilespmem:v3+s16+$0x0] =	vst.idx.msk $0xffff, v0;
	v0 =	vor.u32 v5, v6  }
0x1c9: {  	v3 =	vld.idx.msk [tilespmem:v16+s17+$0x0], $0xffff;
	v19 =	vadd.s32 v1, v0  }
0x1ca: {  	v20 =	vor.u32 $0x9, v61  }
0x1cb: {  	v21 =	vadd.s32 $0x9, v60  }
0x1cc: {  	v7 =	vshll.u32 v21, $0x3  }
0x1cd: {  	v7 =	vand.u32 $0xFFFFFC00, v7;
	v6 =	vand.u32 $0x7A, v21  }
0x1ce: {  	[tilespmem:v19+s16+$0x0] =	vst.idx.msk $0xffff, v3;
	v3 =	vor.u32 v6, v7  }
0x1cf: {  	v4 =	vld.idx.msk [tilespmem:v20+s17+$0x0], $0xffff;
	v22 =	vadd.s32 v1, v3  }
0x1d0: {  	v23 =	vor.u32 $0xA, v61  }
0x1d1: {  	v30 =	vadd.s32 $0xA, v60  }
0x1d2: {  	v8 =	vshll.u32 v30, $0x3  }
0x1d3: {  	v8 =	vand.u32 $0xFFFFFC00, v8;
	v7 =	vand.u32 $0x7B, v30  }
0x1d4: {  	[tilespmem:v22+s16+$0x0] =	vst.idx.msk $0xffff, v4;
	v4 =	vor.u32 v7, v8  }
0x1d5: {  	v5 =	vld.idx.msk [tilespmem:v23+s17+$0x0], $0xffff;
	v31 =	vadd.s32 v1, v4  }
0x1d6: {  	v32 =	vor.u32 $0xB, v61  }
0x1d7: {  	v33 =	vadd.s32 $0xB, v60  }
0x1d8: {  	v9 =	vshll.u32 v33, $0x3  }
0x1d9: {  	v9 =	vand.u32 $0xFFFFFC00, v9;
	v8 =	vand.u32 $0x7C, v33  }
0x1da: {  	[tilespmem:v31+s16+$0x0] =	vst.idx.msk $0xffff, v5;
	v5 =	vor.u32 v8, v9  }
0x1db: {  	v6 =	vld.idx.msk [tilespmem:v32+s17+$0x0], $0xffff;
	v12 =	vadd.s32 v1, v5  }
0x1dc: {  	v13 =	vor.u32 $0xC, v61  }
0x1dd: {  	v14 =	vadd.s32 $0xC, v60  }
0x1de: {  	v10 =	vshll.u32 v14, $0x3  }
0x1df: {  	v10 =	vand.u32 $0xFFFFFC00, v10;
	v9 =	vand.u32 $0x7D, v14  }
0x1e0: {  	[tilespmem:v12+s16+$0x0] =	vst.idx.msk $0xffff, v6;
	v6 =	vor.u32 v9, v10  }
0x1e1: {  	v7 =	vld.idx.msk [tilespmem:v13+s17+$0x0], $0xffff;
	v15 =	vadd.s32 v1, v6  }
0x1e2: {  	v16 =	vor.u32 $0xD, v61  }
0x1e3: {  	v17 =	vadd.s32 $0xD, v60  }
0x1e4: {  	v11 =	vshll.u32 v17, $0x3  }
0x1e5: {  	v11 =	vand.u32 $0xFFFFFC00, v11;
	v10 =	vand.u32 $0x7E, v17  }
0x1e6: {  	[tilespmem:v15+s16+$0x0] =	vst.idx.msk $0xffff, v7;
	v7 =	vor.u32 v10, v11  }
0x1e7: {  	v8 =	vld.idx.msk [tilespmem:v16+s17+$0x0], $0xffff;
	v18 =	vadd.s32 v1, v7  }
0x1e8: {  	v19 =	vor.u32 $0xE, v61  }
0x1e9: {  	v20 =	vadd.s32 $0xE, v60  }
0x1ea: {  	v12 =	vshll.u32 v20, $0x3  }
0x1eb: {  	v12 =	vand.u32 $0xFFFFFC00, v12;
	v11 =	vand.u32 $0x7F, v20  }
0x1ec: {  	[tilespmem:v18+s16+$0x0] =	vst.idx.msk $0xffff, v8;
	v8 =	vor.u32 v11, v12  }
0x1ed: {  	v9 =	vld.idx.msk [tilespmem:v19+s17+$0x0], $0xffff;
	v21 =	vadd.s32 v1, v8  }
0x1ee: {  	v22 =	vor.u32 $0xF, v61  }
0x1ef: {  	v23 =	vadd.s32 $0xF, v60  }
0x1f0: {  	v13 =	vshll.u32 v23, $0x3  }
0x1f1: {  	v13 =	vand.u32 $0xFFFFFC00, v13;
	v12 =	vand.u32 $0x78, v23  }
0x1f2: {  	[tilespmem:v21+s16+$0x0] =	vst.idx.msk $0xffff, v9;
	v9 =	vor.u32 v12, v13  }
0x1f3: {  	v10 =	vld.idx.msk [tilespmem:v22+s17+$0x0], $0xffff;
	v30 =	vadd.s32 v1, v9  }
0x1f4: {  	v31 =	vor.u32 $0x10, v61  }
0x1f5: {  	v32 =	vadd.s32 $0x10, v60  }
0x1f6: {  	v14 =	vshll.u32 v32, $0x3  }
0x1f7: {  	v14 =	vand.u32 $0xFFFFFC00, v14;
	v13 =	vand.u32 $0x79, v32  }
0x1f8: {  	[tilespmem:v30+s16+$0x0] =	vst.idx.msk $0xffff, v10;
	v10 =	vor.u32 v13, v14  }
0x1f9: {  	v11 =	vld.idx.msk [tilespmem:v31+s17+$0x0], $0xffff;
	v33 =	vadd.s32 v1, v10  }
0x1fa: {  	v18 =	vor.u32 $0x11, v61  }
0x1fb: {  	v19 =	vadd.s32 $0x11, v60  }
0x1fc: {  	v15 =	vshll.u32 v19, $0x3  }
0x1fd: {  	v15 =	vand.u32 $0xFFFFFC00, v15;
	v14 =	vand.u32 $0x7A, v19  }
0x1fe: {  	[tilespmem:v33+s16+$0x0] =	vst.idx.msk $0xffff, v11;
	v11 =	vor.u32 v14, v15  }
0x1ff: {  	v12 =	vld.idx.msk [tilespmem:v18+s17+$0x0], $0xffff;
	v20 =	vadd.s32 v1, v11  }
0x200: {  	v21 =	vor.u32 $0x12, v61  }
0x201: {  	v22 =	vadd.s32 $0x12, v60  }
0x202: {  	v16 =	vshll.u32 v22, $0x3  }
0x203: {  	v16 =	vand.u32 $0xFFFFFC00, v16;
	v15 =	vand.u32 $0x7B, v22  }
0x204: {  	[tilespmem:v20+s16+$0x0] =	vst.idx.msk $0xffff, v12;
	v12 =	vor.u32 v15, v16  }
0x205: {  	v13 =	vld.idx.msk [tilespmem:v21+s17+$0x0], $0xffff;
	v23 =	vadd.s32 v1, v12  }
0x206: {  	v30 =	vor.u32 $0x13, v61  }
0x207: {  	v31 =	vadd.s32 $0x13, v60  }
0x208: {  	v17 =	vshll.u32 v31, $0x3  }
0x209: {  	v17 =	vand.u32 $0xFFFFFC00, v17;
	v16 =	vand.u32 $0x7C, v31  }
0x20a: {  	[tilespmem:v23+s16+$0x0] =	vst.idx.msk $0xffff, v13;
	v13 =	vor.u32 v16, v17  }
0x20b: {  	v14 =	vld.idx.msk [tilespmem:v30+s17+$0x0], $0xffff;
	v32 =	vadd.s32 v1, v13  }
0x20c: {  	v33 =	vor.u32 $0x14, v61  }
0x20d: {  	v21 =	vadd.s32 $0x14, v60  }
0x20e: {  	v18 =	vshll.u32 v21, $0x3  }
0x20f: {  	v18 =	vand.u32 $0xFFFFFC00, v18;
	v17 =	vand.u32 $0x7D, v21  }
0x210: {  	[tilespmem:v32+s16+$0x0] =	vst.idx.msk $0xffff, v14;
	v14 =	vor.u32 v17, v18  }
0x211: {  	v15 =	vld.idx.msk [tilespmem:v33+s17+$0x0], $0xffff;
	v22 =	vadd.s32 v1, v14  }
0x212: {  	v23 =	vor.u32 $0x15, v61  }
0x213: {  	v30 =	vadd.s32 $0x15, v60  }
0x214: {  	v19 =	vshll.u32 v30, $0x3  }
0x215: {  	v19 =	vand.u32 $0xFFFFFC00, v19;
	v18 =	vand.u32 $0x7E, v30  }
0x216: {  	[tilespmem:v22+s16+$0x0] =	vst.idx.msk $0xffff, v15;
	v15 =	vor.u32 v18, v19  }
0x217: {  	v16 =	vld.idx.msk [tilespmem:v23+s17+$0x0], $0xffff;
	v31 =	vadd.s32 v1, v15  }
0x218: {  	v32 =	vor.u32 $0x16, v61  }
0x219: {  	v33 =	vadd.s32 $0x16, v60  }
0x21a: {  	v20 =	vshll.u32 v33, $0x3  }
0x21b: {  	v20 =	vand.u32 $0xFFFFFC00, v20;
	v19 =	vand.u32 $0x7F, v33  }
0x21c: {  	[tilespmem:v31+s16+$0x0] =	vst.idx.msk $0xffff, v16;
	v16 =	vor.u32 v19, v20  }
0x21d: {  	v17 =	vld.idx.msk [tilespmem:v32+s17+$0x0], $0xffff;
	v30 =	vadd.s32 v1, v16  }
0x21e: {  	v31 =	vor.u32 $0x17, v61  }
0x21f: {  	v32 =	vadd.s32 $0x17, v60  }
0x220: {  	v21 =	vshll.u32 v32, $0x3  }
0x221: {  	v20 =	vand.u32 $0x78, v32;
	v21 =	vand.u32 $0xFFFFFC00, v21  }
0x222: {  	[tilespmem:v30+s16+$0x0] =	vst.idx.msk $0xffff, v17;
	v17 =	vor.u32 v20, v21  }
0x223: {  	v18 =	vld.idx.msk [tilespmem:v31+s17+$0x0], $0xffff;
	v33 =	vadd.s32 v1, v17  }
0x224: {  	v30 =	vor.u32 $0x18, v61  }
0x225: {  	v31 =	vadd.s32 $0x18, v60  }
0x226: {  	v22 =	vshll.u32 v31, $0x3  }
0x227: {  	v21 =	vand.u32 $0x79, v31;
	v22 =	vand.u32 $0xFFFFFC00, v22  }
0x228: {  	[tilespmem:v33+s16+$0x0] =	vst.idx.msk $0xffff, v18;
	v18 =	vor.u32 v21, v22  }
0x229: {  	v19 =	vld.idx.msk [tilespmem:v30+s17+$0x0], $0xffff;
	v32 =	vadd.s32 v1, v18  }
0x22a: {  	v33 =	vor.u32 $0x19, v61  }
0x22b: {  	v30 =	vadd.s32 $0x19, v60  }
0x22c: {  	v23 =	vshll.u32 v30, $0x3  }
0x22d: {  	v22 =	vand.u32 $0x7A, v30;
	v23 =	vand.u32 $0xFFFFFC00, v23  }
0x22e: {  	[tilespmem:v32+s16+$0x0] =	vst.idx.msk $0xffff, v19;
	v19 =	vor.u32 v22, v23  }
0x22f: {  	v20 =	vld.idx.msk [tilespmem:v33+s17+$0x0], $0xffff;
	v31 =	vadd.s32 v1, v19  }
0x230: {  	v32 =	vor.u32 $0x1A, v61  }
0x231: {  	v33 =	vadd.s32 $0x1A, v60  }
0x232: {  	v24 =	vshll.u32 v33, $0x3  }
0x233: {  	v23 =	vand.u32 $0x7B, v33;
	v24 =	vand.u32 $0xFFFFFC00, v24  }
0x234: {  	[tilespmem:v31+s16+$0x0] =	vst.idx.msk $0xffff, v20;
	v20 =	vor.u32 v23, v24  }
0x235: {  	v21 =	vld.idx.msk [tilespmem:v32+s17+$0x0], $0xffff;
	v30 =	vadd.s32 v1, v20  }
0x236: {  	v31 =	vor.u32 $0x1B, v61  }
0x237: {  	v24 =	vadd.s32 $0x1B, v60  }
0x238: {  	v25 =	vshll.u32 v24, $0x3  }
0x239: {  	v24 =	vand.u32 $0x7C, v24;
	v25 =	vand.u32 $0xFFFFFC00, v25  }
0x23a: {  	[tilespmem:v30+s16+$0x0] =	vst.idx.msk $0xffff, v21;
	v21 =	vor.u32 v24, v25  }
0x23b: {  	v22 =	vld.idx.msk [tilespmem:v31+s17+$0x0], $0xffff;
	v32 =	vadd.s32 v1, v21  }
0x23c: {  	v24 =	vor.u32 $0x1C, v61  }
0x23d: {  	v25 =	vadd.s32 $0x1C, v60  }
0x23e: {  	v26 =	vshll.u32 v25, $0x3  }
0x23f: {  	v25 =	vand.u32 $0x7D, v25;
	v26 =	vand.u32 $0xFFFFFC00, v26  }
0x240: {  	[tilespmem:v32+s16+$0x0] =	vst.idx.msk $0xffff, v22;
	v22 =	vor.u32 v25, v26  }
0x241: {  	v23 =	vld.idx.msk [tilespmem:v24+s17+$0x0], $0xffff;
	v24 =	vadd.s32 v1, v22  }
0x242: {  	v25 =	vor.u32 $0x1D, v61  }
0x243: {  	v26 =	vadd.s32 $0x1D, v60  }
0x244: {  	v28 =	vshll.u32 v26, $0x3  }
0x245: {  	v26 =	vand.u32 $0x7E, v26;
	v28 =	vand.u32 $0xFFFFFC00, v28  }
0x246: {  	[tilespmem:v24+s16+$0x0] =	vst.idx.msk $0xffff, v23;
	v23 =	vor.u32 v26, v28  }
0x247: {  	v24 =	vld.idx.msk [tilespmem:v25+s17+$0x0], $0xffff;
	v25 =	vadd.s32 v1, v23  }
0x248: {  	v26 =	vor.u32 $0x1E, v61  }
0x249: {  	v28 =	vadd.s32 $0x1E, v60  }
0x24a: {  	v29 =	vshll.u32 v28, $0x3  }
0x24b: {  	v28 =	vand.u32 $0x7F, v28;
	v29 =	vand.u32 $0xFFFFFC00, v29  }
0x24c: {  	[tilespmem:v25+s16+$0x0] =	vst.idx.msk $0xffff, v24;
	v24 =	vor.u32 v28, v29  }
0x24d: {  	v25 =	vld.idx.msk [tilespmem:v26+s17+$0x0], $0xffff;
	v26 =	vadd.s32 v1, v24  }
0x24e: {  	v28 =	vor.u32 $0x1F, v61  }
0x24f: {  	v29 =	vadd.s32 $0x1F, v60  }
0x250: {  	v30 =	vshll.u32 v29, $0x3  }
0x251: {  	v29 =	vand.u32 $0x78, v29;
	v30 =	vand.u32 $0xFFFFFC00, v30  }
0x252: {  	[tilespmem:v26+s16+$0x0] =	vst.idx.msk $0xffff, v25;
	v25 =	vor.u32 v29, v30  }
0x253: {  	v26 =	vld.idx.msk [tilespmem:v28+s17+$0x0], $0xffff;
	v28 =	vadd.s32 v1, v25  }
0x254: {  	v29 =	vor.u32 $0x20, v61  }
0x255: {  	v33 =	vadd.s32 $0x20, v60  }
0x256: {  	v31 =	vshll.u32 v33, $0x3  }
0x257: {  	v31 =	vand.u32 $0xFFFFFC00, v31;
	v30 =	vand.u32 $0x79, v33  }
0x258: {  	[tilespmem:v28+s16+$0x0] =	vst.idx.msk $0xffff, v26;
	v26 =	vor.u32 v30, v31  }
0x259: {  	v28 =	vld.idx.msk [tilespmem:v29+s17+$0x0], $0xffff;
	v29 =	vadd.s32 v1, v26  }
0x25a: {  	v30 =	vor.u32 $0x21, v61  }
0x25b: {  	v31 =	vadd.s32 $0x21, v60  }
0x25c: {  	v32 =	vshll.u32 v31, $0x3  }
0x25d: {  	v31 =	vand.u32 $0x7A, v31;
	v32 =	vand.u32 $0xFFFFFC00, v32  }
0x25e: {  	[tilespmem:v29+s16+$0x0] =	vst.idx.msk $0xffff, v28;
	v28 =	vor.u32 v31, v32  }
0x25f: {  	v29 =	vld.idx.msk [tilespmem:v30+s17+$0x0], $0xffff;
	v30 =	vadd.s32 v1, v28  }
0x260: {  	v31 =	vor.u32 $0x22, v61  }
0x261: {  	v32 =	vadd.s32 $0x22, v60  }
0x262: {  	v33 =	vshll.u32 v32, $0x3  }
0x263: {  	v32 =	vand.u32 $0x7B, v32;
	v33 =	vand.u32 $0xFFFFFC00, v33  }
0x264: {  	[tilespmem:v30+s16+$0x0] =	vst.idx.msk $0xffff, v29;
	v29 =	vor.u32 v32, v33  }
0x265: {  	v30 =	vld.idx.msk [tilespmem:v31+s17+$0x0], $0xffff;
	v31 =	vadd.s32 v1, v29  }
0x266: {  	v32 =	vor.u32 $0x23, v61  }
0x267: {  	v33 =	vadd.s32 $0x23, v60  }
0x268: {  	v60 =	vshll.u32 v33, $0x3  }
0x269: {  	v33 =	vand.u32 $0x7C, v33;
	v60 =	vand.u32 $0xFFFFFC00, v60  }
0x26a: {  	v60 =	vor.u32 v33, v60;
	[tilespmem:v31+s16+$0x0] =	vst.idx.msk $0xffff, v30  }
0x26b: {  	v61 =	vadd.s32 v1, v60;
	v30 =	vld.idx.msk [tilespmem:v32+s17+$0x0], $0xffff;
	_ =	sdelay $0x4  }
0x26c: {  	[tilespmem:v61+s16+$0x0] =	vst.idx.msk $0xffff, v30  }
0x26d: {  	_ =	swait.ge [sflag:s24], $0x4000  }
0x26e: {  	[sflag:s24] =	ssyncset.done $0x0  }
0x26f: {  	[sflag:s24] =	ssyncadd.s32 $0xFFFFC000  }
0x270: {  	v33 =	vld [tilespmem:s25+$0x0];
	_ =	sdelay $0x4  }
0x271: {  	v30 =	vand.u32 $0x7, v33  }
0x272: {  	v30 =	vshll.u32 v30, $0x7  }
0x273: {  	v61 =	vor.u32 v53, v30;
	_ =	sdelay $0x3  }
0x274: {  	v30 =	vadd.s32 v27, v55  }
0x275: {  	v54 =	vor.u32 v54, v30;
	v31 =	vld.idx.msk [tilespmem:v61+s17+$0x0], $0xffff  }
0x276: {  	v55 =	vor.u32 $0x1, v61;
	_ =	sdelay $0x3  }
0x277: {  	[tilespmem:v54+s16+$0x0] =	vst.idx.msk $0xffff, v31  }
0x278: {  	v54 =	vadd.s32 v27, v56;
	v31 =	vld.idx.msk [tilespmem:v55+s17+$0x0], $0xffff  }
0x279: {  	v55 =	vor.u32 $0x2, v61;
	_ =	sdelay $0x3  }
0x27a: {  	[tilespmem:v54+s16+$0x0] =	vst.idx.msk $0xffff, v31  }
0x27b: {  	v56 =	vor.u32 v57, v30;
	v31 =	vld.idx.msk [tilespmem:v55+s17+$0x0], $0xffff  }
0x27c: {  	v57 =	vor.u32 $0x3, v61;
	_ =	sdelay $0x3  }
0x27d: {  	[tilespmem:v56+s16+$0x0] =	vst.idx.msk $0xffff, v31  }
0x27e: {  	v58 =	vadd.s32 v27, v58;
	v31 =	vld.idx.msk [tilespmem:v57+s17+$0x0], $0xffff  }
0x27f: {  	v54 =	vor.u32 $0x4, v61;
	_ =	sdelay $0x3  }
0x280: {  	[tilespmem:v58+s16+$0x0] =	vst.idx.msk $0xffff, v31  }
0x281: {  	v55 =	vor.u32 v59, v30;
	v31 =	vld.idx.msk [tilespmem:v54+s17+$0x0], $0xffff  }
0x282: {  	v56 =	vor.u32 $0x5, v61;
	_ =	sdelay $0x3  }
0x283: {  	[tilespmem:v55+s16+$0x0] =	vst.idx.msk $0xffff, v31  }
0x284: {  	v57 =	vadd.s32 v27, v62;
	v31 =	vld.idx.msk [tilespmem:v56+s17+$0x0], $0xffff  }
0x285: {  	v58 =	vor.u32 $0x6, v61;
	_ =	sdelay $0x3  }
0x286: {  	[tilespmem:v57+s16+$0x0] =	vst.idx.msk $0xffff, v31  }
0x287: {  	v30 =	vor.u32 v63, v30;
	v31 =	vld.idx.msk [tilespmem:v58+s17+$0x0], $0xffff  }
0x288: {  	v59 =	vor.u32 $0x7, v61;
	_ =	sdelay $0x3  }
0x289: {  	[tilespmem:v30+s16+$0x0] =	vst.idx.msk $0xffff, v31  }
0x28a: {  	v2 =	vadd.s32 v27, v2;
	v30 =	vld.idx.msk [tilespmem:v59+s17+$0x0], $0xffff  }
0x28b: {  	v62 =	vor.u32 $0x8, v61;
	_ =	sdelay $0x3  }
0x28c: {  	[tilespmem:v2+s16+$0x0] =	vst.idx.msk $0xffff, v30  }
0x28d: {  	v0 =	vadd.s32 v27, v0;
	v2 =	vld.idx.msk [tilespmem:v62+s17+$0x0], $0xffff  }
0x28e: {  	v63 =	vor.u32 $0x9, v61;
	_ =	sdelay $0x3  }
0x28f: {  	[tilespmem:v0+s16+$0x0] =	vst.idx.msk $0xffff, v2  }
0x290: {  	v2 =	vadd.s32 v27, v3;
	v0 =	vld.idx.msk [tilespmem:v63+s17+$0x0], $0xffff  }
0x291: {  	v3 =	vor.u32 $0xA, v61;
	_ =	sdelay $0x3  }
0x292: {  	[tilespmem:v2+s16+$0x0] =	vst.idx.msk $0xffff, v0  }
0x293: {  	v2 =	vadd.s32 v27, v4;
	v0 =	vld.idx.msk [tilespmem:v3+s17+$0x0], $0xffff  }
0x294: {  	v3 =	vor.u32 $0xB, v61;
	_ =	sdelay $0x3  }
0x295: {  	[tilespmem:v2+s16+$0x0] =	vst.idx.msk $0xffff, v0  }
0x296: {  	v2 =	vadd.s32 v27, v5;
	v0 =	vld.idx.msk [tilespmem:v3+s17+$0x0], $0xffff  }
0x297: {  	v3 =	vor.u32 $0xC, v61;
	_ =	sdelay $0x3  }
0x298: {  	[tilespmem:v2+s16+$0x0] =	vst.idx.msk $0xffff, v0  }
0x299: {  	v2 =	vadd.s32 v27, v6;
	v0 =	vld.idx.msk [tilespmem:v3+s17+$0x0], $0xffff  }
0x29a: {  	v3 =	vor.u32 $0xD, v61;
	_ =	sdelay $0x3  }
0x29b: {  	[tilespmem:v2+s16+$0x0] =	vst.idx.msk $0xffff, v0  }
0x29c: {  	v2 =	vadd.s32 v27, v7;
	v0 =	vld.idx.msk [tilespmem:v3+s17+$0x0], $0xffff  }
0x29d: {  	v3 =	vor.u32 $0xE, v61;
	_ =	sdelay $0x3  }
0x29e: {  	[tilespmem:v2+s16+$0x0] =	vst.idx.msk $0xffff, v0  }
0x29f: {  	v2 =	vadd.s32 v27, v8;
	v0 =	vld.idx.msk [tilespmem:v3+s17+$0x0], $0xffff  }
0x2a0: {  	v3 =	vor.u32 $0xF, v61;
	_ =	sdelay $0x3  }
0x2a1: {  	[tilespmem:v2+s16+$0x0] =	vst.idx.msk $0xffff, v0  }
0x2a2: {  	v2 =	vadd.s32 v27, v9;
	v0 =	vld.idx.msk [tilespmem:v3+s17+$0x0], $0xffff  }
0x2a3: {  	v3 =	vor.u32 $0x10, v61;
	_ =	sdelay $0x3  }
0x2a4: {  	[tilespmem:v2+s16+$0x0] =	vst.idx.msk $0xffff, v0  }
0x2a5: {  	v2 =	vadd.s32 v27, v10;
	v0 =	vld.idx.msk [tilespmem:v3+s17+$0x0], $0xffff  }
0x2a6: {  	v3 =	vor.u32 $0x11, v61;
	_ =	sdelay $0x3  }
0x2a7: {  	[tilespmem:v2+s16+$0x0] =	vst.idx.msk $0xffff, v0  }
0x2a8: {  	v2 =	vadd.s32 v27, v11;
	v0 =	vld.idx.msk [tilespmem:v3+s17+$0x0], $0xffff  }
0x2a9: {  	v3 =	vor.u32 $0x12, v61;
	_ =	sdelay $0x3  }
0x2aa: {  	[tilespmem:v2+s16+$0x0] =	vst.idx.msk $0xffff, v0  }
0x2ab: {  	v2 =	vadd.s32 v27, v12;
	v0 =	vld.idx.msk [tilespmem:v3+s17+$0x0], $0xffff  }
0x2ac: {  	v3 =	vor.u32 $0x13, v61;
	_ =	sdelay $0x3  }
0x2ad: {  	[tilespmem:v2+s16+$0x0] =	vst.idx.msk $0xffff, v0  }
0x2ae: {  	v2 =	vadd.s32 v27, v13;
	v0 =	vld.idx.msk [tilespmem:v3+s17+$0x0], $0xffff  }
0x2af: {  	v3 =	vor.u32 $0x14, v61;
	_ =	sdelay $0x3  }
0x2b0: {  	[tilespmem:v2+s16+$0x0] =	vst.idx.msk $0xffff, v0  }
0x2b1: {  	v2 =	vadd.s32 v27, v14;
	v0 =	vld.idx.msk [tilespmem:v3+s17+$0x0], $0xffff  }
0x2b2: {  	v3 =	vor.u32 $0x15, v61;
	_ =	sdelay $0x3  }
0x2b3: {  	[tilespmem:v2+s16+$0x0] =	vst.idx.msk $0xffff, v0  }
0x2b4: {  	v2 =	vadd.s32 v27, v15;
	v0 =	vld.idx.msk [tilespmem:v3+s17+$0x0], $0xffff  }
0x2b5: {  	v3 =	vor.u32 $0x16, v61;
	_ =	sdelay $0x3  }
0x2b6: {  	[tilespmem:v2+s16+$0x0] =	vst.idx.msk $0xffff, v0  }
0x2b7: {  	v2 =	vadd.s32 v27, v16;
	v0 =	vld.idx.msk [tilespmem:v3+s17+$0x0], $0xffff  }
0x2b8: {  	v3 =	vor.u32 $0x17, v61;
	_ =	sdelay $0x3  }
0x2b9: {  	[tilespmem:v2+s16+$0x0] =	vst.idx.msk $0xffff, v0  }
0x2ba: {  	v2 =	vadd.s32 v27, v17;
	v0 =	vld.idx.msk [tilespmem:v3+s17+$0x0], $0xffff  }
0x2bb: {  	v3 =	vor.u32 $0x18, v61;
	_ =	sdelay $0x3  }
0x2bc: {  	[tilespmem:v2+s16+$0x0] =	vst.idx.msk $0xffff, v0  }
0x2bd: {  	v2 =	vadd.s32 v27, v18;
	v0 =	vld.idx.msk [tilespmem:v3+s17+$0x0], $0xffff  }
0x2be: {  	v3 =	vor.u32 $0x19, v61;
	_ =	sdelay $0x3  }
0x2bf: {  	[tilespmem:v2+s16+$0x0] =	vst.idx.msk $0xffff, v0  }
0x2c0: {  	v2 =	vadd.s32 v27, v19;
	v0 =	vld.idx.msk [tilespmem:v3+s17+$0x0], $0xffff  }
0x2c1: {  	v3 =	vor.u32 $0x1A, v61;
	_ =	sdelay $0x3  }
0x2c2: {  	[tilespmem:v2+s16+$0x0] =	vst.idx.msk $0xffff, v0  }
0x2c3: {  	v2 =	vadd.s32 v27, v20;
	v0 =	vld.idx.msk [tilespmem:v3+s17+$0x0], $0xffff  }
0x2c4: {  	v3 =	vor.u32 $0x1B, v61;
	_ =	sdelay $0x3  }
0x2c5: {  	[tilespmem:v2+s16+$0x0] =	vst.idx.msk $0xffff, v0  }
0x2c6: {  	v2 =	vadd.s32 v27, v21;
	v0 =	vld.idx.msk [tilespmem:v3+s17+$0x0], $0xffff  }
0x2c7: {  	v3 =	vor.u32 $0x1C, v61;
	_ =	sdelay $0x3  }
0x2c8: {  	[tilespmem:v2+s16+$0x0] =	vst.idx.msk $0xffff, v0  }
0x2c9: {  	v2 =	vadd.s32 v27, v22;
	v0 =	vld.idx.msk [tilespmem:v3+s17+$0x0], $0xffff  }
0x2ca: {  	v3 =	vor.u32 $0x1D, v61;
	_ =	sdelay $0x3  }
0x2cb: {  	[tilespmem:v2+s16+$0x0] =	vst.idx.msk $0xffff, v0  }
0x2cc: {  	v2 =	vadd.s32 v27, v23;
	v0 =	vld.idx.msk [tilespmem:v3+s17+$0x0], $0xffff  }
0x2cd: {  	v3 =	vor.u32 $0x1E, v61;
	_ =	sdelay $0x3  }
0x2ce: {  	[tilespmem:v2+s16+$0x0] =	vst.idx.msk $0xffff, v0  }
0x2cf: {  	v2 =	vadd.s32 v27, v24;
	v0 =	vld.idx.msk [tilespmem:v3+s17+$0x0], $0xffff  }
0x2d0: {  	v3 =	vor.u32 $0x1F, v61;
	_ =	sdelay $0x3  }
0x2d1: {  	[tilespmem:v2+s16+$0x0] =	vst.idx.msk $0xffff, v0  }
0x2d2: {  	v2 =	vadd.s32 v27, v25;
	v0 =	vld.idx.msk [tilespmem:v3+s17+$0x0], $0xffff  }
0x2d3: {  	v3 =	vor.u32 $0x20, v61;
	_ =	sdelay $0x3  }
0x2d4: {  	[tilespmem:v2+s16+$0x0] =	vst.idx.msk $0xffff, v0  }
0x2d5: {  	v2 =	vadd.s32 v27, v26;
	v0 =	vld.idx.msk [tilespmem:v3+s17+$0x0], $0xffff  }
0x2d6: {  	v3 =	vor.u32 $0x21, v61;
	_ =	sdelay $0x3  }
0x2d7: {  	[tilespmem:v2+s16+$0x0] =	vst.idx.msk $0xffff, v0  }
0x2d8: {  	v2 =	vadd.s32 v27, v28;
	v0 =	vld.idx.msk [tilespmem:v3+s17+$0x0], $0xffff  }
0x2d9: {  	v3 =	vor.u32 $0x22, v61;
	_ =	sdelay $0x3  }
0x2da: {  	[tilespmem:v2+s16+$0x0] =	vst.idx.msk $0xffff, v0  }
0x2db: {  	v2 =	vadd.s32 v27, v29;
	v0 =	vld.idx.msk [tilespmem:v3+s17+$0x0], $0xffff  }
0x2dc: {  	v3 =	vor.u32 $0x23, v61;
	_ =	sdelay $0x3  }
0x2dd: {  	s26 =	sadd.s32 $0x186A000, s26;
	[tilespmem:v2+s16+$0x0] =	vst.idx.msk $0xffff, v0  }
0x2de: {  	p0 =	sne.s32 s26, $0x155CC000;
	v2 =	vadd.s32 v27, v60;
	v0 =	vld.idx.msk [tilespmem:v3+s17+$0x0], $0xffff  }
.Ltmp5:
0x2df: {  	_ = 	snop;
	(pc) =	sbr.rel @!p0 .LBB2_6-.Ltmp5, $2  }
0x2e0: {  	_ =	sdelay $0x2  }
0x2e1: {  	s28 =	sadd.s32 $0x48, s28;
	s25 =	sadd.s32 $0x400, s25;
	[tilespmem:v2+s16+$0x0] =	vst.idx.msk $0xffff, v0  }
.LBB2_3:
0x2e2: {  	v0 =	vld [tilespmem:s25+$0xFFFFFFF0];
	_ =	sdelay $0x4  }
0x2e3: {  	v0 =	vshrl.u32 v0, $0x3  }
0x2e4: {  	v0 =	vshll.u32 v0, $0xA  }
0x2e5: {  	v0 =	vadd.s32 s26, v0  }
0x2e6: {  	v0 =	vadd.s32 $0xFF3CB000, v0  }
0x2e7: {  	v0 =	vshrl.u32 v0, $0x3  }
0x2e8: {  	v0 =	vadd.s32 s5, v0  }
0x2e9: {  	(v2sf) =	vpush v0, $0x0;
	_ =	sdelay $0x1  }
0x2ea: {  	(v2sf) =	vpush v0, $0x1;
	_ =	sdelay $0x1  }
0x2eb: {  	(v2sf) =	vpush v0, $0x2;
	_ =	sdelay $0x1  }
0x2ec: {  	(v2sf) =	vpush v0, $0x3;
	_ =	sdelay $0x1  }
0x2ed: {  	(v2sf) =	vpush v0, $0x4;
	_ =	sdelay $0x1  }
0x2ee: {  	(v2sf) =	vpush v0, $0x5;
	_ =	sdelay $0x1  }
0x2ef: {  	(v2sf) =	vpush v0, $0x6;
	_ =	sdelay $0x1  }
0x2f0: {  	(v2sf) =	vpush v0, $0x7  }
0x2f1: {  	s29 =	spop (v2sf)  }
0x2f2: {  	(v2sf) =	vpush v0, $0x8;
	[tilespmem:s17], [sflag:$0x2] =	stream.linear.gather [hbm4b:s29+s3], $0x400, $0x38;
	[tilespmem:$0x1C400] =	vst v63  }
0x2f3: {  	s31 =	spop (v2sf)  }
0x2f4: {  	(v2sf) =	vpush v0, $0x9;
	[tilespmem:s30], [sflag:$0x2] =	stream.linear.gather [hbm4b:s31+s3], $0x400, $0x38;
	[tilespmem:$0x1C400] =	vst v63  }
0x2f5: {  	s29 =	spop (v2sf);
	s31 =	simm.s32 $0xBC00  }
0x2f6: {  	(v2sf) =	vpush v0, $0xA;
	[tilespmem:s31], [sflag:$0x2] =	stream.linear.gather [hbm4b:s29+s3], $0x400, $0x38;
	[tilespmem:$0x1C400] =	vst v63  }
0x2f7: {  	s29 =	spop (v2sf);
	s31 =	simm.s32 $0xC000  }
0x2f8: {  	(v2sf) =	vpush v0, $0xB;
	[tilespmem:s31], [sflag:$0x2] =	stream.linear.gather [hbm4b:s29+s3], $0x400, $0x38;
	[tilespmem:$0x1C400] =	vst v63  }
0x2f9: {  	s29 =	spop (v2sf);
	s31 =	simm.s32 $0xC400  }
0x2fa: {  	(v2sf) =	vpush v0, $0xC;
	[tilespmem:s31], [sflag:$0x2] =	stream.linear.gather [hbm4b:s29+s3], $0x400, $0x38;
	[tilespmem:$0x1C400] =	vst v63  }
0x2fb: {  	s29 =	spop (v2sf);
	s31 =	simm.s32 $0xC800  }
0x2fc: {  	(v2sf) =	vpush v0, $0xD;
	[tilespmem:s31], [sflag:$0x2] =	stream.linear.gather [hbm4b:s29+s3], $0x400, $0x38;
	[tilespmem:$0x1C400] =	vst v63  }
0x2fd: {  	s29 =	spop (v2sf);
	s31 =	simm.s32 $0xCC00  }
0x2fe: {  	(v2sf) =	vpush v0, $0xE;
	[tilespmem:s31], [sflag:$0x2] =	stream.linear.gather [hbm4b:s29+s3], $0x400, $0x38;
	[tilespmem:$0x1C400] =	vst v63  }
0x2ff: {  	s29 =	spop (v2sf);
	s31 =	simm.s32 $0xD000  }
0x300: {  	(v2sf) =	vpush v0, $0xF;
	[tilespmem:s31], [sflag:$0x2] =	stream.linear.gather [hbm4b:s29+s3], $0x400, $0x38;
	[tilespmem:$0x1C400] =	vst v63  }
0x301: {  	s29 =	spop (v2sf);
	s31 =	simm.s32 $0xD400  }
0x302: {  	[tilespmem:s31], [sflag:$0x2] =	stream.linear.gather [hbm4b:s29+s3], $0x400, $0x38;
	[tilespmem:$0x1C400] =	vst v63  }
0x303: {  	s29 =	spop (v2sf);
	s31 =	simm.s32 $0xD800  }
0x304: {  	[tilespmem:s31], [sflag:$0x2] =	stream.linear.gather [hbm4b:s29+s3], $0x400, $0x38;
	[tilespmem:$0x1C400] =	vst v63  }
0x305: {  	s29 =	spop (v2sf);
	s31 =	simm.s32 $0xDC00  }
0x306: {  	[tilespmem:s31], [sflag:$0x2] =	stream.linear.gather [hbm4b:s29+s3], $0x400, $0x38;
	[tilespmem:$0x1C400] =	vst v63  }
0x307: {  	s29 =	spop (v2sf);
	s31 =	simm.s32 $0xE000  }
0x308: {  	[tilespmem:s31], [sflag:$0x2] =	stream.linear.gather [hbm4b:s29+s3], $0x400, $0x38;
	[tilespmem:$0x1C400] =	vst v63  }
0x309: {  	s29 =	spop (v2sf);
	s31 =	simm.s32 $0xE400  }
0x30a: {  	[tilespmem:s31], [sflag:$0x2] =	stream.linear.gather [hbm4b:s29+s3], $0x400, $0x38;
	[tilespmem:$0x1C400] =	vst v63  }
0x30b: {  	s29 =	spop (v2sf);
	s31 =	simm.s32 $0xE800  }
0x30c: {  	[tilespmem:s31], [sflag:$0x2] =	stream.linear.gather [hbm4b:s29+s3], $0x400, $0x38;
	[tilespmem:$0x1C400] =	vst v63  }
0x30d: {  	s31 =	spop (v2sf)  }
0x30e: {  	[tilespmem:s1], [sflag:$0x2] =	stream.linear.gather [hbm4b:s31+s3], $0x400, $0x38;
	[tilespmem:$0x1C400] =	vst v63  }
0x30f: {  	s31 =	spop (v2sf)  }
0x310: {  	[tilespmem:s2], [sflag:$0x2] =	stream.linear.gather [hbm4b:s31+s3], $0x400, $0x38;
	[tilespmem:$0x1C400] =	vst v63  }
0x311: {  	v0 =	vld [tilespmem:s25+$0x0];
	_ =	sdelay $0x4  }
0x312: {  	v0 =	vshrl.u32 v0, $0x3  }
0x313: {  	v0 =	vshll.u32 v0, $0xA  }
0x314: {  	v0 =	vadd.s32 s26, v0  }
0x315: {  	v0 =	vadd.s32 $0xFF3CB000, v0  }
0x316: {  	v0 =	vshrl.u32 v0, $0x3  }
0x317: {  	v0 =	vadd.s32 s5, v0  }
0x318: {  	(v2sf) =	vpush v0, $0x0;
	_ =	sdelay $0x1  }
0x319: {  	(v2sf) =	vpush v0, $0x1;
	_ =	sdelay $0x1  }
0x31a: {  	(v2sf) =	vpush v0, $0x2;
	_ =	sdelay $0x1  }
0x31b: {  	(v2sf) =	vpush v0, $0x3;
	_ =	sdelay $0x1  }
0x31c: {  	(v2sf) =	vpush v0, $0x4;
	_ =	sdelay $0x1  }
0x31d: {  	(v2sf) =	vpush v0, $0x5;
	_ =	sdelay $0x1  }
0x31e: {  	(v2sf) =	vpush v0, $0x6;
	_ =	sdelay $0x1  }
0x31f: {  	(v2sf) =	vpush v0, $0x7  }
0x320: {  	s31 =	spop (v2sf)  }
0x321: {  	(v2sf) =	vpush v0, $0x8;
	[tilespmem:s9], [sflag:$0x2] =	stream.linear.gather [hbm4b:s31+s3], $0x400, $0x38;
	[tilespmem:$0x1C400] =	vst v63  }
0x322: {  	s31 =	spop (v2sf)  }
0x323: {  	(v2sf) =	vpush v0, $0x9;
	[tilespmem:s7], [sflag:$0x2] =	stream.linear.gather [hbm4b:s31+s3], $0x400, $0x38;
	[tilespmem:$0x1C400] =	vst v63  }
0x324: {  	s31 =	spop (v2sf)  }
0x325: {  	(v2sf) =	vpush v0, $0xA;
	[tilespmem:s8], [sflag:$0x2] =	stream.linear.gather [hbm4b:s31+s3], $0x400, $0x38;
	[tilespmem:$0x1C400] =	vst v63  }
0x326: {  	s31 =	spop (v2sf)  }
0x327: {  	(v2sf) =	vpush v0, $0xB;
	[tilespmem:s0], [sflag:$0x2] =	stream.linear.gather [hbm4b:s31+s3], $0x400, $0x38;
	[tilespmem:$0x1C400] =	vst v63  }
0x328: {  	s31 =	spop (v2sf)  }
0x329: {  	(v2sf) =	vpush v0, $0xC;
	[tilespmem:s4], [sflag:$0x2] =	stream.linear.gather [hbm4b:s31+s3], $0x400, $0x38;
	[tilespmem:$0x1C400] =	vst v63  }
0x32a: {  	s31 =	spop (v2sf)  }
0x32b: {  	(v2sf) =	vpush v0, $0xD;
	[tilespmem:s6], [sflag:$0x2] =	stream.linear.gather [hbm4b:s31+s3], $0x400, $0x38;
	[tilespmem:$0x1C400] =	vst v63  }
0x32c: {  	s31 =	spop (v2sf)  }
0x32d: {  	(v2sf) =	vpush v0, $0xE;
	[tilespmem:s11], [sflag:$0x2] =	stream.linear.gather [hbm4b:s31+s3], $0x400, $0x38;
	[tilespmem:$0x1C400] =	vst v63  }
0x32e: {  	s31 =	spop (v2sf)  }
0x32f: {  	(v2sf) =	vpush v0, $0xF;
	[tilespmem:s10], [sflag:$0x2] =	stream.linear.gather [hbm4b:s31+s3], $0x400, $0x38;
	[tilespmem:$0x1C400] =	vst v63  }
0x330: {  	s31 =	spop (v2sf)  }
0x331: {  	[tilespmem:s13], [sflag:$0x2] =	stream.linear.gather [hbm4b:s31+s3], $0x400, $0x38;
	[tilespmem:$0x1C400] =	vst v63  }
0x332: {  	s31 =	spop (v2sf)  }
0x333: {  	[tilespmem:s14], [sflag:$0x2] =	stream.linear.gather [hbm4b:s31+s3], $0x400, $0x38;
	[tilespmem:$0x1C400] =	vst v63  }
0x334: {  	s31 =	spop (v2sf)  }
0x335: {  	[tilespmem:s15], [sflag:$0x2] =	stream.linear.gather [hbm4b:s31+s3], $0x400, $0x38;
	[tilespmem:$0x1C400] =	vst v63  }
0x336: {  	s31 =	spop (v2sf)  }
0x337: {  	[tilespmem:s18], [sflag:$0x2] =	stream.linear.gather [hbm4b:s31+s3], $0x400, $0x38;
	[tilespmem:$0x1C400] =	vst v63  }
0x338: {  	s31 =	spop (v2sf)  }
0x339: {  	[tilespmem:s19], [sflag:$0x2] =	stream.linear.gather [hbm4b:s31+s3], $0x400, $0x38;
	[tilespmem:$0x1C400] =	vst v63  }
0x33a: {  	s31 =	spop (v2sf)  }
0x33b: {  	[tilespmem:s20], [sflag:$0x2] =	stream.linear.gather [hbm4b:s31+s3], $0x400, $0x38;
	[tilespmem:$0x1C400] =	vst v63  }
0x33c: {  	s31 =	spop (v2sf)  }
0x33d: {  	[tilespmem:s21], [sflag:$0x2] =	stream.linear.gather [hbm4b:s31+s3], $0x400, $0x38;
	[tilespmem:$0x1C400] =	vst v63  }
0x33e: {  	s31 =	spop (v2sf)  }
0x33f: {  	[tilespmem:s22], [sflag:$0x2] =	stream.linear.gather [hbm4b:s31+s3], $0x400, $0x38;
	[tilespmem:$0x1C400] =	vst v63  }
0x340: {  	_ =	swait.ge [sflag:s23], $0x4000  }
0x341: {  	[sflag:s23] =	ssyncset.done $0x0  }
0x342: {  	[sflag:s23] =	ssyncadd.s32 $0xFFFFC000  }
0x343: {  	v0 =	vld [tilespmem:s25+$0xFFFFFDF0];
	_ =	sdelay $0x4  }
0x344: {  	v0 =	vand.u32 $0x7, v0  }
0x345: {  	v0 =	vshll.u32 v0, $0x7  }
0x346: {  	s31 =	sadd.s32 $0xFFFFFFDC, s28;
	v60 =	vor.u32 v48, v0  }
0x347: {  	v59 =	vmov s31  }
0x348: {  	v0 =	vshll.u32 v59, $0x3  }
0x349: {  	v55 =	vand.u32 $0x7C00, v0  }
0x34a: {  	v54 =	vand.u32 $0x7D, v59;
	v0 =	vadd.s32 v1, v55  }
0x34b: {  	v3 =	vor.u32 v54, v0;
	v2 =	vld.idx.msk [tilespmem:v60+s12+$0x0], $0xffff  }
0x34c: {  	v4 =	vor.u32 $0x1, v60  }
0x34d: {  	v5 =	vadd.s32 $0x1, v59  }
0x34e: {  	v6 =	vshll.u32 v5, $0x3  }
0x34f: {  	v5 =	vand.u32 $0x7E, v5;
	v6 =	vand.u32 $0x7FFFFC00, v6  }
0x350: {  	v56 =	vor.u32 v5, v6;
	[tilespmem:v3+s16+$0x0] =	vst.idx.msk $0xffff, v2  }
0x351: {  	v3 =	vadd.s32 v1, v56;
	v2 =	vld.idx.msk [tilespmem:v4+s12+$0x0], $0xffff  }
0x352: {  	v61 =	vor.u32 $0x2, v60;
	_ =	sdelay $0x3  }
0x353: {  	v57 =	vor.u32 $0x2, v54;
	[tilespmem:v3+s16+$0x0] =	vst.idx.msk $0xffff, v2  }
0x354: {  	v0 =	vor.u32 v57, v0;
	v2 =	vld.idx.msk [tilespmem:v61+s12+$0x0], $0xffff  }
0x355: {  	v3 =	vor.u32 $0x3, v60  }
0x356: {  	v62 =	vadd.s32 $0x3, v59  }
0x357: {  	v63 =	vshll.u32 v62, $0x3  }
0x358: {  	v5 =	vand.u32 $0x7FFFFC00, v63;
	v4 =	vand.u32 $0x78, v62  }
0x359: {  	v58 =	vor.u32 v4, v5;
	[tilespmem:v0+s16+$0x0] =	vst.idx.msk $0xffff, v2  }
0x35a: {  	v2 =	vadd.s32 v1, v58;
	v0 =	vld.idx.msk [tilespmem:v3+s12+$0x0], $0xffff  }
0x35b: {  	v3 =	vor.u32 $0x4, v60  }
0x35c: {  	v8 =	vadd.s32 $0x4, v59  }
0x35d: {  	v9 =	vshll.u32 v8, $0x3  }
0x35e: {  	v4 =	vand.u32 $0x79, v8;
	v5 =	vand.u32 $0x7FFFFC00, v9  }
0x35f: {  	v61 =	vor.u32 v4, v5;
	[tilespmem:v2+s16+$0x0] =	vst.idx.msk $0xffff, v0  }
0x360: {  	v2 =	vadd.s32 v1, v61;
	v0 =	vld.idx.msk [tilespmem:v3+s12+$0x0], $0xffff  }
0x361: {  	v3 =	vor.u32 $0x5, v60  }
0x362: {  	v10 =	vadd.s32 $0x5, v59  }
0x363: {  	v11 =	vshll.u32 v10, $0x3  }
0x364: {  	v4 =	vand.u32 $0x7A, v10;
	v5 =	vand.u32 $0x7FFFFC00, v11  }
0x365: {  	v62 =	vor.u32 v4, v5;
	[tilespmem:v2+s16+$0x0] =	vst.idx.msk $0xffff, v0  }
0x366: {  	v2 =	vadd.s32 v1, v62;
	v0 =	vld.idx.msk [tilespmem:v3+s12+$0x0], $0xffff  }
0x367: {  	v3 =	vor.u32 $0x6, v60  }
0x368: {  	v12 =	vadd.s32 $0x6, v59  }
0x369: {  	v13 =	vshll.u32 v12, $0x3  }
0x36a: {  	v4 =	vand.u32 $0x7B, v12;
	v5 =	vand.u32 $0x7FFFFC00, v13  }
0x36b: {  	v63 =	vor.u32 v4, v5;
	[tilespmem:v2+s16+$0x0] =	vst.idx.msk $0xffff, v0  }
0x36c: {  	v2 =	vadd.s32 v1, v63;
	v0 =	vld.idx.msk [tilespmem:v3+s12+$0x0], $0xffff  }
0x36d: {  	v3 =	vor.u32 $0x7, v60  }
0x36e: {  	v14 =	vadd.s32 $0x7, v59  }
0x36f: {  	v15 =	vshll.u32 v14, $0x3  }
0x370: {  	v4 =	vand.u32 $0x7C, v14;
	v5 =	vand.u32 $0x7FFFFC00, v15  }
0x371: {  	[tilespmem:v2+s16+$0x0] =	vst.idx.msk $0xffff, v0;
	v2 =	vor.u32 v4, v5  }
0x372: {  	v0 =	vld.idx.msk [tilespmem:v3+s12+$0x0], $0xffff;
	v3 =	vadd.s32 v1, v2  }
0x373: {  	v16 =	vor.u32 $0x8, v60  }
0x374: {  	v17 =	vadd.s32 $0x8, v59  }
0x375: {  	v18 =	vshll.u32 v17, $0x3  }
0x376: {  	v6 =	vand.u32 $0x7FFFFC00, v18;
	v5 =	vand.u32 $0x7D, v17  }
0x377: {  	[tilespmem:v3+s16+$0x0] =	vst.idx.msk $0xffff, v0;
	v0 =	vor.u32 v5, v6  }
0x378: {  	v3 =	vld.idx.msk [tilespmem:v16+s12+$0x0], $0xffff;
	v19 =	vadd.s32 v1, v0  }
0x379: {  	v20 =	vor.u32 $0x9, v60  }
0x37a: {  	v21 =	vadd.s32 $0x9, v59  }
0x37b: {  	v7 =	vshll.u32 v21, $0x3  }
0x37c: {  	v7 =	vand.u32 $0x7FFFFC00, v7;
	v6 =	vand.u32 $0x7E, v21  }
0x37d: {  	[tilespmem:v19+s16+$0x0] =	vst.idx.msk $0xffff, v3;
	v3 =	vor.u32 v6, v7  }
0x37e: {  	v4 =	vld.idx.msk [tilespmem:v20+s12+$0x0], $0xffff;
	v22 =	vadd.s32 v1, v3  }
0x37f: {  	v23 =	vor.u32 $0xA, v60  }
0x380: {  	v30 =	vadd.s32 $0xA, v59  }
0x381: {  	v8 =	vshll.u32 v30, $0x3  }
0x382: {  	v8 =	vand.u32 $0x7FFFFC00, v8;
	v7 =	vand.u32 $0x7F, v30  }
0x383: {  	[tilespmem:v22+s16+$0x0] =	vst.idx.msk $0xffff, v4;
	v4 =	vor.u32 v7, v8  }
0x384: {  	v5 =	vld.idx.msk [tilespmem:v23+s12+$0x0], $0xffff;
	v31 =	vadd.s32 v1, v4  }
0x385: {  	v32 =	vor.u32 $0xB, v60  }
0x386: {  	v33 =	vadd.s32 $0xB, v59  }
0x387: {  	v9 =	vshll.u32 v33, $0x3  }
0x388: {  	v9 =	vand.u32 $0x7FFFFC00, v9;
	v8 =	vand.u32 $0x78, v33  }
0x389: {  	[tilespmem:v31+s16+$0x0] =	vst.idx.msk $0xffff, v5;
	v5 =	vor.u32 v8, v9  }
0x38a: {  	v6 =	vld.idx.msk [tilespmem:v32+s12+$0x0], $0xffff;
	v12 =	vadd.s32 v1, v5  }
0x38b: {  	v13 =	vor.u32 $0xC, v60  }
0x38c: {  	v14 =	vadd.s32 $0xC, v59  }
0x38d: {  	v10 =	vshll.u32 v14, $0x3  }
0x38e: {  	v10 =	vand.u32 $0x7FFFFC00, v10;
	v9 =	vand.u32 $0x79, v14  }
0x38f: {  	[tilespmem:v12+s16+$0x0] =	vst.idx.msk $0xffff, v6;
	v6 =	vor.u32 v9, v10  }
0x390: {  	v7 =	vld.idx.msk [tilespmem:v13+s12+$0x0], $0xffff;
	v15 =	vadd.s32 v1, v6  }
0x391: {  	v16 =	vor.u32 $0xD, v60  }
0x392: {  	v17 =	vadd.s32 $0xD, v59  }
0x393: {  	v11 =	vshll.u32 v17, $0x3  }
0x394: {  	v11 =	vand.u32 $0x7FFFFC00, v11;
	v10 =	vand.u32 $0x7A, v17  }
0x395: {  	[tilespmem:v15+s16+$0x0] =	vst.idx.msk $0xffff, v7;
	v7 =	vor.u32 v10, v11  }
0x396: {  	v8 =	vld.idx.msk [tilespmem:v16+s12+$0x0], $0xffff;
	v18 =	vadd.s32 v1, v7  }
0x397: {  	v19 =	vor.u32 $0xE, v60  }
0x398: {  	v20 =	vadd.s32 $0xE, v59  }
0x399: {  	v12 =	vshll.u32 v20, $0x3  }
0x39a: {  	v12 =	vand.u32 $0x7FFFFC00, v12;
	v11 =	vand.u32 $0x7B, v20  }
0x39b: {  	[tilespmem:v18+s16+$0x0] =	vst.idx.msk $0xffff, v8;
	v8 =	vor.u32 v11, v12  }
0x39c: {  	v9 =	vld.idx.msk [tilespmem:v19+s12+$0x0], $0xffff;
	v21 =	vadd.s32 v1, v8  }
0x39d: {  	v22 =	vor.u32 $0xF, v60  }
0x39e: {  	v23 =	vadd.s32 $0xF, v59  }
0x39f: {  	v13 =	vshll.u32 v23, $0x3  }
0x3a0: {  	v13 =	vand.u32 $0x7FFFFC00, v13;
	v12 =	vand.u32 $0x7C, v23  }
0x3a1: {  	[tilespmem:v21+s16+$0x0] =	vst.idx.msk $0xffff, v9;
	v9 =	vor.u32 v12, v13  }
0x3a2: {  	v10 =	vld.idx.msk [tilespmem:v22+s12+$0x0], $0xffff;
	v30 =	vadd.s32 v1, v9  }
0x3a3: {  	v31 =	vor.u32 $0x10, v60  }
0x3a4: {  	v32 =	vadd.s32 $0x10, v59  }
0x3a5: {  	v14 =	vshll.u32 v32, $0x3  }
0x3a6: {  	v14 =	vand.u32 $0x7FFFFC00, v14;
	v13 =	vand.u32 $0x7D, v32  }
0x3a7: {  	[tilespmem:v30+s16+$0x0] =	vst.idx.msk $0xffff, v10;
	v10 =	vor.u32 v13, v14  }
0x3a8: {  	v11 =	vld.idx.msk [tilespmem:v31+s12+$0x0], $0xffff;
	v33 =	vadd.s32 v1, v10  }
0x3a9: {  	v18 =	vor.u32 $0x11, v60  }
0x3aa: {  	v19 =	vadd.s32 $0x11, v59  }
0x3ab: {  	v15 =	vshll.u32 v19, $0x3  }
0x3ac: {  	v15 =	vand.u32 $0x7FFFFC00, v15;
	v14 =	vand.u32 $0x7E, v19  }
0x3ad: {  	[tilespmem:v33+s16+$0x0] =	vst.idx.msk $0xffff, v11;
	v11 =	vor.u32 v14, v15  }
0x3ae: {  	v12 =	vld.idx.msk [tilespmem:v18+s12+$0x0], $0xffff;
	v20 =	vadd.s32 v1, v11  }
0x3af: {  	v21 =	vor.u32 $0x12, v60  }
0x3b0: {  	v22 =	vadd.s32 $0x12, v59  }
0x3b1: {  	v16 =	vshll.u32 v22, $0x3  }
0x3b2: {  	v16 =	vand.u32 $0x7FFFFC00, v16;
	v15 =	vand.u32 $0x7F, v22  }
0x3b3: {  	[tilespmem:v20+s16+$0x0] =	vst.idx.msk $0xffff, v12;
	v12 =	vor.u32 v15, v16  }
0x3b4: {  	v13 =	vld.idx.msk [tilespmem:v21+s12+$0x0], $0xffff;
	v23 =	vadd.s32 v1, v12  }
0x3b5: {  	v30 =	vor.u32 $0x13, v60  }
0x3b6: {  	v31 =	vadd.s32 $0x13, v59  }
0x3b7: {  	v17 =	vshll.u32 v31, $0x3  }
0x3b8: {  	v17 =	vand.u32 $0x7FFFFC00, v17;
	v16 =	vand.u32 $0x78, v31  }
0x3b9: {  	[tilespmem:v23+s16+$0x0] =	vst.idx.msk $0xffff, v13;
	v13 =	vor.u32 v16, v17  }
0x3ba: {  	v14 =	vld.idx.msk [tilespmem:v30+s12+$0x0], $0xffff;
	v32 =	vadd.s32 v1, v13  }
0x3bb: {  	v33 =	vor.u32 $0x14, v60  }
0x3bc: {  	v21 =	vadd.s32 $0x14, v59  }
0x3bd: {  	v18 =	vshll.u32 v21, $0x3  }
0x3be: {  	v18 =	vand.u32 $0x7FFFFC00, v18;
	v17 =	vand.u32 $0x79, v21  }
0x3bf: {  	[tilespmem:v32+s16+$0x0] =	vst.idx.msk $0xffff, v14;
	v14 =	vor.u32 v17, v18  }
0x3c0: {  	v15 =	vld.idx.msk [tilespmem:v33+s12+$0x0], $0xffff;
	v22 =	vadd.s32 v1, v14  }
0x3c1: {  	v23 =	vor.u32 $0x15, v60  }
0x3c2: {  	v30 =	vadd.s32 $0x15, v59  }
0x3c3: {  	v19 =	vshll.u32 v30, $0x3  }
0x3c4: {  	v19 =	vand.u32 $0x7FFFFC00, v19;
	v18 =	vand.u32 $0x7A, v30  }
0x3c5: {  	[tilespmem:v22+s16+$0x0] =	vst.idx.msk $0xffff, v15;
	v15 =	vor.u32 v18, v19  }
0x3c6: {  	v16 =	vld.idx.msk [tilespmem:v23+s12+$0x0], $0xffff;
	v31 =	vadd.s32 v1, v15  }
0x3c7: {  	v32 =	vor.u32 $0x16, v60  }
0x3c8: {  	v33 =	vadd.s32 $0x16, v59  }
0x3c9: {  	v20 =	vshll.u32 v33, $0x3  }
0x3ca: {  	v20 =	vand.u32 $0x7FFFFC00, v20;
	v19 =	vand.u32 $0x7B, v33  }
0x3cb: {  	[tilespmem:v31+s16+$0x0] =	vst.idx.msk $0xffff, v16;
	v16 =	vor.u32 v19, v20  }
0x3cc: {  	v17 =	vld.idx.msk [tilespmem:v32+s12+$0x0], $0xffff;
	v30 =	vadd.s32 v1, v16  }
0x3cd: {  	v31 =	vor.u32 $0x17, v60  }
0x3ce: {  	v32 =	vadd.s32 $0x17, v59  }
0x3cf: {  	v21 =	vshll.u32 v32, $0x3  }
0x3d0: {  	v20 =	vand.u32 $0x7C, v32;
	v21 =	vand.u32 $0x7FFFFC00, v21  }
0x3d1: {  	[tilespmem:v30+s16+$0x0] =	vst.idx.msk $0xffff, v17;
	v17 =	vor.u32 v20, v21  }
0x3d2: {  	v18 =	vld.idx.msk [tilespmem:v31+s12+$0x0], $0xffff;
	v33 =	vadd.s32 v1, v17  }
0x3d3: {  	v30 =	vor.u32 $0x18, v60  }
0x3d4: {  	v31 =	vadd.s32 $0x18, v59  }
0x3d5: {  	v22 =	vshll.u32 v31, $0x3  }
0x3d6: {  	v21 =	vand.u32 $0x7D, v31;
	v22 =	vand.u32 $0x7FFFFC00, v22  }
0x3d7: {  	[tilespmem:v33+s16+$0x0] =	vst.idx.msk $0xffff, v18;
	v18 =	vor.u32 v21, v22  }
0x3d8: {  	v19 =	vld.idx.msk [tilespmem:v30+s12+$0x0], $0xffff;
	v32 =	vadd.s32 v1, v18  }
0x3d9: {  	v33 =	vor.u32 $0x19, v60  }
0x3da: {  	v30 =	vadd.s32 $0x19, v59  }
0x3db: {  	v23 =	vshll.u32 v30, $0x3  }
0x3dc: {  	v22 =	vand.u32 $0x7E, v30;
	v23 =	vand.u32 $0x7FFFFC00, v23  }
0x3dd: {  	[tilespmem:v32+s16+$0x0] =	vst.idx.msk $0xffff, v19;
	v19 =	vor.u32 v22, v23  }
0x3de: {  	v20 =	vld.idx.msk [tilespmem:v33+s12+$0x0], $0xffff;
	v31 =	vadd.s32 v1, v19  }
0x3df: {  	v32 =	vor.u32 $0x1A, v60  }
0x3e0: {  	v33 =	vadd.s32 $0x1A, v59  }
0x3e1: {  	v24 =	vshll.u32 v33, $0x3  }
0x3e2: {  	v23 =	vand.u32 $0x7F, v33;
	v24 =	vand.u32 $0x7FFFFC00, v24  }
0x3e3: {  	[tilespmem:v31+s16+$0x0] =	vst.idx.msk $0xffff, v20;
	v20 =	vor.u32 v23, v24  }
0x3e4: {  	v21 =	vld.idx.msk [tilespmem:v32+s12+$0x0], $0xffff;
	v30 =	vadd.s32 v1, v20  }
0x3e5: {  	v31 =	vor.u32 $0x1B, v60  }
0x3e6: {  	v24 =	vadd.s32 $0x1B, v59  }
0x3e7: {  	v25 =	vshll.u32 v24, $0x3  }
0x3e8: {  	v24 =	vand.u32 $0x78, v24;
	v25 =	vand.u32 $0x7FFFFC00, v25  }
0x3e9: {  	[tilespmem:v30+s16+$0x0] =	vst.idx.msk $0xffff, v21;
	v21 =	vor.u32 v24, v25  }
0x3ea: {  	v22 =	vld.idx.msk [tilespmem:v31+s12+$0x0], $0xffff;
	v32 =	vadd.s32 v1, v21  }
0x3eb: {  	v24 =	vor.u32 $0x1C, v60  }
0x3ec: {  	v25 =	vadd.s32 $0x1C, v59  }
0x3ed: {  	v26 =	vshll.u32 v25, $0x3  }
0x3ee: {  	v25 =	vand.u32 $0x79, v25;
	v26 =	vand.u32 $0x7FFFFC00, v26  }
0x3ef: {  	[tilespmem:v32+s16+$0x0] =	vst.idx.msk $0xffff, v22;
	v22 =	vor.u32 v25, v26  }
0x3f0: {  	v23 =	vld.idx.msk [tilespmem:v24+s12+$0x0], $0xffff;
	v24 =	vadd.s32 v1, v22  }
0x3f1: {  	v25 =	vor.u32 $0x1D, v60  }
0x3f2: {  	v26 =	vadd.s32 $0x1D, v59  }
0x3f3: {  	v28 =	vshll.u32 v26, $0x3  }
0x3f4: {  	v26 =	vand.u32 $0x7A, v26;
	v28 =	vand.u32 $0x7FFFFC00, v28  }
0x3f5: {  	[tilespmem:v24+s16+$0x0] =	vst.idx.msk $0xffff, v23;
	v23 =	vor.u32 v26, v28  }
0x3f6: {  	v24 =	vld.idx.msk [tilespmem:v25+s12+$0x0], $0xffff;
	v25 =	vadd.s32 v1, v23  }
0x3f7: {  	v26 =	vor.u32 $0x1E, v60  }
0x3f8: {  	v28 =	vadd.s32 $0x1E, v59  }
0x3f9: {  	v29 =	vshll.u32 v28, $0x3  }
0x3fa: {  	v28 =	vand.u32 $0x7B, v28;
	v29 =	vand.u32 $0x7FFFFC00, v29  }
0x3fb: {  	[tilespmem:v25+s16+$0x0] =	vst.idx.msk $0xffff, v24;
	v24 =	vor.u32 v28, v29  }
0x3fc: {  	v25 =	vld.idx.msk [tilespmem:v26+s12+$0x0], $0xffff;
	v26 =	vadd.s32 v1, v24  }
0x3fd: {  	v28 =	vor.u32 $0x1F, v60  }
0x3fe: {  	v29 =	vadd.s32 $0x1F, v59  }
0x3ff: {  	v30 =	vshll.u32 v29, $0x3  }
0x400: {  	v29 =	vand.u32 $0x7C, v29;
	v30 =	vand.u32 $0x7FFFFC00, v30  }
0x401: {  	[tilespmem:v26+s16+$0x0] =	vst.idx.msk $0xffff, v25;
	v25 =	vor.u32 v29, v30  }
0x402: {  	v26 =	vld.idx.msk [tilespmem:v28+s12+$0x0], $0xffff;
	v28 =	vadd.s32 v1, v25  }
0x403: {  	v29 =	vor.u32 $0x20, v60  }
0x404: {  	v33 =	vadd.s32 $0x20, v59  }
0x405: {  	v31 =	vshll.u32 v33, $0x3  }
0x406: {  	v31 =	vand.u32 $0x7FFFFC00, v31;
	v30 =	vand.u32 $0x7D, v33  }
0x407: {  	[tilespmem:v28+s16+$0x0] =	vst.idx.msk $0xffff, v26;
	v26 =	vor.u32 v30, v31  }
0x408: {  	v28 =	vld.idx.msk [tilespmem:v29+s12+$0x0], $0xffff;
	v29 =	vadd.s32 v1, v26  }
0x409: {  	v30 =	vor.u32 $0x21, v60  }
0x40a: {  	v31 =	vadd.s32 $0x21, v59  }
0x40b: {  	v32 =	vshll.u32 v31, $0x3  }
0x40c: {  	v31 =	vand.u32 $0x7E, v31;
	v32 =	vand.u32 $0x7FFFFC00, v32  }
0x40d: {  	[tilespmem:v29+s16+$0x0] =	vst.idx.msk $0xffff, v28;
	v28 =	vor.u32 v31, v32  }
0x40e: {  	v29 =	vld.idx.msk [tilespmem:v30+s12+$0x0], $0xffff;
	v30 =	vadd.s32 v1, v28  }
0x40f: {  	v31 =	vor.u32 $0x22, v60  }
0x410: {  	v32 =	vadd.s32 $0x22, v59  }
0x411: {  	v33 =	vshll.u32 v32, $0x3  }
0x412: {  	v32 =	vand.u32 $0x7F, v32;
	v33 =	vand.u32 $0x7FFFFC00, v33  }
0x413: {  	[tilespmem:v30+s16+$0x0] =	vst.idx.msk $0xffff, v29;
	v29 =	vor.u32 v32, v33  }
0x414: {  	v30 =	vld.idx.msk [tilespmem:v31+s12+$0x0], $0xffff;
	v31 =	vadd.s32 v1, v29  }
0x415: {  	v32 =	vor.u32 $0x23, v60  }
0x416: {  	v60 =	vadd.s32 $0x23, v59  }
0x417: {  	v59 =	vshll.u32 v60, $0x3  }
0x418: {  	v33 =	vand.u32 $0x78, v60;
	v59 =	vand.u32 $0x7FFFFC00, v59  }
0x419: {  	v59 =	vor.u32 v33, v59;
	[tilespmem:v31+s16+$0x0] =	vst.idx.msk $0xffff, v30  }
0x41a: {  	v60 =	vadd.s32 v1, v59;
	v30 =	vld.idx.msk [tilespmem:v32+s12+$0x0], $0xffff;
	_ =	sdelay $0x4  }
0x41b: {  	[tilespmem:v60+s16+$0x0] =	vst.idx.msk $0xffff, v30  }
0x41c: {  	_ =	swait.ge [sflag:s23], $0x4000  }
0x41d: {  	[sflag:s23] =	ssyncset.done $0x0  }
0x41e: {  	[sflag:s23] =	ssyncadd.s32 $0xFFFFC000  }
0x41f: {  	v33 =	vld [tilespmem:s25+$0xFFFFFE00];
	_ =	sdelay $0x4  }
0x420: {  	v30 =	vand.u32 $0x7, v33  }
0x421: {  	v30 =	vshll.u32 v30, $0x7  }
0x422: {  	v60 =	vor.u32 v53, v30;
	_ =	sdelay $0x3  }
0x423: {  	v30 =	vadd.s32 v27, v55  }
0x424: {  	v54 =	vor.u32 v54, v30;
	v31 =	vld.idx.msk [tilespmem:v60+s12+$0x0], $0xffff  }
0x425: {  	v55 =	vor.u32 $0x1, v60;
	_ =	sdelay $0x3  }
0x426: {  	[tilespmem:v54+s16+$0x0] =	vst.idx.msk $0xffff, v31  }
0x427: {  	v54 =	vadd.s32 v27, v56;
	v31 =	vld.idx.msk [tilespmem:v55+s12+$0x0], $0xffff  }
0x428: {  	v55 =	vor.u32 $0x2, v60;
	_ =	sdelay $0x3  }
0x429: {  	[tilespmem:v54+s16+$0x0] =	vst.idx.msk $0xffff, v31  }
0x42a: {  	v30 =	vor.u32 v57, v30;
	v31 =	vld.idx.msk [tilespmem:v55+s12+$0x0], $0xffff  }
0x42b: {  	v56 =	vor.u32 $0x3, v60;
	_ =	sdelay $0x3  }
0x42c: {  	[tilespmem:v30+s16+$0x0] =	vst.idx.msk $0xffff, v31  }
0x42d: {  	v57 =	vadd.s32 v27, v58;
	v30 =	vld.idx.msk [tilespmem:v56+s12+$0x0], $0xffff  }
0x42e: {  	v58 =	vor.u32 $0x4, v60;
	_ =	sdelay $0x3  }
0x42f: {  	[tilespmem:v57+s16+$0x0] =	vst.idx.msk $0xffff, v30  }
0x430: {  	v54 =	vadd.s32 v27, v61;
	v30 =	vld.idx.msk [tilespmem:v58+s12+$0x0], $0xffff  }
0x431: {  	v55 =	vor.u32 $0x5, v60;
	_ =	sdelay $0x3  }
0x432: {  	[tilespmem:v54+s16+$0x0] =	vst.idx.msk $0xffff, v30  }
0x433: {  	v56 =	vadd.s32 v27, v62;
	v30 =	vld.idx.msk [tilespmem:v55+s12+$0x0], $0xffff  }
0x434: {  	v57 =	vor.u32 $0x6, v60;
	_ =	sdelay $0x3  }
0x435: {  	[tilespmem:v56+s16+$0x0] =	vst.idx.msk $0xffff, v30  }
0x436: {  	v58 =	vadd.s32 v27, v63;
	v30 =	vld.idx.msk [tilespmem:v57+s12+$0x0], $0xffff  }
0x437: {  	v61 =	vor.u32 $0x7, v60;
	_ =	sdelay $0x3  }
0x438: {  	[tilespmem:v58+s16+$0x0] =	vst.idx.msk $0xffff, v30  }
0x439: {  	v2 =	vadd.s32 v27, v2;
	v30 =	vld.idx.msk [tilespmem:v61+s12+$0x0], $0xffff  }
0x43a: {  	v62 =	vor.u32 $0x8, v60;
	_ =	sdelay $0x3  }
0x43b: {  	[tilespmem:v2+s16+$0x0] =	vst.idx.msk $0xffff, v30  }
0x43c: {  	v0 =	vadd.s32 v27, v0;
	v2 =	vld.idx.msk [tilespmem:v62+s12+$0x0], $0xffff  }
0x43d: {  	v63 =	vor.u32 $0x9, v60;
	_ =	sdelay $0x3  }
0x43e: {  	[tilespmem:v0+s16+$0x0] =	vst.idx.msk $0xffff, v2  }
0x43f: {  	v2 =	vadd.s32 v27, v3;
	v0 =	vld.idx.msk [tilespmem:v63+s12+$0x0], $0xffff  }
0x440: {  	v3 =	vor.u32 $0xA, v60;
	_ =	sdelay $0x3  }
0x441: {  	[tilespmem:v2+s16+$0x0] =	vst.idx.msk $0xffff, v0  }
0x442: {  	v2 =	vadd.s32 v27, v4;
	v0 =	vld.idx.msk [tilespmem:v3+s12+$0x0], $0xffff  }
0x443: {  	v3 =	vor.u32 $0xB, v60;
	_ =	sdelay $0x3  }
0x444: {  	[tilespmem:v2+s16+$0x0] =	vst.idx.msk $0xffff, v0  }
0x445: {  	v2 =	vadd.s32 v27, v5;
	v0 =	vld.idx.msk [tilespmem:v3+s12+$0x0], $0xffff  }
0x446: {  	v3 =	vor.u32 $0xC, v60;
	_ =	sdelay $0x3  }
0x447: {  	[tilespmem:v2+s16+$0x0] =	vst.idx.msk $0xffff, v0  }
0x448: {  	v2 =	vadd.s32 v27, v6;
	v0 =	vld.idx.msk [tilespmem:v3+s12+$0x0], $0xffff  }
0x449: {  	v3 =	vor.u32 $0xD, v60;
	_ =	sdelay $0x3  }
0x44a: {  	[tilespmem:v2+s16+$0x0] =	vst.idx.msk $0xffff, v0  }
0x44b: {  	v2 =	vadd.s32 v27, v7;
	v0 =	vld.idx.msk [tilespmem:v3+s12+$0x0], $0xffff  }
0x44c: {  	v3 =	vor.u32 $0xE, v60;
	_ =	sdelay $0x3  }
0x44d: {  	[tilespmem:v2+s16+$0x0] =	vst.idx.msk $0xffff, v0  }
0x44e: {  	v2 =	vadd.s32 v27, v8;
	v0 =	vld.idx.msk [tilespmem:v3+s12+$0x0], $0xffff  }
0x44f: {  	v3 =	vor.u32 $0xF, v60;
	_ =	sdelay $0x3  }
0x450: {  	[tilespmem:v2+s16+$0x0] =	vst.idx.msk $0xffff, v0  }
0x451: {  	v2 =	vadd.s32 v27, v9;
	v0 =	vld.idx.msk [tilespmem:v3+s12+$0x0], $0xffff  }
0x452: {  	v3 =	vor.u32 $0x10, v60;
	_ =	sdelay $0x3  }
0x453: {  	[tilespmem:v2+s16+$0x0] =	vst.idx.msk $0xffff, v0  }
0x454: {  	v2 =	vadd.s32 v27, v10;
	v0 =	vld.idx.msk [tilespmem:v3+s12+$0x0], $0xffff  }
0x455: {  	v3 =	vor.u32 $0x11, v60;
	_ =	sdelay $0x3  }
0x456: {  	[tilespmem:v2+s16+$0x0] =	vst.idx.msk $0xffff, v0  }
0x457: {  	v2 =	vadd.s32 v27, v11;
	v0 =	vld.idx.msk [tilespmem:v3+s12+$0x0], $0xffff  }
0x458: {  	v3 =	vor.u32 $0x12, v60;
	_ =	sdelay $0x3  }
0x459: {  	[tilespmem:v2+s16+$0x0] =	vst.idx.msk $0xffff, v0  }
0x45a: {  	v2 =	vadd.s32 v27, v12;
	v0 =	vld.idx.msk [tilespmem:v3+s12+$0x0], $0xffff  }
0x45b: {  	v3 =	vor.u32 $0x13, v60;
	_ =	sdelay $0x3  }
0x45c: {  	[tilespmem:v2+s16+$0x0] =	vst.idx.msk $0xffff, v0  }
0x45d: {  	v2 =	vadd.s32 v27, v13;
	v0 =	vld.idx.msk [tilespmem:v3+s12+$0x0], $0xffff  }
0x45e: {  	v3 =	vor.u32 $0x14, v60;
	_ =	sdelay $0x3  }
0x45f: {  	[tilespmem:v2+s16+$0x0] =	vst.idx.msk $0xffff, v0  }
0x460: {  	v2 =	vadd.s32 v27, v14;
	v0 =	vld.idx.msk [tilespmem:v3+s12+$0x0], $0xffff  }
0x461: {  	v3 =	vor.u32 $0x15, v60;
	_ =	sdelay $0x3  }
0x462: {  	[tilespmem:v2+s16+$0x0] =	vst.idx.msk $0xffff, v0  }
0x463: {  	v2 =	vadd.s32 v27, v15;
	v0 =	vld.idx.msk [tilespmem:v3+s12+$0x0], $0xffff  }
0x464: {  	v3 =	vor.u32 $0x16, v60;
	_ =	sdelay $0x3  }
0x465: {  	[tilespmem:v2+s16+$0x0] =	vst.idx.msk $0xffff, v0  }
0x466: {  	v2 =	vadd.s32 v27, v16;
	v0 =	vld.idx.msk [tilespmem:v3+s12+$0x0], $0xffff  }
0x467: {  	v3 =	vor.u32 $0x17, v60;
	_ =	sdelay $0x3  }
0x468: {  	[tilespmem:v2+s16+$0x0] =	vst.idx.msk $0xffff, v0  }
0x469: {  	v2 =	vadd.s32 v27, v17;
	v0 =	vld.idx.msk [tilespmem:v3+s12+$0x0], $0xffff  }
0x46a: {  	v3 =	vor.u32 $0x18, v60;
	_ =	sdelay $0x3  }
0x46b: {  	[tilespmem:v2+s16+$0x0] =	vst.idx.msk $0xffff, v0  }
0x46c: {  	v2 =	vadd.s32 v27, v18;
	v0 =	vld.idx.msk [tilespmem:v3+s12+$0x0], $0xffff  }
0x46d: {  	v3 =	vor.u32 $0x19, v60;
	_ =	sdelay $0x3  }
0x46e: {  	[tilespmem:v2+s16+$0x0] =	vst.idx.msk $0xffff, v0  }
0x46f: {  	v2 =	vadd.s32 v27, v19;
	v0 =	vld.idx.msk [tilespmem:v3+s12+$0x0], $0xffff  }
0x470: {  	v3 =	vor.u32 $0x1A, v60;
	_ =	sdelay $0x3  }
0x471: {  	[tilespmem:v2+s16+$0x0] =	vst.idx.msk $0xffff, v0  }
0x472: {  	v2 =	vadd.s32 v27, v20;
	v0 =	vld.idx.msk [tilespmem:v3+s12+$0x0], $0xffff  }
0x473: {  	v3 =	vor.u32 $0x1B, v60;
	_ =	sdelay $0x3  }
0x474: {  	[tilespmem:v2+s16+$0x0] =	vst.idx.msk $0xffff, v0  }
0x475: {  	v2 =	vadd.s32 v27, v21;
	v0 =	vld.idx.msk [tilespmem:v3+s12+$0x0], $0xffff  }
0x476: {  	v3 =	vor.u32 $0x1C, v60;
	_ =	sdelay $0x3  }
0x477: {  	[tilespmem:v2+s16+$0x0] =	vst.idx.msk $0xffff, v0  }
0x478: {  	v2 =	vadd.s32 v27, v22;
	v0 =	vld.idx.msk [tilespmem:v3+s12+$0x0], $0xffff  }
0x479: {  	v3 =	vor.u32 $0x1D, v60;
	_ =	sdelay $0x3  }
0x47a: {  	[tilespmem:v2+s16+$0x0] =	vst.idx.msk $0xffff, v0  }
0x47b: {  	v2 =	vadd.s32 v27, v23;
	v0 =	vld.idx.msk [tilespmem:v3+s12+$0x0], $0xffff  }
0x47c: {  	v3 =	vor.u32 $0x1E, v60;
	_ =	sdelay $0x3  }
0x47d: {  	[tilespmem:v2+s16+$0x0] =	vst.idx.msk $0xffff, v0  }
0x47e: {  	v2 =	vadd.s32 v27, v24;
	v0 =	vld.idx.msk [tilespmem:v3+s12+$0x0], $0xffff  }
0x47f: {  	v3 =	vor.u32 $0x1F, v60;
	_ =	sdelay $0x3  }
0x480: {  	[tilespmem:v2+s16+$0x0] =	vst.idx.msk $0xffff, v0  }
0x481: {  	v2 =	vadd.s32 v27, v25;
	v0 =	vld.idx.msk [tilespmem:v3+s12+$0x0], $0xffff  }
0x482: {  	v3 =	vor.u32 $0x20, v60;
	_ =	sdelay $0x3  }
0x483: {  	[tilespmem:v2+s16+$0x0] =	vst.idx.msk $0xffff, v0  }
0x484: {  	v2 =	vadd.s32 v27, v26;
	v0 =	vld.idx.msk [tilespmem:v3+s12+$0x0], $0xffff  }
0x485: {  	v3 =	vor.u32 $0x21, v60;
	_ =	sdelay $0x3  }
0x486: {  	[tilespmem:v2+s16+$0x0] =	vst.idx.msk $0xffff, v0  }
0x487: {  	v2 =	vadd.s32 v27, v28;
	v0 =	vld.idx.msk [tilespmem:v3+s12+$0x0], $0xffff  }
0x488: {  	v3 =	vor.u32 $0x22, v60;
	_ =	sdelay $0x3  }
0x489: {  	[tilespmem:v2+s16+$0x0] =	vst.idx.msk $0xffff, v0  }
0x48a: {  	v2 =	vadd.s32 v27, v29;
	v0 =	vld.idx.msk [tilespmem:v3+s12+$0x0], $0xffff  }
0x48b: {  	v3 =	vor.u32 $0x23, v60;
	_ =	sdelay $0x3  }
0x48c: {  	[tilespmem:v2+s16+$0x0] =	vst.idx.msk $0xffff, v0  }
0x48d: {  	p0 =	seq.s32 s26, $0x13D62000;
	v2 =	vadd.s32 v27, v59;
	v0 =	vld.idx.msk [tilespmem:v3+s12+$0x0], $0xffff  }
.Ltmp6:
0x48e: {  	_ = 	snop;
	(pc) =	sbr.rel @p0 .LBB2_5-.Ltmp6, $2  }
0x48f: {  	_ =	sdelay $0x2  }
0x490: {  	[tilespmem:v2+s16+$0x0] =	vst.idx.msk $0xffff, v0  }
0x491: {  	v0 =	vld [tilespmem:s25+$0x1F0];
	_ =	sdelay $0x4  }
0x492: {  	v0 =	vshrl.u32 v0, $0x3  }
0x493: {  	v0 =	vshll.u32 v0, $0xA  }
0x494: {  	v0 =	vadd.s32 s26, v0  }
0x495: {  	v0 =	vshrl.u32 v0, $0x3  }
0x496: {  	v0 =	vadd.s32 s5, v0  }
0x497: {  	(v2sf) =	vpush v0, $0x0;
	_ =	sdelay $0x1  }
0x498: {  	(v2sf) =	vpush v0, $0x1;
	_ =	sdelay $0x1  }
0x499: {  	(v2sf) =	vpush v0, $0x2;
	_ =	sdelay $0x1  }
0x49a: {  	(v2sf) =	vpush v0, $0x3;
	_ =	sdelay $0x1  }
0x49b: {  	(v2sf) =	vpush v0, $0x4;
	_ =	sdelay $0x1  }
0x49c: {  	(v2sf) =	vpush v0, $0x5;
	_ =	sdelay $0x1  }
0x49d: {  	(v2sf) =	vpush v0, $0x6;
	_ =	sdelay $0x1  }
0x49e: {  	(v2sf) =	vpush v0, $0x7  }
0x49f: {  	s29 =	spop (v2sf)  }
0x4a0: {  	(v2sf) =	vpush v0, $0x8;
	[tilespmem:s12], [sflag:$0x1] =	stream.linear.gather [hbm4b:s29+s3], $0x400, $0x38;
	[tilespmem:$0x1C400] =	vst v63  }
0x4a1: {  	s30 =	simm.s32 $0x3800;
	s31 =	spop (v2sf)  }
0x4a2: {  	(v2sf) =	vpush v0, $0x9;
	[tilespmem:s30], [sflag:$0x1] =	stream.linear.gather [hbm4b:s31+s3], $0x400, $0x38;
	[tilespmem:$0x1C400] =	vst v63  }
0x4a3: {  	s31 =	spop (v2sf);
	s30 =	simm.s32 $0x3C00  }
0x4a4: {  	(v2sf) =	vpush v0, $0xA;
	[tilespmem:s30], [sflag:$0x1] =	stream.linear.gather [hbm4b:s31+s3], $0x400, $0x38;
	[tilespmem:$0x1C400] =	vst v63  }
0x4a5: {  	s31 =	spop (v2sf);
	s30 =	simm.s32 $0x4000  }
0x4a6: {  	(v2sf) =	vpush v0, $0xB;
	[tilespmem:s30], [sflag:$0x1] =	stream.linear.gather [hbm4b:s31+s3], $0x400, $0x38;
	[tilespmem:$0x1C400] =	vst v63  }
0x4a7: {  	s31 =	spop (v2sf);
	s30 =	simm.s32 $0x4400  }
0x4a8: {  	(v2sf) =	vpush v0, $0xC;
	[tilespmem:s30], [sflag:$0x1] =	stream.linear.gather [hbm4b:s31+s3], $0x400, $0x38;
	[tilespmem:$0x1C400] =	vst v63  }
0x4a9: {  	s31 =	spop (v2sf);
	s30 =	simm.s32 $0x4800  }
0x4aa: {  	(v2sf) =	vpush v0, $0xD;
	[tilespmem:s30], [sflag:$0x1] =	stream.linear.gather [hbm4b:s31+s3], $0x400, $0x38;
	[tilespmem:$0x1C400] =	vst v63  }
0x4ab: {  	s31 =	spop (v2sf);
	s30 =	simm.s32 $0x4C00  }
0x4ac: {  	(v2sf) =	vpush v0, $0xE;
	[tilespmem:s30], [sflag:$0x1] =	stream.linear.gather [hbm4b:s31+s3], $0x400, $0x38;
	[tilespmem:$0x1C400] =	vst v63  }
0x4ad: {  	s31 =	spop (v2sf);
	s30 =	simm.s32 $0x5000  }
0x4ae: {  	(v2sf) =	vpush v0, $0xF;
	[tilespmem:s30], [sflag:$0x1] =	stream.linear.gather [hbm4b:s31+s3], $0x400, $0x38;
	[tilespmem:$0x1C400] =	vst v63  }
0x4af: {  	s31 =	spop (v2sf);
	s30 =	simm.s32 $0x5400  }
0x4b0: {  	[tilespmem:s30], [sflag:$0x1] =	stream.linear.gather [hbm4b:s31+s3], $0x400, $0x38;
	[tilespmem:$0x1C400] =	vst v63  }
0x4b1: {  	s31 =	spop (v2sf);
	s30 =	simm.s32 $0x5800  }
0x4b2: {  	[tilespmem:s30], [sflag:$0x1] =	stream.linear.gather [hbm4b:s31+s3], $0x400, $0x38;
	[tilespmem:$0x1C400] =	vst v63  }
0x4b3: {  	s31 =	spop (v2sf);
	s30 =	simm.s32 $0x5C00  }
0x4b4: {  	[tilespmem:s30], [sflag:$0x1] =	stream.linear.gather [hbm4b:s31+s3], $0x400, $0x38;
	[tilespmem:$0x1C400] =	vst v63  }
0x4b5: {  	s31 =	spop (v2sf);
	s30 =	simm.s32 $0x6000  }
0x4b6: {  	[tilespmem:s30], [sflag:$0x1] =	stream.linear.gather [hbm4b:s31+s3], $0x400, $0x38;
	[tilespmem:$0x1C400] =	vst v63  }
0x4b7: {  	s31 =	spop (v2sf);
	s30 =	simm.s32 $0x6400  }
0x4b8: {  	[tilespmem:s30], [sflag:$0x1] =	stream.linear.gather [hbm4b:s31+s3], $0x400, $0x38;
	[tilespmem:$0x1C400] =	vst v63  }
0x4b9: {  	s31 =	spop (v2sf);
	s30 =	simm.s32 $0x6800  }
0x4ba: {  	[tilespmem:s30], [sflag:$0x1] =	stream.linear.gather [hbm4b:s31+s3], $0x400, $0x38;
	[tilespmem:$0x1C400] =	vst v63  }
0x4bb: {  	s31 =	spop (v2sf);
	s30 =	simm.s32 $0x6C00  }
0x4bc: {  	[tilespmem:s30], [sflag:$0x1] =	stream.linear.gather [hbm4b:s31+s3], $0x400, $0x38;
	[tilespmem:$0x1C400] =	vst v63  }
0x4bd: {  	s31 =	spop (v2sf);
	s30 =	simm.s32 $0x7000  }
0x4be: {  	[tilespmem:s30], [sflag:$0x1] =	stream.linear.gather [hbm4b:s31+s3], $0x400, $0x38;
	[tilespmem:$0x1C400] =	vst v63  }
0x4bf: {  	v0 =	vld [tilespmem:s25+$0x200];
	_ =	sdelay $0x4  }
0x4c0: {  	v0 =	vshrl.u32 v0, $0x3  }
0x4c1: {  	v0 =	vshll.u32 v0, $0xA  }
0x4c2: {  	v0 =	vadd.s32 s26, v0  }
0x4c3: {  	v0 =	vshrl.u32 v0, $0x3  }
0x4c4: {  	v0 =	vadd.s32 s5, v0  }
0x4c5: {  	(v2sf) =	vpush v0, $0x0;
	_ =	sdelay $0x1  }
0x4c6: {  	(v2sf) =	vpush v0, $0x1;
	_ =	sdelay $0x1  }
0x4c7: {  	(v2sf) =	vpush v0, $0x2;
	_ =	sdelay $0x1  }
0x4c8: {  	(v2sf) =	vpush v0, $0x3;
	_ =	sdelay $0x1  }
0x4c9: {  	(v2sf) =	vpush v0, $0x4;
	_ =	sdelay $0x1  }
0x4ca: {  	(v2sf) =	vpush v0, $0x5;
	_ =	sdelay $0x1  }
0x4cb: {  	(v2sf) =	vpush v0, $0x6;
	_ =	sdelay $0x1  }
0x4cc: {  	(v2sf) =	vpush v0, $0x7  }
0x4cd: {  	s30 =	simm.s32 $0x7400;
	s31 =	spop (v2sf)  }
0x4ce: {  	(v2sf) =	vpush v0, $0x8;
	[tilespmem:s30], [sflag:$0x1] =	stream.linear.gather [hbm4b:s31+s3], $0x400, $0x38;
	[tilespmem:$0x1C400] =	vst v63  }
0x4cf: {  	s31 =	spop (v2sf);
	s30 =	simm.s32 $0x7800  }
0x4d0: {  	(v2sf) =	vpush v0, $0x9;
	[tilespmem:s30], [sflag:$0x1] =	stream.linear.gather [hbm4b:s31+s3], $0x400, $0x38;
	[tilespmem:$0x1C400] =	vst v63  }
0x4d1: {  	s31 =	spop (v2sf);
	s30 =	simm.s32 $0x7C00  }
0x4d2: {  	(v2sf) =	vpush v0, $0xA;
	[tilespmem:s30], [sflag:$0x1] =	stream.linear.gather [hbm4b:s31+s3], $0x400, $0x38;
	[tilespmem:$0x1C400] =	vst v63  }
0x4d3: {  	s31 =	spop (v2sf);
	s30 =	simm.s32 $0x8000  }
0x4d4: {  	(v2sf) =	vpush v0, $0xB;
	[tilespmem:s30], [sflag:$0x1] =	stream.linear.gather [hbm4b:s31+s3], $0x400, $0x38;
	[tilespmem:$0x1C400] =	vst v63  }
0x4d5: {  	s31 =	spop (v2sf);
	s30 =	simm.s32 $0x8400  }
0x4d6: {  	(v2sf) =	vpush v0, $0xC;
	[tilespmem:s30], [sflag:$0x1] =	stream.linear.gather [hbm4b:s31+s3], $0x400, $0x38;
	[tilespmem:$0x1C400] =	vst v63  }
0x4d7: {  	s31 =	spop (v2sf);
	s30 =	simm.s32 $0x8800  }
0x4d8: {  	(v2sf) =	vpush v0, $0xD;
	[tilespmem:s30], [sflag:$0x1] =	stream.linear.gather [hbm4b:s31+s3], $0x400, $0x38;
	[tilespmem:$0x1C400] =	vst v63  }
0x4d9: {  	s31 =	spop (v2sf);
	s30 =	simm.s32 $0x8C00  }
0x4da: {  	(v2sf) =	vpush v0, $0xE;
	[tilespmem:s30], [sflag:$0x1] =	stream.linear.gather [hbm4b:s31+s3], $0x400, $0x38;
	[tilespmem:$0x1C400] =	vst v63  }
0x4db: {  	s31 =	spop (v2sf);
	s30 =	simm.s32 $0x9000  }
0x4dc: {  	(v2sf) =	vpush v0, $0xF;
	[tilespmem:s30], [sflag:$0x1] =	stream.linear.gather [hbm4b:s31+s3], $0x400, $0x38;
	[tilespmem:$0x1C400] =	vst v63  }
0x4dd: {  	s31 =	spop (v2sf);
	s30 =	simm.s32 $0x9400  }
0x4de: {  	[tilespmem:s30], [sflag:$0x1] =	stream.linear.gather [hbm4b:s31+s3], $0x400, $0x38;
	[tilespmem:$0x1C400] =	vst v63  }
0x4df: {  	s31 =	spop (v2sf);
	s30 =	simm.s32 $0x9800  }
0x4e0: {  	[tilespmem:s30], [sflag:$0x1] =	stream.linear.gather [hbm4b:s31+s3], $0x400, $0x38;
	[tilespmem:$0x1C400] =	vst v63  }
0x4e1: {  	s31 =	spop (v2sf);
	s30 =	simm.s32 $0x9C00  }
0x4e2: {  	[tilespmem:s30], [sflag:$0x1] =	stream.linear.gather [hbm4b:s31+s3], $0x400, $0x38;
	[tilespmem:$0x1C400] =	vst v63  }
0x4e3: {  	s31 =	spop (v2sf);
	s30 =	simm.s32 $0xA000  }
0x4e4: {  	[tilespmem:s30], [sflag:$0x1] =	stream.linear.gather [hbm4b:s31+s3], $0x400, $0x38;
	[tilespmem:$0x1C400] =	vst v63  }
0x4e5: {  	s31 =	spop (v2sf);
	s30 =	simm.s32 $0xA400  }
0x4e6: {  	[tilespmem:s30], [sflag:$0x1] =	stream.linear.gather [hbm4b:s31+s3], $0x400, $0x38;
	[tilespmem:$0x1C400] =	vst v63  }
0x4e7: {  	s31 =	spop (v2sf);
	s30 =	simm.s32 $0xA800  }
0x4e8: {  	[tilespmem:s30], [sflag:$0x1] =	stream.linear.gather [hbm4b:s31+s3], $0x400, $0x38;
	[tilespmem:$0x1C400] =	vst v63  }
.Ltmp7:
0x4e9: {  	s31 =	spop (v2sf);
	s30 =	simm.s32 $0xAC00;
	(pc) =	sbr.rel .LBB2_5-.Ltmp7, $4  }
0x4ea: {  	[tilespmem:s30], [sflag:$0x1] =	stream.linear.gather [hbm4b:s31+s3], $0x400, $0x38;
	[tilespmem:$0x1C400] =	vst v63  }
0x4eb: {  	s31 =	spop (v2sf);
	s30 =	simm.s32 $0xB000  }
0x4ec: {  	[tilespmem:s30], [sflag:$0x1] =	stream.linear.gather [hbm4b:s31+s3], $0x400, $0x38;
	[tilespmem:$0x1C400] =	vst v63  }
0x4ed: {  	s30 =	simm.s32 $0xB800  }
.LBB2_8:
0x4ee: {  	_ =	sfence.sel $0x180000  }
0x4ef: {  	[bflag:$0x0] =	sbarrier.arrive $0xFFFF  }
0x4f0: {  	_ =	strace $0x90000047  }
0x4f1: {  	s0 =	stileid.u32;
	[bflag:$0x2] =	sbarrier.arrive $0xFFFF  }
0x4f2: {  	p0 =	sne.s32 s0, $0x0;
	s0 =	rddreg [dreg:$0x2]  }
0x4f3: {  	s0 =	sadd.s32 @!p0 $0x100000, s0  }
0x4f4: {  	[sflag:s0] =	ssyncadd.tile.s32 @!p0 $0x1;
	_ =	shalt  }
.Lfunc_end2:
_tile_overlayer_lowered:
.L_overlay_start_2:
0x4f5: {  	(tag) =	ssettag $0x2  }
0x4f6: {  	s0 =	rddreg [dreg:$0x0];
	s2 =	stileid.u32  }
0x4f7: {  	s1 =	rddreg [dreg:$0x1];
	p0 =	sne.s32 s2, $0x0  }
0x4f8: {  	s3 =	rddreg [dreg:$0x2];
	[bflag:$0x3] =	sbarrier.arrive $0xFFFF;
	s2 =	simm.s32 @!p0 $0x1C04  }
0x4f9: {  	[timem:s3], [sflag:s2] =	dma.local @!p0 [hbm:s0], s1  }
0x4fa: {  	s0 =	simm.s32 @!p0 $0x4  }
0x4fb: {  	_ =	swait.ge @!p0 [sflag:s0], s1  }
0x4fc: {  	s1 =	ssub.s32 @!p0 $0x0, s1;
	[sflag:s0] =	ssyncset.done @!p0 $0x0  }
0x4fd: {  	[sflag:s0] =	ssyncadd.s32 @!p0 s1  }
0x4fe: {  	[bflag:$0x3] =	sbarrier.arrive $0xFFFF  }
0x4ff: {  	_ =	shalt  }

</sc_bundles>
